<compile_context>
chip_gen: v7x
topology: tpu7x:2x2x1
jax: 0.10.2.dev20260603
libtpu: 0.0.44.dev20260713+nightly
codegen_flags: <defaults>
</compile_context>

<pallas_src>
import functools

import jax
import jax.numpy as jnp
from jax import lax
from jax.experimental import pallas as pl
from jax.experimental.pallas import tpu as pltpu
from jax.experimental.pallas import tpu_sc as plsc

F32 = jnp.float32
SL = 128
NSL = 2
NC = 2
NS = 16


@functools.lru_cache(maxsize=None)
def _build_aggr(N, E):
    CB = 2000
    GRP = CB // 16
    NCHUNK = E // CB
    assert E % CB == 0
    W = N // NS
    ACC = W + 7
    assert ACC % 8 == 0
    B = 128
    NBMAX = -(-CB // B)
    STG = NBMAX * B
    assert STG >= CB

    mesh = plsc.VectorSubcoreMesh(core_axis_name="c", subcore_axis_name="s",
                                  num_cores=NC, num_subcores=NS)

    @functools.partial(
        pl.kernel,
        out_type=jax.ShapeDtypeStruct((NC * NS * ACC, SL), F32),
        mesh=mesh,
        scratch_types=[
            pltpu.VMEM((CB,), jnp.int32),
            pltpu.VMEM((CB,), jnp.int32),
            pltpu.VMEM((STG,), jnp.int32),
            pltpu.VMEM((STG,), jnp.int32),
            pltpu.VMEM((STG,), jnp.int32),
            pltpu.VMEM((B,), jnp.int32),
            pltpu.VMEM((B,), jnp.int32),
            pltpu.VMEM((B,), jnp.int32),
            pltpu.VMEM((B, SL), F32),
            pltpu.VMEM((B, SL), F32),
            pltpu.VMEM_SHARED((NS * ACC, SL), F32),
            pltpu.SemaphoreType.DMA,
        ],
    )
    def aggr_kernel(h_hbm, ee_hbm, src_hbm, dst_hbm, zeros_hbm, out_hbm,
                    srcc, dstc, hid, eid, sid, hidb, eidb, sidb,
                    row_v, ee_v, acc_sp, sem):
        c = lax.axis_index("c")
        s = lax.axis_index("s")
        pltpu.sync_copy(zeros_hbm, acc_sp.at[pl.ds(s * ACC, ACC)])

        lo = s * W
        hoff = c * N
        eoff = c * E
        aoff = s * ACC
        dummy = aoff + W
        iota = lax.broadcasted_iota(jnp.int32, (16,), 0)

        def chunk(oc, _):
            e0 = oc * CB
            pltpu.sync_copy(src_hbm.at[pl.ds(e0, CB)], srcc)
            pltpu.sync_copy(dst_hbm.at[pl.ds(e0, CB)], dstc)

            def grp(g, wp):
                sl = pl.ds(g * 16, 16)
                dv = dstc[sl]
                sv = srcc[sl]
                ok = (dv >= lo) & (dv < lo + W)
                hid[sl] = sv + hoff
                eid[sl] = iota + (e0 + g * 16 + eoff)
                sid[sl] = jnp.where(ok, dv - lo + aoff, dummy)
                return wp + 16

            wp = lax.fori_loop(0, GRP, grp, 0)

            def pad(gi, _):
                sl = pl.ds(gi * 16, 16)
                keep = (iota + gi * 16) < wp
                hid[sl] = jnp.where(keep, hid[sl], 0)
                eid[sl] = jnp.where(keep, eid[sl], 0)
                sid[sl] = jnp.where(keep, sid[sl], dummy)
                return 0

            lax.fori_loop(0, STG // 16, pad, 0)

            def batch(b, _):
                @pl.when(b * B < wp)
                def _():
                    bb = b * B
                    for t in range(B // 16):
                        ts = pl.ds(t * 16, 16)
                        bs = pl.ds(bb + t * 16, 16)
                        hidb[ts] = hid[bs]
                        eidb[ts] = eid[bs]
                        sidb[ts] = sid[bs]
                    pltpu.async_copy(h_hbm.at[hidb], row_v, sem).wait()
                    pltpu.async_copy(ee_hbm.at[eidb], ee_v, sem).wait()

                    def rrow(j, _):
                        row_v[j, :] = jnp.maximum(row_v[j, :] + ee_v[j, :],
                                                  0.0)
                        return 0

                    lax.fori_loop(0, B, rrow, 0)
                    pltpu.sync_copy(row_v, acc_sp.at[sidb], add=True)

                return 0

            lax.fori_loop(0, NBMAX, batch, 0)
            return 0

        lax.fori_loop(0, NCHUNK, chunk, 0)
        pltpu.sync_copy(acc_sp.at[pl.ds(s * ACC, ACC)],
                        out_hbm.at[pl.ds((c * NS + s) * ACC, ACC)])

    return aggr_kernel


def _slice_cat(ref, n):
    return jnp.concatenate([ref[j] for j in range(n)], axis=1)


def _enc_body(x_ref, w_ref, b_ref, out_ref):
    h = jnp.dot(x_ref[...], w_ref[...], preferred_element_type=F32) + b_ref[...]
    for j in range(NSL):
        out_ref[j] = h[:, j * SL:(j + 1) * SL]


def _edge_enc_body(ea_ref, w_ref, b_ref, out_ref):
    out_ref[...] = (jnp.dot(ea_ref[...], w_ref[...],
                            preferred_element_type=F32) + b_ref[...])


def _ee_body(e_ref, w_ref, b_ref, out_ref):
    ee = jnp.dot(e_ref[...], w_ref[0], preferred_element_type=F32) + b_ref[0]
    for j in range(NSL):
        out_ref[j] = ee[:, j * SL:(j + 1) * SL]


def _upd_mm_body(h_ref, a_ref, w1_ref, b1_ref, w2_ref, b2_ref, z2_ref):
    z = jnp.concatenate([h_ref[j] + a_ref[j] for j in range(NSL)], axis=1)
    z = jax.nn.relu(jnp.dot(z, w1_ref[...], preferred_element_type=F32)
                    + b1_ref[...])
    z = jnp.dot(z, w2_ref[...], preferred_element_type=F32) + b2_ref[...]
    for j in range(NSL):
        z2_ref[j] = z[:, j * SL:(j + 1) * SL]


def _stats_body(z2_ref, st_ref):
    N = z2_ref.shape[1]

    def _rowsum(get):
        def tile(t, acc):
            return acc + get(t)

        acc = lax.fori_loop(0, N // 8, tile, jnp.zeros((8, SL), F32))
        return jnp.sum(acc, axis=0, keepdims=True)

    for j in range(NSL):
        m = _rowsum(lambda t, j=j: z2_ref[j, pl.ds(t * 8, 8), :]) / N

        def getd(t, j=j, m=m):
            d = z2_ref[j, pl.ds(t * 8, 8), :] - m
            return d * d

        v = _rowsum(getd) / N
        st_ref[j, 0:1] = m
        st_ref[j, 1:2] = v


def _upd_bn_body(z2_ref, h_ref, m_ref, v_ref, g_ref, bb_ref, out_ref):
    for j in range(NSL):
        m = m_ref[j]
        v = v_ref[j]
        g = g_ref[:, j * SL:(j + 1) * SL]
        b = bb_ref[:, j * SL:(j + 1) * SL]
        zn = g * (z2_ref[j] - m) / jnp.sqrt(v + 1e-5) + b
        out_ref[j] = jax.nn.relu(zn) + h_ref[j]


def _pool_body(b_ref, *rest):
    hrefs = rest[:-2]
    sums_ref, cnt_ref = rest[-2:]
    NB = b_ref.shape[2]
    G = cnt_ref.shape[0]
    H = G

    @pl.when(pl.program_id(0) == 0)
    def _():
        sums_ref[...] = jnp.zeros_like(sums_ref)
        cnt_ref[...] = jnp.zeros_like(cnt_ref)

    bv = b_ref[0, 0, :]
    P = (bv[:, None] == lax.broadcasted_iota(jnp.int32, (1, G), 1)).astype(F32)
    ones = jnp.ones((NB, 128), F32)
    dn = (((0,), (0,)), ((), ()))
    cnt_ref[...] += lax.dot_general(P, ones, dn, preferred_element_type=F32)
    for l, h_ref in enumerate(hrefs):
        hcat = _slice_cat(h_ref, NSL)
        blk = lax.dot_general(P, hcat, dn, preferred_element_type=F32)
        sums_ref[:, pl.ds(l * H, H)] += blk


def _readout_body(sums_ref, cnt_ref, w1_ref, b1_ref, g_ref, bb_ref,
                  w2_ref, b2_ref, w3_ref, b3_ref, out_ref):
    cnt = jnp.maximum(cnt_ref[:, :1], 1.0)
    xg = sums_ref[...] / cnt
    r = jnp.dot(xg, w1_ref[...], preferred_element_type=F32) + b1_ref[...]
    m = jnp.mean(r, axis=0, keepdims=True)
    v = jnp.mean((r - m) * (r - m), axis=0, keepdims=True)
    r = jax.nn.relu(g_ref[...] * (r - m) / jnp.sqrt(v + 1e-5) + bb_ref[...])
    r = jax.nn.relu(jnp.dot(r, w2_ref[...], preferred_element_type=F32)
                    + b2_ref[...])
    out_ref[...] = (jnp.dot(r, w3_ref[...], preferred_element_type=F32)
                    + b3_ref[...])


def kernel(x, edge_index, edge_attr, batch, params):
    p = params
    N, D_IN = x.shape
    E, D_EDGE = edge_attr.shape
    L, H, _ = p['w_conv_edge'].shape
    G = 256
    N2 = N // 2
    assert H == NSL * SL

    src = edge_index[0]
    dst = edge_index[1]

    RB = 1000
    nRB = N // RB
    h16 = pl.pallas_call(
        _enc_body,
        grid=(nRB,),
        in_specs=[pl.BlockSpec((RB, D_IN), lambda rb: (rb, 0)),
                  pl.BlockSpec((D_IN, H), lambda rb: (0, 0)),
                  pl.BlockSpec((1, H), lambda rb: (0, 0))],
        out_specs=pl.BlockSpec((NSL, RB, SL), lambda rb: (0, rb, 0)),
        out_shape=jax.ShapeDtypeStruct((NSL, N, SL), F32),
    )(x, p['w_node'], p['b_node'].reshape(1, H))

    BE = 8000
    nBE = E // BE
    e = pl.pallas_call(
        _edge_enc_body,
        grid=(nBE,),
        in_specs=[pl.BlockSpec((BE, D_EDGE), lambda eb: (eb, 0)),
                  pl.BlockSpec((D_EDGE, H), lambda eb: (0, 0)),
                  pl.BlockSpec((1, H), lambda eb: (0, 0))],
        out_specs=pl.BlockSpec((BE, H), lambda eb: (eb, 0)),
        out_shape=jax.ShapeDtypeStruct((E, H), F32),
    )(edge_attr, p['w_edge_enc'], p['b_edge_enc'].reshape(1, H))

    ees = []
    for l in range(L):
        ee = pl.pallas_call(
            _ee_body,
            grid=(nBE,),
            in_specs=[pl.BlockSpec((BE, H), lambda eb: (eb, 0)),
                      pl.BlockSpec((1, H, H), lambda eb, l=l: (l, 0, 0)),
                      pl.BlockSpec((1, 1, H), lambda eb, l=l: (l, 0, 0))],
            out_specs=pl.BlockSpec((NSL, BE, SL), lambda eb: (0, eb, 0)),
            out_shape=jax.ShapeDtypeStruct((NSL, E, SL), F32),
        )(e, p['w_conv_edge'], p['b_conv_edge'].reshape(L, 1, H))
        ees.append(ee)


    hblk = pl.BlockSpec((NSL, RB, SL), lambda rb: (0, rb, 0))
    whole = lambda shp: pl.BlockSpec(shp, lambda rb: (0,) * len(shp))
    upd_mm = pl.pallas_call(
        _upd_mm_body,
        grid=(nRB,),
        in_specs=[hblk, hblk, whole((H, H)), whole((1, H)),
                  whole((H, H)), whole((1, H))],
        out_specs=hblk,
        out_shape=jax.ShapeDtypeStruct((NSL, N, SL), F32),
    )
    upd_bn = pl.pallas_call(
        _upd_bn_body,
        grid=(nRB,),
        in_specs=[hblk, hblk, whole((NSL, 1, SL)), whole((NSL, 1, SL)),
                  whole((1, H)), whole((1, H))],
        out_specs=hblk,
        out_shape=jax.ShapeDtypeStruct((NSL, N, SL), F32),
    )

    aggr_fn = _build_aggr(N, E)
    Wn = N // NS
    ACCn = Wn + 7
    zeros = jnp.zeros((ACCn, SL), F32)
    hs = []
    for l in range(L):
        aggr = aggr_fn(h16.reshape(NSL * N, SL), ees[l].reshape(NSL * E, SL),
                       src, dst, zeros)
        aggr2 = (aggr.reshape(NC, NS, ACCn, SL)[:, :, :Wn, :]
                 .reshape(NC, N, SL))
        z2 = upd_mm(h16, aggr2,
                    p['w_mlp1'][l], p['b_mlp1'][l].reshape(1, H),
                    p['w_mlp2'][l], p['b_mlp2'][l].reshape(1, H))
        z2cat = jnp.concatenate([z2[0], z2[1]], axis=1)
        m = jnp.mean(z2cat, axis=0)
        v = jnp.var(z2cat, axis=0)
        h16 = upd_bn(z2, h16, m.reshape(NSL, 1, SL), v.reshape(NSL, 1, SL),
                     p['bn_g'][l].reshape(1, H), p['bn_b'][l].reshape(1, H))
        hs.append(h16)

    NB = 2000
    nB = N // NB
    hspec = pl.BlockSpec((NSL, NB, SL), lambda rb: (0, rb, 0))
    sums, cnt = pl.pallas_call(
        _pool_body,
        grid=(nB,),
        in_specs=[pl.BlockSpec((1, 1, NB), lambda rb: (rb, 0, 0))]
        + [hspec] * L,
        out_specs=(pl.BlockSpec((G, L * H), lambda rb: (0, 0)),
                   pl.BlockSpec((G, 128), lambda rb: (0, 0))),
        out_shape=(jax.ShapeDtypeStruct((G, L * H), F32),
                   jax.ShapeDtypeStruct((G, 128), F32)),
    )(batch.reshape(nB, 1, NB), *hs)

    out = pl.pallas_call(
        _readout_body,
        out_shape=jax.ShapeDtypeStruct((G, 1), F32),
    )(sums, cnt, p['w_ro1'], p['b_ro1'].reshape(1, H),
      p['ro_bn_g'].reshape(1, H), p['ro_bn_b'].reshape(1, H),
      p['w_ro2'], p['b_ro2'].reshape(1, H),
      p['w_ro3'], p['b_ro3'].reshape(1, 1))
    return out

# --- scband reference (transcript-rebuilt; emitter-appended) ---
"""Pipeline reference for scband-optimized-ginegnn-7653631722125 (READ-ONLY COPY).

The authoritative reference and input builder live on the scoring server;
editing this copy changes nothing except your own understanding.
"""

import jax, jax.numpy as jnp
import numpy as np

N = 10000
E = 320000
D_IN = 128
D_EDGE = 16
H = 256
L = 6
G = 256
SCALE = 0.05


def setup_inputs(seed: int = 0) -> dict:
    key = jax.random.key(seed)
    ks = jax.random.split(key, 24)
    x = jax.random.normal(ks[0], (N, D_IN), dtype=jnp.float32)
    edge_index = jax.random.randint(ks[1], (2, E), 0, N, dtype=jnp.int32)
    edge_attr = jax.random.normal(ks[2], (E, D_EDGE), dtype=jnp.float32)
    batch = jnp.sort(jax.random.randint(ks[3], (N,), 0, G, dtype=jnp.int32))
    params = {
        'w_node': jax.random.normal(ks[4], (D_IN, H), jnp.float32) * SCALE,
        'b_node': jnp.zeros((H,), jnp.float32),
        'w_edge_enc': jax.random.normal(ks[5], (D_EDGE, H), jnp.float32) * SCALE,
        'b_edge_enc': jnp.zeros((H,), jnp.float32),
        'w_conv_edge': jax.random.normal(ks[6], (L, H, H), jnp.float32) * SCALE,
        'b_conv_edge': jnp.zeros((L, H), jnp.float32),
        'w_mlp1': jax.random.normal(ks[7], (L, H, H), jnp.float32) * SCALE,
        'b_mlp1': jnp.zeros((L, H), jnp.float32),
        'w_mlp2': jax.random.normal(ks[8], (L, H, H), jnp.float32) * SCALE,
        'b_mlp2': jnp.zeros((L, H), jnp.float32),
        'bn_g': jnp.ones((L, H), jnp.float32),
        'bn_b': jnp.zeros((L, H), jnp.float32),
        'w_ro1': jax.random.normal(ks[9], (L * H, H), jnp.float32) * SCALE,
        'b_ro1': jnp.zeros((H,), jnp.float32),
        'ro_bn_g': jnp.ones((H,), jnp.float32),
        'ro_bn_b': jnp.zeros((H,), jnp.float32),
        'w_ro2': jax.random.normal(ks[10], (H, H), jnp.float32) * SCALE,
        'b_ro2': jnp.zeros((H,), jnp.float32),
        'w_ro3': jax.random.normal(ks[11], (H, 1), jnp.float32) * SCALE,
        'b_ro3': jnp.zeros((1,), jnp.float32),
    }
    return {'x': x, 'edge_index': edge_index, 'edge_attr': edge_attr, 'batch': batch, 'params': params}


def _bn(h, g, b, eps=1e-5):
    m = jnp.mean(h, axis=0)
    v = jnp.var(h, axis=0)
    return g * (h - m) / jnp.sqrt(v + eps) + b


def reference(x, edge_index, edge_attr, batch, params):
    # node / edge encoders
    h = x @ params['w_node'] + params['b_node']
    e = edge_attr @ params['w_edge_enc'] + params['b_edge_enc']
    src = edge_index[0]
    dst = edge_index[1]
    outs = []
    for l in range(L):
        residual = h
        # GINEConv internal edge linear (edge_dim -> in_channels)
        ee = e @ params['w_conv_edge'][l] + params['b_conv_edge'][l]
        # message: relu(x_j + edge_attr), aggregated by sum at dst
        msg = jax.nn.relu(h[src] + ee)
        aggr = jax.ops.segment_sum(msg, dst, num_segments=N)
        # (1 + eps) * x_i + aggr, eps = 0
        z = h + aggr
        # GIN MLP
        z = jax.nn.relu(z @ params['w_mlp1'][l] + params['b_mlp1'][l])
        z = z @ params['w_mlp2'][l] + params['b_mlp2'][l]
        # BatchNorm (training-mode batch statistics), ReLU; dropout is identity (eval)
        z = _bn(z, params['bn_g'][l], params['bn_b'][l])
        z = jax.nn.relu(z)
        h = z + residual
        outs.append(h)
    # Jumping Knowledge: concat over layers
    x_jk = jnp.concatenate(outs, axis=1)
    # global mean pool over graphs
    counts = jax.ops.segment_sum(jnp.ones((N,), jnp.float32), batch, num_segments=G)
    sums = jax.ops.segment_sum(x_jk, batch, num_segments=G)
    x_graph = sums / jnp.maximum(counts, 1.0)[:, None]
    # readout MLP
    r = x_graph @ params['w_ro1'] + params['b_ro1']
    r = jax.nn.relu(_bn(r, params['ro_bn_g'], params['ro_bn_b']))
    r = jax.nn.relu(r @ params['w_ro2'] + params['b_ro2'])
    out = r @ params['w_ro3'] + params['b_ro3']
    return out

if __name__ == "__main__":
    import jax
    _d = setup_inputs()
    print(jax.jit(kernel)(*tuple(_d.values())))

</pallas_src>

<mosaic_0001>
#map = affine_map<(d0, d1) -> (0, 0)>
#map1 = affine_map<(d0, d1) -> (0)>
module attributes {stable_mosaic.version = 14 : i64} {
  func.func @aggr_kernel(%arg0: i32, %arg1: i32, %arg2: memref<20000x128xf32, #tpu.memory_space<hbm>>, %arg3: memref<640000x128xf32, #tpu.memory_space<hbm>>, %arg4: memref<320000xi32, #tpu.memory_space<hbm>>, %arg5: memref<320000xi32, #tpu.memory_space<hbm>>, %arg6: memref<632x128xf32, #tpu.memory_space<hbm>>, %arg7: memref<20224x128xf32, #tpu.memory_space<hbm>>, %arg8: memref<2000xi32, #tpu.memory_space<vmem>>, %arg9: memref<2000xi32, #tpu.memory_space<vmem>>, %arg10: memref<2048xi32, #tpu.memory_space<vmem>>, %arg11: memref<2048xi32, #tpu.memory_space<vmem>>, %arg12: memref<2048xi32, #tpu.memory_space<vmem>>, %arg13: memref<128xi32, #tpu.memory_space<vmem>>, %arg14: memref<128xi32, #tpu.memory_space<vmem>>, %arg15: memref<128xi32, #tpu.memory_space<vmem>>, %arg16: memref<128x128xf32, #tpu.memory_space<vmem>>, %arg17: memref<128x128xf32, #tpu.memory_space<vmem>>, %arg18: memref<10112x128xf32, #tpu.memory_space<vmem_shared>>, %arg19: memref<!tpu.dma_semaphore, #tpu.memory_space<semaphore_mem>>) attributes {dimension_semantics = [#tpu.dimension_semantics<core_parallel>, #tpu.dimension_semantics<subcore_parallel>], iteration_bounds = array<i64: 2, 16>, scalar_prefetch = 0 : i64, scratch_operands = 12 : i64, tpu.core_type = #tpu.core_type<sc_vector_subcore>, window_params = [{transform_indices = #map}, {transform_indices = #map}, {transform_indices = #map1}, {transform_indices = #map1}, {transform_indices = #map}, {transform_indices = #map}]} {
    %mul3A = arith.constant 632 : i32
    %mul3A_0 = arith.muli %arg1, %mul3A : i32
    "tpu.region"() ({
      %run_scoped3A = tpu.sem_alloc : memref<!tpu.dma_semaphore, #tpu.memory_space<semaphore_mem>>
      %dma_start3A = arith.constant 0 : i32
      %dma_start3A_23 = tpu.memref_slice %arg18[%mul3A_0, %dma_start3A] : memref<10112x128xf32, #tpu.memory_space<vmem_shared>> -> memref<632x128xf32, #tpu.memory_space<vmem_shared>>
      tpu.enqueue_dma source(%arg6 : memref<632x128xf32, #tpu.memory_space<hbm>>) target(%dma_start3A_23 : memref<632x128xf32, #tpu.memory_space<vmem_shared>>) target_semaphore(%run_scoped3A : memref<!tpu.dma_semaphore, #tpu.memory_space<semaphore_mem>>)
      %dma_wait3A = arith.constant 0 : i32
      %dma_wait3A_24 = tpu.memref_slice %arg18[%mul3A_0, %dma_wait3A] : memref<10112x128xf32, #tpu.memory_space<vmem_shared>> -> memref<632x128xf32, #tpu.memory_space<vmem_shared>>
      tpu.wait_dma2 semaphore(%run_scoped3A : memref<!tpu.dma_semaphore, #tpu.memory_space<semaphore_mem>>) src(%arg6 : memref<632x128xf32, #tpu.memory_space<hbm>>) dst(%dma_wait3A_24 : memref<632x128xf32, #tpu.memory_space<vmem_shared>>)
      tpu.yield
    }) : () -> ()
    %mul3A_1 = arith.constant 625 : i32
    %mul3A_2 = arith.muli %arg1, %mul3A_1 : i32
    %mul3A_3 = arith.constant 10000 : i32
    %mul3A_4 = arith.muli %arg0, %mul3A_3 : i32
    %mul3A_5 = arith.constant 320000 : i32
    %mul3A_6 = arith.muli %arg0, %mul3A_5 : i32
    %mul3A_7 = arith.constant 632 : i32
    %mul3A_8 = arith.muli %arg1, %mul3A_7 : i32
    %add3A = arith.constant 625 : i32
    %add3A_9 = arith.addi %mul3A_8, %add3A : i32
    %iota3A = tpu.iota {dimensions = array<i32: 0>} : vector<16xi32>
    %scan3A = arith.constant 0 : i32
    %scan3A_10 = arith.constant 0 : i32
    %scan3A_11 = arith.constant 160 : i32
    %scan3A_12 = arith.addi %scan3A_10, %scan3A_11 : i32
    %scan3A_13 = arith.constant 1 : i32
    %scan3A_14 = scf.for %scan3A_23 = %scan3A_10 to %scan3A_12 step %scan3A_13 iter_args(%scan3A_24 = %scan3A) -> (i32)  : i32 {
      %mul3A_25 = arith.constant 2000 : i32
      %mul3A_26 = arith.muli %scan3A_23, %mul3A_25 : i32
      "tpu.region"() ({
        %run_scoped3A = tpu.sem_alloc : memref<!tpu.dma_semaphore, #tpu.memory_space<semaphore_mem>>
        %dma_start3A = tpu.memref_slice %arg4[%mul3A_26] : memref<320000xi32, #tpu.memory_space<hbm>> -> memref<2000xi32, #tpu.memory_space<hbm>>
        %dma_start3A_49 = tpu.memref_slice %arg4[%mul3A_26] : memref<320000xi32, #tpu.memory_space<hbm>> -> memref<2000xi32, #tpu.memory_space<hbm>>
        tpu.enqueue_dma source(%dma_start3A_49 : memref<2000xi32, #tpu.memory_space<hbm>>) target(%arg8 : memref<2000xi32, #tpu.memory_space<vmem>>) target_semaphore(%run_scoped3A : memref<!tpu.dma_semaphore, #tpu.memory_space<semaphore_mem>>)
        %dma_wait3A = tpu.memref_slice %arg4[%mul3A_26] : memref<320000xi32, #tpu.memory_space<hbm>> -> memref<2000xi32, #tpu.memory_space<hbm>>
        %dma_wait3A_50 = tpu.memref_slice %arg4[%mul3A_26] : memref<320000xi32, #tpu.memory_space<hbm>> -> memref<2000xi32, #tpu.memory_space<hbm>>
        tpu.wait_dma2 semaphore(%run_scoped3A : memref<!tpu.dma_semaphore, #tpu.memory_space<semaphore_mem>>) src(%dma_wait3A_50 : memref<2000xi32, #tpu.memory_space<hbm>>) dst(%arg8 : memref<2000xi32, #tpu.memory_space<vmem>>)
        tpu.yield
      }) : () -> ()
      "tpu.region"() ({
        %run_scoped3A = tpu.sem_alloc : memref<!tpu.dma_semaphore, #tpu.memory_space<semaphore_mem>>
        %dma_start3A = tpu.memref_slice %arg5[%mul3A_26] : memref<320000xi32, #tpu.memory_space<hbm>> -> memref<2000xi32, #tpu.memory_space<hbm>>
        %dma_start3A_49 = tpu.memref_slice %arg5[%mul3A_26] : memref<320000xi32, #tpu.memory_space<hbm>> -> memref<2000xi32, #tpu.memory_space<hbm>>
        tpu.enqueue_dma source(%dma_start3A_49 : memref<2000xi32, #tpu.memory_space<hbm>>) target(%arg9 : memref<2000xi32, #tpu.memory_space<vmem>>) target_semaphore(%run_scoped3A : memref<!tpu.dma_semaphore, #tpu.memory_space<semaphore_mem>>)
        %dma_wait3A = tpu.memref_slice %arg5[%mul3A_26] : memref<320000xi32, #tpu.memory_space<hbm>> -> memref<2000xi32, #tpu.memory_space<hbm>>
        %dma_wait3A_50 = tpu.memref_slice %arg5[%mul3A_26] : memref<320000xi32, #tpu.memory_space<hbm>> -> memref<2000xi32, #tpu.memory_space<hbm>>
        tpu.wait_dma2 semaphore(%run_scoped3A : memref<!tpu.dma_semaphore, #tpu.memory_space<semaphore_mem>>) src(%dma_wait3A_50 : memref<2000xi32, #tpu.memory_space<hbm>>) dst(%arg9 : memref<2000xi32, #tpu.memory_space<vmem>>)
        tpu.yield
      }) : () -> ()
      %scan3A_27 = arith.constant 0 : i32
      %scan3A_28 = arith.constant 0 : i32
      %scan3A_29 = arith.constant 125 : i32
      %scan3A_30 = arith.addi %scan3A_28, %scan3A_29 : i32
      %scan3A_31 = arith.constant 1 : i32
      %scan3A_32 = scf.for %scan3A_49 = %scan3A_28 to %scan3A_30 step %scan3A_31 iter_args(%scan3A_50 = %scan3A_27) -> (i32)  : i32 {
        %mul3A_51 = arith.constant 16 : i32
        %mul3A_52 = arith.muli %scan3A_49, %mul3A_51 : i32
        %get3A = arith.index_cast %mul3A_52 : i32 to index
        %get3A_53 = tpu.vector_load %arg9[%get3A] {strides = array<i32>} : memref<2000xi32, #tpu.memory_space<vmem>>, vector<16xi32>,
        %get3A_54 = vector.shape_cast %get3A_53 : vector<16xi32> to vector<16xi32>
        %get3A_55 = arith.index_cast %mul3A_52 : i32 to index
        %get3A_56 = tpu.vector_load %arg8[%get3A_55] {strides = array<i32>} : memref<2000xi32, #tpu.memory_space<vmem>>, vector<16xi32>,
        %get3A_57 = vector.shape_cast %get3A_56 : vector<16xi32> to vector<16xi32>
        %ge3A = vector.broadcast %mul3A_2 : i32 to vector<16xi32>
        %ge3A_58 = arith.cmpi sge, %get3A_54, %ge3A : vector<16xi32>
        %add3A_59 = arith.constant 625 : i32
        %add3A_60 = arith.addi %mul3A_2, %add3A_59 : i32
        %lt3A = vector.broadcast %add3A_60 : i32 to vector<16xi32>
        %lt3A_61 = arith.cmpi slt, %get3A_54, %lt3A : vector<16xi32>
        %and3A = arith.andi %ge3A_58, %lt3A_61 : vector<16xi1>
        %add3A_62 = vector.broadcast %mul3A_4 : i32 to vector<16xi32>
        %add3A_63 = arith.addi %get3A_57, %add3A_62 : vector<16xi32>
        %swap3A = arith.index_cast %mul3A_52 : i32 to index
        %swap3A_64 = tpu.vector_load %arg10[%swap3A] {strides = array<i32>} : memref<2048xi32, #tpu.memory_space<vmem>>, vector<16xi32>,
        %swap3A_65 = vector.shape_cast %swap3A_64 : vector<16xi32> to vector<16xi32>
        %swap3A_66 = vector.shape_cast %add3A_63 : vector<16xi32> to vector<16xi32>
        tpu.vector_store %arg10[%swap3A], %swap3A_66 {strides = array<i32>} : memref<2048xi32, #tpu.memory_space<vmem>>, vector<16xi32>,
        %mul3A_67 = arith.constant 16 : i32
        %mul3A_68 = arith.muli %scan3A_49, %mul3A_67 : i32
        %add3A_69 = arith.addi %mul3A_26, %mul3A_68 : i32
        %add3A_70 = arith.addi %add3A_69, %mul3A_6 : i32
        %add3A_71 = vector.broadcast %add3A_70 : i32 to vector<16xi32>
        %add3A_72 = arith.addi %iota3A, %add3A_71 : vector<16xi32>
        %swap3A_73 = arith.index_cast %mul3A_52 : i32 to index
        %swap3A_74 = tpu.vector_load %arg11[%swap3A_73] {strides = array<i32>} : memref<2048xi32, #tpu.memory_space<vmem>>, vector<16xi32>,
        %swap3A_75 = vector.shape_cast %swap3A_74 : vector<16xi32> to vector<16xi32>
        %swap3A_76 = vector.shape_cast %add3A_72 : vector<16xi32> to vector<16xi32>
        tpu.vector_store %arg11[%swap3A_73], %swap3A_76 {strides = array<i32>} : memref<2048xi32, #tpu.memory_space<vmem>>, vector<16xi32>,
        %sub3A = vector.broadcast %mul3A_2 : i32 to vector<16xi32>
        %sub3A_77 = arith.subi %get3A_54, %sub3A : vector<16xi32>
        %add3A_78 = vector.broadcast %mul3A_8 : i32 to vector<16xi32>
        %add3A_79 = arith.addi %sub3A_77, %add3A_78 : vector<16xi32>
        %broadcast_in_dim3A = vector.broadcast %add3A_9 : i32 to vector<16xi32>
        %select_n3A = arith.select %and3A, %add3A_79, %broadcast_in_dim3A : vector<16xi1>, vector<16xi32>
        %swap3A_80 = arith.index_cast %mul3A_52 : i32 to index
        %swap3A_81 = tpu.vector_load %arg12[%swap3A_80] {strides = array<i32>} : memref<2048xi32, #tpu.memory_space<vmem>>, vector<16xi32>,
        %swap3A_82 = vector.shape_cast %swap3A_81 : vector<16xi32> to vector<16xi32>
        %swap3A_83 = vector.shape_cast %select_n3A : vector<16xi32> to vector<16xi32>
        tpu.vector_store %arg12[%swap3A_80], %swap3A_83 {strides = array<i32>} : memref<2048xi32, #tpu.memory_space<vmem>>, vector<16xi32>,
        %add3A_84 = arith.constant 16 : i32
        %add3A_85 = arith.addi %scan3A_50, %add3A_84 : i32
        scf.yield %add3A_85 : i32
      }
      %scan3A_33 = arith.constant 125 : i32
      %scan3A_34 = arith.constant 0 : i32
      %scan3A_35 = arith.constant 0 : i32
      %scan3A_36 = arith.constant 128 : i32
      %scan3A_37 = arith.addi %scan3A_35, %scan3A_36 : i32
      %scan3A_38 = arith.constant 1 : i32
      %scan3A_39 = scf.for %scan3A_49 = %scan3A_35 to %scan3A_37 step %scan3A_38 iter_args(%scan3A_50 = %scan3A_34) -> (i32)  : i32 {
        %mul3A_51 = arith.constant 16 : i32
        %mul3A_52 = arith.muli %scan3A_49, %mul3A_51 : i32
        %mul3A_53 = arith.constant 16 : i32
        %mul3A_54 = arith.muli %scan3A_49, %mul3A_53 : i32
        %add3A_55 = vector.broadcast %mul3A_54 : i32 to vector<16xi32>
        %add3A_56 = arith.addi %iota3A, %add3A_55 : vector<16xi32>
        %lt3A = vector.broadcast %scan3A_32 : i32 to vector<16xi32>
        %lt3A_57 = arith.cmpi slt, %add3A_56, %lt3A : vector<16xi32>
        %get3A = arith.index_cast %mul3A_52 : i32 to index
        %get3A_58 = tpu.vector_load %arg10[%get3A] {strides = array<i32>} : memref<2048xi32, #tpu.memory_space<vmem>>, vector<16xi32>,
        %get3A_59 = vector.shape_cast %get3A_58 : vector<16xi32> to vector<16xi32>
        %jit3A = arith.constant 0 : i32
        %broadcast_in_dim3A = vector.broadcast %jit3A : i32 to vector<16xi32>
        %select_n3A = arith.select %lt3A_57, %get3A_59, %broadcast_in_dim3A : vector<16xi1>, vector<16xi32>
        %swap3A = arith.index_cast %mul3A_52 : i32 to index
        %swap3A_60 = tpu.vector_load %arg10[%swap3A] {strides = array<i32>} : memref<2048xi32, #tpu.memory_space<vmem>>, vector<16xi32>,
        %swap3A_61 = vector.shape_cast %swap3A_60 : vector<16xi32> to vector<16xi32>
        %swap3A_62 = vector.shape_cast %select_n3A : vector<16xi32> to vector<16xi32>
        tpu.vector_store %arg10[%swap3A], %swap3A_62 {strides = array<i32>} : memref<2048xi32, #tpu.memory_space<vmem>>, vector<16xi32>,
        %get3A_63 = arith.index_cast %mul3A_52 : i32 to index
        %get3A_64 = tpu.vector_load %arg11[%get3A_63] {strides = array<i32>} : memref<2048xi32, #tpu.memory_space<vmem>>, vector<16xi32>,
        %get3A_65 = vector.shape_cast %get3A_64 : vector<16xi32> to vector<16xi32>
        %jit3A_66 = arith.constant 0 : i32
        %broadcast_in_dim3A_67 = vector.broadcast %jit3A_66 : i32 to vector<16xi32>
        %select_n3A_68 = arith.select %lt3A_57, %get3A_65, %broadcast_in_dim3A_67 : vector<16xi1>, vector<16xi32>
        %swap3A_69 = arith.index_cast %mul3A_52 : i32 to index
        %swap3A_70 = tpu.vector_load %arg11[%swap3A_69] {strides = array<i32>} : memref<2048xi32, #tpu.memory_space<vmem>>, vector<16xi32>,
        %swap3A_71 = vector.shape_cast %swap3A_70 : vector<16xi32> to vector<16xi32>
        %swap3A_72 = vector.shape_cast %select_n3A_68 : vector<16xi32> to vector<16xi32>
        tpu.vector_store %arg11[%swap3A_69], %swap3A_72 {strides = array<i32>} : memref<2048xi32, #tpu.memory_space<vmem>>, vector<16xi32>,
        %get3A_73 = arith.index_cast %mul3A_52 : i32 to index
        %get3A_74 = tpu.vector_load %arg12[%get3A_73] {strides = array<i32>} : memref<2048xi32, #tpu.memory_space<vmem>>, vector<16xi32>,
        %get3A_75 = vector.shape_cast %get3A_74 : vector<16xi32> to vector<16xi32>
        %broadcast_in_dim3A_76 = vector.broadcast %add3A_9 : i32 to vector<16xi32>
        %select_n3A_77 = arith.select %lt3A_57, %get3A_75, %broadcast_in_dim3A_76 : vector<16xi1>, vector<16xi32>
        %swap3A_78 = arith.index_cast %mul3A_52 : i32 to index
        %swap3A_79 = tpu.vector_load %arg12[%swap3A_78] {strides = array<i32>} : memref<2048xi32, #tpu.memory_space<vmem>>, vector<16xi32>,
        %swap3A_80 = vector.shape_cast %swap3A_79 : vector<16xi32> to vector<16xi32>
        %swap3A_81 = vector.shape_cast %select_n3A_77 : vector<16xi32> to vector<16xi32>
        tpu.vector_store %arg12[%swap3A_78], %swap3A_81 {strides = array<i32>} : memref<2048xi32, #tpu.memory_space<vmem>>, vector<16xi32>,
        %scan3A_82 = arith.constant 0 : i32
        scf.yield %scan3A_82 : i32
      }
      %scan3A_40 = arith.constant 128 : i32
      %scan3A_41 = arith.constant 0 : i32
      %scan3A_42 = arith.constant 0 : i32
      %scan3A_43 = arith.constant 16 : i32
      %scan3A_44 = arith.addi %scan3A_42, %scan3A_43 : i32
      %scan3A_45 = arith.constant 1 : i32
      %scan3A_46 = scf.for %scan3A_49 = %scan3A_42 to %scan3A_44 step %scan3A_45 iter_args(%scan3A_50 = %scan3A_41) -> (i32)  : i32 {
        %mul3A_51 = arith.constant 128 : i32
        %mul3A_52 = arith.muli %scan3A_49, %mul3A_51 : i32
        %lt3A = arith.cmpi slt, %mul3A_52, %scan3A_32 : i32
        %convert_element_type3A = arith.extui %lt3A : i1 to i32
        %cond3A = arith.constant 0 : i32
        %cond3A_53 = arith.cmpi ne, %convert_element_type3A, %cond3A : i32
        scf.if %cond3A_53 {
          %mul3A_55 = arith.constant 128 : i32
          %mul3A_56 = arith.muli %scan3A_49, %mul3A_55 : i32
          %add3A_57 = arith.constant 0 : i32
          %add3A_58 = arith.addi %mul3A_56, %add3A_57 : i32
          %get3A = arith.index_cast %add3A_58 : i32 to index
          %get3A_59 = tpu.vector_load %arg10[%get3A] {strides = array<i32>} : memref<2048xi32, #tpu.memory_space<vmem>>, vector<16xi32>,
          %get3A_60 = vector.shape_cast %get3A_59 : vector<16xi32> to vector<16xi32>
          %swap3A = arith.constant 0 : index
          %swap3A_61 = tpu.vector_load %arg13[%swap3A] {strides = array<i32>} : memref<128xi32, #tpu.memory_space<vmem>>, vector<16xi32>,
          %swap3A_62 = vector.shape_cast %swap3A_61 : vector<16xi32> to vector<16xi32>
          %swap3A_63 = vector.shape_cast %get3A_60 : vector<16xi32> to vector<16xi32>
          tpu.vector_store %arg13[%swap3A], %swap3A_63 {strides = array<i32>} : memref<128xi32, #tpu.memory_space<vmem>>, vector<16xi32>,
          %get3A_64 = arith.index_cast %add3A_58 : i32 to index
          %get3A_65 = tpu.vector_load %arg11[%get3A_64] {strides = array<i32>} : memref<2048xi32, #tpu.memory_space<vmem>>, vector<16xi32>,
          %get3A_66 = vector.shape_cast %get3A_65 : vector<16xi32> to vector<16xi32>
          %swap3A_67 = arith.constant 0 : index
          %swap3A_68 = tpu.vector_load %arg14[%swap3A_67] {strides = array<i32>} : memref<128xi32, #tpu.memory_space<vmem>>, vector<16xi32>,
          %swap3A_69 = vector.shape_cast %swap3A_68 : vector<16xi32> to vector<16xi32>
          %swap3A_70 = vector.shape_cast %get3A_66 : vector<16xi32> to vector<16xi32>
          tpu.vector_store %arg14[%swap3A_67], %swap3A_70 {strides = array<i32>} : memref<128xi32, #tpu.memory_space<vmem>>, vector<16xi32>,
          %get3A_71 = arith.index_cast %add3A_58 : i32 to index
          %get3A_72 = tpu.vector_load %arg12[%get3A_71] {strides = array<i32>} : memref<2048xi32, #tpu.memory_space<vmem>>, vector<16xi32>,
          %get3A_73 = vector.shape_cast %get3A_72 : vector<16xi32> to vector<16xi32>
          %swap3A_74 = arith.constant 0 : index
          %swap3A_75 = tpu.vector_load %arg15[%swap3A_74] {strides = array<i32>} : memref<128xi32, #tpu.memory_space<vmem>>, vector<16xi32>,
          %swap3A_76 = vector.shape_cast %swap3A_75 : vector<16xi32> to vector<16xi32>
          %swap3A_77 = vector.shape_cast %get3A_73 : vector<16xi32> to vector<16xi32>
          tpu.vector_store %arg15[%swap3A_74], %swap3A_77 {strides = array<i32>} : memref<128xi32, #tpu.memory_space<vmem>>, vector<16xi32>,
          %add3A_78 = arith.constant 16 : i32
          %add3A_79 = arith.addi %mul3A_56, %add3A_78 : i32
          %get3A_80 = arith.index_cast %add3A_79 : i32 to index
          %get3A_81 = tpu.vector_load %arg10[%get3A_80] {strides = array<i32>} : memref<2048xi32, #tpu.memory_space<vmem>>, vector<16xi32>,
          %get3A_82 = vector.shape_cast %get3A_81 : vector<16xi32> to vector<16xi32>
          %swap3A_83 = arith.constant 16 : index
          %swap3A_84 = tpu.vector_load %arg13[%swap3A_83] {strides = array<i32>} : memref<128xi32, #tpu.memory_space<vmem>>, vector<16xi32>,
          %swap3A_85 = vector.shape_cast %swap3A_84 : vector<16xi32> to vector<16xi32>
          %swap3A_86 = vector.shape_cast %get3A_82 : vector<16xi32> to vector<16xi32>
          tpu.vector_store %arg13[%swap3A_83], %swap3A_86 {strides = array<i32>} : memref<128xi32, #tpu.memory_space<vmem>>, vector<16xi32>,
          %get3A_87 = arith.index_cast %add3A_79 : i32 to index
          %get3A_88 = tpu.vector_load %arg11[%get3A_87] {strides = array<i32>} : memref<2048xi32, #tpu.memory_space<vmem>>, vector<16xi32>,
          %get3A_89 = vector.shape_cast %get3A_88 : vector<16xi32> to vector<16xi32>
          %swap3A_90 = arith.constant 16 : index
          %swap3A_91 = tpu.vector_load %arg14[%swap3A_90] {strides = array<i32>} : memref<128xi32, #tpu.memory_space<vmem>>, vector<16xi32>,
          %swap3A_92 = vector.shape_cast %swap3A_91 : vector<16xi32> to vector<16xi32>
          %swap3A_93 = vector.shape_cast %get3A_89 : vector<16xi32> to vector<16xi32>
          tpu.vector_store %arg14[%swap3A_90], %swap3A_93 {strides = array<i32>} : memref<128xi32, #tpu.memory_space<vmem>>, vector<16xi32>,
          %get3A_94 = arith.index_cast %add3A_79 : i32 to index
          %get3A_95 = tpu.vector_load %arg12[%get3A_94] {strides = array<i32>} : memref<2048xi32, #tpu.memory_space<vmem>>, vector<16xi32>,
          %get3A_96 = vector.shape_cast %get3A_95 : vector<16xi32> to vector<16xi32>
          %swap3A_97 = arith.constant 16 : index
          %swap3A_98 = tpu.vector_load %arg15[%swap3A_97] {strides = array<i32>} : memref<128xi32, #tpu.memory_space<vmem>>, vector<16xi32>,
          %swap3A_99 = vector.shape_cast %swap3A_98 : vector<16xi32> to vector<16xi32>
          %swap3A_100 = vector.shape_cast %get3A_96 : vector<16xi32> to vector<16xi32>
          tpu.vector_store %arg15[%swap3A_97], %swap3A_100 {strides = array<i32>} : memref<128xi32, #tpu.memory_space<vmem>>, vector<16xi32>,
          %add3A_101 = arith.constant 32 : i32
          %add3A_102 = arith.addi %mul3A_56, %add3A_101 : i32
          %get3A_103 = arith.index_cast %add3A_102 : i32 to index
          %get3A_104 = tpu.vector_load %arg10[%get3A_103] {strides = array<i32>} : memref<2048xi32, #tpu.memory_space<vmem>>, vector<16xi32>,
          %get3A_105 = vector.shape_cast %get3A_104 : vector<16xi32> to vector<16xi32>
          %swap3A_106 = arith.constant 32 : index
          %swap3A_107 = tpu.vector_load %arg13[%swap3A_106] {strides = array<i32>} : memref<128xi32, #tpu.memory_space<vmem>>, vector<16xi32>,
          %swap3A_108 = vector.shape_cast %swap3A_107 : vector<16xi32> to vector<16xi32>
          %swap3A_109 = vector.shape_cast %get3A_105 : vector<16xi32> to vector<16xi32>
          tpu.vector_store %arg13[%swap3A_106], %swap3A_109 {strides = array<i32>} : memref<128xi32, #tpu.memory_space<vmem>>, vector<16xi32>,
          %get3A_110 = arith.index_cast %add3A_102 : i32 to index
          %get3A_111 = tpu.vector_load %arg11[%get3A_110] {strides = array<i32>} : memref<2048xi32, #tpu.memory_space<vmem>>, vector<16xi32>,
          %get3A_112 = vector.shape_cast %get3A_111 : vector<16xi32> to vector<16xi32>
          %swap3A_113 = arith.constant 32 : index
          %swap3A_114 = tpu.vector_load %arg14[%swap3A_113] {strides = array<i32>} : memref<128xi32, #tpu.memory_space<vmem>>, vector<16xi32>,
          %swap3A_115 = vector.shape_cast %swap3A_114 : vector<16xi32> to vector<16xi32>
          %swap3A_116 = vector.shape_cast %get3A_112 : vector<16xi32> to vector<16xi32>
          tpu.vector_store %arg14[%swap3A_113], %swap3A_116 {strides = array<i32>} : memref<128xi32, #tpu.memory_space<vmem>>, vector<16xi32>,
          %get3A_117 = arith.index_cast %add3A_102 : i32 to index
          %get3A_118 = tpu.vector_load %arg12[%get3A_117] {strides = array<i32>} : memref<2048xi32, #tpu.memory_space<vmem>>, vector<16xi32>,
          %get3A_119 = vector.shape_cast %get3A_118 : vector<16xi32> to vector<16xi32>
          %swap3A_120 = arith.constant 32 : index
          %swap3A_121 = tpu.vector_load %arg15[%swap3A_120] {strides = array<i32>} : memref<128xi32, #tpu.memory_space<vmem>>, vector<16xi32>,
          %swap3A_122 = vector.shape_cast %swap3A_121 : vector<16xi32> to vector<16xi32>
          %swap3A_123 = vector.shape_cast %get3A_119 : vector<16xi32> to vector<16xi32>
          tpu.vector_store %arg15[%swap3A_120], %swap3A_123 {strides = array<i32>} : memref<128xi32, #tpu.memory_space<vmem>>, vector<16xi32>,
          %add3A_124 = arith.constant 48 : i32
          %add3A_125 = arith.addi %mul3A_56, %add3A_124 : i32
          %get3A_126 = arith.index_cast %add3A_125 : i32 to index
          %get3A_127 = tpu.vector_load %arg10[%get3A_126] {strides = array<i32>} : memref<2048xi32, #tpu.memory_space<vmem>>, vector<16xi32>,
          %get3A_128 = vector.shape_cast %get3A_127 : vector<16xi32> to vector<16xi32>
          %swap3A_129 = arith.constant 48 : index
          %swap3A_130 = tpu.vector_load %arg13[%swap3A_129] {strides = array<i32>} : memref<128xi32, #tpu.memory_space<vmem>>, vector<16xi32>,
          %swap3A_131 = vector.shape_cast %swap3A_130 : vector<16xi32> to vector<16xi32>
          %swap3A_132 = vector.shape_cast %get3A_128 : vector<16xi32> to vector<16xi32>
          tpu.vector_store %arg13[%swap3A_129], %swap3A_132 {strides = array<i32>} : memref<128xi32, #tpu.memory_space<vmem>>, vector<16xi32>,
          %get3A_133 = arith.index_cast %add3A_125 : i32 to index
          %get3A_134 = tpu.vector_load %arg11[%get3A_133] {strides = array<i32>} : memref<2048xi32, #tpu.memory_space<vmem>>, vector<16xi32>,
          %get3A_135 = vector.shape_cast %get3A_134 : vector<16xi32> to vector<16xi32>
          %swap3A_136 = arith.constant 48 : index
          %swap3A_137 = tpu.vector_load %arg14[%swap3A_136] {strides = array<i32>} : memref<128xi32, #tpu.memory_space<vmem>>, vector<16xi32>,
          %swap3A_138 = vector.shape_cast %swap3A_137 : vector<16xi32> to vector<16xi32>
          %swap3A_139 = vector.shape_cast %get3A_135 : vector<16xi32> to vector<16xi32>
          tpu.vector_store %arg14[%swap3A_136], %swap3A_139 {strides = array<i32>} : memref<128xi32, #tpu.memory_space<vmem>>, vector<16xi32>,
          %get3A_140 = arith.index_cast %add3A_125 : i32 to index
          %get3A_141 = tpu.vector_load %arg12[%get3A_140] {strides = array<i32>} : memref<2048xi32, #tpu.memory_space<vmem>>, vector<16xi32>,
          %get3A_142 = vector.shape_cast %get3A_141 : vector<16xi32> to vector<16xi32>
          %swap3A_143 = arith.constant 48 : index
          %swap3A_144 = tpu.vector_load %arg15[%swap3A_143] {strides = array<i32>} : memref<128xi32, #tpu.memory_space<vmem>>, vector<16xi32>,
          %swap3A_145 = vector.shape_cast %swap3A_144 : vector<16xi32> to vector<16xi32>
          %swap3A_146 = vector.shape_cast %get3A_142 : vector<16xi32> to vector<16xi32>
          tpu.vector_store %arg15[%swap3A_143], %swap3A_146 {strides = array<i32>} : memref<128xi32, #tpu.memory_space<vmem>>, vector<16xi32>,
          %add3A_147 = arith.constant 64 : i32
          %add3A_148 = arith.addi %mul3A_56, %add3A_147 : i32
          %get3A_149 = arith.index_cast %add3A_148 : i32 to index
          %get3A_150 = tpu.vector_load %arg10[%get3A_149] {strides = array<i32>} : memref<2048xi32, #tpu.memory_space<vmem>>, vector<16xi32>,
          %get3A_151 = vector.shape_cast %get3A_150 : vector<16xi32> to vector<16xi32>
          %swap3A_152 = arith.constant 64 : index
          %swap3A_153 = tpu.vector_load %arg13[%swap3A_152] {strides = array<i32>} : memref<128xi32, #tpu.memory_space<vmem>>, vector<16xi32>,
          %swap3A_154 = vector.shape_cast %swap3A_153 : vector<16xi32> to vector<16xi32>
          %swap3A_155 = vector.shape_cast %get3A_151 : vector<16xi32> to vector<16xi32>
          tpu.vector_store %arg13[%swap3A_152], %swap3A_155 {strides = array<i32>} : memref<128xi32, #tpu.memory_space<vmem>>, vector<16xi32>,
          %get3A_156 = arith.index_cast %add3A_148 : i32 to index
          %get3A_157 = tpu.vector_load %arg11[%get3A_156] {strides = array<i32>} : memref<2048xi32, #tpu.memory_space<vmem>>, vector<16xi32>,
          %get3A_158 = vector.shape_cast %get3A_157 : vector<16xi32> to vector<16xi32>
          %swap3A_159 = arith.constant 64 : index
          %swap3A_160 = tpu.vector_load %arg14[%swap3A_159] {strides = array<i32>} : memref<128xi32, #tpu.memory_space<vmem>>, vector<16xi32>,
          %swap3A_161 = vector.shape_cast %swap3A_160 : vector<16xi32> to vector<16xi32>
          %swap3A_162 = vector.shape_cast %get3A_158 : vector<16xi32> to vector<16xi32>
          tpu.vector_store %arg14[%swap3A_159], %swap3A_162 {strides = array<i32>} : memref<128xi32, #tpu.memory_space<vmem>>, vector<16xi32>,
          %get3A_163 = arith.index_cast %add3A_148 : i32 to index
          %get3A_164 = tpu.vector_load %arg12[%get3A_163] {strides = array<i32>} : memref<2048xi32, #tpu.memory_space<vmem>>, vector<16xi32>,
          %get3A_165 = vector.shape_cast %get3A_164 : vector<16xi32> to vector<16xi32>
          %swap3A_166 = arith.constant 64 : index
          %swap3A_167 = tpu.vector_load %arg15[%swap3A_166] {strides = array<i32>} : memref<128xi32, #tpu.memory_space<vmem>>, vector<16xi32>,
          %swap3A_168 = vector.shape_cast %swap3A_167 : vector<16xi32> to vector<16xi32>
          %swap3A_169 = vector.shape_cast %get3A_165 : vector<16xi32> to vector<16xi32>
          tpu.vector_store %arg15[%swap3A_166], %swap3A_169 {strides = array<i32>} : memref<128xi32, #tpu.memory_space<vmem>>, vector<16xi32>,
          %add3A_170 = arith.constant 80 : i32
          %add3A_171 = arith.addi %mul3A_56, %add3A_170 : i32
          %get3A_172 = arith.index_cast %add3A_171 : i32 to index
          %get3A_173 = tpu.vector_load %arg10[%get3A_172] {strides = array<i32>} : memref<2048xi32, #tpu.memory_space<vmem>>, vector<16xi32>,
          %get3A_174 = vector.shape_cast %get3A_173 : vector<16xi32> to vector<16xi32>
          %swap3A_175 = arith.constant 80 : index
          %swap3A_176 = tpu.vector_load %arg13[%swap3A_175] {strides = array<i32>} : memref<128xi32, #tpu.memory_space<vmem>>, vector<16xi32>,
          %swap3A_177 = vector.shape_cast %swap3A_176 : vector<16xi32> to vector<16xi32>
          %swap3A_178 = vector.shape_cast %get3A_174 : vector<16xi32> to vector<16xi32>
          tpu.vector_store %arg13[%swap3A_175], %swap3A_178 {strides = array<i32>} : memref<128xi32, #tpu.memory_space<vmem>>, vector<16xi32>,
          %get3A_179 = arith.index_cast %add3A_171 : i32 to index
          %get3A_180 = tpu.vector_load %arg11[%get3A_179] {strides = array<i32>} : memref<2048xi32, #tpu.memory_space<vmem>>, vector<16xi32>,
          %get3A_181 = vector.shape_cast %get3A_180 : vector<16xi32> to vector<16xi32>
          %swap3A_182 = arith.constant 80 : index
          %swap3A_183 = tpu.vector_load %arg14[%swap3A_182] {strides = array<i32>} : memref<128xi32, #tpu.memory_space<vmem>>, vector<16xi32>,
          %swap3A_184 = vector.shape_cast %swap3A_183 : vector<16xi32> to vector<16xi32>
          %swap3A_185 = vector.shape_cast %get3A_181 : vector<16xi32> to vector<16xi32>
          tpu.vector_store %arg14[%swap3A_182], %swap3A_185 {strides = array<i32>} : memref<128xi32, #tpu.memory_space<vmem>>, vector<16xi32>,
          %get3A_186 = arith.index_cast %add3A_171 : i32 to index
          %get3A_187 = tpu.vector_load %arg12[%get3A_186] {strides = array<i32>} : memref<2048xi32, #tpu.memory_space<vmem>>, vector<16xi32>,
          %get3A_188 = vector.shape_cast %get3A_187 : vector<16xi32> to vector<16xi32>
          %swap3A_189 = arith.constant 80 : index
          %swap3A_190 = tpu.vector_load %arg15[%swap3A_189] {strides = array<i32>} : memref<128xi32, #tpu.memory_space<vmem>>, vector<16xi32>,
          %swap3A_191 = vector.shape_cast %swap3A_190 : vector<16xi32> to vector<16xi32>
          %swap3A_192 = vector.shape_cast %get3A_188 : vector<16xi32> to vector<16xi32>
          tpu.vector_store %arg15[%swap3A_189], %swap3A_192 {strides = array<i32>} : memref<128xi32, #tpu.memory_space<vmem>>, vector<16xi32>,
          %add3A_193 = arith.constant 96 : i32
          %add3A_194 = arith.addi %mul3A_56, %add3A_193 : i32
          %get3A_195 = arith.index_cast %add3A_194 : i32 to index
          %get3A_196 = tpu.vector_load %arg10[%get3A_195] {strides = array<i32>} : memref<2048xi32, #tpu.memory_space<vmem>>, vector<16xi32>,
          %get3A_197 = vector.shape_cast %get3A_196 : vector<16xi32> to vector<16xi32>
          %swap3A_198 = arith.constant 96 : index
          %swap3A_199 = tpu.vector_load %arg13[%swap3A_198] {strides = array<i32>} : memref<128xi32, #tpu.memory_space<vmem>>, vector<16xi32>,
          %swap3A_200 = vector.shape_cast %swap3A_199 : vector<16xi32> to vector<16xi32>
          %swap3A_201 = vector.shape_cast %get3A_197 : vector<16xi32> to vector<16xi32>
          tpu.vector_store %arg13[%swap3A_198], %swap3A_201 {strides = array<i32>} : memref<128xi32, #tpu.memory_space<vmem>>, vector<16xi32>,
          %get3A_202 = arith.index_cast %add3A_194 : i32 to index
          %get3A_203 = tpu.vector_load %arg11[%get3A_202] {strides = array<i32>} : memref<2048xi32, #tpu.memory_space<vmem>>, vector<16xi32>,
          %get3A_204 = vector.shape_cast %get3A_203 : vector<16xi32> to vector<16xi32>
          %swap3A_205 = arith.constant 96 : index
          %swap3A_206 = tpu.vector_load %arg14[%swap3A_205] {strides = array<i32>} : memref<128xi32, #tpu.memory_space<vmem>>, vector<16xi32>,
          %swap3A_207 = vector.shape_cast %swap3A_206 : vector<16xi32> to vector<16xi32>
          %swap3A_208 = vector.shape_cast %get3A_204 : vector<16xi32> to vector<16xi32>
          tpu.vector_store %arg14[%swap3A_205], %swap3A_208 {strides = array<i32>} : memref<128xi32, #tpu.memory_space<vmem>>, vector<16xi32>,
          %get3A_209 = arith.index_cast %add3A_194 : i32 to index
          %get3A_210 = tpu.vector_load %arg12[%get3A_209] {strides = array<i32>} : memref<2048xi32, #tpu.memory_space<vmem>>, vector<16xi32>,
          %get3A_211 = vector.shape_cast %get3A_210 : vector<16xi32> to vector<16xi32>
          %swap3A_212 = arith.constant 96 : index
          %swap3A_213 = tpu.vector_load %arg15[%swap3A_212] {strides = array<i32>} : memref<128xi32, #tpu.memory_space<vmem>>, vector<16xi32>,
          %swap3A_214 = vector.shape_cast %swap3A_213 : vector<16xi32> to vector<16xi32>
          %swap3A_215 = vector.shape_cast %get3A_211 : vector<16xi32> to vector<16xi32>
          tpu.vector_store %arg15[%swap3A_212], %swap3A_215 {strides = array<i32>} : memref<128xi32, #tpu.memory_space<vmem>>, vector<16xi32>,
          %add3A_216 = arith.constant 112 : i32
          %add3A_217 = arith.addi %mul3A_56, %add3A_216 : i32
          %get3A_218 = arith.index_cast %add3A_217 : i32 to index
          %get3A_219 = tpu.vector_load %arg10[%get3A_218] {strides = array<i32>} : memref<2048xi32, #tpu.memory_space<vmem>>, vector<16xi32>,
          %get3A_220 = vector.shape_cast %get3A_219 : vector<16xi32> to vector<16xi32>
          %swap3A_221 = arith.constant 112 : index
          %swap3A_222 = tpu.vector_load %arg13[%swap3A_221] {strides = array<i32>} : memref<128xi32, #tpu.memory_space<vmem>>, vector<16xi32>,
          %swap3A_223 = vector.shape_cast %swap3A_222 : vector<16xi32> to vector<16xi32>
          %swap3A_224 = vector.shape_cast %get3A_220 : vector<16xi32> to vector<16xi32>
          tpu.vector_store %arg13[%swap3A_221], %swap3A_224 {strides = array<i32>} : memref<128xi32, #tpu.memory_space<vmem>>, vector<16xi32>,
          %get3A_225 = arith.index_cast %add3A_217 : i32 to index
          %get3A_226 = tpu.vector_load %arg11[%get3A_225] {strides = array<i32>} : memref<2048xi32, #tpu.memory_space<vmem>>, vector<16xi32>,
          %get3A_227 = vector.shape_cast %get3A_226 : vector<16xi32> to vector<16xi32>
          %swap3A_228 = arith.constant 112 : index
          %swap3A_229 = tpu.vector_load %arg14[%swap3A_228] {strides = array<i32>} : memref<128xi32, #tpu.memory_space<vmem>>, vector<16xi32>,
          %swap3A_230 = vector.shape_cast %swap3A_229 : vector<16xi32> to vector<16xi32>
          %swap3A_231 = vector.shape_cast %get3A_227 : vector<16xi32> to vector<16xi32>
          tpu.vector_store %arg14[%swap3A_228], %swap3A_231 {strides = array<i32>} : memref<128xi32, #tpu.memory_space<vmem>>, vector<16xi32>,
          %get3A_232 = arith.index_cast %add3A_217 : i32 to index
          %get3A_233 = tpu.vector_load %arg12[%get3A_232] {strides = array<i32>} : memref<2048xi32, #tpu.memory_space<vmem>>, vector<16xi32>,
          %get3A_234 = vector.shape_cast %get3A_233 : vector<16xi32> to vector<16xi32>
          %swap3A_235 = arith.constant 112 : index
          %swap3A_236 = tpu.vector_load %arg15[%swap3A_235] {strides = array<i32>} : memref<128xi32, #tpu.memory_space<vmem>>, vector<16xi32>,
          %swap3A_237 = vector.shape_cast %swap3A_236 : vector<16xi32> to vector<16xi32>
          %swap3A_238 = vector.shape_cast %get3A_234 : vector<16xi32> to vector<16xi32>
          tpu.vector_store %arg15[%swap3A_235], %swap3A_238 {strides = array<i32>} : memref<128xi32, #tpu.memory_space<vmem>>, vector<16xi32>,
          %dma_start3A = arith.constant 0 : i32
          %dma_start3A_239 = arith.constant 0 : i32
          %dma_start3A_240 = tpu.memref_slice %arg2[%dma_start3A, %dma_start3A_239] : memref<20000x128xf32, #tpu.memory_space<hbm>> -> memref<20000x128xf32, #tpu.memory_space<hbm>>
          tpu.enqueue_indirect_dma source(%dma_start3A_240 : memref<20000x128xf32, #tpu.memory_space<hbm>>) target(%arg16 : memref<128x128xf32, #tpu.memory_space<vmem>>) offsets(%arg13 : memref<128xi32, #tpu.memory_space<vmem>>) semaphore(%arg19 : memref<!tpu.dma_semaphore, #tpu.memory_space<semaphore_mem>>)
          %dma_wait3A = arith.constant 0 : i32
          %dma_wait3A_241 = arith.constant 0 : i32
          %dma_wait3A_242 = tpu.memref_slice %arg2[%dma_wait3A, %dma_wait3A_241] : memref<20000x128xf32, #tpu.memory_space<hbm>> -> memref<20000x128xf32, #tpu.memory_space<hbm>>
          tpu.wait_indirect_dma semaphore(%arg19 : memref<!tpu.dma_semaphore, #tpu.memory_space<semaphore_mem>>) src(%dma_wait3A_242 : memref<20000x128xf32, #tpu.memory_space<hbm>>) dst(%arg16 : memref<128x128xf32, #tpu.memory_space<vmem>>)
          %dma_start3A_243 = arith.constant 0 : i32
          %dma_start3A_244 = arith.constant 0 : i32
          %dma_start3A_245 = tpu.memref_slice %arg3[%dma_start3A_243, %dma_start3A_244] : memref<640000x128xf32, #tpu.memory_space<hbm>> -> memref<640000x128xf32, #tpu.memory_space<hbm>>
          tpu.enqueue_indirect_dma source(%dma_start3A_245 : memref<640000x128xf32, #tpu.memory_space<hbm>>) target(%arg17 : memref<128x128xf32, #tpu.memory_space<vmem>>) offsets(%arg14 : memref<128xi32, #tpu.memory_space<vmem>>) semaphore(%arg19 : memref<!tpu.dma_semaphore, #tpu.memory_space<semaphore_mem>>)
          %dma_wait3A_246 = arith.constant 0 : i32
          %dma_wait3A_247 = arith.constant 0 : i32
          %dma_wait3A_248 = tpu.memref_slice %arg3[%dma_wait3A_246, %dma_wait3A_247] : memref<640000x128xf32, #tpu.memory_space<hbm>> -> memref<640000x128xf32, #tpu.memory_space<hbm>>
          tpu.wait_indirect_dma semaphore(%arg19 : memref<!tpu.dma_semaphore, #tpu.memory_space<semaphore_mem>>) src(%dma_wait3A_248 : memref<640000x128xf32, #tpu.memory_space<hbm>>) dst(%arg17 : memref<128x128xf32, #tpu.memory_space<vmem>>)
          %scan3A_249 = arith.constant 0 : i32
          %scan3A_250 = arith.constant 0 : i32
          %scan3A_251 = arith.constant 128 : i32
          %scan3A_252 = arith.addi %scan3A_250, %scan3A_251 : i32
          %scan3A_253 = arith.constant 1 : i32
          %scan3A_254 = scf.for %scan3A_256 = %scan3A_250 to %scan3A_252 step %scan3A_253 iter_args(%scan3A_257 = %scan3A_249) -> (i32)  : i32 {
            %get3A_258 = arith.index_cast %scan3A_256 : i32 to index
            %get3A_259 = arith.constant 0 : index
            %get3A_260 = tpu.vector_load %arg16[%get3A_258, %get3A_259] {strides = array<i32>} : memref<128x128xf32, #tpu.memory_space<vmem>>, vector<1x128xf32>,
            %get3A_261 = vector.shape_cast %get3A_260 : vector<1x128xf32> to vector<128xf32>
            %get3A_262 = arith.index_cast %scan3A_256 : i32 to index
            %get3A_263 = arith.constant 0 : index
            %get3A_264 = tpu.vector_load %arg17[%get3A_262, %get3A_263] {strides = array<i32>} : memref<128x128xf32, #tpu.memory_space<vmem>>, vector<1x128xf32>,
            %get3A_265 = vector.shape_cast %get3A_264 : vector<1x128xf32> to vector<128xf32>
            %add3A_266 = arith.addf %get3A_261, %get3A_265 : vector<128xf32>
            %max3A = arith.constant 0.000000e+00 : f32
            %max3A_267 = vector.broadcast %max3A : f32 to vector<128xf32>
            %max3A_268 = arith.maximumf %add3A_266, %max3A_267 : vector<128xf32>
            %swap3A_269 = arith.index_cast %scan3A_256 : i32 to index
            %swap3A_270 = arith.constant 0 : index
            %swap3A_271 = tpu.vector_load %arg16[%swap3A_269, %swap3A_270] {strides = array<i32>} : memref<128x128xf32, #tpu.memory_space<vmem>>, vector<1x128xf32>,
            %swap3A_272 = vector.shape_cast %swap3A_271 : vector<1x128xf32> to vector<128xf32>
            %swap3A_273 = vector.shape_cast %max3A_268 : vector<128xf32> to vector<1x128xf32>
            tpu.vector_store %arg16[%swap3A_269, %swap3A_270], %swap3A_273 {strides = array<i32>} : memref<128x128xf32, #tpu.memory_space<vmem>>, vector<1x128xf32>,
            %scan3A_274 = arith.constant 0 : i32
            scf.yield %scan3A_274 : i32
          }
          %scan3A_255 = arith.constant 128 : i32
          "tpu.region"() ({
            %run_scoped3A = tpu.sem_alloc : memref<!tpu.dma_semaphore, #tpu.memory_space<semaphore_mem>>
            %dma_start3A_256 = arith.constant 0 : i32
            %dma_start3A_257 = arith.constant 0 : i32
            %dma_start3A_258 = tpu.memref_slice %arg18[%dma_start3A_256, %dma_start3A_257] : memref<10112x128xf32, #tpu.memory_space<vmem_shared>> -> memref<10112x128xf32, #tpu.memory_space<vmem_shared>>
            tpu.enqueue_indirect_dma source(%arg16 : memref<128x128xf32, #tpu.memory_space<vmem>>) target(%dma_start3A_258 : memref<10112x128xf32, #tpu.memory_space<vmem_shared>>) offsets(%arg15 : memref<128xi32, #tpu.memory_space<vmem>>) semaphore(%run_scoped3A : memref<!tpu.dma_semaphore, #tpu.memory_space<semaphore_mem>>) {add = true}
            %dma_wait3A_259 = arith.constant 0 : i32
            %dma_wait3A_260 = arith.constant 0 : i32
            %dma_wait3A_261 = tpu.memref_slice %arg18[%dma_wait3A_259, %dma_wait3A_260] : memref<10112x128xf32, #tpu.memory_space<vmem_shared>> -> memref<10112x128xf32, #tpu.memory_space<vmem_shared>>
            tpu.wait_indirect_dma semaphore(%run_scoped3A : memref<!tpu.dma_semaphore, #tpu.memory_space<semaphore_mem>>) src(%arg16 : memref<128x128xf32, #tpu.memory_space<vmem>>) dst(%dma_wait3A_261 : memref<10112x128xf32, #tpu.memory_space<vmem_shared>>)
            tpu.yield
          }) : () -> ()
        } else {
        }
        %scan3A_54 = arith.constant 0 : i32
        scf.yield %scan3A_54 : i32
      }
      %scan3A_47 = arith.constant 16 : i32
      %scan3A_48 = arith.constant 0 : i32
      scf.yield %scan3A_48 : i32
    }
    %scan3A_15 = arith.constant 160 : i32
    %mul3A_16 = arith.constant 632 : i32
    %mul3A_17 = arith.muli %arg1, %mul3A_16 : i32
    %mul3A_18 = arith.constant 16 : i32
    %mul3A_19 = arith.muli %arg0, %mul3A_18 : i32
    %add3A_20 = arith.addi %mul3A_19, %arg1 : i32
    %mul3A_21 = arith.constant 632 : i32
    %mul3A_22 = arith.muli %add3A_20, %mul3A_21 : i32
    "tpu.region"() ({
      %run_scoped3A = tpu.sem_alloc : memref<!tpu.dma_semaphore, #tpu.memory_space<semaphore_mem>>
      %dma_start3A = arith.constant 0 : i32
      %dma_start3A_23 = tpu.memref_slice %arg7[%mul3A_22, %dma_start3A] : memref<20224x128xf32, #tpu.memory_space<hbm>> -> memref<632x128xf32, #tpu.memory_space<hbm>>
      %dma_start3A_24 = arith.constant 0 : i32
      %dma_start3A_25 = tpu.memref_slice %arg18[%mul3A_17, %dma_start3A_24] : memref<10112x128xf32, #tpu.memory_space<vmem_shared>> -> memref<632x128xf32, #tpu.memory_space<vmem_shared>>
      tpu.enqueue_dma source(%dma_start3A_25 : memref<632x128xf32, #tpu.memory_space<vmem_shared>>) target(%dma_start3A_23 : memref<632x128xf32, #tpu.memory_space<hbm>>) target_semaphore(%run_scoped3A : memref<!tpu.dma_semaphore, #tpu.memory_space<semaphore_mem>>)
      %dma_wait3A = arith.constant 0 : i32
      %dma_wait3A_26 = tpu.memref_slice %arg7[%mul3A_22, %dma_wait3A] : memref<20224x128xf32, #tpu.memory_space<hbm>> -> memref<632x128xf32, #tpu.memory_space<hbm>>
      %dma_wait3A_27 = arith.constant 0 : i32
      %dma_wait3A_28 = tpu.memref_slice %arg18[%mul3A_17, %dma_wait3A_27] : memref<10112x128xf32, #tpu.memory_space<vmem_shared>> -> memref<632x128xf32, #tpu.memory_space<vmem_shared>>
      tpu.wait_dma2 semaphore(%run_scoped3A : memref<!tpu.dma_semaphore, #tpu.memory_space<semaphore_mem>>) src(%dma_wait3A_28 : memref<632x128xf32, #tpu.memory_space<vmem_shared>>) dst(%dma_wait3A_26 : memref<632x128xf32, #tpu.memory_space<hbm>>)
      tpu.yield
    }) : () -> ()
    return
  }
}

#map = affine_map<(d0, d1) -> (0, 0)>
#map1 = affine_map<(d0, d1) -> (0)>
module attributes {stable_mosaic.version = 14 : i64} {
  func.func @aggr_kernel(%arg0: i32, %arg1: i32, %arg2: memref<20000x128xf32, #tpu.memory_space<hbm>>, %arg3: memref<640000x128xf32, #tpu.memory_space<hbm>>, %arg4: memref<320000xi32, #tpu.memory_space<hbm>>, %arg5: memref<320000xi32, #tpu.memory_space<hbm>>, %arg6: memref<632x128xf32, #tpu.memory_space<hbm>>, %arg7: memref<20224x128xf32, #tpu.memory_space<hbm>>, %arg8: memref<2000xi32, #tpu.memory_space<vmem>>, %arg9: memref<2000xi32, #tpu.memory_space<vmem>>, %arg10: memref<2048xi32, #tpu.memory_space<vmem>>, %arg11: memref<2048xi32, #tpu.memory_space<vmem>>, %arg12: memref<2048xi32, #tpu.memory_space<vmem>>, %arg13: memref<128xi32, #tpu.memory_space<vmem>>, %arg14: memref<128xi32, #tpu.memory_space<vmem>>, %arg15: memref<128xi32, #tpu.memory_space<vmem>>, %arg16: memref<128x128xf32, #tpu.memory_space<vmem>>, %arg17: memref<128x128xf32, #tpu.memory_space<vmem>>, %arg18: memref<10112x128xf32, #tpu.memory_space<vmem_shared>>, %arg19: memref<!tpu.dma_semaphore, #tpu.memory_space<semaphore_mem>>) attributes {dimension_semantics = [#tpu.dimension_semantics<core_parallel>, #tpu.dimension_semantics<subcore_parallel>], iteration_bounds = array<i64: 2, 16>, scalar_prefetch = 0 : i64, scratch_operands = 12 : i64, tpu.core_type = #tpu.core_type<sc_vector_subcore>, window_params = [{transform_indices = #map}, {transform_indices = #map}, {transform_indices = #map1}, {transform_indices = #map1}, {transform_indices = #map}, {transform_indices = #map}]} {
    %mul3A = arith.constant 632 : i32
    %mul3A_0 = arith.muli %arg1, %mul3A : i32
    "tpu.region"() ({
      %run_scoped3A = tpu.sem_alloc : memref<!tpu.dma_semaphore, #tpu.memory_space<semaphore_mem>>
      %dma_start3A = arith.constant 0 : i32
      %dma_start3A_23 = tpu.memref_slice %arg18[%mul3A_0, %dma_start3A] : memref<10112x128xf32, #tpu.memory_space<vmem_shared>> -> memref<632x128xf32, #tpu.memory_space<vmem_shared>>
      tpu.enqueue_dma source(%arg6 : memref<632x128xf32, #tpu.memory_space<hbm>>) target(%dma_start3A_23 : memref<632x128xf32, #tpu.memory_space<vmem_shared>>) target_semaphore(%run_scoped3A : memref<!tpu.dma_semaphore, #tpu.memory_space<semaphore_mem>>)
      %dma_wait3A = arith.constant 0 : i32
      %dma_wait3A_24 = tpu.memref_slice %arg18[%mul3A_0, %dma_wait3A] : memref<10112x128xf32, #tpu.memory_space<vmem_shared>> -> memref<632x128xf32, #tpu.memory_space<vmem_shared>>
      tpu.wait_dma2 semaphore(%run_scoped3A : memref<!tpu.dma_semaphore, #tpu.memory_space<semaphore_mem>>) src(%arg6 : memref<632x128xf32, #tpu.memory_space<hbm>>) dst(%dma_wait3A_24 : memref<632x128xf32, #tpu.memory_space<vmem_shared>>)
      tpu.yield
    }) : () -> ()
    %mul3A_1 = arith.constant 625 : i32
    %mul3A_2 = arith.muli %arg1, %mul3A_1 : i32
    %mul3A_3 = arith.constant 10000 : i32
    %mul3A_4 = arith.muli %arg0, %mul3A_3 : i32
    %mul3A_5 = arith.constant 320000 : i32
    %mul3A_6 = arith.muli %arg0, %mul3A_5 : i32
    %mul3A_7 = arith.constant 632 : i32
    %mul3A_8 = arith.muli %arg1, %mul3A_7 : i32
    %add3A = arith.constant 625 : i32
    %add3A_9 = arith.addi %mul3A_8, %add3A : i32
    %iota3A = tpu.iota {dimensions = array<i32: 0>} : vector<16xi32>
    %scan3A = arith.constant 0 : i32
    %scan3A_10 = arith.constant 0 : i32
    %scan3A_11 = arith.constant 160 : i32
    %scan3A_12 = arith.addi %scan3A_10, %scan3A_11 : i32
    %scan3A_13 = arith.constant 1 : i32
    %scan3A_14 = scf.for %scan3A_23 = %scan3A_10 to %scan3A_12 step %scan3A_13 iter_args(%scan3A_24 = %scan3A) -> (i32)  : i32 {
      %mul3A_25 = arith.constant 2000 : i32
      %mul3A_26 = arith.muli %scan3A_23, %mul3A_25 : i32
      "tpu.region"() ({
        %run_scoped3A = tpu.sem_alloc : memref<!tpu.dma_semaphore, #tpu.memory_space<semaphore_mem>>
        %dma_start3A = tpu.memref_slice %arg4[%mul3A_26] : memref<320000xi32, #tpu.memory_space<hbm>> -> memref<2000xi32, #tpu.memory_space<hbm>>
        %dma_start3A_49 = tpu.memref_slice %arg4[%mul3A_26] : memref<320000xi32, #tpu.memory_space<hbm>> -> memref<2000xi32, #tpu.memory_space<hbm>>
        tpu.enqueue_dma source(%dma_start3A_49 : memref<2000xi32, #tpu.memory_space<hbm>>) target(%arg8 : memref<2000xi32, #tpu.memory_space<vmem>>) target_semaphore(%run_scoped3A : memref<!tpu.dma_semaphore, #tpu.memory_space<semaphore_mem>>)
        %dma_wait3A = tpu.memref_slice %arg4[%mul3A_26] : memref<320000xi32, #tpu.memory_space<hbm>> -> memref<2000xi32, #tpu.memory_space<hbm>>
        %dma_wait3A_50 = tpu.memref_slice %arg4[%mul3A_26] : memref<320000xi32, #tpu.memory_space<hbm>> -> memref<2000xi32, #tpu.memory_space<hbm>>
        tpu.wait_dma2 semaphore(%run_scoped3A : memref<!tpu.dma_semaphore, #tpu.memory_space<semaphore_mem>>) src(%dma_wait3A_50 : memref<2000xi32, #tpu.memory_space<hbm>>) dst(%arg8 : memref<2000xi32, #tpu.memory_space<vmem>>)
        tpu.yield
      }) : () -> ()
      "tpu.region"() ({
        %run_scoped3A = tpu.sem_alloc : memref<!tpu.dma_semaphore, #tpu.memory_space<semaphore_mem>>
        %dma_start3A = tpu.memref_slice %arg5[%mul3A_26] : memref<320000xi32, #tpu.memory_space<hbm>> -> memref<2000xi32, #tpu.memory_space<hbm>>
        %dma_start3A_49 = tpu.memref_slice %arg5[%mul3A_26] : memref<320000xi32, #tpu.memory_space<hbm>> -> memref<2000xi32, #tpu.memory_space<hbm>>
        tpu.enqueue_dma source(%dma_start3A_49 : memref<2000xi32, #tpu.memory_space<hbm>>) target(%arg9 : memref<2000xi32, #tpu.memory_space<vmem>>) target_semaphore(%run_scoped3A : memref<!tpu.dma_semaphore, #tpu.memory_space<semaphore_mem>>)
        %dma_wait3A = tpu.memref_slice %arg5[%mul3A_26] : memref<320000xi32, #tpu.memory_space<hbm>> -> memref<2000xi32, #tpu.memory_space<hbm>>
        %dma_wait3A_50 = tpu.memref_slice %arg5[%mul3A_26] : memref<320000xi32, #tpu.memory_space<hbm>> -> memref<2000xi32, #tpu.memory_space<hbm>>
        tpu.wait_dma2 semaphore(%run_scoped3A : memref<!tpu.dma_semaphore, #tpu.memory_space<semaphore_mem>>) src(%dma_wait3A_50 : memref<2000xi32, #tpu.memory_space<hbm>>) dst(%arg9 : memref<2000xi32, #tpu.memory_space<vmem>>)
        tpu.yield
      }) : () -> ()
      %scan3A_27 = arith.constant 0 : i32
      %scan3A_28 = arith.constant 0 : i32
      %scan3A_29 = arith.constant 125 : i32
      %scan3A_30 = arith.addi %scan3A_28, %scan3A_29 : i32
      %scan3A_31 = arith.constant 1 : i32
      %scan3A_32 = scf.for %scan3A_49 = %scan3A_28 to %scan3A_30 step %scan3A_31 iter_args(%scan3A_50 = %scan3A_27) -> (i32)  : i32 {
        %mul3A_51 = arith.constant 16 : i32
        %mul3A_52 = arith.muli %scan3A_49, %mul3A_51 : i32
        %get3A = arith.index_cast %mul3A_52 : i32 to index
        %get3A_53 = tpu.vector_load %arg9[%get3A] {strides = array<i32>} : memref<2000xi32, #tpu.memory_space<vmem>>, vector<16xi32>,
        %get3A_54 = vector.shape_cast %get3A_53 : vector<16xi32> to vector<16xi32>
        %get3A_55 = arith.index_cast %mul3A_52 : i32 to index
        %get3A_56 = tpu.vector_load %arg8[%get3A_55] {strides = array<i32>} : memref<2000xi32, #tpu.memory_space<vmem>>, vector<16xi32>,
        %get3A_57 = vector.shape_cast %get3A_56 : vector<16xi32> to vector<16xi32>
        %ge3A = vector.broadcast %mul3A_2 : i32 to vector<16xi32>
        %ge3A_58 = arith.cmpi sge, %get3A_54, %ge3A : vector<16xi32>
        %add3A_59 = arith.constant 625 : i32
        %add3A_60 = arith.addi %mul3A_2, %add3A_59 : i32
        %lt3A = vector.broadcast %add3A_60 : i32 to vector<16xi32>
        %lt3A_61 = arith.cmpi slt, %get3A_54, %lt3A : vector<16xi32>
        %and3A = arith.andi %ge3A_58, %lt3A_61 : vector<16xi1>
        %add3A_62 = vector.broadcast %mul3A_4 : i32 to vector<16xi32>
        %add3A_63 = arith.addi %get3A_57, %add3A_62 : vector<16xi32>
        %swap3A = arith.index_cast %mul3A_52 : i32 to index
        %swap3A_64 = tpu.vector_load %arg10[%swap3A] {strides = array<i32>} : memref<2048xi32, #tpu.memory_space<vmem>>, vector<16xi32>,
        %swap3A_65 = vector.shape_cast %swap3A_64 : vector<16xi32> to vector<16xi32>
        %swap3A_66 = vector.shape_cast %add3A_63 : vector<16xi32> to vector<16xi32>
        tpu.vector_store %arg10[%swap3A], %swap3A_66 {strides = array<i32>} : memref<2048xi32, #tpu.memory_space<vmem>>, vector<16xi32>,
        %mul3A_67 = arith.constant 16 : i32
        %mul3A_68 = arith.muli %scan3A_49, %mul3A_67 : i32
        %add3A_69 = arith.addi %mul3A_26, %mul3A_68 : i32
        %add3A_70 = arith.addi %add3A_69, %mul3A_6 : i32
        %add3A_71 = vector.broadcast %add3A_70 : i32 to vector<16xi32>
        %add3A_72 = arith.addi %iota3A, %add3A_71 : vector<16xi32>
        %swap3A_73 = arith.index_cast %mul3A_52 : i32 to index
        %swap3A_74 = tpu.vector_load %arg11[%swap3A_73] {strides = array<i32>} : memref<2048xi32, #tpu.memory_space<vmem>>, vector<16xi32>,
        %swap3A_75 = vector.shape_cast %swap3A_74 : vector<16xi32> to vector<16xi32>
        %swap3A_76 = vector.shape_cast %add3A_72 : vector<16xi32> to vector<16xi32>
        tpu.vector_store %arg11[%swap3A_73], %swap3A_76 {strides = array<i32>} : memref<2048xi32, #tpu.memory_space<vmem>>, vector<16xi32>,
        %sub3A = vector.broadcast %mul3A_2 : i32 to vector<16xi32>
        %sub3A_77 = arith.subi %get3A_54, %sub3A : vector<16xi32>
        %add3A_78 = vector.broadcast %mul3A_8 : i32 to vector<16xi32>
        %add3A_79 = arith.addi %sub3A_77, %add3A_78 : vector<16xi32>
        %broadcast_in_dim3A = vector.broadcast %add3A_9 : i32 to vector<16xi32>
        %select_n3A = arith.select %and3A, %add3A_79, %broadcast_in_dim3A : vector<16xi1>, vector<16xi32>
        %swap3A_80 = arith.index_cast %mul3A_52 : i32 to index
        %swap3A_81 = tpu.vector_load %arg12[%swap3A_80] {strides = array<i32>} : memref<2048xi32, #tpu.memory_space<vmem>>, vector<16xi32>,
        %swap3A_82 = vector.shape_cast %swap3A_81 : vector<16xi32> to vector<16xi32>
        %swap3A_83 = vector.shape_cast %select_n3A : vector<16xi32> to vector<16xi32>
        tpu.vector_store %arg12[%swap3A_80], %swap3A_83 {strides = array<i32>} : memref<2048xi32, #tpu.memory_space<vmem>>, vector<16xi32>,
        %add3A_84 = arith.constant 16 : i32
        %add3A_85 = arith.addi %scan3A_50, %add3A_84 : i32
        scf.yield %add3A_85 : i32
      }
      %scan3A_33 = arith.constant 125 : i32
      %scan3A_34 = arith.constant 0 : i32
      %scan3A_35 = arith.constant 0 : i32
      %scan3A_36 = arith.constant 128 : i32
      %scan3A_37 = arith.addi %scan3A_35, %scan3A_36 : i32
      %scan3A_38 = arith.constant 1 : i32
      %scan3A_39 = scf.for %scan3A_49 = %scan3A_35 to %scan3A_37 step %scan3A_38 iter_args(%scan3A_50 = %scan3A_34) -> (i32)  : i32 {
        %mul3A_51 = arith.constant 16 : i32
        %mul3A_52 = arith.muli %scan3A_49, %mul3A_51 : i32
        %mul3A_53 = arith.constant 16 : i32
        %mul3A_54 = arith.muli %scan3A_49, %mul3A_53 : i32
        %add3A_55 = vector.broadcast %mul3A_54 : i32 to vector<16xi32>
        %add3A_56 = arith.addi %iota3A, %add3A_55 : vector<16xi32>
        %lt3A = vector.broadcast %scan3A_32 : i32 to vector<16xi32>
        %lt3A_57 = arith.cmpi slt, %add3A_56, %lt3A : vector<16xi32>
        %get3A = arith.index_cast %mul3A_52 : i32 to index
        %get3A_58 = tpu.vector_load %arg10[%get3A] {strides = array<i32>} : memref<2048xi32, #tpu.memory_space<vmem>>, vector<16xi32>,
        %get3A_59 = vector.shape_cast %get3A_58 : vector<16xi32> to vector<16xi32>
        %jit3A = arith.constant 0 : i32
        %broadcast_in_dim3A = vector.broadcast %jit3A : i32 to vector<16xi32>
        %select_n3A = arith.select %lt3A_57, %get3A_59, %broadcast_in_dim3A : vector<16xi1>, vector<16xi32>
        %swap3A = arith.index_cast %mul3A_52 : i32 to index
        %swap3A_60 = tpu.vector_load %arg10[%swap3A] {strides = array<i32>} : memref<2048xi32, #tpu.memory_space<vmem>>, vector<16xi32>,
        %swap3A_61 = vector.shape_cast %swap3A_60 : vector<16xi32> to vector<16xi32>
        %swap3A_62 = vector.shape_cast %select_n3A : vector<16xi32> to vector<16xi32>
        tpu.vector_store %arg10[%swap3A], %swap3A_62 {strides = array<i32>} : memref<2048xi32, #tpu.memory_space<vmem>>, vector<16xi32>,
        %get3A_63 = arith.index_cast %mul3A_52 : i32 to index
        %get3A_64 = tpu.vector_load %arg11[%get3A_63] {strides = array<i32>} : memref<2048xi32, #tpu.memory_space<vmem>>, vector<16xi32>,
        %get3A_65 = vector.shape_cast %get3A_64 : vector<16xi32> to vector<16xi32>
        %jit3A_66 = arith.constant 0 : i32
        %broadcast_in_dim3A_67 = vector.broadcast %jit3A_66 : i32 to vector<16xi32>
        %select_n3A_68 = arith.select %lt3A_57, %get3A_65, %broadcast_in_dim3A_67 : vector<16xi1>, vector<16xi32>
        %swap3A_69 = arith.index_cast %mul3A_52 : i32 to index
        %swap3A_70 = tpu.vector_load %arg11[%swap3A_69] {strides = array<i32>} : memref<2048xi32, #tpu.memory_space<vmem>>, vector<16xi32>,
        %swap3A_71 = vector.shape_cast %swap3A_70 : vector<16xi32> to vector<16xi32>
        %swap3A_72 = vector.shape_cast %select_n3A_68 : vector<16xi32> to vector<16xi32>
        tpu.vector_store %arg11[%swap3A_69], %swap3A_72 {strides = array<i32>} : memref<2048xi32, #tpu.memory_space<vmem>>, vector<16xi32>,
        %get3A_73 = arith.index_cast %mul3A_52 : i32 to index
        %get3A_74 = tpu.vector_load %arg12[%get3A_73] {strides = array<i32>} : memref<2048xi32, #tpu.memory_space<vmem>>, vector<16xi32>,
        %get3A_75 = vector.shape_cast %get3A_74 : vector<16xi32> to vector<16xi32>
        %broadcast_in_dim3A_76 = vector.broadcast %add3A_9 : i32 to vector<16xi32>
        %select_n3A_77 = arith.select %lt3A_57, %get3A_75, %broadcast_in_dim3A_76 : vector<16xi1>, vector<16xi32>
        %swap3A_78 = arith.index_cast %mul3A_52 : i32 to index
        %swap3A_79 = tpu.vector_load %arg12[%swap3A_78] {strides = array<i32>} : memref<2048xi32, #tpu.memory_space<vmem>>, vector<16xi32>,
        %swap3A_80 = vector.shape_cast %swap3A_79 : vector<16xi32> to vector<16xi32>
        %swap3A_81 = vector.shape_cast %select_n3A_77 : vector<16xi32> to vector<16xi32>
        tpu.vector_store %arg12[%swap3A_78], %swap3A_81 {strides = array<i32>} : memref<2048xi32, #tpu.memory_space<vmem>>, vector<16xi32>,
        %scan3A_82 = arith.constant 0 : i32
        scf.yield %scan3A_82 : i32
      }
      %scan3A_40 = arith.constant 128 : i32
      %scan3A_41 = arith.constant 0 : i32
      %scan3A_42 = arith.constant 0 : i32
      %scan3A_43 = arith.constant 16 : i32
      %scan3A_44 = arith.addi %scan3A_42, %scan3A_43 : i32
      %scan3A_45 = arith.constant 1 : i32
      %scan3A_46 = scf.for %scan3A_49 = %scan3A_42 to %scan3A_44 step %scan3A_45 iter_args(%scan3A_50 = %scan3A_41) -> (i32)  : i32 {
        %mul3A_51 = arith.constant 128 : i32
        %mul3A_52 = arith.muli %scan3A_49, %mul3A_51 : i32
        %lt3A = arith.cmpi slt, %mul3A_52, %scan3A_32 : i32
        %convert_element_type3A = arith.extui %lt3A : i1 to i32
        %cond3A = arith.constant 0 : i32
        %cond3A_53 = arith.cmpi ne, %convert_element_type3A, %cond3A : i32
        scf.if %cond3A_53 {
          %mul3A_55 = arith.constant 128 : i32
          %mul3A_56 = arith.muli %scan3A_49, %mul3A_55 : i32
          %add3A_57 = arith.constant 0 : i32
          %add3A_58 = arith.addi %mul3A_56, %add3A_57 : i32
          %get3A = arith.index_cast %add3A_58 : i32 to index
          %get3A_59 = tpu.vector_load %arg10[%get3A] {strides = array<i32>} : memref<2048xi32, #tpu.memory_space<vmem>>, vector<16xi32>,
          %get3A_60 = vector.shape_cast %get3A_59 : vector<16xi32> to vector<16xi32>
          %swap3A = arith.constant 0 : index
          %swap3A_61 = tpu.vector_load %arg13[%swap3A] {strides = array<i32>} : memref<128xi32, #tpu.memory_space<vmem>>, vector<16xi32>,
          %swap3A_62 = vector.shape_cast %swap3A_61 : vector<16xi32> to vector<16xi32>
          %swap3A_63 = vector.shape_cast %get3A_60 : vector<16xi32> to vector<16xi32>
          tpu.vector_store %arg13[%swap3A], %swap3A_63 {strides = array<i32>} : memref<128xi32, #tpu.memory_space<vmem>>, vector<16xi32>,
          %get3A_64 = arith.index_cast %add3A_58 : i32 to index
          %get3A_65 = tpu.vector_load %arg11[%get3A_64] {strides = array<i32>} : memref<2048xi32, #tpu.memory_space<vmem>>, vector<16xi32>,
          %get3A_66 = vector.shape_cast %get3A_65 : vector<16xi32> to vector<16xi32>
          %swap3A_67 = arith.constant 0 : index
          %swap3A_68 = tpu.vector_load %arg14[%swap3A_67] {strides = array<i32>} : memref<128xi32, #tpu.memory_space<vmem>>, vector<16xi32>,
          %swap3A_69 = vector.shape_cast %swap3A_68 : vector<16xi32> to vector<16xi32>
          %swap3A_70 = vector.shape_cast %get3A_66 : vector<16xi32> to vector<16xi32>
          tpu.vector_store %arg14[%swap3A_67], %swap3A_70 {strides = array<i32>} : memref<128xi32, #tpu.memory_space<vmem>>, vector<16xi32>,
          %get3A_71 = arith.index_cast %add3A_58 : i32 to index
          %get3A_72 = tpu.vector_load %arg12[%get3A_71] {strides = array<i32>} : memref<2048xi32, #tpu.memory_space<vmem>>, vector<16xi32>,
          %get3A_73 = vector.shape_cast %get3A_72 : vector<16xi32> to vector<16xi32>
          %swap3A_74 = arith.constant 0 : index
          %swap3A_75 = tpu.vector_load %arg15[%swap3A_74] {strides = array<i32>} : memref<128xi32, #tpu.memory_space<vmem>>, vector<16xi32>,
          %swap3A_76 = vector.shape_cast %swap3A_75 : vector<16xi32> to vector<16xi32>
          %swap3A_77 = vector.shape_cast %get3A_73 : vector<16xi32> to vector<16xi32>
          tpu.vector_store %arg15[%swap3A_74], %swap3A_77 {strides = array<i32>} : memref<128xi32, #tpu.memory_space<vmem>>, vector<16xi32>,
          %add3A_78 = arith.constant 16 : i32
          %add3A_79 = arith.addi %mul3A_56, %add3A_78 : i32
          %get3A_80 = arith.index_cast %add3A_79 : i32 to index
          %get3A_81 = tpu.vector_load %arg10[%get3A_80] {strides = array<i32>} : memref<2048xi32, #tpu.memory_space<vmem>>, vector<16xi32>,
          %get3A_82 = vector.shape_cast %get3A_81 : vector<16xi32> to vector<16xi32>
          %swap3A_83 = arith.constant 16 : index
          %swap3A_84 = tpu.vector_load %arg13[%swap3A_83] {strides = array<i32>} : memref<128xi32, #tpu.memory_space<vmem>>, vector<16xi32>,
          %swap3A_85 = vector.shape_cast %swap3A_84 : vector<16xi32> to vector<16xi32>
          %swap3A_86 = vector.shape_cast %get3A_82 : vector<16xi32> to vector<16xi32>
          tpu.vector_store %arg13[%swap3A_83], %swap3A_86 {strides = array<i32>} : memref<128xi32, #tpu.memory_space<vmem>>, vector<16xi32>,
          %get3A_87 = arith.index_cast %add3A_79 : i32 to index
          %get3A_88 = tpu.vector_load %arg11[%get3A_87] {strides = array<i32>} : memref<2048xi32, #tpu.memory_space<vmem>>, vector<16xi32>,
          %get3A_89 = vector.shape_cast %get3A_88 : vector<16xi32> to vector<16xi32>
          %swap3A_90 = arith.constant 16 : index
          %swap3A_91 = tpu.vector_load %arg14[%swap3A_90] {strides = array<i32>} : memref<128xi32, #tpu.memory_space<vmem>>, vector<16xi32>,
          %swap3A_92 = vector.shape_cast %swap3A_91 : vector<16xi32> to vector<16xi32>
          %swap3A_93 = vector.shape_cast %get3A_89 : vector<16xi32> to vector<16xi32>
          tpu.vector_store %arg14[%swap3A_90], %swap3A_93 {strides = array<i32>} : memref<128xi32, #tpu.memory_space<vmem>>, vector<16xi32>,
          %get3A_94 = arith.index_cast %add3A_79 : i32 to index
          %get3A_95 = tpu.vector_load %arg12[%get3A_94] {strides = array<i32>} : memref<2048xi32, #tpu.memory_space<vmem>>, vector<16xi32>,
          %get3A_96 = vector.shape_cast %get3A_95 : vector<16xi32> to vector<16xi32>
          %swap3A_97 = arith.constant 16 : index
          %swap3A_98 = tpu.vector_load %arg15[%swap3A_97] {strides = array<i32>} : memref<128xi32, #tpu.memory_space<vmem>>, vector<16xi32>,
          %swap3A_99 = vector.shape_cast %swap3A_98 : vector<16xi32> to vector<16xi32>
          %swap3A_100 = vector.shape_cast %get3A_96 : vector<16xi32> to vector<16xi32>
          tpu.vector_store %arg15[%swap3A_97], %swap3A_100 {strides = array<i32>} : memref<128xi32, #tpu.memory_space<vmem>>, vector<16xi32>,
          %add3A_101 = arith.constant 32 : i32
          %add3A_102 = arith.addi %mul3A_56, %add3A_101 : i32
          %get3A_103 = arith.index_cast %add3A_102 : i32 to index
          %get3A_104 = tpu.vector_load %arg10[%get3A_103] {strides = array<i32>} : memref<2048xi32, #tpu.memory_space<vmem>>, vector<16xi32>,
          %get3A_105 = vector.shape_cast %get3A_104 : vector<16xi32> to vector<16xi32>
          %swap3A_106 = arith.constant 32 : index
          %swap3A_107 = tpu.vector_load %arg13[%swap3A_106] {strides = array<i32>} : memref<128xi32, #tpu.memory_space<vmem>>, vector<16xi32>,
          %swap3A_108 = vector.shape_cast %swap3A_107 : vector<16xi32> to vector<16xi32>
          %swap3A_109 = vector.shape_cast %get3A_105 : vector<16xi32> to vector<16xi32>
          tpu.vector_store %arg13[%swap3A_106], %swap3A_109 {strides = array<i32>} : memref<128xi32, #tpu.memory_space<vmem>>, vector<16xi32>,
          %get3A_110 = arith.index_cast %add3A_102 : i32 to index
          %get3A_111 = tpu.vector_load %arg11[%get3A_110] {strides = array<i32>} : memref<2048xi32, #tpu.memory_space<vmem>>, vector<16xi32>,
          %get3A_112 = vector.shape_cast %get3A_111 : vector<16xi32> to vector<16xi32>
          %swap3A_113 = arith.constant 32 : index
          %swap3A_114 = tpu.vector_load %arg14[%swap3A_113] {strides = array<i32>} : memref<128xi32, #tpu.memory_space<vmem>>, vector<16xi32>,
          %swap3A_115 = vector.shape_cast %swap3A_114 : vector<16xi32> to vector<16xi32>
          %swap3A_116 = vector.shape_cast %get3A_112 : vector<16xi32> to vector<16xi32>
          tpu.vector_store %arg14[%swap3A_113], %swap3A_116 {strides = array<i32>} : memref<128xi32, #tpu.memory_space<vmem>>, vector<16xi32>,
          %get3A_117 = arith.index_cast %add3A_102 : i32 to index
          %get3A_118 = tpu.vector_load %arg12[%get3A_117] {strides = array<i32>} : memref<2048xi32, #tpu.memory_space<vmem>>, vector<16xi32>,
          %get3A_119 = vector.shape_cast %get3A_118 : vector<16xi32> to vector<16xi32>
          %swap3A_120 = arith.constant 32 : index
          %swap3A_121 = tpu.vector_load %arg15[%swap3A_120] {strides = array<i32>} : memref<128xi32, #tpu.memory_space<vmem>>, vector<16xi32>,
          %swap3A_122 = vector.shape_cast %swap3A_121 : vector<16xi32> to vector<16xi32>
          %swap3A_123 = vector.shape_cast %get3A_119 : vector<16xi32> to vector<16xi32>
          tpu.vector_store %arg15[%swap3A_120], %swap3A_123 {strides = array<i32>} : memref<128xi32, #tpu.memory_space<vmem>>, vector<16xi32>,
          %add3A_124 = arith.constant 48 : i32
          %add3A_125 = arith.addi %mul3A_56, %add3A_124 : i32
          %get3A_126 = arith.index_cast %add3A_125 : i32 to index
          %get3A_127 = tpu.vector_load %arg10[%get3A_126] {strides = array<i32>} : memref<2048xi32, #tpu.memory_space<vmem>>, vector<16xi32>,
          %get3A_128 = vector.shape_cast %get3A_127 : vector<16xi32> to vector<16xi32>
          %swap3A_129 = arith.constant 48 : index
          %swap3A_130 = tpu.vector_load %arg13[%swap3A_129] {strides = array<i32>} : memref<128xi32, #tpu.memory_space<vmem>>, vector<16xi32>,
          %swap3A_131 = vector.shape_cast %swap3A_130 : vector<16xi32> to vector<16xi32>
          %swap3A_132 = vector.shape_cast %get3A_128 : vector<16xi32> to vector<16xi32>
          tpu.vector_store %arg13[%swap3A_129], %swap3A_132 {strides = array<i32>} : memref<128xi32, #tpu.memory_space<vmem>>, vector<16xi32>,
          %get3A_133 = arith.index_cast %add3A_125 : i32 to index
          %get3A_134 = tpu.vector_load %arg11[%get3A_133] {strides = array<i32>} : memref<2048xi32, #tpu.memory_space<vmem>>, vector<16xi32>,
          %get3A_135 = vector.shape_cast %get3A_134 : vector<16xi32> to vector<16xi32>
          %swap3A_136 = arith.constant 48 : index
          %swap3A_137 = tpu.vector_load %arg14[%swap3A_136] {strides = array<i32>} : memref<128xi32, #tpu.memory_space<vmem>>, vector<16xi32>,
          %swap3A_138 = vector.shape_cast %swap3A_137 : vector<16xi32> to vector<16xi32>
          %swap3A_139 = vector.shape_cast %get3A_135 : vector<16xi32> to vector<16xi32>
          tpu.vector_store %arg14[%swap3A_136], %swap3A_139 {strides = array<i32>} : memref<128xi32, #tpu.memory_space<vmem>>, vector<16xi32>,
          %get3A_140 = arith.index_cast %add3A_125 : i32 to index
          %get3A_141 = tpu.vector_load %arg12[%get3A_140] {strides = array<i32>} : memref<2048xi32, #tpu.memory_space<vmem>>, vector<16xi32>,
          %get3A_142 = vector.shape_cast %get3A_141 : vector<16xi32> to vector<16xi32>
          %swap3A_143 = arith.constant 48 : index
          %swap3A_144 = tpu.vector_load %arg15[%swap3A_143] {strides = array<i32>} : memref<128xi32, #tpu.memory_space<vmem>>, vector<16xi32>,
          %swap3A_145 = vector.shape_cast %swap3A_144 : vector<16xi32> to vector<16xi32>
          %swap3A_146 = vector.shape_cast %get3A_142 : vector<16xi32> to vector<16xi32>
          tpu.vector_store %arg15[%swap3A_143], %swap3A_146 {strides = array<i32>} : memref<128xi32, #tpu.memory_space<vmem>>, vector<16xi32>,
          %add3A_147 = arith.constant 64 : i32
          %add3A_148 = arith.addi %mul3A_56, %add3A_147 : i32
          %get3A_149 = arith.index_cast %add3A_148 : i32 to index
          %get3A_150 = tpu.vector_load %arg10[%get3A_149] {strides = array<i32>} : memref<2048xi32, #tpu.memory_space<vmem>>, vector<16xi32>,
          %get3A_151 = vector.shape_cast %get3A_150 : vector<16xi32> to vector<16xi32>
          %swap3A_152 = arith.constant 64 : index
          %swap3A_153 = tpu.vector_load %arg13[%swap3A_152] {strides = array<i32>} : memref<128xi32, #tpu.memory_space<vmem>>, vector<16xi32>,
          %swap3A_154 = vector.shape_cast %swap3A_153 : vector<16xi32> to vector<16xi32>
          %swap3A_155 = vector.shape_cast %get3A_151 : vector<16xi32> to vector<16xi32>
          tpu.vector_store %arg13[%swap3A_152], %swap3A_155 {strides = array<i32>} : memref<128xi32, #tpu.memory_space<vmem>>, vector<16xi32>,
          %get3A_156 = arith.index_cast %add3A_148 : i32 to index
          %get3A_157 = tpu.vector_load %arg11[%get3A_156] {strides = array<i32>} : memref<2048xi32, #tpu.memory_space<vmem>>, vector<16xi32>,
          %get3A_158 = vector.shape_cast %get3A_157 : vector<16xi32> to vector<16xi32>
          %swap3A_159 = arith.constant 64 : index
          %swap3A_160 = tpu.vector_load %arg14[%swap3A_159] {strides = array<i32>} : memref<128xi32, #tpu.memory_space<vmem>>, vector<16xi32>,
          %swap3A_161 = vector.shape_cast %swap3A_160 : vector<16xi32> to vector<16xi32>
          %swap3A_162 = vector.shape_cast %get3A_158 : vector<16xi32> to vector<16xi32>
          tpu.vector_store %arg14[%swap3A_159], %swap3A_162 {strides = array<i32>} : memref<128xi32, #tpu.memory_space<vmem>>, vector<16xi32>,
          %get3A_163 = arith.index_cast %add3A_148 : i32 to index
          %get3A_164 = tpu.vector_load %arg12[%get3A_163] {strides = array<i32>} : memref<2048xi32, #tpu.memory_space<vmem>>, vector<16xi32>,
          %get3A_165 = vector.shape_cast %get3A_164 : vector<16xi32> to vector<16xi32>
          %swap3A_166 = arith.constant 64 : index
          %swap3A_167 = tpu.vector_load %arg15[%swap3A_166] {strides = array<i32>} : memref<128xi32, #tpu.memory_space<vmem>>, vector<16xi32>,
          %swap3A_168 = vector.shape_cast %swap3A_167 : vector<16xi32> to vector<16xi32>
          %swap3A_169 = vector.shape_cast %get3A_165 : vector<16xi32> to vector<16xi32>
          tpu.vector_store %arg15[%swap3A_166], %swap3A_169 {strides = array<i32>} : memref<128xi32, #tpu.memory_space<vmem>>, vector<16xi32>,
          %add3A_170 = arith.constant 80 : i32
          %add3A_171 = arith.addi %mul3A_56, %add3A_170 : i32
          %get3A_172 = arith.index_cast %add3A_171 : i32 to index
          %get3A_173 = tpu.vector_load %arg10[%get3A_172] {strides = array<i32>} : memref<2048xi32, #tpu.memory_space<vmem>>, vector<16xi32>,
          %get3A_174 = vector.shape_cast %get3A_173 : vector<16xi32> to vector<16xi32>
          %swap3A_175 = arith.constant 80 : index
          %swap3A_176 = tpu.vector_load %arg13[%swap3A_175] {strides = array<i32>} : memref<128xi32, #tpu.memory_space<vmem>>, vector<16xi32>,
          %swap3A_177 = vector.shape_cast %swap3A_176 : vector<16xi32> to vector<16xi32>
          %swap3A_178 = vector.shape_cast %get3A_174 : vector<16xi32> to vector<16xi32>
          tpu.vector_store %arg13[%swap3A_175], %swap3A_178 {strides = array<i32>} : memref<128xi32, #tpu.memory_space<vmem>>, vector<16xi32>,
          %get3A_179 = arith.index_cast %add3A_171 : i32 to index
          %get3A_180 = tpu.vector_load %arg11[%get3A_179] {strides = array<i32>} : memref<2048xi32, #tpu.memory_space<vmem>>, vector<16xi32>,
          %get3A_181 = vector.shape_cast %get3A_180 : vector<16xi32> to vector<16xi32>
          %swap3A_182 = arith.constant 80 : index
          %swap3A_183 = tpu.vector_load %arg14[%swap3A_182] {strides = array<i32>} : memref<128xi32, #tpu.memory_space<vmem>>, vector<16xi32>,
          %swap3A_184 = vector.shape_cast %swap3A_183 : vector<16xi32> to vector<16xi32>
          %swap3A_185 = vector.shape_cast %get3A_181 : vector<16xi32> to vector<16xi32>
          tpu.vector_store %arg14[%swap3A_182], %swap3A_185 {strides = array<i32>} : memref<128xi32, #tpu.memory_space<vmem>>, vector<16xi32>,
          %get3A_186 = arith.index_cast %add3A_171 : i32 to index
          %get3A_187 = tpu.vector_load %arg12[%get3A_186] {strides = array<i32>} : memref<2048xi32, #tpu.memory_space<vmem>>, vector<16xi32>,
          %get3A_188 = vector.shape_cast %get3A_187 : vector<16xi32> to vector<16xi32>
          %swap3A_189 = arith.constant 80 : index
          %swap3A_190 = tpu.vector_load %arg15[%swap3A_189] {strides = array<i32>} : memref<128xi32, #tpu.memory_space<vmem>>, vector<16xi32>,
          %swap3A_191 = vector.shape_cast %swap3A_190 : vector<16xi32> to vector<16xi32>
          %swap3A_192 = vector.shape_cast %get3A_188 : vector<16xi32> to vector<16xi32>
          tpu.vector_store %arg15[%swap3A_189], %swap3A_192 {strides = array<i32>} : memref<128xi32, #tpu.memory_space<vmem>>, vector<16xi32>,
          %add3A_193 = arith.constant 96 : i32
          %add3A_194 = arith.addi %mul3A_56, %add3A_193 : i32
          %get3A_195 = arith.index_cast %add3A_194 : i32 to index
          %get3A_196 = tpu.vector_load %arg10[%get3A_195] {strides = array<i32>} : memref<2048xi32, #tpu.memory_space<vmem>>, vector<16xi32>,
          %get3A_197 = vector.shape_cast %get3A_196 : vector<16xi32> to vector<16xi32>
          %swap3A_198 = arith.constant 96 : index
          %swap3A_199 = tpu.vector_load %arg13[%swap3A_198] {strides = array<i32>} : memref<128xi32, #tpu.memory_space<vmem>>, vector<16xi32>,
          %swap3A_200 = vector.shape_cast %swap3A_199 : vector<16xi32> to vector<16xi32>
          %swap3A_201 = vector.shape_cast %get3A_197 : vector<16xi32> to vector<16xi32>
          tpu.vector_store %arg13[%swap3A_198], %swap3A_201 {strides = array<i32>} : memref<128xi32, #tpu.memory_space<vmem>>, vector<16xi32>,
          %get3A_202 = arith.index_cast %add3A_194 : i32 to index
          %get3A_203 = tpu.vector_load %arg11[%get3A_202] {strides = array<i32>} : memref<2048xi32, #tpu.memory_space<vmem>>, vector<16xi32>,
          %get3A_204 = vector.shape_cast %get3A_203 : vector<16xi32> to vector<16xi32>
          %swap3A_205 = arith.constant 96 : index
          %swap3A_206 = tpu.vector_load %arg14[%swap3A_205] {strides = array<i32>} : memref<128xi32, #tpu.memory_space<vmem>>, vector<16xi32>,
          %swap3A_207 = vector.shape_cast %swap3A_206 : vector<16xi32> to vector<16xi32>
          %swap3A_208 = vector.shape_cast %get3A_204 : vector<16xi32> to vector<16xi32>
          tpu.vector_store %arg14[%swap3A_205], %swap3A_208 {strides = array<i32>} : memref<128xi32, #tpu.memory_space<vmem>>, vector<16xi32>,
          %get3A_209 = arith.index_cast %add3A_194 : i32 to index
          %get3A_210 = tpu.vector_load %arg12[%get3A_209] {strides = array<i32>} : memref<2048xi32, #tpu.memory_space<vmem>>, vector<16xi32>,
          %get3A_211 = vector.shape_cast %get3A_210 : vector<16xi32> to vector<16xi32>
          %swap3A_212 = arith.constant 96 : index
          %swap3A_213 = tpu.vector_load %arg15[%swap3A_212] {strides = array<i32>} : memref<128xi32, #tpu.memory_space<vmem>>, vector<16xi32>,
          %swap3A_214 = vector.shape_cast %swap3A_213 : vector<16xi32> to vector<16xi32>
          %swap3A_215 = vector.shape_cast %get3A_211 : vector<16xi32> to vector<16xi32>
          tpu.vector_store %arg15[%swap3A_212], %swap3A_215 {strides = array<i32>} : memref<128xi32, #tpu.memory_space<vmem>>, vector<16xi32>,
          %add3A_216 = arith.constant 112 : i32
          %add3A_217 = arith.addi %mul3A_56, %add3A_216 : i32
          %get3A_218 = arith.index_cast %add3A_217 : i32 to index
          %get3A_219 = tpu.vector_load %arg10[%get3A_218] {strides = array<i32>} : memref<2048xi32, #tpu.memory_space<vmem>>, vector<16xi32>,
          %get3A_220 = vector.shape_cast %get3A_219 : vector<16xi32> to vector<16xi32>
          %swap3A_221 = arith.constant 112 : index
          %swap3A_222 = tpu.vector_load %arg13[%swap3A_221] {strides = array<i32>} : memref<128xi32, #tpu.memory_space<vmem>>, vector<16xi32>,
          %swap3A_223 = vector.shape_cast %swap3A_222 : vector<16xi32> to vector<16xi32>
          %swap3A_224 = vector.shape_cast %get3A_220 : vector<16xi32> to vector<16xi32>
          tpu.vector_store %arg13[%swap3A_221], %swap3A_224 {strides = array<i32>} : memref<128xi32, #tpu.memory_space<vmem>>, vector<16xi32>,
          %get3A_225 = arith.index_cast %add3A_217 : i32 to index
          %get3A_226 = tpu.vector_load %arg11[%get3A_225] {strides = array<i32>} : memref<2048xi32, #tpu.memory_space<vmem>>, vector<16xi32>,
          %get3A_227 = vector.shape_cast %get3A_226 : vector<16xi32> to vector<16xi32>
          %swap3A_228 = arith.constant 112 : index
          %swap3A_229 = tpu.vector_load %arg14[%swap3A_228] {strides = array<i32>} : memref<128xi32, #tpu.memory_space<vmem>>, vector<16xi32>,
          %swap3A_230 = vector.shape_cast %swap3A_229 : vector<16xi32> to vector<16xi32>
          %swap3A_231 = vector.shape_cast %get3A_227 : vector<16xi32> to vector<16xi32>
          tpu.vector_store %arg14[%swap3A_228], %swap3A_231 {strides = array<i32>} : memref<128xi32, #tpu.memory_space<vmem>>, vector<16xi32>,
          %get3A_232 = arith.index_cast %add3A_217 : i32 to index
          %get3A_233 = tpu.vector_load %arg12[%get3A_232] {strides = array<i32>} : memref<2048xi32, #tpu.memory_space<vmem>>, vector<16xi32>,
          %get3A_234 = vector.shape_cast %get3A_233 : vector<16xi32> to vector<16xi32>
          %swap3A_235 = arith.constant 112 : index
          %swap3A_236 = tpu.vector_load %arg15[%swap3A_235] {strides = array<i32>} : memref<128xi32, #tpu.memory_space<vmem>>, vector<16xi32>,
          %swap3A_237 = vector.shape_cast %swap3A_236 : vector<16xi32> to vector<16xi32>
          %swap3A_238 = vector.shape_cast %get3A_234 : vector<16xi32> to vector<16xi32>
          tpu.vector_store %arg15[%swap3A_235], %swap3A_238 {strides = array<i32>} : memref<128xi32, #tpu.memory_space<vmem>>, vector<16xi32>,
          %dma_start3A = arith.constant 0 : i32
          %dma_start3A_239 = arith.constant 0 : i32
          %dma_start3A_240 = tpu.memref_slice %arg2[%dma_start3A, %dma_start3A_239] : memref<20000x128xf32, #tpu.memory_space<hbm>> -> memref<20000x128xf32, #tpu.memory_space<hbm>>
          tpu.enqueue_indirect_dma source(%dma_start3A_240 : memref<20000x128xf32, #tpu.memory_space<hbm>>) target(%arg16 : memref<128x128xf32, #tpu.memory_space<vmem>>) offsets(%arg13 : memref<128xi32, #tpu.memory_space<vmem>>) semaphore(%arg19 : memref<!tpu.dma_semaphore, #tpu.memory_space<semaphore_mem>>)
          %dma_wait3A = arith.constant 0 : i32
          %dma_wait3A_241 = arith.constant 0 : i32
          %dma_wait3A_242 = tpu.memref_slice %arg2[%dma_wait3A, %dma_wait3A_241] : memref<20000x128xf32, #tpu.memory_space<hbm>> -> memref<20000x128xf32, #tpu.memory_space<hbm>>
          tpu.wait_indirect_dma semaphore(%arg19 : memref<!tpu.dma_semaphore, #tpu.memory_space<semaphore_mem>>) src(%dma_wait3A_242 : memref<20000x128xf32, #tpu.memory_space<hbm>>) dst(%arg16 : memref<128x128xf32, #tpu.memory_space<vmem>>)
          %dma_start3A_243 = arith.constant 0 : i32
          %dma_start3A_244 = arith.constant 0 : i32
          %dma_start3A_245 = tpu.memref_slice %arg3[%dma_start3A_243, %dma_start3A_244] : memref<640000x128xf32, #tpu.memory_space<hbm>> -> memref<640000x128xf32, #tpu.memory_space<hbm>>
          tpu.enqueue_indirect_dma source(%dma_start3A_245 : memref<640000x128xf32, #tpu.memory_space<hbm>>) target(%arg17 : memref<128x128xf32, #tpu.memory_space<vmem>>) offsets(%arg14 : memref<128xi32, #tpu.memory_space<vmem>>) semaphore(%arg19 : memref<!tpu.dma_semaphore, #tpu.memory_space<semaphore_mem>>)
          %dma_wait3A_246 = arith.constant 0 : i32
          %dma_wait3A_247 = arith.constant 0 : i32
          %dma_wait3A_248 = tpu.memref_slice %arg3[%dma_wait3A_246, %dma_wait3A_247] : memref<640000x128xf32, #tpu.memory_space<hbm>> -> memref<640000x128xf32, #tpu.memory_space<hbm>>
          tpu.wait_indirect_dma semaphore(%arg19 : memref<!tpu.dma_semaphore, #tpu.memory_space<semaphore_mem>>) src(%dma_wait3A_248 : memref<640000x128xf32, #tpu.memory_space<hbm>>) dst(%arg17 : memref<128x128xf32, #tpu.memory_space<vmem>>)
          %scan3A_249 = arith.constant 0 : i32
          %scan3A_250 = arith.constant 0 : i32
          %scan3A_251 = arith.constant 128 : i32
          %scan3A_252 = arith.addi %scan3A_250, %scan3A_251 : i32
          %scan3A_253 = arith.constant 1 : i32
          %scan3A_254 = scf.for %scan3A_256 = %scan3A_250 to %scan3A_252 step %scan3A_253 iter_args(%scan3A_257 = %scan3A_249) -> (i32)  : i32 {
            %get3A_258 = arith.index_cast %scan3A_256 : i32 to index
            %get3A_259 = arith.constant 0 : index
            %get3A_260 = tpu.vector_load %arg16[%get3A_258, %get3A_259] {strides = array<i32>} : memref<128x128xf32, #tpu.memory_space<vmem>>, vector<1x128xf32>,
            %get3A_261 = vector.shape_cast %get3A_260 : vector<1x128xf32> to vector<128xf32>
            %get3A_262 = arith.index_cast %scan3A_256 : i32 to index
            %get3A_263 = arith.constant 0 : index
            %get3A_264 = tpu.vector_load %arg17[%get3A_262, %get3A_263] {strides = array<i32>} : memref<128x128xf32, #tpu.memory_space<vmem>>, vector<1x128xf32>,
            %get3A_265 = vector.shape_cast %get3A_264 : vector<1x128xf32> to vector<128xf32>
            %add3A_266 = arith.addf %get3A_261, %get3A_265 : vector<128xf32>
            %max3A = arith.constant 0.000000e+00 : f32
            %max3A_267 = vector.broadcast %max3A : f32 to vector<128xf32>
            %max3A_268 = arith.maximumf %add3A_266, %max3A_267 : vector<128xf32>
            %swap3A_269 = arith.index_cast %scan3A_256 : i32 to index
            %swap3A_270 = arith.constant 0 : index
            %swap3A_271 = tpu.vector_load %arg16[%swap3A_269, %swap3A_270] {strides = array<i32>} : memref<128x128xf32, #tpu.memory_space<vmem>>, vector<1x128xf32>,
            %swap3A_272 = vector.shape_cast %swap3A_271 : vector<1x128xf32> to vector<128xf32>
            %swap3A_273 = vector.shape_cast %max3A_268 : vector<128xf32> to vector<1x128xf32>
            tpu.vector_store %arg16[%swap3A_269, %swap3A_270], %swap3A_273 {strides = array<i32>} : memref<128x128xf32, #tpu.memory_space<vmem>>, vector<1x128xf32>,
            %scan3A_274 = arith.constant 0 : i32
            scf.yield %scan3A_274 : i32
          }
          %scan3A_255 = arith.constant 128 : i32
          "tpu.region"() ({
            %run_scoped3A = tpu.sem_alloc : memref<!tpu.dma_semaphore, #tpu.memory_space<semaphore_mem>>
            %dma_start3A_256 = arith.constant 0 : i32
            %dma_start3A_257 = arith.constant 0 : i32
            %dma_start3A_258 = tpu.memref_slice %arg18[%dma_start3A_256, %dma_start3A_257] : memref<10112x128xf32, #tpu.memory_space<vmem_shared>> -> memref<10112x128xf32, #tpu.memory_space<vmem_shared>>
            tpu.enqueue_indirect_dma source(%arg16 : memref<128x128xf32, #tpu.memory_space<vmem>>) target(%dma_start3A_258 : memref<10112x128xf32, #tpu.memory_space<vmem_shared>>) offsets(%arg15 : memref<128xi32, #tpu.memory_space<vmem>>) semaphore(%run_scoped3A : memref<!tpu.dma_semaphore, #tpu.memory_space<semaphore_mem>>) {add = true}
            %dma_wait3A_259 = arith.constant 0 : i32
            %dma_wait3A_260 = arith.constant 0 : i32
            %dma_wait3A_261 = tpu.memref_slice %arg18[%dma_wait3A_259, %dma_wait3A_260] : memref<10112x128xf32, #tpu.memory_space<vmem_shared>> -> memref<10112x128xf32, #tpu.memory_space<vmem_shared>>
            tpu.wait_indirect_dma semaphore(%run_scoped3A : memref<!tpu.dma_semaphore, #tpu.memory_space<semaphore_mem>>) src(%arg16 : memref<128x128xf32, #tpu.memory_space<vmem>>) dst(%dma_wait3A_261 : memref<10112x128xf32, #tpu.memory_space<vmem_shared>>)
            tpu.yield
          }) : () -> ()
        } else {
        }
        %scan3A_54 = arith.constant 0 : i32
        scf.yield %scan3A_54 : i32
      }
      %scan3A_47 = arith.constant 16 : i32
      %scan3A_48 = arith.constant 0 : i32
      scf.yield %scan3A_48 : i32
    }
    %scan3A_15 = arith.constant 160 : i32
    %mul3A_16 = arith.constant 632 : i32
    %mul3A_17 = arith.muli %arg1, %mul3A_16 : i32
    %mul3A_18 = arith.constant 16 : i32
    %mul3A_19 = arith.muli %arg0, %mul3A_18 : i32
    %add3A_20 = arith.addi %mul3A_19, %arg1 : i32
    %mul3A_21 = arith.constant 632 : i32
    %mul3A_22 = arith.muli %add3A_20, %mul3A_21 : i32
    "tpu.region"() ({
      %run_scoped3A = tpu.sem_alloc : memref<!tpu.dma_semaphore, #tpu.memory_space<semaphore_mem>>
      %dma_start3A = arith.constant 0 : i32
      %dma_start3A_23 = tpu.memref_slice %arg7[%mul3A_22, %dma_start3A] : memref<20224x128xf32, #tpu.memory_space<hbm>> -> memref<632x128xf32, #tpu.memory_space<hbm>>
      %dma_start3A_24 = arith.constant 0 : i32
      %dma_start3A_25 = tpu.memref_slice %arg18[%mul3A_17, %dma_start3A_24] : memref<10112x128xf32, #tpu.memory_space<vmem_shared>> -> memref<632x128xf32, #tpu.memory_space<vmem_shared>>
      tpu.enqueue_dma source(%dma_start3A_25 : memref<632x128xf32, #tpu.memory_space<vmem_shared>>) target(%dma_start3A_23 : memref<632x128xf32, #tpu.memory_space<hbm>>) target_semaphore(%run_scoped3A : memref<!tpu.dma_semaphore, #tpu.memory_space<semaphore_mem>>)
      %dma_wait3A = arith.constant 0 : i32
      %dma_wait3A_26 = tpu.memref_slice %arg7[%mul3A_22, %dma_wait3A] : memref<20224x128xf32, #tpu.memory_space<hbm>> -> memref<632x128xf32, #tpu.memory_space<hbm>>
      %dma_wait3A_27 = arith.constant 0 : i32
      %dma_wait3A_28 = tpu.memref_slice %arg18[%mul3A_17, %dma_wait3A_27] : memref<10112x128xf32, #tpu.memory_space<vmem_shared>> -> memref<632x128xf32, #tpu.memory_space<vmem_shared>>
      tpu.wait_dma2 semaphore(%run_scoped3A : memref<!tpu.dma_semaphore, #tpu.memory_space<semaphore_mem>>) src(%dma_wait3A_28 : memref<632x128xf32, #tpu.memory_space<vmem_shared>>) dst(%dma_wait3A_26 : memref<632x128xf32, #tpu.memory_space<hbm>>)
      tpu.yield
    }) : () -> ()
    return
  }
}

#map = affine_map<(d0, d1) -> (0, 0)>
#map1 = affine_map<(d0, d1) -> (0)>
module attributes {stable_mosaic.version = 14 : i64} {
  func.func @aggr_kernel(%arg0: i32, %arg1: i32, %arg2: memref<20000x128xf32, #tpu.memory_space<hbm>>, %arg3: memref<640000x128xf32, #tpu.memory_space<hbm>>, %arg4: memref<320000xi32, #tpu.memory_space<hbm>>, %arg5: memref<320000xi32, #tpu.memory_space<hbm>>, %arg6: memref<632x128xf32, #tpu.memory_space<hbm>>, %arg7: memref<20224x128xf32, #tpu.memory_space<hbm>>, %arg8: memref<2000xi32, #tpu.memory_space<vmem>>, %arg9: memref<2000xi32, #tpu.memory_space<vmem>>, %arg10: memref<2048xi32, #tpu.memory_space<vmem>>, %arg11: memref<2048xi32, #tpu.memory_space<vmem>>, %arg12: memref<2048xi32, #tpu.memory_space<vmem>>, %arg13: memref<128xi32, #tpu.memory_space<vmem>>, %arg14: memref<128xi32, #tpu.memory_space<vmem>>, %arg15: memref<128xi32, #tpu.memory_space<vmem>>, %arg16: memref<128x128xf32, #tpu.memory_space<vmem>>, %arg17: memref<128x128xf32, #tpu.memory_space<vmem>>, %arg18: memref<10112x128xf32, #tpu.memory_space<vmem_shared>>, %arg19: memref<!tpu.dma_semaphore, #tpu.memory_space<semaphore_mem>>) attributes {dimension_semantics = [#tpu.dimension_semantics<core_parallel>, #tpu.dimension_semantics<subcore_parallel>], iteration_bounds = array<i64: 2, 16>, scalar_prefetch = 0 : i64, scratch_operands = 12 : i64, tpu.core_type = #tpu.core_type<sc_vector_subcore>, window_params = [{transform_indices = #map}, {transform_indices = #map}, {transform_indices = #map1}, {transform_indices = #map1}, {transform_indices = #map}, {transform_indices = #map}]} {
    %mul3A = arith.constant 632 : i32
    %mul3A_0 = arith.muli %arg1, %mul3A : i32
    "tpu.region"() ({
      %run_scoped3A = tpu.sem_alloc : memref<!tpu.dma_semaphore, #tpu.memory_space<semaphore_mem>>
      %dma_start3A = arith.constant 0 : i32
      %dma_start3A_23 = tpu.memref_slice %arg18[%mul3A_0, %dma_start3A] : memref<10112x128xf32, #tpu.memory_space<vmem_shared>> -> memref<632x128xf32, #tpu.memory_space<vmem_shared>>
      tpu.enqueue_dma source(%arg6 : memref<632x128xf32, #tpu.memory_space<hbm>>) target(%dma_start3A_23 : memref<632x128xf32, #tpu.memory_space<vmem_shared>>) target_semaphore(%run_scoped3A : memref<!tpu.dma_semaphore, #tpu.memory_space<semaphore_mem>>)
      %dma_wait3A = arith.constant 0 : i32
      %dma_wait3A_24 = tpu.memref_slice %arg18[%mul3A_0, %dma_wait3A] : memref<10112x128xf32, #tpu.memory_space<vmem_shared>> -> memref<632x128xf32, #tpu.memory_space<vmem_shared>>
      tpu.wait_dma2 semaphore(%run_scoped3A : memref<!tpu.dma_semaphore, #tpu.memory_space<semaphore_mem>>) src(%arg6 : memref<632x128xf32, #tpu.memory_space<hbm>>) dst(%dma_wait3A_24 : memref<632x128xf32, #tpu.memory_space<vmem_shared>>)
      tpu.yield
    }) : () -> ()
    %mul3A_1 = arith.constant 625 : i32
    %mul3A_2 = arith.muli %arg1, %mul3A_1 : i32
    %mul3A_3 = arith.constant 10000 : i32
    %mul3A_4 = arith.muli %arg0, %mul3A_3 : i32
    %mul3A_5 = arith.constant 320000 : i32
    %mul3A_6 = arith.muli %arg0, %mul3A_5 : i32
    %mul3A_7 = arith.constant 632 : i32
    %mul3A_8 = arith.muli %arg1, %mul3A_7 : i32
    %add3A = arith.constant 625 : i32
    %add3A_9 = arith.addi %mul3A_8, %add3A : i32
    %iota3A = tpu.iota {dimensions = array<i32: 0>} : vector<16xi32>
    %scan3A = arith.constant 0 : i32
    %scan3A_10 = arith.constant 0 : i32
    %scan3A_11 = arith.constant 160 : i32
    %scan3A_12 = arith.addi %scan3A_10, %scan3A_11 : i32
    %scan3A_13 = arith.constant 1 : i32
    %scan3A_14 = scf.for %scan3A_23 = %scan3A_10 to %scan3A_12 step %scan3A_13 iter_args(%scan3A_24 = %scan3A) -> (i32)  : i32 {
      %mul3A_25 = arith.constant 2000 : i32
      %mul3A_26 = arith.muli %scan3A_23, %mul3A_25 : i32
      "tpu.region"() ({
        %run_scoped3A = tpu.sem_alloc : memref<!tpu.dma_semaphore, #tpu.memory_space<semaphore_mem>>
        %dma_start3A = tpu.memref_slice %arg4[%mul3A_26] : memref<320000xi32, #tpu.memory_space<hbm>> -> memref<2000xi32, #tpu.memory_space<hbm>>
        %dma_start3A_49 = tpu.memref_slice %arg4[%mul3A_26] : memref<320000xi32, #tpu.memory_space<hbm>> -> memref<2000xi32, #tpu.memory_space<hbm>>
        tpu.enqueue_dma source(%dma_start3A_49 : memref<2000xi32, #tpu.memory_space<hbm>>) target(%arg8 : memref<2000xi32, #tpu.memory_space<vmem>>) target_semaphore(%run_scoped3A : memref<!tpu.dma_semaphore, #tpu.memory_space<semaphore_mem>>)
        %dma_wait3A = tpu.memref_slice %arg4[%mul3A_26] : memref<320000xi32, #tpu.memory_space<hbm>> -> memref<2000xi32, #tpu.memory_space<hbm>>
        %dma_wait3A_50 = tpu.memref_slice %arg4[%mul3A_26] : memref<320000xi32, #tpu.memory_space<hbm>> -> memref<2000xi32, #tpu.memory_space<hbm>>
        tpu.wait_dma2 semaphore(%run_scoped3A : memref<!tpu.dma_semaphore, #tpu.memory_space<semaphore_mem>>) src(%dma_wait3A_50 : memref<2000xi32, #tpu.memory_space<hbm>>) dst(%arg8 : memref<2000xi32, #tpu.memory_space<vmem>>)
        tpu.yield
      }) : () -> ()
      "tpu.region"() ({
        %run_scoped3A = tpu.sem_alloc : memref<!tpu.dma_semaphore, #tpu.memory_space<semaphore_mem>>
        %dma_start3A = tpu.memref_slice %arg5[%mul3A_26] : memref<320000xi32, #tpu.memory_space<hbm>> -> memref<2000xi32, #tpu.memory_space<hbm>>
        %dma_start3A_49 = tpu.memref_slice %arg5[%mul3A_26] : memref<320000xi32, #tpu.memory_space<hbm>> -> memref<2000xi32, #tpu.memory_space<hbm>>
        tpu.enqueue_dma source(%dma_start3A_49 : memref<2000xi32, #tpu.memory_space<hbm>>) target(%arg9 : memref<2000xi32, #tpu.memory_space<vmem>>) target_semaphore(%run_scoped3A : memref<!tpu.dma_semaphore, #tpu.memory_space<semaphore_mem>>)
        %dma_wait3A = tpu.memref_slice %arg5[%mul3A_26] : memref<320000xi32, #tpu.memory_space<hbm>> -> memref<2000xi32, #tpu.memory_space<hbm>>
        %dma_wait3A_50 = tpu.memref_slice %arg5[%mul3A_26] : memref<320000xi32, #tpu.memory_space<hbm>> -> memref<2000xi32, #tpu.memory_space<hbm>>
        tpu.wait_dma2 semaphore(%run_scoped3A : memref<!tpu.dma_semaphore, #tpu.memory_space<semaphore_mem>>) src(%dma_wait3A_50 : memref<2000xi32, #tpu.memory_space<hbm>>) dst(%arg9 : memref<2000xi32, #tpu.memory_space<vmem>>)
        tpu.yield
      }) : () -> ()
      %scan3A_27 = arith.constant 0 : i32
      %scan3A_28 = arith.constant 0 : i32
      %scan3A_29 = arith.constant 125 : i32
      %scan3A_30 = arith.addi %scan3A_28, %scan3A_29 : i32
      %scan3A_31 = arith.constant 1 : i32
      %scan3A_32 = scf.for %scan3A_49 = %scan3A_28 to %scan3A_30 step %scan3A_31 iter_args(%scan3A_50 = %scan3A_27) -> (i32)  : i32 {
        %mul3A_51 = arith.constant 16 : i32
        %mul3A_52 = arith.muli %scan3A_49, %mul3A_51 : i32
        %get3A = arith.index_cast %mul3A_52 : i32 to index
        %get3A_53 = tpu.vector_load %arg9[%get3A] {strides = array<i32>} : memref<2000xi32, #tpu.memory_space<vmem>>, vector<16xi32>,
        %get3A_54 = vector.shape_cast %get3A_53 : vector<16xi32> to vector<16xi32>
        %get3A_55 = arith.index_cast %mul3A_52 : i32 to index
        %get3A_56 = tpu.vector_load %arg8[%get3A_55] {strides = array<i32>} : memref<2000xi32, #tpu.memory_space<vmem>>, vector<16xi32>,
        %get3A_57 = vector.shape_cast %get3A_56 : vector<16xi32> to vector<16xi32>
        %ge3A = vector.broadcast %mul3A_2 : i32 to vector<16xi32>
        %ge3A_58 = arith.cmpi sge, %get3A_54, %ge3A : vector<16xi32>
        %add3A_59 = arith.constant 625 : i32
        %add3A_60 = arith.addi %mul3A_2, %add3A_59 : i32
        %lt3A = vector.broadcast %add3A_60 : i32 to vector<16xi32>
        %lt3A_61 = arith.cmpi slt, %get3A_54, %lt3A : vector<16xi32>
        %and3A = arith.andi %ge3A_58, %lt3A_61 : vector<16xi1>
        %add3A_62 = vector.broadcast %mul3A_4 : i32 to vector<16xi32>
        %add3A_63 = arith.addi %get3A_57, %add3A_62 : vector<16xi32>
        %swap3A = arith.index_cast %mul3A_52 : i32 to index
        %swap3A_64 = tpu.vector_load %arg10[%swap3A] {strides = array<i32>} : memref<2048xi32, #tpu.memory_space<vmem>>, vector<16xi32>,
        %swap3A_65 = vector.shape_cast %swap3A_64 : vector<16xi32> to vector<16xi32>
        %swap3A_66 = vector.shape_cast %add3A_63 : vector<16xi32> to vector<16xi32>
        tpu.vector_store %arg10[%swap3A], %swap3A_66 {strides = array<i32>} : memref<2048xi32, #tpu.memory_space<vmem>>, vector<16xi32>,
        %mul3A_67 = arith.constant 16 : i32
        %mul3A_68 = arith.muli %scan3A_49, %mul3A_67 : i32
        %add3A_69 = arith.addi %mul3A_26, %mul3A_68 : i32
        %add3A_70 = arith.addi %add3A_69, %mul3A_6 : i32
        %add3A_71 = vector.broadcast %add3A_70 : i32 to vector<16xi32>
        %add3A_72 = arith.addi %iota3A, %add3A_71 : vector<16xi32>
        %swap3A_73 = arith.index_cast %mul3A_52 : i32 to index
        %swap3A_74 = tpu.vector_load %arg11[%swap3A_73] {strides = array<i32>} : memref<2048xi32, #tpu.memory_space<vmem>>, vector<16xi32>,
        %swap3A_75 = vector.shape_cast %swap3A_74 : vector<16xi32> to vector<16xi32>
        %swap3A_76 = vector.shape_cast %add3A_72 : vector<16xi32> to vector<16xi32>
        tpu.vector_store %arg11[%swap3A_73], %swap3A_76 {strides = array<i32>} : memref<2048xi32, #tpu.memory_space<vmem>>, vector<16xi32>,
        %sub3A = vector.broadcast %mul3A_2 : i32 to vector<16xi32>
        %sub3A_77 = arith.subi %get3A_54, %sub3A : vector<16xi32>
        %add3A_78 = vector.broadcast %mul3A_8 : i32 to vector<16xi32>
        %add3A_79 = arith.addi %sub3A_77, %add3A_78 : vector<16xi32>
        %broadcast_in_dim3A = vector.broadcast %add3A_9 : i32 to vector<16xi32>
        %select_n3A = arith.select %and3A, %add3A_79, %broadcast_in_dim3A : vector<16xi1>, vector<16xi32>
        %swap3A_80 = arith.index_cast %mul3A_52 : i32 to index
        %swap3A_81 = tpu.vector_load %arg12[%swap3A_80] {strides = array<i32>} : memref<2048xi32, #tpu.memory_space<vmem>>, vector<16xi32>,
        %swap3A_82 = vector.shape_cast %swap3A_81 : vector<16xi32> to vector<16xi32>
        %swap3A_83 = vector.shape_cast %select_n3A : vector<16xi32> to vector<16xi32>
        tpu.vector_store %arg12[%swap3A_80], %swap3A_83 {strides = array<i32>} : memref<2048xi32, #tpu.memory_space<vmem>>, vector<16xi32>,
        %add3A_84 = arith.constant 16 : i32
        %add3A_85 = arith.addi %scan3A_50, %add3A_84 : i32
        scf.yield %add3A_85 : i32
      }
      %scan3A_33 = arith.constant 125 : i32
      %scan3A_34 = arith.constant 0 : i32
      %scan3A_35 = arith.constant 0 : i32
      %scan3A_36 = arith.constant 128 : i32
      %scan3A_37 = arith.addi %scan3A_35, %scan3A_36 : i32
      %scan3A_38 = arith.constant 1 : i32
      %scan3A_39 = scf.for %scan3A_49 = %scan3A_35 to %scan3A_37 step %scan3A_38 iter_args(%scan3A_50 = %scan3A_34) -> (i32)  : i32 {
        %mul3A_51 = arith.constant 16 : i32
        %mul3A_52 = arith.muli %scan3A_49, %mul3A_51 : i32
        %mul3A_53 = arith.constant 16 : i32
        %mul3A_54 = arith.muli %scan3A_49, %mul3A_53 : i32
        %add3A_55 = vector.broadcast %mul3A_54 : i32 to vector<16xi32>
        %add3A_56 = arith.addi %iota3A, %add3A_55 : vector<16xi32>
        %lt3A = vector.broadcast %scan3A_32 : i32 to vector<16xi32>
        %lt3A_57 = arith.cmpi slt, %add3A_56, %lt3A : vector<16xi32>
        %get3A = arith.index_cast %mul3A_52 : i32 to index
        %get3A_58 = tpu.vector_load %arg10[%get3A] {strides = array<i32>} : memref<2048xi32, #tpu.memory_space<vmem>>, vector<16xi32>,
        %get3A_59 = vector.shape_cast %get3A_58 : vector<16xi32> to vector<16xi32>
        %jit3A = arith.constant 0 : i32
        %broadcast_in_dim3A = vector.broadcast %jit3A : i32 to vector<16xi32>
        %select_n3A = arith.select %lt3A_57, %get3A_59, %broadcast_in_dim3A : vector<16xi1>, vector<16xi32>
        %swap3A = arith.index_cast %mul3A_52 : i32 to index
        %swap3A_60 = tpu.vector_load %arg10[%swap3A] {strides = array<i32>} : memref<2048xi32, #tpu.memory_space<vmem>>, vector<16xi32>,
        %swap3A_61 = vector.shape_cast %swap3A_60 : vector<16xi32> to vector<16xi32>
        %swap3A_62 = vector.shape_cast %select_n3A : vector<16xi32> to vector<16xi32>
        tpu.vector_store %arg10[%swap3A], %swap3A_62 {strides = array<i32>} : memref<2048xi32, #tpu.memory_space<vmem>>, vector<16xi32>,
        %get3A_63 = arith.index_cast %mul3A_52 : i32 to index
        %get3A_64 = tpu.vector_load %arg11[%get3A_63] {strides = array<i32>} : memref<2048xi32, #tpu.memory_space<vmem>>, vector<16xi32>,
        %get3A_65 = vector.shape_cast %get3A_64 : vector<16xi32> to vector<16xi32>
        %jit3A_66 = arith.constant 0 : i32
        %broadcast_in_dim3A_67 = vector.broadcast %jit3A_66 : i32 to vector<16xi32>
        %select_n3A_68 = arith.select %lt3A_57, %get3A_65, %broadcast_in_dim3A_67 : vector<16xi1>, vector<16xi32>
        %swap3A_69 = arith.index_cast %mul3A_52 : i32 to index
        %swap3A_70 = tpu.vector_load %arg11[%swap3A_69] {strides = array<i32>} : memref<2048xi32, #tpu.memory_space<vmem>>, vector<16xi32>,
        %swap3A_71 = vector.shape_cast %swap3A_70 : vector<16xi32> to vector<16xi32>
        %swap3A_72 = vector.shape_cast %select_n3A_68 : vector<16xi32> to vector<16xi32>
        tpu.vector_store %arg11[%swap3A_69], %swap3A_72 {strides = array<i32>} : memref<2048xi32, #tpu.memory_space<vmem>>, vector<16xi32>,
        %get3A_73 = arith.index_cast %mul3A_52 : i32 to index
        %get3A_74 = tpu.vector_load %arg12[%get3A_73] {strides = array<i32>} : memref<2048xi32, #tpu.memory_space<vmem>>, vector<16xi32>,
        %get3A_75 = vector.shape_cast %get3A_74 : vector<16xi32> to vector<16xi32>
        %broadcast_in_dim3A_76 = vector.broadcast %add3A_9 : i32 to vector<16xi32>
        %select_n3A_77 = arith.select %lt3A_57, %get3A_75, %broadcast_in_dim3A_76 : vector<16xi1>, vector<16xi32>
        %swap3A_78 = arith.index_cast %mul3A_52 : i32 to index
        %swap3A_79 = tpu.vector_load %arg12[%swap3A_78] {strides = array<i32>} : memref<2048xi32, #tpu.memory_space<vmem>>, vector<16xi32>,
        %swap3A_80 = vector.shape_cast %swap3A_79 : vector<16xi32> to vector<16xi32>
        %swap3A_81 = vector.shape_cast %select_n3A_77 : vector<16xi32> to vector<16xi32>
        tpu.vector_store %arg12[%swap3A_78], %swap3A_81 {strides = array<i32>} : memref<2048xi32, #tpu.memory_space<vmem>>, vector<16xi32>,
        %scan3A_82 = arith.constant 0 : i32
        scf.yield %scan3A_82 : i32
      }
      %scan3A_40 = arith.constant 128 : i32
      %scan3A_41 = arith.constant 0 : i32
      %scan3A_42 = arith.constant 0 : i32
      %scan3A_43 = arith.constant 16 : i32
      %scan3A_44 = arith.addi %scan3A_42, %scan3A_43 : i32
      %scan3A_45 = arith.constant 1 : i32
      %scan3A_46 = scf.for %scan3A_49 = %scan3A_42 to %scan3A_44 step %scan3A_45 iter_args(%scan3A_50 = %scan3A_41) -> (i32)  : i32 {
        %mul3A_51 = arith.constant 128 : i32
        %mul3A_52 = arith.muli %scan3A_49, %mul3A_51 : i32
        %lt3A = arith.cmpi slt, %mul3A_52, %scan3A_32 : i32
        %convert_element_type3A = arith.extui %lt3A : i1 to i32
        %cond3A = arith.constant 0 : i32
        %cond3A_53 = arith.cmpi ne, %convert_element_type3A, %cond3A : i32
        scf.if %cond3A_53 {
          %mul3A_55 = arith.constant 128 : i32
          %mul3A_56 = arith.muli %scan3A_49, %mul3A_55 : i32
          %add3A_57 = arith.constant 0 : i32
          %add3A_58 = arith.addi %mul3A_56, %add3A_57 : i32
          %get3A = arith.index_cast %add3A_58 : i32 to index
          %get3A_59 = tpu.vector_load %arg10[%get3A] {strides = array<i32>} : memref<2048xi32, #tpu.memory_space<vmem>>, vector<16xi32>,
          %get3A_60 = vector.shape_cast %get3A_59 : vector<16xi32> to vector<16xi32>
          %swap3A = arith.constant 0 : index
          %swap3A_61 = tpu.vector_load %arg13[%swap3A] {strides = array<i32>} : memref<128xi32, #tpu.memory_space<vmem>>, vector<16xi32>,
          %swap3A_62 = vector.shape_cast %swap3A_61 : vector<16xi32> to vector<16xi32>
          %swap3A_63 = vector.shape_cast %get3A_60 : vector<16xi32> to vector<16xi32>
          tpu.vector_store %arg13[%swap3A], %swap3A_63 {strides = array<i32>} : memref<128xi32, #tpu.memory_space<vmem>>, vector<16xi32>,
          %get3A_64 = arith.index_cast %add3A_58 : i32 to index
          %get3A_65 = tpu.vector_load %arg11[%get3A_64] {strides = array<i32>} : memref<2048xi32, #tpu.memory_space<vmem>>, vector<16xi32>,
          %get3A_66 = vector.shape_cast %get3A_65 : vector<16xi32> to vector<16xi32>
          %swap3A_67 = arith.constant 0 : index
          %swap3A_68 = tpu.vector_load %arg14[%swap3A_67] {strides = array<i32>} : memref<128xi32, #tpu.memory_space<vmem>>, vector<16xi32>,
          %swap3A_69 = vector.shape_cast %swap3A_68 : vector<16xi32> to vector<16xi32>
          %swap3A_70 = vector.shape_cast %get3A_66 : vector<16xi32> to vector<16xi32>
          tpu.vector_store %arg14[%swap3A_67], %swap3A_70 {strides = array<i32>} : memref<128xi32, #tpu.memory_space<vmem>>, vector<16xi32>,
          %get3A_71 = arith.index_cast %add3A_58 : i32 to index
          %get3A_72 = tpu.vector_load %arg12[%get3A_71] {strides = array<i32>} : memref<2048xi32, #tpu.memory_space<vmem>>, vector<16xi32>,
          %get3A_73 = vector.shape_cast %get3A_72 : vector<16xi32> to vector<16xi32>
          %swap3A_74 = arith.constant 0 : index
          %swap3A_75 = tpu.vector_load %arg15[%swap3A_74] {strides = array<i32>} : memref<128xi32, #tpu.memory_space<vmem>>, vector<16xi32>,
          %swap3A_76 = vector.shape_cast %swap3A_75 : vector<16xi32> to vector<16xi32>
          %swap3A_77 = vector.shape_cast %get3A_73 : vector<16xi32> to vector<16xi32>
          tpu.vector_store %arg15[%swap3A_74], %swap3A_77 {strides = array<i32>} : memref<128xi32, #tpu.memory_space<vmem>>, vector<16xi32>,
          %add3A_78 = arith.constant 16 : i32
          %add3A_79 = arith.addi %mul3A_56, %add3A_78 : i32
          %get3A_80 = arith.index_cast %add3A_79 : i32 to index
          %get3A_81 = tpu.vector_load %arg10[%get3A_80] {strides = array<i32>} : memref<2048xi32, #tpu.memory_space<vmem>>, vector<16xi32>,
          %get3A_82 = vector.shape_cast %get3A_81 : vector<16xi32> to vector<16xi32>
          %swap3A_83 = arith.constant 16 : index
          %swap3A_84 = tpu.vector_load %arg13[%swap3A_83] {strides = array<i32>} : memref<128xi32, #tpu.memory_space<vmem>>, vector<16xi32>,
          %swap3A_85 = vector.shape_cast %swap3A_84 : vector<16xi32> to vector<16xi32>
          %swap3A_86 = vector.shape_cast %get3A_82 : vector<16xi32> to vector<16xi32>
          tpu.vector_store %arg13[%swap3A_83], %swap3A_86 {strides = array<i32>} : memref<128xi32, #tpu.memory_space<vmem>>, vector<16xi32>,
          %get3A_87 = arith.index_cast %add3A_79 : i32 to index
          %get3A_88 = tpu.vector_load %arg11[%get3A_87] {strides = array<i32>} : memref<2048xi32, #tpu.memory_space<vmem>>, vector<16xi32>,
          %get3A_89 = vector.shape_cast %get3A_88 : vector<16xi32> to vector<16xi32>
          %swap3A_90 = arith.constant 16 : index
          %swap3A_91 = tpu.vector_load %arg14[%swap3A_90] {strides = array<i32>} : memref<128xi32, #tpu.memory_space<vmem>>, vector<16xi32>,
          %swap3A_92 = vector.shape_cast %swap3A_91 : vector<16xi32> to vector<16xi32>
          %swap3A_93 = vector.shape_cast %get3A_89 : vector<16xi32> to vector<16xi32>
          tpu.vector_store %arg14[%swap3A_90], %swap3A_93 {strides = array<i32>} : memref<128xi32, #tpu.memory_space<vmem>>, vector<16xi32>,
          %get3A_94 = arith.index_cast %add3A_79 : i32 to index
          %get3A_95 = tpu.vector_load %arg12[%get3A_94] {strides = array<i32>} : memref<2048xi32, #tpu.memory_space<vmem>>, vector<16xi32>,
          %get3A_96 = vector.shape_cast %get3A_95 : vector<16xi32> to vector<16xi32>
          %swap3A_97 = arith.constant 16 : index
          %swap3A_98 = tpu.vector_load %arg15[%swap3A_97] {strides = array<i32>} : memref<128xi32, #tpu.memory_space<vmem>>, vector<16xi32>,
          %swap3A_99 = vector.shape_cast %swap3A_98 : vector<16xi32> to vector<16xi32>
          %swap3A_100 = vector.shape_cast %get3A_96 : vector<16xi32> to vector<16xi32>
          tpu.vector_store %arg15[%swap3A_97], %swap3A_100 {strides = array<i32>} : memref<128xi32, #tpu.memory_space<vmem>>, vector<16xi32>,
          %add3A_101 = arith.constant 32 : i32
          %add3A_102 = arith.addi %mul3A_56, %add3A_101 : i32
          %get3A_103 = arith.index_cast %add3A_102 : i32 to index
          %get3A_104 = tpu.vector_load %arg10[%get3A_103] {strides = array<i32>} : memref<2048xi32, #tpu.memory_space<vmem>>, vector<16xi32>,
          %get3A_105 = vector.shape_cast %get3A_104 : vector<16xi32> to vector<16xi32>
          %swap3A_106 = arith.constant 32 : index
          %swap3A_107 = tpu.vector_load %arg13[%swap3A_106] {strides = array<i32>} : memref<128xi32, #tpu.memory_space<vmem>>, vector<16xi32>,
          %swap3A_108 = vector.shape_cast %swap3A_107 : vector<16xi32> to vector<16xi32>
          %swap3A_109 = vector.shape_cast %get3A_105 : vector<16xi32> to vector<16xi32>
          tpu.vector_store %arg13[%swap3A_106], %swap3A_109 {strides = array<i32>} : memref<128xi32, #tpu.memory_space<vmem>>, vector<16xi32>,
          %get3A_110 = arith.index_cast %add3A_102 : i32 to index
          %get3A_111 = tpu.vector_load %arg11[%get3A_110] {strides = array<i32>} : memref<2048xi32, #tpu.memory_space<vmem>>, vector<16xi32>,
          %get3A_112 = vector.shape_cast %get3A_111 : vector<16xi32> to vector<16xi32>
          %swap3A_113 = arith.constant 32 : index
          %swap3A_114 = tpu.vector_load %arg14[%swap3A_113] {strides = array<i32>} : memref<128xi32, #tpu.memory_space<vmem>>, vector<16xi32>,
          %swap3A_115 = vector.shape_cast %swap3A_114 : vector<16xi32> to vector<16xi32>
          %swap3A_116 = vector.shape_cast %get3A_112 : vector<16xi32> to vector<16xi32>
          tpu.vector_store %arg14[%swap3A_113], %swap3A_116 {strides = array<i32>} : memref<128xi32, #tpu.memory_space<vmem>>, vector<16xi32>,
          %get3A_117 = arith.index_cast %add3A_102 : i32 to index
          %get3A_118 = tpu.vector_load %arg12[%get3A_117] {strides = array<i32>} : memref<2048xi32, #tpu.memory_space<vmem>>, vector<16xi32>,
          %get3A_119 = vector.shape_cast %get3A_118 : vector<16xi32> to vector<16xi32>
          %swap3A_120 = arith.constant 32 : index
          %swap3A_121 = tpu.vector_load %arg15[%swap3A_120] {strides = array<i32>} : memref<128xi32, #tpu.memory_space<vmem>>, vector<16xi32>,
          %swap3A_122 = vector.shape_cast %swap3A_121 : vector<16xi32> to vector<16xi32>
          %swap3A_123 = vector.shape_cast %get3A_119 : vector<16xi32> to vector<16xi32>
          tpu.vector_store %arg15[%swap3A_120], %swap3A_123 {strides = array<i32>} : memref<128xi32, #tpu.memory_space<vmem>>, vector<16xi32>,
          %add3A_124 = arith.constant 48 : i32
          %add3A_125 = arith.addi %mul3A_56, %add3A_124 : i32
          %get3A_126 = arith.index_cast %add3A_125 : i32 to index
          %get3A_127 = tpu.vector_load %arg10[%get3A_126] {strides = array<i32>} : memref<2048xi32, #tpu.memory_space<vmem>>, vector<16xi32>,
          %get3A_128 = vector.shape_cast %get3A_127 : vector<16xi32> to vector<16xi32>
          %swap3A_129 = arith.constant 48 : index
          %swap3A_130 = tpu.vector_load %arg13[%swap3A_129] {strides = array<i32>} : memref<128xi32, #tpu.memory_space<vmem>>, vector<16xi32>,
          %swap3A_131 = vector.shape_cast %swap3A_130 : vector<16xi32> to vector<16xi32>
          %swap3A_132 = vector.shape_cast %get3A_128 : vector<16xi32> to vector<16xi32>
          tpu.vector_store %arg13[%swap3A_129], %swap3A_132 {strides = array<i32>} : memref<128xi32, #tpu.memory_space<vmem>>, vector<16xi32>,
          %get3A_133 = arith.index_cast %add3A_125 : i32 to index
          %get3A_134 = tpu.vector_load %arg11[%get3A_133] {strides = array<i32>} : memref<2048xi32, #tpu.memory_space<vmem>>, vector<16xi32>,
          %get3A_135 = vector.shape_cast %get3A_134 : vector<16xi32> to vector<16xi32>
          %swap3A_136 = arith.constant 48 : index
          %swap3A_137 = tpu.vector_load %arg14[%swap3A_136] {strides = array<i32>} : memref<128xi32, #tpu.memory_space<vmem>>, vector<16xi32>,
          %swap3A_138 = vector.shape_cast %swap3A_137 : vector<16xi32> to vector<16xi32>
          %swap3A_139 = vector.shape_cast %get3A_135 : vector<16xi32> to vector<16xi32>
          tpu.vector_store %arg14[%swap3A_136], %swap3A_139 {strides = array<i32>} : memref<128xi32, #tpu.memory_space<vmem>>, vector<16xi32>,
          %get3A_140 = arith.index_cast %add3A_125 : i32 to index
          %get3A_141 = tpu.vector_load %arg12[%get3A_140] {strides = array<i32>} : memref<2048xi32, #tpu.memory_space<vmem>>, vector<16xi32>,
          %get3A_142 = vector.shape_cast %get3A_141 : vector<16xi32> to vector<16xi32>
          %swap3A_143 = arith.constant 48 : index
          %swap3A_144 = tpu.vector_load %arg15[%swap3A_143] {strides = array<i32>} : memref<128xi32, #tpu.memory_space<vmem>>, vector<16xi32>,
          %swap3A_145 = vector.shape_cast %swap3A_144 : vector<16xi32> to vector<16xi32>
          %swap3A_146 = vector.shape_cast %get3A_142 : vector<16xi32> to vector<16xi32>
          tpu.vector_store %arg15[%swap3A_143], %swap3A_146 {strides = array<i32>} : memref<128xi32, #tpu.memory_space<vmem>>, vector<16xi32>,
          %add3A_147 = arith.constant 64 : i32
          %add3A_148 = arith.addi %mul3A_56, %add3A_147 : i32
          %get3A_149 = arith.index_cast %add3A_148 : i32 to index
          %get3A_150 = tpu.vector_load %arg10[%get3A_149] {strides = array<i32>} : memref<2048xi32, #tpu.memory_space<vmem>>, vector<16xi32>,
          %get3A_151 = vector.shape_cast %get3A_150 : vector<16xi32> to vector<16xi32>
          %swap3A_152 = arith.constant 64 : index
          %swap3A_153 = tpu.vector_load %arg13[%swap3A_152] {strides = array<i32>} : memref<128xi32, #tpu.memory_space<vmem>>, vector<16xi32>,
          %swap3A_154 = vector.shape_cast %swap3A_153 : vector<16xi32> to vector<16xi32>
          %swap3A_155 = vector.shape_cast %get3A_151 : vector<16xi32> to vector<16xi32>
          tpu.vector_store %arg13[%swap3A_152], %swap3A_155 {strides = array<i32>} : memref<128xi32, #tpu.memory_space<vmem>>, vector<16xi32>,
          %get3A_156 = arith.index_cast %add3A_148 : i32 to index
          %get3A_157 = tpu.vector_load %arg11[%get3A_156] {strides = array<i32>} : memref<2048xi32, #tpu.memory_space<vmem>>, vector<16xi32>,
          %get3A_158 = vector.shape_cast %get3A_157 : vector<16xi32> to vector<16xi32>
          %swap3A_159 = arith.constant 64 : index
          %swap3A_160 = tpu.vector_load %arg14[%swap3A_159] {strides = array<i32>} : memref<128xi32, #tpu.memory_space<vmem>>, vector<16xi32>,
          %swap3A_161 = vector.shape_cast %swap3A_160 : vector<16xi32> to vector<16xi32>
          %swap3A_162 = vector.shape_cast %get3A_158 : vector<16xi32> to vector<16xi32>
          tpu.vector_store %arg14[%swap3A_159], %swap3A_162 {strides = array<i32>} : memref<128xi32, #tpu.memory_space<vmem>>, vector<16xi32>,
          %get3A_163 = arith.index_cast %add3A_148 : i32 to index
          %get3A_164 = tpu.vector_load %arg12[%get3A_163] {strides = array<i32>} : memref<2048xi32, #tpu.memory_space<vmem>>, vector<16xi32>,
          %get3A_165 = vector.shape_cast %get3A_164 : vector<16xi32> to vector<16xi32>
          %swap3A_166 = arith.constant 64 : index
          %swap3A_167 = tpu.vector_load %arg15[%swap3A_166] {strides = array<i32>} : memref<128xi32, #tpu.memory_space<vmem>>, vector<16xi32>,
          %swap3A_168 = vector.shape_cast %swap3A_167 : vector<16xi32> to vector<16xi32>
          %swap3A_169 = vector.shape_cast %get3A_165 : vector<16xi32> to vector<16xi32>
          tpu.vector_store %arg15[%swap3A_166], %swap3A_169 {strides = array<i32>} : memref<128xi32, #tpu.memory_space<vmem>>, vector<16xi32>,
          %add3A_170 = arith.constant 80 : i32
          %add3A_171 = arith.addi %mul3A_56, %add3A_170 : i32
          %get3A_172 = arith.index_cast %add3A_171 : i32 to index
          %get3A_173 = tpu.vector_load %arg10[%get3A_172] {strides = array<i32>} : memref<2048xi32, #tpu.memory_space<vmem>>, vector<16xi32>,
          %get3A_174 = vector.shape_cast %get3A_173 : vector<16xi32> to vector<16xi32>
          %swap3A_175 = arith.constant 80 : index
          %swap3A_176 = tpu.vector_load %arg13[%swap3A_175] {strides = array<i32>} : memref<128xi32, #tpu.memory_space<vmem>>, vector<16xi32>,
          %swap3A_177 = vector.shape_cast %swap3A_176 : vector<16xi32> to vector<16xi32>
          %swap3A_178 = vector.shape_cast %get3A_174 : vector<16xi32> to vector<16xi32>
          tpu.vector_store %arg13[%swap3A_175], %swap3A_178 {strides = array<i32>} : memref<128xi32, #tpu.memory_space<vmem>>, vector<16xi32>,
          %get3A_179 = arith.index_cast %add3A_171 : i32 to index
          %get3A_180 = tpu.vector_load %arg11[%get3A_179] {strides = array<i32>} : memref<2048xi32, #tpu.memory_space<vmem>>, vector<16xi32>,
          %get3A_181 = vector.shape_cast %get3A_180 : vector<16xi32> to vector<16xi32>
          %swap3A_182 = arith.constant 80 : index
          %swap3A_183 = tpu.vector_load %arg14[%swap3A_182] {strides = array<i32>} : memref<128xi32, #tpu.memory_space<vmem>>, vector<16xi32>,
          %swap3A_184 = vector.shape_cast %swap3A_183 : vector<16xi32> to vector<16xi32>
          %swap3A_185 = vector.shape_cast %get3A_181 : vector<16xi32> to vector<16xi32>
          tpu.vector_store %arg14[%swap3A_182], %swap3A_185 {strides = array<i32>} : memref<128xi32, #tpu.memory_space<vmem>>, vector<16xi32>,
          %get3A_186 = arith.index_cast %add3A_171 : i32 to index
          %get3A_187 = tpu.vector_load %arg12[%get3A_186] {strides = array<i32>} : memref<2048xi32, #tpu.memory_space<vmem>>, vector<16xi32>,
          %get3A_188 = vector.shape_cast %get3A_187 : vector<16xi32> to vector<16xi32>
          %swap3A_189 = arith.constant 80 : index
          %swap3A_190 = tpu.vector_load %arg15[%swap3A_189] {strides = array<i32>} : memref<128xi32, #tpu.memory_space<vmem>>, vector<16xi32>,
          %swap3A_191 = vector.shape_cast %swap3A_190 : vector<16xi32> to vector<16xi32>
          %swap3A_192 = vector.shape_cast %get3A_188 : vector<16xi32> to vector<16xi32>
          tpu.vector_store %arg15[%swap3A_189], %swap3A_192 {strides = array<i32>} : memref<128xi32, #tpu.memory_space<vmem>>, vector<16xi32>,
          %add3A_193 = arith.constant 96 : i32
          %add3A_194 = arith.addi %mul3A_56, %add3A_193 : i32
          %get3A_195 = arith.index_cast %add3A_194 : i32 to index
          %get3A_196 = tpu.vector_load %arg10[%get3A_195] {strides = array<i32>} : memref<2048xi32, #tpu.memory_space<vmem>>, vector<16xi32>,
          %get3A_197 = vector.shape_cast %get3A_196 : vector<16xi32> to vector<16xi32>
          %swap3A_198 = arith.constant 96 : index
          %swap3A_199 = tpu.vector_load %arg13[%swap3A_198] {strides = array<i32>} : memref<128xi32, #tpu.memory_space<vmem>>, vector<16xi32>,
          %swap3A_200 = vector.shape_cast %swap3A_199 : vector<16xi32> to vector<16xi32>
          %swap3A_201 = vector.shape_cast %get3A_197 : vector<16xi32> to vector<16xi32>
          tpu.vector_store %arg13[%swap3A_198], %swap3A_201 {strides = array<i32>} : memref<128xi32, #tpu.memory_space<vmem>>, vector<16xi32>,
          %get3A_202 = arith.index_cast %add3A_194 : i32 to index
          %get3A_203 = tpu.vector_load %arg11[%get3A_202] {strides = array<i32>} : memref<2048xi32, #tpu.memory_space<vmem>>, vector<16xi32>,
          %get3A_204 = vector.shape_cast %get3A_203 : vector<16xi32> to vector<16xi32>
          %swap3A_205 = arith.constant 96 : index
          %swap3A_206 = tpu.vector_load %arg14[%swap3A_205] {strides = array<i32>} : memref<128xi32, #tpu.memory_space<vmem>>, vector<16xi32>,
          %swap3A_207 = vector.shape_cast %swap3A_206 : vector<16xi32> to vector<16xi32>
          %swap3A_208 = vector.shape_cast %get3A_204 : vector<16xi32> to vector<16xi32>
          tpu.vector_store %arg14[%swap3A_205], %swap3A_208 {strides = array<i32>} : memref<128xi32, #tpu.memory_space<vmem>>, vector<16xi32>,
          %get3A_209 = arith.index_cast %add3A_194 : i32 to index
          %get3A_210 = tpu.vector_load %arg12[%get3A_209] {strides = array<i32>} : memref<2048xi32, #tpu.memory_space<vmem>>, vector<16xi32>,
          %get3A_211 = vector.shape_cast %get3A_210 : vector<16xi32> to vector<16xi32>
          %swap3A_212 = arith.constant 96 : index
          %swap3A_213 = tpu.vector_load %arg15[%swap3A_212] {strides = array<i32>} : memref<128xi32, #tpu.memory_space<vmem>>, vector<16xi32>,
          %swap3A_214 = vector.shape_cast %swap3A_213 : vector<16xi32> to vector<16xi32>
          %swap3A_215 = vector.shape_cast %get3A_211 : vector<16xi32> to vector<16xi32>
          tpu.vector_store %arg15[%swap3A_212], %swap3A_215 {strides = array<i32>} : memref<128xi32, #tpu.memory_space<vmem>>, vector<16xi32>,
          %add3A_216 = arith.constant 112 : i32
          %add3A_217 = arith.addi %mul3A_56, %add3A_216 : i32
          %get3A_218 = arith.index_cast %add3A_217 : i32 to index
          %get3A_219 = tpu.vector_load %arg10[%get3A_218] {strides = array<i32>} : memref<2048xi32, #tpu.memory_space<vmem>>, vector<16xi32>,
          %get3A_220 = vector.shape_cast %get3A_219 : vector<16xi32> to vector<16xi32>
          %swap3A_221 = arith.constant 112 : index
          %swap3A_222 = tpu.vector_load %arg13[%swap3A_221] {strides = array<i32>} : memref<128xi32, #tpu.memory_space<vmem>>, vector<16xi32>,
          %swap3A_223 = vector.shape_cast %swap3A_222 : vector<16xi32> to vector<16xi32>
          %swap3A_224 = vector.shape_cast %get3A_220 : vector<16xi32> to vector<16xi32>
          tpu.vector_store %arg13[%swap3A_221], %swap3A_224 {strides = array<i32>} : memref<128xi32, #tpu.memory_space<vmem>>, vector<16xi32>,
          %get3A_225 = arith.index_cast %add3A_217 : i32 to index
          %get3A_226 = tpu.vector_load %arg11[%get3A_225] {strides = array<i32>} : memref<2048xi32, #tpu.memory_space<vmem>>, vector<16xi32>,
          %get3A_227 = vector.shape_cast %get3A_226 : vector<16xi32> to vector<16xi32>
          %swap3A_228 = arith.constant 112 : index
          %swap3A_229 = tpu.vector_load %arg14[%swap3A_228] {strides = array<i32>} : memref<128xi32, #tpu.memory_space<vmem>>, vector<16xi32>,
          %swap3A_230 = vector.shape_cast %swap3A_229 : vector<16xi32> to vector<16xi32>
          %swap3A_231 = vector.shape_cast %get3A_227 : vector<16xi32> to vector<16xi32>
          tpu.vector_store %arg14[%swap3A_228], %swap3A_231 {strides = array<i32>} : memref<128xi32, #tpu.memory_space<vmem>>, vector<16xi32>,
          %get3A_232 = arith.index_cast %add3A_217 : i32 to index
          %get3A_233 = tpu.vector_load %arg12[%get3A_232] {strides = array<i32>} : memref<2048xi32, #tpu.memory_space<vmem>>, vector<16xi32>,
          %get3A_234 = vector.shape_cast %get3A_233 : vector<16xi32> to vector<16xi32>
          %swap3A_235 = arith.constant 112 : index
          %swap3A_236 = tpu.vector_load %arg15[%swap3A_235] {strides = array<i32>} : memref<128xi32, #tpu.memory_space<vmem>>, vector<16xi32>,
          %swap3A_237 = vector.shape_cast %swap3A_236 : vector<16xi32> to vector<16xi32>
          %swap3A_238 = vector.shape_cast %get3A_234 : vector<16xi32> to vector<16xi32>
          tpu.vector_store %arg15[%swap3A_235], %swap3A_238 {strides = array<i32>} : memref<128xi32, #tpu.memory_space<vmem>>, vector<16xi32>,
          %dma_start3A = arith.constant 0 : i32
          %dma_start3A_239 = arith.constant 0 : i32
          %dma_start3A_240 = tpu.memref_slice %arg2[%dma_start3A, %dma_start3A_239] : memref<20000x128xf32, #tpu.memory_space<hbm>> -> memref<20000x128xf32, #tpu.memory_space<hbm>>
          tpu.enqueue_indirect_dma source(%dma_start3A_240 : memref<20000x128xf32, #tpu.memory_space<hbm>>) target(%arg16 : memref<128x128xf32, #tpu.memory_space<vmem>>) offsets(%arg13 : memref<128xi32, #tpu.memory_space<vmem>>) semaphore(%arg19 : memref<!tpu.dma_semaphore, #tpu.memory_space<semaphore_mem>>)
          %dma_wait3A = arith.constant 0 : i32
          %dma_wait3A_241 = arith.constant 0 : i32
          %dma_wait3A_242 = tpu.memref_slice %arg2[%dma_wait3A, %dma_wait3A_241] : memref<20000x128xf32, #tpu.memory_space<hbm>> -> memref<20000x128xf32, #tpu.memory_space<hbm>>
          tpu.wait_indirect_dma semaphore(%arg19 : memref<!tpu.dma_semaphore, #tpu.memory_space<semaphore_mem>>) src(%dma_wait3A_242 : memref<20000x128xf32, #tpu.memory_space<hbm>>) dst(%arg16 : memref<128x128xf32, #tpu.memory_space<vmem>>)
          %dma_start3A_243 = arith.constant 0 : i32
          %dma_start3A_244 = arith.constant 0 : i32
          %dma_start3A_245 = tpu.memref_slice %arg3[%dma_start3A_243, %dma_start3A_244] : memref<640000x128xf32, #tpu.memory_space<hbm>> -> memref<640000x128xf32, #tpu.memory_space<hbm>>
          tpu.enqueue_indirect_dma source(%dma_start3A_245 : memref<640000x128xf32, #tpu.memory_space<hbm>>) target(%arg17 : memref<128x128xf32, #tpu.memory_space<vmem>>) offsets(%arg14 : memref<128xi32, #tpu.memory_space<vmem>>) semaphore(%arg19 : memref<!tpu.dma_semaphore, #tpu.memory_space<semaphore_mem>>)
          %dma_wait3A_246 = arith.constant 0 : i32
          %dma_wait3A_247 = arith.constant 0 : i32
          %dma_wait3A_248 = tpu.memref_slice %arg3[%dma_wait3A_246, %dma_wait3A_247] : memref<640000x128xf32, #tpu.memory_space<hbm>> -> memref<640000x128xf32, #tpu.memory_space<hbm>>
          tpu.wait_indirect_dma semaphore(%arg19 : memref<!tpu.dma_semaphore, #tpu.memory_space<semaphore_mem>>) src(%dma_wait3A_248 : memref<640000x128xf32, #tpu.memory_space<hbm>>) dst(%arg17 : memref<128x128xf32, #tpu.memory_space<vmem>>)
          %scan3A_249 = arith.constant 0 : i32
          %scan3A_250 = arith.constant 0 : i32
          %scan3A_251 = arith.constant 128 : i32
          %scan3A_252 = arith.addi %scan3A_250, %scan3A_251 : i32
          %scan3A_253 = arith.constant 1 : i32
          %scan3A_254 = scf.for %scan3A_256 = %scan3A_250 to %scan3A_252 step %scan3A_253 iter_args(%scan3A_257 = %scan3A_249) -> (i32)  : i32 {
            %get3A_258 = arith.index_cast %scan3A_256 : i32 to index
            %get3A_259 = arith.constant 0 : index
            %get3A_260 = tpu.vector_load %arg16[%get3A_258, %get3A_259] {strides = array<i32>} : memref<128x128xf32, #tpu.memory_space<vmem>>, vector<1x128xf32>,
            %get3A_261 = vector.shape_cast %get3A_260 : vector<1x128xf32> to vector<128xf32>
            %get3A_262 = arith.index_cast %scan3A_256 : i32 to index
            %get3A_263 = arith.constant 0 : index
            %get3A_264 = tpu.vector_load %arg17[%get3A_262, %get3A_263] {strides = array<i32>} : memref<128x128xf32, #tpu.memory_space<vmem>>, vector<1x128xf32>,
            %get3A_265 = vector.shape_cast %get3A_264 : vector<1x128xf32> to vector<128xf32>
            %add3A_266 = arith.addf %get3A_261, %get3A_265 : vector<128xf32>
            %max3A = arith.constant 0.000000e+00 : f32
            %max3A_267 = vector.broadcast %max3A : f32 to vector<128xf32>
            %max3A_268 = arith.maximumf %add3A_266, %max3A_267 : vector<128xf32>
            %swap3A_269 = arith.index_cast %scan3A_256 : i32 to index
            %swap3A_270 = arith.constant 0 : index
            %swap3A_271 = tpu.vector_load %arg16[%swap3A_269, %swap3A_270] {strides = array<i32>} : memref<128x128xf32, #tpu.memory_space<vmem>>, vector<1x128xf32>,
            %swap3A_272 = vector.shape_cast %swap3A_271 : vector<1x128xf32> to vector<128xf32>
            %swap3A_273 = vector.shape_cast %max3A_268 : vector<128xf32> to vector<1x128xf32>
            tpu.vector_store %arg16[%swap3A_269, %swap3A_270], %swap3A_273 {strides = array<i32>} : memref<128x128xf32, #tpu.memory_space<vmem>>, vector<1x128xf32>,
            %scan3A_274 = arith.constant 0 : i32
            scf.yield %scan3A_274 : i32
          }
          %scan3A_255 = arith.constant 128 : i32
          "tpu.region"() ({
            %run_scoped3A = tpu.sem_alloc : memref<!tpu.dma_semaphore, #tpu.memory_space<semaphore_mem>>
            %dma_start3A_256 = arith.constant 0 : i32
            %dma_start3A_257 = arith.constant 0 : i32
            %dma_start3A_258 = tpu.memref_slice %arg18[%dma_start3A_256, %dma_start3A_257] : memref<10112x128xf32, #tpu.memory_space<vmem_shared>> -> memref<10112x128xf32, #tpu.memory_space<vmem_shared>>
            tpu.enqueue_indirect_dma source(%arg16 : memref<128x128xf32, #tpu.memory_space<vmem>>) target(%dma_start3A_258 : memref<10112x128xf32, #tpu.memory_space<vmem_shared>>) offsets(%arg15 : memref<128xi32, #tpu.memory_space<vmem>>) semaphore(%run_scoped3A : memref<!tpu.dma_semaphore, #tpu.memory_space<semaphore_mem>>) {add = true}
            %dma_wait3A_259 = arith.constant 0 : i32
            %dma_wait3A_260 = arith.constant 0 : i32
            %dma_wait3A_261 = tpu.memref_slice %arg18[%dma_wait3A_259, %dma_wait3A_260] : memref<10112x128xf32, #tpu.memory_space<vmem_shared>> -> memref<10112x128xf32, #tpu.memory_space<vmem_shared>>
            tpu.wait_indirect_dma semaphore(%run_scoped3A : memref<!tpu.dma_semaphore, #tpu.memory_space<semaphore_mem>>) src(%arg16 : memref<128x128xf32, #tpu.memory_space<vmem>>) dst(%dma_wait3A_261 : memref<10112x128xf32, #tpu.memory_space<vmem_shared>>)
            tpu.yield
          }) : () -> ()
        } else {
        }
        %scan3A_54 = arith.constant 0 : i32
        scf.yield %scan3A_54 : i32
      }
      %scan3A_47 = arith.constant 16 : i32
      %scan3A_48 = arith.constant 0 : i32
      scf.yield %scan3A_48 : i32
    }
    %scan3A_15 = arith.constant 160 : i32
    %mul3A_16 = arith.constant 632 : i32
    %mul3A_17 = arith.muli %arg1, %mul3A_16 : i32
    %mul3A_18 = arith.constant 16 : i32
    %mul3A_19 = arith.muli %arg0, %mul3A_18 : i32
    %add3A_20 = arith.addi %mul3A_19, %arg1 : i32
    %mul3A_21 = arith.constant 632 : i32
    %mul3A_22 = arith.muli %add3A_20, %mul3A_21 : i32
    "tpu.region"() ({
      %run_scoped3A = tpu.sem_alloc : memref<!tpu.dma_semaphore, #tpu.memory_space<semaphore_mem>>
      %dma_start3A = arith.constant 0 : i32
      %dma_start3A_23 = tpu.memref_slice %arg7[%mul3A_22, %dma_start3A] : memref<20224x128xf32, #tpu.memory_space<hbm>> -> memref<632x128xf32, #tpu.memory_space<hbm>>
      %dma_start3A_24 = arith.constant 0 : i32
      %dma_start3A_25 = tpu.memref_slice %arg18[%mul3A_17, %dma_start3A_24] : memref<10112x128xf32, #tpu.memory_space<vmem_shared>> -> memref<632x128xf32, #tpu.memory_space<vmem_shared>>
      tpu.enqueue_dma source(%dma_start3A_25 : memref<632x128xf32, #tpu.memory_space<vmem_shared>>) target(%dma_start3A_23 : memref<632x128xf32, #tpu.memory_space<hbm>>) target_semaphore(%run_scoped3A : memref<!tpu.dma_semaphore, #tpu.memory_space<semaphore_mem>>)
      %dma_wait3A = arith.constant 0 : i32
      %dma_wait3A_26 = tpu.memref_slice %arg7[%mul3A_22, %dma_wait3A] : memref<20224x128xf32, #tpu.memory_space<hbm>> -> memref<632x128xf32, #tpu.memory_space<hbm>>
      %dma_wait3A_27 = arith.constant 0 : i32
      %dma_wait3A_28 = tpu.memref_slice %arg18[%mul3A_17, %dma_wait3A_27] : memref<10112x128xf32, #tpu.memory_space<vmem_shared>> -> memref<632x128xf32, #tpu.memory_space<vmem_shared>>
      tpu.wait_dma2 semaphore(%run_scoped3A : memref<!tpu.dma_semaphore, #tpu.memory_space<semaphore_mem>>) src(%dma_wait3A_28 : memref<632x128xf32, #tpu.memory_space<vmem_shared>>) dst(%dma_wait3A_26 : memref<632x128xf32, #tpu.memory_space<hbm>>)
      tpu.yield
    }) : () -> ()
    return
  }
}

#map = affine_map<(d0, d1) -> (0, 0)>
#map1 = affine_map<(d0, d1) -> (0)>
module attributes {stable_mosaic.version = 14 : i64} {
  func.func @aggr_kernel(%arg0: i32, %arg1: i32, %arg2: memref<20000x128xf32, #tpu.memory_space<hbm>>, %arg3: memref<640000x128xf32, #tpu.memory_space<hbm>>, %arg4: memref<320000xi32, #tpu.memory_space<hbm>>, %arg5: memref<320000xi32, #tpu.memory_space<hbm>>, %arg6: memref<632x128xf32, #tpu.memory_space<hbm>>, %arg7: memref<20224x128xf32, #tpu.memory_space<hbm>>, %arg8: memref<2000xi32, #tpu.memory_space<vmem>>, %arg9: memref<2000xi32, #tpu.memory_space<vmem>>, %arg10: memref<2048xi32, #tpu.memory_space<vmem>>, %arg11: memref<2048xi32, #tpu.memory_space<vmem>>, %arg12: memref<2048xi32, #tpu.memory_space<vmem>>, %arg13: memref<128xi32, #tpu.memory_space<vmem>>, %arg14: memref<128xi32, #tpu.memory_space<vmem>>, %arg15: memref<128xi32, #tpu.memory_space<vmem>>, %arg16: memref<128x128xf32, #tpu.memory_space<vmem>>, %arg17: memref<128x128xf32, #tpu.memory_space<vmem>>, %arg18: memref<10112x128xf32, #tpu.memory_space<vmem_shared>>, %arg19: memref<!tpu.dma_semaphore, #tpu.memory_space<semaphore_mem>>) attributes {dimension_semantics = [#tpu.dimension_semantics<core_parallel>, #tpu.dimension_semantics<subcore_parallel>], iteration_bounds = array<i64: 2, 16>, scalar_prefetch = 0 : i64, scratch_operands = 12 : i64, tpu.core_type = #tpu.core_type<sc_vector_subcore>, window_params = [{transform_indices = #map}, {transform_indices = #map}, {transform_indices = #map1}, {transform_indices = #map1}, {transform_indices = #map}, {transform_indices = #map}]} {
    %mul3A = arith.constant 632 : i32
    %mul3A_0 = arith.muli %arg1, %mul3A : i32
    "tpu.region"() ({
      %run_scoped3A = tpu.sem_alloc : memref<!tpu.dma_semaphore, #tpu.memory_space<semaphore_mem>>
      %dma_start3A = arith.constant 0 : i32
      %dma_start3A_23 = tpu.memref_slice %arg18[%mul3A_0, %dma_start3A] : memref<10112x128xf32, #tpu.memory_space<vmem_shared>> -> memref<632x128xf32, #tpu.memory_space<vmem_shared>>
      tpu.enqueue_dma source(%arg6 : memref<632x128xf32, #tpu.memory_space<hbm>>) target(%dma_start3A_23 : memref<632x128xf32, #tpu.memory_space<vmem_shared>>) target_semaphore(%run_scoped3A : memref<!tpu.dma_semaphore, #tpu.memory_space<semaphore_mem>>)
      %dma_wait3A = arith.constant 0 : i32
      %dma_wait3A_24 = tpu.memref_slice %arg18[%mul3A_0, %dma_wait3A] : memref<10112x128xf32, #tpu.memory_space<vmem_shared>> -> memref<632x128xf32, #tpu.memory_space<vmem_shared>>
      tpu.wait_dma2 semaphore(%run_scoped3A : memref<!tpu.dma_semaphore, #tpu.memory_space<semaphore_mem>>) src(%arg6 : memref<632x128xf32, #tpu.memory_space<hbm>>) dst(%dma_wait3A_24 : memref<632x128xf32, #tpu.memory_space<vmem_shared>>)
      tpu.yield
    }) : () -> ()
    %mul3A_1 = arith.constant 625 : i32
    %mul3A_2 = arith.muli %arg1, %mul3A_1 : i32
    %mul3A_3 = arith.constant 10000 : i32
    %mul3A_4 = arith.muli %arg0, %mul3A_3 : i32
    %mul3A_5 = arith.constant 320000 : i32
    %mul3A_6 = arith.muli %arg0, %mul3A_5 : i32
    %mul3A_7 = arith.constant 632 : i32
    %mul3A_8 = arith.muli %arg1, %mul3A_7 : i32
    %add3A = arith.constant 625 : i32
    %add3A_9 = arith.addi %mul3A_8, %add3A : i32
    %iota3A = tpu.iota {dimensions = array<i32: 0>} : vector<16xi32>
    %scan3A = arith.constant 0 : i32
    %scan3A_10 = arith.constant 0 : i32
    %scan3A_11 = arith.constant 160 : i32
    %scan3A_12 = arith.addi %scan3A_10, %scan3A_11 : i32
    %scan3A_13 = arith.constant 1 : i32
    %scan3A_14 = scf.for %scan3A_23 = %scan3A_10 to %scan3A_12 step %scan3A_13 iter_args(%scan3A_24 = %scan3A) -> (i32)  : i32 {
      %mul3A_25 = arith.constant 2000 : i32
      %mul3A_26 = arith.muli %scan3A_23, %mul3A_25 : i32
      "tpu.region"() ({
        %run_scoped3A = tpu.sem_alloc : memref<!tpu.dma_semaphore, #tpu.memory_space<semaphore_mem>>
        %dma_start3A = tpu.memref_slice %arg4[%mul3A_26] : memref<320000xi32, #tpu.memory_space<hbm>> -> memref<2000xi32, #tpu.memory_space<hbm>>
        %dma_start3A_49 = tpu.memref_slice %arg4[%mul3A_26] : memref<320000xi32, #tpu.memory_space<hbm>> -> memref<2000xi32, #tpu.memory_space<hbm>>
        tpu.enqueue_dma source(%dma_start3A_49 : memref<2000xi32, #tpu.memory_space<hbm>>) target(%arg8 : memref<2000xi32, #tpu.memory_space<vmem>>) target_semaphore(%run_scoped3A : memref<!tpu.dma_semaphore, #tpu.memory_space<semaphore_mem>>)
        %dma_wait3A = tpu.memref_slice %arg4[%mul3A_26] : memref<320000xi32, #tpu.memory_space<hbm>> -> memref<2000xi32, #tpu.memory_space<hbm>>
        %dma_wait3A_50 = tpu.memref_slice %arg4[%mul3A_26] : memref<320000xi32, #tpu.memory_space<hbm>> -> memref<2000xi32, #tpu.memory_space<hbm>>
        tpu.wait_dma2 semaphore(%run_scoped3A : memref<!tpu.dma_semaphore, #tpu.memory_space<semaphore_mem>>) src(%dma_wait3A_50 : memref<2000xi32, #tpu.memory_space<hbm>>) dst(%arg8 : memref<2000xi32, #tpu.memory_space<vmem>>)
        tpu.yield
      }) : () -> ()
      "tpu.region"() ({
        %run_scoped3A = tpu.sem_alloc : memref<!tpu.dma_semaphore, #tpu.memory_space<semaphore_mem>>
        %dma_start3A = tpu.memref_slice %arg5[%mul3A_26] : memref<320000xi32, #tpu.memory_space<hbm>> -> memref<2000xi32, #tpu.memory_space<hbm>>
        %dma_start3A_49 = tpu.memref_slice %arg5[%mul3A_26] : memref<320000xi32, #tpu.memory_space<hbm>> -> memref<2000xi32, #tpu.memory_space<hbm>>
        tpu.enqueue_dma source(%dma_start3A_49 : memref<2000xi32, #tpu.memory_space<hbm>>) target(%arg9 : memref<2000xi32, #tpu.memory_space<vmem>>) target_semaphore(%run_scoped3A : memref<!tpu.dma_semaphore, #tpu.memory_space<semaphore_mem>>)
        %dma_wait3A = tpu.memref_slice %arg5[%mul3A_26] : memref<320000xi32, #tpu.memory_space<hbm>> -> memref<2000xi32, #tpu.memory_space<hbm>>
        %dma_wait3A_50 = tpu.memref_slice %arg5[%mul3A_26] : memref<320000xi32, #tpu.memory_space<hbm>> -> memref<2000xi32, #tpu.memory_space<hbm>>
        tpu.wait_dma2 semaphore(%run_scoped3A : memref<!tpu.dma_semaphore, #tpu.memory_space<semaphore_mem>>) src(%dma_wait3A_50 : memref<2000xi32, #tpu.memory_space<hbm>>) dst(%arg9 : memref<2000xi32, #tpu.memory_space<vmem>>)
        tpu.yield
      }) : () -> ()
      %scan3A_27 = arith.constant 0 : i32
      %scan3A_28 = arith.constant 0 : i32
      %scan3A_29 = arith.constant 125 : i32
      %scan3A_30 = arith.addi %scan3A_28, %scan3A_29 : i32
      %scan3A_31 = arith.constant 1 : i32
      %scan3A_32 = scf.for %scan3A_49 = %scan3A_28 to %scan3A_30 step %scan3A_31 iter_args(%scan3A_50 = %scan3A_27) -> (i32)  : i32 {
        %mul3A_51 = arith.constant 16 : i32
        %mul3A_52 = arith.muli %scan3A_49, %mul3A_51 : i32
        %get3A = arith.index_cast %mul3A_52 : i32 to index
        %get3A_53 = tpu.vector_load %arg9[%get3A] {strides = array<i32>} : memref<2000xi32, #tpu.memory_space<vmem>>, vector<16xi32>,
        %get3A_54 = vector.shape_cast %get3A_53 : vector<16xi32> to vector<16xi32>
        %get3A_55 = arith.index_cast %mul3A_52 : i32 to index
        %get3A_56 = tpu.vector_load %arg8[%get3A_55] {strides = array<i32>} : memref<2000xi32, #tpu.memory_space<vmem>>, vector<16xi32>,
        %get3A_57 = vector.shape_cast %get3A_56 : vector<16xi32> to vector<16xi32>
        %ge3A = vector.broadcast %mul3A_2 : i32 to vector<16xi32>
        %ge3A_58 = arith.cmpi sge, %get3A_54, %ge3A : vector<16xi32>
        %add3A_59 = arith.constant 625 : i32
        %add3A_60 = arith.addi %mul3A_2, %add3A_59 : i32
        %lt3A = vector.broadcast %add3A_60 : i32 to vector<16xi32>
        %lt3A_61 = arith.cmpi slt, %get3A_54, %lt3A : vector<16xi32>
        %and3A = arith.andi %ge3A_58, %lt3A_61 : vector<16xi1>
        %add3A_62 = vector.broadcast %mul3A_4 : i32 to vector<16xi32>
        %add3A_63 = arith.addi %get3A_57, %add3A_62 : vector<16xi32>
        %swap3A = arith.index_cast %mul3A_52 : i32 to index
        %swap3A_64 = tpu.vector_load %arg10[%swap3A] {strides = array<i32>} : memref<2048xi32, #tpu.memory_space<vmem>>, vector<16xi32>,
        %swap3A_65 = vector.shape_cast %swap3A_64 : vector<16xi32> to vector<16xi32>
        %swap3A_66 = vector.shape_cast %add3A_63 : vector<16xi32> to vector<16xi32>
        tpu.vector_store %arg10[%swap3A], %swap3A_66 {strides = array<i32>} : memref<2048xi32, #tpu.memory_space<vmem>>, vector<16xi32>,
        %mul3A_67 = arith.constant 16 : i32
        %mul3A_68 = arith.muli %scan3A_49, %mul3A_67 : i32
        %add3A_69 = arith.addi %mul3A_26, %mul3A_68 : i32
        %add3A_70 = arith.addi %add3A_69, %mul3A_6 : i32
        %add3A_71 = vector.broadcast %add3A_70 : i32 to vector<16xi32>
        %add3A_72 = arith.addi %iota3A, %add3A_71 : vector<16xi32>
        %swap3A_73 = arith.index_cast %mul3A_52 : i32 to index
        %swap3A_74 = tpu.vector_load %arg11[%swap3A_73] {strides = array<i32>} : memref<2048xi32, #tpu.memory_space<vmem>>, vector<16xi32>,
        %swap3A_75 = vector.shape_cast %swap3A_74 : vector<16xi32> to vector<16xi32>
        %swap3A_76 = vector.shape_cast %add3A_72 : vector<16xi32> to vector<16xi32>
        tpu.vector_store %arg11[%swap3A_73], %swap3A_76 {strides = array<i32>} : memref<2048xi32, #tpu.memory_space<vmem>>, vector<16xi32>,
        %sub3A = vector.broadcast %mul3A_2 : i32 to vector<16xi32>
        %sub3A_77 = arith.subi %get3A_54, %sub3A : vector<16xi32>
        %add3A_78 = vector.broadcast %mul3A_8 : i32 to vector<16xi32>
        %add3A_79 = arith.addi %sub3A_77, %add3A_78 : vector<16xi32>
        %broadcast_in_dim3A = vector.broadcast %add3A_9 : i32 to vector<16xi32>
        %select_n3A = arith.select %and3A, %add3A_79, %broadcast_in_dim3A : vector<16xi1>, vector<16xi32>
        %swap3A_80 = arith.index_cast %mul3A_52 : i32 to index
        %swap3A_81 = tpu.vector_load %arg12[%swap3A_80] {strides = array<i32>} : memref<2048xi32, #tpu.memory_space<vmem>>, vector<16xi32>,
        %swap3A_82 = vector.shape_cast %swap3A_81 : vector<16xi32> to vector<16xi32>
        %swap3A_83 = vector.shape_cast %select_n3A : vector<16xi32> to vector<16xi32>
        tpu.vector_store %arg12[%swap3A_80], %swap3A_83 {strides = array<i32>} : memref<2048xi32, #tpu.memory_space<vmem>>, vector<16xi32>,
        %add3A_84 = arith.constant 16 : i32
        %add3A_85 = arith.addi %scan3A_50, %add3A_84 : i32
        scf.yield %add3A_85 : i32
      }
      %scan3A_33 = arith.constant 125 : i32
      %scan3A_34 = arith.constant 0 : i32
      %scan3A_35 = arith.constant 0 : i32
      %scan3A_36 = arith.constant 128 : i32
      %scan3A_37 = arith.addi %scan3A_35, %scan3A_36 : i32
      %scan3A_38 = arith.constant 1 : i32
      %scan3A_39 = scf.for %scan3A_49 = %scan3A_35 to %scan3A_37 step %scan3A_38 iter_args(%scan3A_50 = %scan3A_34) -> (i32)  : i32 {
        %mul3A_51 = arith.constant 16 : i32
        %mul3A_52 = arith.muli %scan3A_49, %mul3A_51 : i32
        %mul3A_53 = arith.constant 16 : i32
        %mul3A_54 = arith.muli %scan3A_49, %mul3A_53 : i32
        %add3A_55 = vector.broadcast %mul3A_54 : i32 to vector<16xi32>
        %add3A_56 = arith.addi %iota3A, %add3A_55 : vector<16xi32>
        %lt3A = vector.broadcast %scan3A_32 : i32 to vector<16xi32>
        %lt3A_57 = arith.cmpi slt, %add3A_56, %lt3A : vector<16xi32>
        %get3A = arith.index_cast %mul3A_52 : i32 to index
        %get3A_58 = tpu.vector_load %arg10[%get3A] {strides = array<i32>} : memref<2048xi32, #tpu.memory_space<vmem>>, vector<16xi32>,
        %get3A_59 = vector.shape_cast %get3A_58 : vector<16xi32> to vector<16xi32>
        %jit3A = arith.constant 0 : i32
        %broadcast_in_dim3A = vector.broadcast %jit3A : i32 to vector<16xi32>
        %select_n3A = arith.select %lt3A_57, %get3A_59, %broadcast_in_dim3A : vector<16xi1>, vector<16xi32>
        %swap3A = arith.index_cast %mul3A_52 : i32 to index
        %swap3A_60 = tpu.vector_load %arg10[%swap3A] {strides = array<i32>} : memref<2048xi32, #tpu.memory_space<vmem>>, vector<16xi32>,
        %swap3A_61 = vector.shape_cast %swap3A_60 : vector<16xi32> to vector<16xi32>
        %swap3A_62 = vector.shape_cast %select_n3A : vector<16xi32> to vector<16xi32>
        tpu.vector_store %arg10[%swap3A], %swap3A_62 {strides = array<i32>} : memref<2048xi32, #tpu.memory_space<vmem>>, vector<16xi32>,
        %get3A_63 = arith.index_cast %mul3A_52 : i32 to index
        %get3A_64 = tpu.vector_load %arg11[%get3A_63] {strides = array<i32>} : memref<2048xi32, #tpu.memory_space<vmem>>, vector<16xi32>,
        %get3A_65 = vector.shape_cast %get3A_64 : vector<16xi32> to vector<16xi32>
        %jit3A_66 = arith.constant 0 : i32
        %broadcast_in_dim3A_67 = vector.broadcast %jit3A_66 : i32 to vector<16xi32>
        %select_n3A_68 = arith.select %lt3A_57, %get3A_65, %broadcast_in_dim3A_67 : vector<16xi1>, vector<16xi32>
        %swap3A_69 = arith.index_cast %mul3A_52 : i32 to index
        %swap3A_70 = tpu.vector_load %arg11[%swap3A_69] {strides = array<i32>} : memref<2048xi32, #tpu.memory_space<vmem>>, vector<16xi32>,
        %swap3A_71 = vector.shape_cast %swap3A_70 : vector<16xi32> to vector<16xi32>
        %swap3A_72 = vector.shape_cast %select_n3A_68 : vector<16xi32> to vector<16xi32>
        tpu.vector_store %arg11[%swap3A_69], %swap3A_72 {strides = array<i32>} : memref<2048xi32, #tpu.memory_space<vmem>>, vector<16xi32>,
        %get3A_73 = arith.index_cast %mul3A_52 : i32 to index
        %get3A_74 = tpu.vector_load %arg12[%get3A_73] {strides = array<i32>} : memref<2048xi32, #tpu.memory_space<vmem>>, vector<16xi32>,
        %get3A_75 = vector.shape_cast %get3A_74 : vector<16xi32> to vector<16xi32>
        %broadcast_in_dim3A_76 = vector.broadcast %add3A_9 : i32 to vector<16xi32>
        %select_n3A_77 = arith.select %lt3A_57, %get3A_75, %broadcast_in_dim3A_76 : vector<16xi1>, vector<16xi32>
        %swap3A_78 = arith.index_cast %mul3A_52 : i32 to index
        %swap3A_79 = tpu.vector_load %arg12[%swap3A_78] {strides = array<i32>} : memref<2048xi32, #tpu.memory_space<vmem>>, vector<16xi32>,
        %swap3A_80 = vector.shape_cast %swap3A_79 : vector<16xi32> to vector<16xi32>
        %swap3A_81 = vector.shape_cast %select_n3A_77 : vector<16xi32> to vector<16xi32>
        tpu.vector_store %arg12[%swap3A_78], %swap3A_81 {strides = array<i32>} : memref<2048xi32, #tpu.memory_space<vmem>>, vector<16xi32>,
        %scan3A_82 = arith.constant 0 : i32
        scf.yield %scan3A_82 : i32
      }
      %scan3A_40 = arith.constant 128 : i32
      %scan3A_41 = arith.constant 0 : i32
      %scan3A_42 = arith.constant 0 : i32
      %scan3A_43 = arith.constant 16 : i32
      %scan3A_44 = arith.addi %scan3A_42, %scan3A_43 : i32
      %scan3A_45 = arith.constant 1 : i32
      %scan3A_46 = scf.for %scan3A_49 = %scan3A_42 to %scan3A_44 step %scan3A_45 iter_args(%scan3A_50 = %scan3A_41) -> (i32)  : i32 {
        %mul3A_51 = arith.constant 128 : i32
        %mul3A_52 = arith.muli %scan3A_49, %mul3A_51 : i32
        %lt3A = arith.cmpi slt, %mul3A_52, %scan3A_32 : i32
        %convert_element_type3A = arith.extui %lt3A : i1 to i32
        %cond3A = arith.constant 0 : i32
        %cond3A_53 = arith.cmpi ne, %convert_element_type3A, %cond3A : i32
        scf.if %cond3A_53 {
          %mul3A_55 = arith.constant 128 : i32
          %mul3A_56 = arith.muli %scan3A_49, %mul3A_55 : i32
          %add3A_57 = arith.constant 0 : i32
          %add3A_58 = arith.addi %mul3A_56, %add3A_57 : i32
          %get3A = arith.index_cast %add3A_58 : i32 to index
          %get3A_59 = tpu.vector_load %arg10[%get3A] {strides = array<i32>} : memref<2048xi32, #tpu.memory_space<vmem>>, vector<16xi32>,
          %get3A_60 = vector.shape_cast %get3A_59 : vector<16xi32> to vector<16xi32>
          %swap3A = arith.constant 0 : index
          %swap3A_61 = tpu.vector_load %arg13[%swap3A] {strides = array<i32>} : memref<128xi32, #tpu.memory_space<vmem>>, vector<16xi32>,
          %swap3A_62 = vector.shape_cast %swap3A_61 : vector<16xi32> to vector<16xi32>
          %swap3A_63 = vector.shape_cast %get3A_60 : vector<16xi32> to vector<16xi32>
          tpu.vector_store %arg13[%swap3A], %swap3A_63 {strides = array<i32>} : memref<128xi32, #tpu.memory_space<vmem>>, vector<16xi32>,
          %get3A_64 = arith.index_cast %add3A_58 : i32 to index
          %get3A_65 = tpu.vector_load %arg11[%get3A_64] {strides = array<i32>} : memref<2048xi32, #tpu.memory_space<vmem>>, vector<16xi32>,
          %get3A_66 = vector.shape_cast %get3A_65 : vector<16xi32> to vector<16xi32>
          %swap3A_67 = arith.constant 0 : index
          %swap3A_68 = tpu.vector_load %arg14[%swap3A_67] {strides = array<i32>} : memref<128xi32, #tpu.memory_space<vmem>>, vector<16xi32>,
          %swap3A_69 = vector.shape_cast %swap3A_68 : vector<16xi32> to vector<16xi32>
          %swap3A_70 = vector.shape_cast %get3A_66 : vector<16xi32> to vector<16xi32>
          tpu.vector_store %arg14[%swap3A_67], %swap3A_70 {strides = array<i32>} : memref<128xi32, #tpu.memory_space<vmem>>, vector<16xi32>,
          %get3A_71 = arith.index_cast %add3A_58 : i32 to index
          %get3A_72 = tpu.vector_load %arg12[%get3A_71] {strides = array<i32>} : memref<2048xi32, #tpu.memory_space<vmem>>, vector<16xi32>,
          %get3A_73 = vector.shape_cast %get3A_72 : vector<16xi32> to vector<16xi32>
          %swap3A_74 = arith.constant 0 : index
          %swap3A_75 = tpu.vector_load %arg15[%swap3A_74] {strides = array<i32>} : memref<128xi32, #tpu.memory_space<vmem>>, vector<16xi32>,
          %swap3A_76 = vector.shape_cast %swap3A_75 : vector<16xi32> to vector<16xi32>
          %swap3A_77 = vector.shape_cast %get3A_73 : vector<16xi32> to vector<16xi32>
          tpu.vector_store %arg15[%swap3A_74], %swap3A_77 {strides = array<i32>} : memref<128xi32, #tpu.memory_space<vmem>>, vector<16xi32>,
          %add3A_78 = arith.constant 16 : i32
          %add3A_79 = arith.addi %mul3A_56, %add3A_78 : i32
          %get3A_80 = arith.index_cast %add3A_79 : i32 to index
          %get3A_81 = tpu.vector_load %arg10[%get3A_80] {strides = array<i32>} : memref<2048xi32, #tpu.memory_space<vmem>>, vector<16xi32>,
          %get3A_82 = vector.shape_cast %get3A_81 : vector<16xi32> to vector<16xi32>
          %swap3A_83 = arith.constant 16 : index
          %swap3A_84 = tpu.vector_load %arg13[%swap3A_83] {strides = array<i32>} : memref<128xi32, #tpu.memory_space<vmem>>, vector<16xi32>,
          %swap3A_85 = vector.shape_cast %swap3A_84 : vector<16xi32> to vector<16xi32>
          %swap3A_86 = vector.shape_cast %get3A_82 : vector<16xi32> to vector<16xi32>
          tpu.vector_store %arg13[%swap3A_83], %swap3A_86 {strides = array<i32>} : memref<128xi32, #tpu.memory_space<vmem>>, vector<16xi32>,
          %get3A_87 = arith.index_cast %add3A_79 : i32 to index
          %get3A_88 = tpu.vector_load %arg11[%get3A_87] {strides = array<i32>} : memref<2048xi32, #tpu.memory_space<vmem>>, vector<16xi32>,
          %get3A_89 = vector.shape_cast %get3A_88 : vector<16xi32> to vector<16xi32>
          %swap3A_90 = arith.constant 16 : index
          %swap3A_91 = tpu.vector_load %arg14[%swap3A_90] {strides = array<i32>} : memref<128xi32, #tpu.memory_space<vmem>>, vector<16xi32>,
          %swap3A_92 = vector.shape_cast %swap3A_91 : vector<16xi32> to vector<16xi32>
          %swap3A_93 = vector.shape_cast %get3A_89 : vector<16xi32> to vector<16xi32>
          tpu.vector_store %arg14[%swap3A_90], %swap3A_93 {strides = array<i32>} : memref<128xi32, #tpu.memory_space<vmem>>, vector<16xi32>,
          %get3A_94 = arith.index_cast %add3A_79 : i32 to index
          %get3A_95 = tpu.vector_load %arg12[%get3A_94] {strides = array<i32>} : memref<2048xi32, #tpu.memory_space<vmem>>, vector<16xi32>,
          %get3A_96 = vector.shape_cast %get3A_95 : vector<16xi32> to vector<16xi32>
          %swap3A_97 = arith.constant 16 : index
          %swap3A_98 = tpu.vector_load %arg15[%swap3A_97] {strides = array<i32>} : memref<128xi32, #tpu.memory_space<vmem>>, vector<16xi32>,
          %swap3A_99 = vector.shape_cast %swap3A_98 : vector<16xi32> to vector<16xi32>
          %swap3A_100 = vector.shape_cast %get3A_96 : vector<16xi32> to vector<16xi32>
          tpu.vector_store %arg15[%swap3A_97], %swap3A_100 {strides = array<i32>} : memref<128xi32, #tpu.memory_space<vmem>>, vector<16xi32>,
          %add3A_101 = arith.constant 32 : i32
          %add3A_102 = arith.addi %mul3A_56, %add3A_101 : i32
          %get3A_103 = arith.index_cast %add3A_102 : i32 to index
          %get3A_104 = tpu.vector_load %arg10[%get3A_103] {strides = array<i32>} : memref<2048xi32, #tpu.memory_space<vmem>>, vector<16xi32>,
          %get3A_105 = vector.shape_cast %get3A_104 : vector<16xi32> to vector<16xi32>
          %swap3A_106 = arith.constant 32 : index
          %swap3A_107 = tpu.vector_load %arg13[%swap3A_106] {strides = array<i32>} : memref<128xi32, #tpu.memory_space<vmem>>, vector<16xi32>,
          %swap3A_108 = vector.shape_cast %swap3A_107 : vector<16xi32> to vector<16xi32>
          %swap3A_109 = vector.shape_cast %get3A_105 : vector<16xi32> to vector<16xi32>
          tpu.vector_store %arg13[%swap3A_106], %swap3A_109 {strides = array<i32>} : memref<128xi32, #tpu.memory_space<vmem>>, vector<16xi32>,
          %get3A_110 = arith.index_cast %add3A_102 : i32 to index
          %get3A_111 = tpu.vector_load %arg11[%get3A_110] {strides = array<i32>} : memref<2048xi32, #tpu.memory_space<vmem>>, vector<16xi32>,
          %get3A_112 = vector.shape_cast %get3A_111 : vector<16xi32> to vector<16xi32>
          %swap3A_113 = arith.constant 32 : index
          %swap3A_114 = tpu.vector_load %arg14[%swap3A_113] {strides = array<i32>} : memref<128xi32, #tpu.memory_space<vmem>>, vector<16xi32>,
          %swap3A_115 = vector.shape_cast %swap3A_114 : vector<16xi32> to vector<16xi32>
          %swap3A_116 = vector.shape_cast %get3A_112 : vector<16xi32> to vector<16xi32>
          tpu.vector_store %arg14[%swap3A_113], %swap3A_116 {strides = array<i32>} : memref<128xi32, #tpu.memory_space<vmem>>, vector<16xi32>,
          %get3A_117 = arith.index_cast %add3A_102 : i32 to index
          %get3A_118 = tpu.vector_load %arg12[%get3A_117] {strides = array<i32>} : memref<2048xi32, #tpu.memory_space<vmem>>, vector<16xi32>,
          %get3A_119 = vector.shape_cast %get3A_118 : vector<16xi32> to vector<16xi32>
          %swap3A_120 = arith.constant 32 : index
          %swap3A_121 = tpu.vector_load %arg15[%swap3A_120] {strides = array<i32>} : memref<128xi32, #tpu.memory_space<vmem>>, vector<16xi32>,
          %swap3A_122 = vector.shape_cast %swap3A_121 : vector<16xi32> to vector<16xi32>
          %swap3A_123 = vector.shape_cast %get3A_119 : vector<16xi32> to vector<16xi32>
          tpu.vector_store %arg15[%swap3A_120], %swap3A_123 {strides = array<i32>} : memref<128xi32, #tpu.memory_space<vmem>>, vector<16xi32>,
          %add3A_124 = arith.constant 48 : i32
          %add3A_125 = arith.addi %mul3A_56, %add3A_124 : i32
          %get3A_126 = arith.index_cast %add3A_125 : i32 to index
          %get3A_127 = tpu.vector_load %arg10[%get3A_126] {strides = array<i32>} : memref<2048xi32, #tpu.memory_space<vmem>>, vector<16xi32>,
          %get3A_128 = vector.shape_cast %get3A_127 : vector<16xi32> to vector<16xi32>
          %swap3A_129 = arith.constant 48 : index
          %swap3A_130 = tpu.vector_load %arg13[%swap3A_129] {strides = array<i32>} : memref<128xi32, #tpu.memory_space<vmem>>, vector<16xi32>,
          %swap3A_131 = vector.shape_cast %swap3A_130 : vector<16xi32> to vector<16xi32>
          %swap3A_132 = vector.shape_cast %get3A_128 : vector<16xi32> to vector<16xi32>
          tpu.vector_store %arg13[%swap3A_129], %swap3A_132 {strides = array<i32>} : memref<128xi32, #tpu.memory_space<vmem>>, vector<16xi32>,
          %get3A_133 = arith.index_cast %add3A_125 : i32 to index
          %get3A_134 = tpu.vector_load %arg11[%get3A_133] {strides = array<i32>} : memref<2048xi32, #tpu.memory_space<vmem>>, vector<16xi32>,
          %get3A_135 = vector.shape_cast %get3A_134 : vector<16xi32> to vector<16xi32>
          %swap3A_136 = arith.constant 48 : index
          %swap3A_137 = tpu.vector_load %arg14[%swap3A_136] {strides = array<i32>} : memref<128xi32, #tpu.memory_space<vmem>>, vector<16xi32>,
          %swap3A_138 = vector.shape_cast %swap3A_137 : vector<16xi32> to vector<16xi32>
          %swap3A_139 = vector.shape_cast %get3A_135 : vector<16xi32> to vector<16xi32>
          tpu.vector_store %arg14[%swap3A_136], %swap3A_139 {strides = array<i32>} : memref<128xi32, #tpu.memory_space<vmem>>, vector<16xi32>,
          %get3A_140 = arith.index_cast %add3A_125 : i32 to index
          %get3A_141 = tpu.vector_load %arg12[%get3A_140] {strides = array<i32>} : memref<2048xi32, #tpu.memory_space<vmem>>, vector<16xi32>,
          %get3A_142 = vector.shape_cast %get3A_141 : vector<16xi32> to vector<16xi32>
          %swap3A_143 = arith.constant 48 : index
          %swap3A_144 = tpu.vector_load %arg15[%swap3A_143] {strides = array<i32>} : memref<128xi32, #tpu.memory_space<vmem>>, vector<16xi32>,
          %swap3A_145 = vector.shape_cast %swap3A_144 : vector<16xi32> to vector<16xi32>
          %swap3A_146 = vector.shape_cast %get3A_142 : vector<16xi32> to vector<16xi32>
          tpu.vector_store %arg15[%swap3A_143], %swap3A_146 {strides = array<i32>} : memref<128xi32, #tpu.memory_space<vmem>>, vector<16xi32>,
          %add3A_147 = arith.constant 64 : i32
          %add3A_148 = arith.addi %mul3A_56, %add3A_147 : i32
          %get3A_149 = arith.index_cast %add3A_148 : i32 to index
          %get3A_150 = tpu.vector_load %arg10[%get3A_149] {strides = array<i32>} : memref<2048xi32, #tpu.memory_space<vmem>>, vector<16xi32>,
          %get3A_151 = vector.shape_cast %get3A_150 : vector<16xi32> to vector<16xi32>
          %swap3A_152 = arith.constant 64 : index
          %swap3A_153 = tpu.vector_load %arg13[%swap3A_152] {strides = array<i32>} : memref<128xi32, #tpu.memory_space<vmem>>, vector<16xi32>,
          %swap3A_154 = vector.shape_cast %swap3A_153 : vector<16xi32> to vector<16xi32>
          %swap3A_155 = vector.shape_cast %get3A_151 : vector<16xi32> to vector<16xi32>
          tpu.vector_store %arg13[%swap3A_152], %swap3A_155 {strides = array<i32>} : memref<128xi32, #tpu.memory_space<vmem>>, vector<16xi32>,
          %get3A_156 = arith.index_cast %add3A_148 : i32 to index
          %get3A_157 = tpu.vector_load %arg11[%get3A_156] {strides = array<i32>} : memref<2048xi32, #tpu.memory_space<vmem>>, vector<16xi32>,
          %get3A_158 = vector.shape_cast %get3A_157 : vector<16xi32> to vector<16xi32>
          %swap3A_159 = arith.constant 64 : index
          %swap3A_160 = tpu.vector_load %arg14[%swap3A_159] {strides = array<i32>} : memref<128xi32, #tpu.memory_space<vmem>>, vector<16xi32>,
          %swap3A_161 = vector.shape_cast %swap3A_160 : vector<16xi32> to vector<16xi32>
          %swap3A_162 = vector.shape_cast %get3A_158 : vector<16xi32> to vector<16xi32>
          tpu.vector_store %arg14[%swap3A_159], %swap3A_162 {strides = array<i32>} : memref<128xi32, #tpu.memory_space<vmem>>, vector<16xi32>,
          %get3A_163 = arith.index_cast %add3A_148 : i32 to index
          %get3A_164 = tpu.vector_load %arg12[%get3A_163] {strides = array<i32>} : memref<2048xi32, #tpu.memory_space<vmem>>, vector<16xi32>,
          %get3A_165 = vector.shape_cast %get3A_164 : vector<16xi32> to vector<16xi32>
          %swap3A_166 = arith.constant 64 : index
          %swap3A_167 = tpu.vector_load %arg15[%swap3A_166] {strides = array<i32>} : memref<128xi32, #tpu.memory_space<vmem>>, vector<16xi32>,
          %swap3A_168 = vector.shape_cast %swap3A_167 : vector<16xi32> to vector<16xi32>
          %swap3A_169 = vector.shape_cast %get3A_165 : vector<16xi32> to vector<16xi32>
          tpu.vector_store %arg15[%swap3A_166], %swap3A_169 {strides = array<i32>} : memref<128xi32, #tpu.memory_space<vmem>>, vector<16xi32>,
          %add3A_170 = arith.constant 80 : i32
          %add3A_171 = arith.addi %mul3A_56, %add3A_170 : i32
          %get3A_172 = arith.index_cast %add3A_171 : i32 to index
          %get3A_173 = tpu.vector_load %arg10[%get3A_172] {strides = array<i32>} : memref<2048xi32, #tpu.memory_space<vmem>>, vector<16xi32>,
          %get3A_174 = vector.shape_cast %get3A_173 : vector<16xi32> to vector<16xi32>
          %swap3A_175 = arith.constant 80 : index
          %swap3A_176 = tpu.vector_load %arg13[%swap3A_175] {strides = array<i32>} : memref<128xi32, #tpu.memory_space<vmem>>, vector<16xi32>,
          %swap3A_177 = vector.shape_cast %swap3A_176 : vector<16xi32> to vector<16xi32>
          %swap3A_178 = vector.shape_cast %get3A_174 : vector<16xi32> to vector<16xi32>
          tpu.vector_store %arg13[%swap3A_175], %swap3A_178 {strides = array<i32>} : memref<128xi32, #tpu.memory_space<vmem>>, vector<16xi32>,
          %get3A_179 = arith.index_cast %add3A_171 : i32 to index
          %get3A_180 = tpu.vector_load %arg11[%get3A_179] {strides = array<i32>} : memref<2048xi32, #tpu.memory_space<vmem>>, vector<16xi32>,
          %get3A_181 = vector.shape_cast %get3A_180 : vector<16xi32> to vector<16xi32>
          %swap3A_182 = arith.constant 80 : index
          %swap3A_183 = tpu.vector_load %arg14[%swap3A_182] {strides = array<i32>} : memref<128xi32, #tpu.memory_space<vmem>>, vector<16xi32>,
          %swap3A_184 = vector.shape_cast %swap3A_183 : vector<16xi32> to vector<16xi32>
          %swap3A_185 = vector.shape_cast %get3A_181 : vector<16xi32> to vector<16xi32>
          tpu.vector_store %arg14[%swap3A_182], %swap3A_185 {strides = array<i32>} : memref<128xi32, #tpu.memory_space<vmem>>, vector<16xi32>,
          %get3A_186 = arith.index_cast %add3A_171 : i32 to index
          %get3A_187 = tpu.vector_load %arg12[%get3A_186] {strides = array<i32>} : memref<2048xi32, #tpu.memory_space<vmem>>, vector<16xi32>,
          %get3A_188 = vector.shape_cast %get3A_187 : vector<16xi32> to vector<16xi32>
          %swap3A_189 = arith.constant 80 : index
          %swap3A_190 = tpu.vector_load %arg15[%swap3A_189] {strides = array<i32>} : memref<128xi32, #tpu.memory_space<vmem>>, vector<16xi32>,
          %swap3A_191 = vector.shape_cast %swap3A_190 : vector<16xi32> to vector<16xi32>
          %swap3A_192 = vector.shape_cast %get3A_188 : vector<16xi32> to vector<16xi32>
          tpu.vector_store %arg15[%swap3A_189], %swap3A_192 {strides = array<i32>} : memref<128xi32, #tpu.memory_space<vmem>>, vector<16xi32>,
          %add3A_193 = arith.constant 96 : i32
          %add3A_194 = arith.addi %mul3A_56, %add3A_193 : i32
          %get3A_195 = arith.index_cast %add3A_194 : i32 to index
          %get3A_196 = tpu.vector_load %arg10[%get3A_195] {strides = array<i32>} : memref<2048xi32, #tpu.memory_space<vmem>>, vector<16xi32>,
          %get3A_197 = vector.shape_cast %get3A_196 : vector<16xi32> to vector<16xi32>
          %swap3A_198 = arith.constant 96 : index
          %swap3A_199 = tpu.vector_load %arg13[%swap3A_198] {strides = array<i32>} : memref<128xi32, #tpu.memory_space<vmem>>, vector<16xi32>,
          %swap3A_200 = vector.shape_cast %swap3A_199 : vector<16xi32> to vector<16xi32>
          %swap3A_201 = vector.shape_cast %get3A_197 : vector<16xi32> to vector<16xi32>
          tpu.vector_store %arg13[%swap3A_198], %swap3A_201 {strides = array<i32>} : memref<128xi32, #tpu.memory_space<vmem>>, vector<16xi32>,
          %get3A_202 = arith.index_cast %add3A_194 : i32 to index
          %get3A_203 = tpu.vector_load %arg11[%get3A_202] {strides = array<i32>} : memref<2048xi32, #tpu.memory_space<vmem>>, vector<16xi32>,
          %get3A_204 = vector.shape_cast %get3A_203 : vector<16xi32> to vector<16xi32>
          %swap3A_205 = arith.constant 96 : index
          %swap3A_206 = tpu.vector_load %arg14[%swap3A_205] {strides = array<i32>} : memref<128xi32, #tpu.memory_space<vmem>>, vector<16xi32>,
          %swap3A_207 = vector.shape_cast %swap3A_206 : vector<16xi32> to vector<16xi32>
          %swap3A_208 = vector.shape_cast %get3A_204 : vector<16xi32> to vector<16xi32>
          tpu.vector_store %arg14[%swap3A_205], %swap3A_208 {strides = array<i32>} : memref<128xi32, #tpu.memory_space<vmem>>, vector<16xi32>,
          %get3A_209 = arith.index_cast %add3A_194 : i32 to index
          %get3A_210 = tpu.vector_load %arg12[%get3A_209] {strides = array<i32>} : memref<2048xi32, #tpu.memory_space<vmem>>, vector<16xi32>,
          %get3A_211 = vector.shape_cast %get3A_210 : vector<16xi32> to vector<16xi32>
          %swap3A_212 = arith.constant 96 : index
          %swap3A_213 = tpu.vector_load %arg15[%swap3A_212] {strides = array<i32>} : memref<128xi32, #tpu.memory_space<vmem>>, vector<16xi32>,
          %swap3A_214 = vector.shape_cast %swap3A_213 : vector<16xi32> to vector<16xi32>
          %swap3A_215 = vector.shape_cast %get3A_211 : vector<16xi32> to vector<16xi32>
          tpu.vector_store %arg15[%swap3A_212], %swap3A_215 {strides = array<i32>} : memref<128xi32, #tpu.memory_space<vmem>>, vector<16xi32>,
          %add3A_216 = arith.constant 112 : i32
          %add3A_217 = arith.addi %mul3A_56, %add3A_216 : i32
          %get3A_218 = arith.index_cast %add3A_217 : i32 to index
          %get3A_219 = tpu.vector_load %arg10[%get3A_218] {strides = array<i32>} : memref<2048xi32, #tpu.memory_space<vmem>>, vector<16xi32>,
          %get3A_220 = vector.shape_cast %get3A_219 : vector<16xi32> to vector<16xi32>
          %swap3A_221 = arith.constant 112 : index
          %swap3A_222 = tpu.vector_load %arg13[%swap3A_221] {strides = array<i32>} : memref<128xi32, #tpu.memory_space<vmem>>, vector<16xi32>,
          %swap3A_223 = vector.shape_cast %swap3A_222 : vector<16xi32> to vector<16xi32>
          %swap3A_224 = vector.shape_cast %get3A_220 : vector<16xi32> to vector<16xi32>
          tpu.vector_store %arg13[%swap3A_221], %swap3A_224 {strides = array<i32>} : memref<128xi32, #tpu.memory_space<vmem>>, vector<16xi32>,
          %get3A_225 = arith.index_cast %add3A_217 : i32 to index
          %get3A_226 = tpu.vector_load %arg11[%get3A_225] {strides = array<i32>} : memref<2048xi32, #tpu.memory_space<vmem>>, vector<16xi32>,
          %get3A_227 = vector.shape_cast %get3A_226 : vector<16xi32> to vector<16xi32>
          %swap3A_228 = arith.constant 112 : index
          %swap3A_229 = tpu.vector_load %arg14[%swap3A_228] {strides = array<i32>} : memref<128xi32, #tpu.memory_space<vmem>>, vector<16xi32>,
          %swap3A_230 = vector.shape_cast %swap3A_229 : vector<16xi32> to vector<16xi32>
          %swap3A_231 = vector.shape_cast %get3A_227 : vector<16xi32> to vector<16xi32>
          tpu.vector_store %arg14[%swap3A_228], %swap3A_231 {strides = array<i32>} : memref<128xi32, #tpu.memory_space<vmem>>, vector<16xi32>,
          %get3A_232 = arith.index_cast %add3A_217 : i32 to index
          %get3A_233 = tpu.vector_load %arg12[%get3A_232] {strides = array<i32>} : memref<2048xi32, #tpu.memory_space<vmem>>, vector<16xi32>,
          %get3A_234 = vector.shape_cast %get3A_233 : vector<16xi32> to vector<16xi32>
          %swap3A_235 = arith.constant 112 : index
          %swap3A_236 = tpu.vector_load %arg15[%swap3A_235] {strides = array<i32>} : memref<128xi32, #tpu.memory_space<vmem>>, vector<16xi32>,
          %swap3A_237 = vector.shape_cast %swap3A_236 : vector<16xi32> to vector<16xi32>
          %swap3A_238 = vector.shape_cast %get3A_234 : vector<16xi32> to vector<16xi32>
          tpu.vector_store %arg15[%swap3A_235], %swap3A_238 {strides = array<i32>} : memref<128xi32, #tpu.memory_space<vmem>>, vector<16xi32>,
          %dma_start3A = arith.constant 0 : i32
          %dma_start3A_239 = arith.constant 0 : i32
          %dma_start3A_240 = tpu.memref_slice %arg2[%dma_start3A, %dma_start3A_239] : memref<20000x128xf32, #tpu.memory_space<hbm>> -> memref<20000x128xf32, #tpu.memory_space<hbm>>
          tpu.enqueue_indirect_dma source(%dma_start3A_240 : memref<20000x128xf32, #tpu.memory_space<hbm>>) target(%arg16 : memref<128x128xf32, #tpu.memory_space<vmem>>) offsets(%arg13 : memref<128xi32, #tpu.memory_space<vmem>>) semaphore(%arg19 : memref<!tpu.dma_semaphore, #tpu.memory_space<semaphore_mem>>)
          %dma_wait3A = arith.constant 0 : i32
          %dma_wait3A_241 = arith.constant 0 : i32
          %dma_wait3A_242 = tpu.memref_slice %arg2[%dma_wait3A, %dma_wait3A_241] : memref<20000x128xf32, #tpu.memory_space<hbm>> -> memref<20000x128xf32, #tpu.memory_space<hbm>>
          tpu.wait_indirect_dma semaphore(%arg19 : memref<!tpu.dma_semaphore, #tpu.memory_space<semaphore_mem>>) src(%dma_wait3A_242 : memref<20000x128xf32, #tpu.memory_space<hbm>>) dst(%arg16 : memref<128x128xf32, #tpu.memory_space<vmem>>)
          %dma_start3A_243 = arith.constant 0 : i32
          %dma_start3A_244 = arith.constant 0 : i32
          %dma_start3A_245 = tpu.memref_slice %arg3[%dma_start3A_243, %dma_start3A_244] : memref<640000x128xf32, #tpu.memory_space<hbm>> -> memref<640000x128xf32, #tpu.memory_space<hbm>>
          tpu.enqueue_indirect_dma source(%dma_start3A_245 : memref<640000x128xf32, #tpu.memory_space<hbm>>) target(%arg17 : memref<128x128xf32, #tpu.memory_space<vmem>>) offsets(%arg14 : memref<128xi32, #tpu.memory_space<vmem>>) semaphore(%arg19 : memref<!tpu.dma_semaphore, #tpu.memory_space<semaphore_mem>>)
          %dma_wait3A_246 = arith.constant 0 : i32
          %dma_wait3A_247 = arith.constant 0 : i32
          %dma_wait3A_248 = tpu.memref_slice %arg3[%dma_wait3A_246, %dma_wait3A_247] : memref<640000x128xf32, #tpu.memory_space<hbm>> -> memref<640000x128xf32, #tpu.memory_space<hbm>>
          tpu.wait_indirect_dma semaphore(%arg19 : memref<!tpu.dma_semaphore, #tpu.memory_space<semaphore_mem>>) src(%dma_wait3A_248 : memref<640000x128xf32, #tpu.memory_space<hbm>>) dst(%arg17 : memref<128x128xf32, #tpu.memory_space<vmem>>)
          %scan3A_249 = arith.constant 0 : i32
          %scan3A_250 = arith.constant 0 : i32
          %scan3A_251 = arith.constant 128 : i32
          %scan3A_252 = arith.addi %scan3A_250, %scan3A_251 : i32
          %scan3A_253 = arith.constant 1 : i32
          %scan3A_254 = scf.for %scan3A_256 = %scan3A_250 to %scan3A_252 step %scan3A_253 iter_args(%scan3A_257 = %scan3A_249) -> (i32)  : i32 {
            %get3A_258 = arith.index_cast %scan3A_256 : i32 to index
            %get3A_259 = arith.constant 0 : index
            %get3A_260 = tpu.vector_load %arg16[%get3A_258, %get3A_259] {strides = array<i32>} : memref<128x128xf32, #tpu.memory_space<vmem>>, vector<1x128xf32>,
            %get3A_261 = vector.shape_cast %get3A_260 : vector<1x128xf32> to vector<128xf32>
            %get3A_262 = arith.index_cast %scan3A_256 : i32 to index
            %get3A_263 = arith.constant 0 : index
            %get3A_264 = tpu.vector_load %arg17[%get3A_262, %get3A_263] {strides = array<i32>} : memref<128x128xf32, #tpu.memory_space<vmem>>, vector<1x128xf32>,
            %get3A_265 = vector.shape_cast %get3A_264 : vector<1x128xf32> to vector<128xf32>
            %add3A_266 = arith.addf %get3A_261, %get3A_265 : vector<128xf32>
            %max3A = arith.constant 0.000000e+00 : f32
            %max3A_267 = vector.broadcast %max3A : f32 to vector<128xf32>
            %max3A_268 = arith.maximumf %add3A_266, %max3A_267 : vector<128xf32>
            %swap3A_269 = arith.index_cast %scan3A_256 : i32 to index
            %swap3A_270 = arith.constant 0 : index
            %swap3A_271 = tpu.vector_load %arg16[%swap3A_269, %swap3A_270] {strides = array<i32>} : memref<128x128xf32, #tpu.memory_space<vmem>>, vector<1x128xf32>,
            %swap3A_272 = vector.shape_cast %swap3A_271 : vector<1x128xf32> to vector<128xf32>
            %swap3A_273 = vector.shape_cast %max3A_268 : vector<128xf32> to vector<1x128xf32>
            tpu.vector_store %arg16[%swap3A_269, %swap3A_270], %swap3A_273 {strides = array<i32>} : memref<128x128xf32, #tpu.memory_space<vmem>>, vector<1x128xf32>,
            %scan3A_274 = arith.constant 0 : i32
            scf.yield %scan3A_274 : i32
          }
          %scan3A_255 = arith.constant 128 : i32
          "tpu.region"() ({
            %run_scoped3A = tpu.sem_alloc : memref<!tpu.dma_semaphore, #tpu.memory_space<semaphore_mem>>
            %dma_start3A_256 = arith.constant 0 : i32
            %dma_start3A_257 = arith.constant 0 : i32
            %dma_start3A_258 = tpu.memref_slice %arg18[%dma_start3A_256, %dma_start3A_257] : memref<10112x128xf32, #tpu.memory_space<vmem_shared>> -> memref<10112x128xf32, #tpu.memory_space<vmem_shared>>
            tpu.enqueue_indirect_dma source(%arg16 : memref<128x128xf32, #tpu.memory_space<vmem>>) target(%dma_start3A_258 : memref<10112x128xf32, #tpu.memory_space<vmem_shared>>) offsets(%arg15 : memref<128xi32, #tpu.memory_space<vmem>>) semaphore(%run_scoped3A : memref<!tpu.dma_semaphore, #tpu.memory_space<semaphore_mem>>) {add = true}
            %dma_wait3A_259 = arith.constant 0 : i32
            %dma_wait3A_260 = arith.constant 0 : i32
            %dma_wait3A_261 = tpu.memref_slice %arg18[%dma_wait3A_259, %dma_wait3A_260] : memref<10112x128xf32, #tpu.memory_space<vmem_shared>> -> memref<10112x128xf32, #tpu.memory_space<vmem_shared>>
            tpu.wait_indirect_dma semaphore(%run_scoped3A : memref<!tpu.dma_semaphore, #tpu.memory_space<semaphore_mem>>) src(%arg16 : memref<128x128xf32, #tpu.memory_space<vmem>>) dst(%dma_wait3A_261 : memref<10112x128xf32, #tpu.memory_space<vmem_shared>>)
            tpu.yield
          }) : () -> ()
        } else {
        }
        %scan3A_54 = arith.constant 0 : i32
        scf.yield %scan3A_54 : i32
      }
      %scan3A_47 = arith.constant 16 : i32
      %scan3A_48 = arith.constant 0 : i32
      scf.yield %scan3A_48 : i32
    }
    %scan3A_15 = arith.constant 160 : i32
    %mul3A_16 = arith.constant 632 : i32
    %mul3A_17 = arith.muli %arg1, %mul3A_16 : i32
    %mul3A_18 = arith.constant 16 : i32
    %mul3A_19 = arith.muli %arg0, %mul3A_18 : i32
    %add3A_20 = arith.addi %mul3A_19, %arg1 : i32
    %mul3A_21 = arith.constant 632 : i32
    %mul3A_22 = arith.muli %add3A_20, %mul3A_21 : i32
    "tpu.region"() ({
      %run_scoped3A = tpu.sem_alloc : memref<!tpu.dma_semaphore, #tpu.memory_space<semaphore_mem>>
      %dma_start3A = arith.constant 0 : i32
      %dma_start3A_23 = tpu.memref_slice %arg7[%mul3A_22, %dma_start3A] : memref<20224x128xf32, #tpu.memory_space<hbm>> -> memref<632x128xf32, #tpu.memory_space<hbm>>
      %dma_start3A_24 = arith.constant 0 : i32
      %dma_start3A_25 = tpu.memref_slice %arg18[%mul3A_17, %dma_start3A_24] : memref<10112x128xf32, #tpu.memory_space<vmem_shared>> -> memref<632x128xf32, #tpu.memory_space<vmem_shared>>
      tpu.enqueue_dma source(%dma_start3A_25 : memref<632x128xf32, #tpu.memory_space<vmem_shared>>) target(%dma_start3A_23 : memref<632x128xf32, #tpu.memory_space<hbm>>) target_semaphore(%run_scoped3A : memref<!tpu.dma_semaphore, #tpu.memory_space<semaphore_mem>>)
      %dma_wait3A = arith.constant 0 : i32
      %dma_wait3A_26 = tpu.memref_slice %arg7[%mul3A_22, %dma_wait3A] : memref<20224x128xf32, #tpu.memory_space<hbm>> -> memref<632x128xf32, #tpu.memory_space<hbm>>
      %dma_wait3A_27 = arith.constant 0 : i32
      %dma_wait3A_28 = tpu.memref_slice %arg18[%mul3A_17, %dma_wait3A_27] : memref<10112x128xf32, #tpu.memory_space<vmem_shared>> -> memref<632x128xf32, #tpu.memory_space<vmem_shared>>
      tpu.wait_dma2 semaphore(%run_scoped3A : memref<!tpu.dma_semaphore, #tpu.memory_space<semaphore_mem>>) src(%dma_wait3A_28 : memref<632x128xf32, #tpu.memory_space<vmem_shared>>) dst(%dma_wait3A_26 : memref<632x128xf32, #tpu.memory_space<hbm>>)
      tpu.yield
    }) : () -> ()
    return
  }
}

#map = affine_map<(d0, d1) -> (0, 0)>
#map1 = affine_map<(d0, d1) -> (0)>
module attributes {stable_mosaic.version = 14 : i64} {
  func.func @aggr_kernel(%arg0: i32, %arg1: i32, %arg2: memref<20000x128xf32, #tpu.memory_space<hbm>>, %arg3: memref<640000x128xf32, #tpu.memory_space<hbm>>, %arg4: memref<320000xi32, #tpu.memory_space<hbm>>, %arg5: memref<320000xi32, #tpu.memory_space<hbm>>, %arg6: memref<632x128xf32, #tpu.memory_space<hbm>>, %arg7: memref<20224x128xf32, #tpu.memory_space<hbm>>, %arg8: memref<2000xi32, #tpu.memory_space<vmem>>, %arg9: memref<2000xi32, #tpu.memory_space<vmem>>, %arg10: memref<2048xi32, #tpu.memory_space<vmem>>, %arg11: memref<2048xi32, #tpu.memory_space<vmem>>, %arg12: memref<2048xi32, #tpu.memory_space<vmem>>, %arg13: memref<128xi32, #tpu.memory_space<vmem>>, %arg14: memref<128xi32, #tpu.memory_space<vmem>>, %arg15: memref<128xi32, #tpu.memory_space<vmem>>, %arg16: memref<128x128xf32, #tpu.memory_space<vmem>>, %arg17: memref<128x128xf32, #tpu.memory_space<vmem>>, %arg18: memref<10112x128xf32, #tpu.memory_space<vmem_shared>>, %arg19: memref<!tpu.dma_semaphore, #tpu.memory_space<semaphore_mem>>) attributes {dimension_semantics = [#tpu.dimension_semantics<core_parallel>, #tpu.dimension_semantics<subcore_parallel>], iteration_bounds = array<i64: 2, 16>, scalar_prefetch = 0 : i64, scratch_operands = 12 : i64, tpu.core_type = #tpu.core_type<sc_vector_subcore>, window_params = [{transform_indices = #map}, {transform_indices = #map}, {transform_indices = #map1}, {transform_indices = #map1}, {transform_indices = #map}, {transform_indices = #map}]} {
    %mul3A = arith.constant 632 : i32
    %mul3A_0 = arith.muli %arg1, %mul3A : i32
    "tpu.region"() ({
      %run_scoped3A = tpu.sem_alloc : memref<!tpu.dma_semaphore, #tpu.memory_space<semaphore_mem>>
      %dma_start3A = arith.constant 0 : i32
      %dma_start3A_23 = tpu.memref_slice %arg18[%mul3A_0, %dma_start3A] : memref<10112x128xf32, #tpu.memory_space<vmem_shared>> -> memref<632x128xf32, #tpu.memory_space<vmem_shared>>
      tpu.enqueue_dma source(%arg6 : memref<632x128xf32, #tpu.memory_space<hbm>>) target(%dma_start3A_23 : memref<632x128xf32, #tpu.memory_space<vmem_shared>>) target_semaphore(%run_scoped3A : memref<!tpu.dma_semaphore, #tpu.memory_space<semaphore_mem>>)
      %dma_wait3A = arith.constant 0 : i32
      %dma_wait3A_24 = tpu.memref_slice %arg18[%mul3A_0, %dma_wait3A] : memref<10112x128xf32, #tpu.memory_space<vmem_shared>> -> memref<632x128xf32, #tpu.memory_space<vmem_shared>>
      tpu.wait_dma2 semaphore(%run_scoped3A : memref<!tpu.dma_semaphore, #tpu.memory_space<semaphore_mem>>) src(%arg6 : memref<632x128xf32, #tpu.memory_space<hbm>>) dst(%dma_wait3A_24 : memref<632x128xf32, #tpu.memory_space<vmem_shared>>)
      tpu.yield
    }) : () -> ()
    %mul3A_1 = arith.constant 625 : i32
    %mul3A_2 = arith.muli %arg1, %mul3A_1 : i32
    %mul3A_3 = arith.constant 10000 : i32
    %mul3A_4 = arith.muli %arg0, %mul3A_3 : i32
    %mul3A_5 = arith.constant 320000 : i32
    %mul3A_6 = arith.muli %arg0, %mul3A_5 : i32
    %mul3A_7 = arith.constant 632 : i32
    %mul3A_8 = arith.muli %arg1, %mul3A_7 : i32
    %add3A = arith.constant 625 : i32
    %add3A_9 = arith.addi %mul3A_8, %add3A : i32
    %iota3A = tpu.iota {dimensions = array<i32: 0>} : vector<16xi32>
    %scan3A = arith.constant 0 : i32
    %scan3A_10 = arith.constant 0 : i32
    %scan3A_11 = arith.constant 160 : i32
    %scan3A_12 = arith.addi %scan3A_10, %scan3A_11 : i32
    %scan3A_13 = arith.constant 1 : i32
    %scan3A_14 = scf.for %scan3A_23 = %scan3A_10 to %scan3A_12 step %scan3A_13 iter_args(%scan3A_24 = %scan3A) -> (i32)  : i32 {
      %mul3A_25 = arith.constant 2000 : i32
      %mul3A_26 = arith.muli %scan3A_23, %mul3A_25 : i32
      "tpu.region"() ({
        %run_scoped3A = tpu.sem_alloc : memref<!tpu.dma_semaphore, #tpu.memory_space<semaphore_mem>>
        %dma_start3A = tpu.memref_slice %arg4[%mul3A_26] : memref<320000xi32, #tpu.memory_space<hbm>> -> memref<2000xi32, #tpu.memory_space<hbm>>
        %dma_start3A_49 = tpu.memref_slice %arg4[%mul3A_26] : memref<320000xi32, #tpu.memory_space<hbm>> -> memref<2000xi32, #tpu.memory_space<hbm>>
        tpu.enqueue_dma source(%dma_start3A_49 : memref<2000xi32, #tpu.memory_space<hbm>>) target(%arg8 : memref<2000xi32, #tpu.memory_space<vmem>>) target_semaphore(%run_scoped3A : memref<!tpu.dma_semaphore, #tpu.memory_space<semaphore_mem>>)
        %dma_wait3A = tpu.memref_slice %arg4[%mul3A_26] : memref<320000xi32, #tpu.memory_space<hbm>> -> memref<2000xi32, #tpu.memory_space<hbm>>
        %dma_wait3A_50 = tpu.memref_slice %arg4[%mul3A_26] : memref<320000xi32, #tpu.memory_space<hbm>> -> memref<2000xi32, #tpu.memory_space<hbm>>
        tpu.wait_dma2 semaphore(%run_scoped3A : memref<!tpu.dma_semaphore, #tpu.memory_space<semaphore_mem>>) src(%dma_wait3A_50 : memref<2000xi32, #tpu.memory_space<hbm>>) dst(%arg8 : memref<2000xi32, #tpu.memory_space<vmem>>)
        tpu.yield
      }) : () -> ()
      "tpu.region"() ({
        %run_scoped3A = tpu.sem_alloc : memref<!tpu.dma_semaphore, #tpu.memory_space<semaphore_mem>>
        %dma_start3A = tpu.memref_slice %arg5[%mul3A_26] : memref<320000xi32, #tpu.memory_space<hbm>> -> memref<2000xi32, #tpu.memory_space<hbm>>
        %dma_start3A_49 = tpu.memref_slice %arg5[%mul3A_26] : memref<320000xi32, #tpu.memory_space<hbm>> -> memref<2000xi32, #tpu.memory_space<hbm>>
        tpu.enqueue_dma source(%dma_start3A_49 : memref<2000xi32, #tpu.memory_space<hbm>>) target(%arg9 : memref<2000xi32, #tpu.memory_space<vmem>>) target_semaphore(%run_scoped3A : memref<!tpu.dma_semaphore, #tpu.memory_space<semaphore_mem>>)
        %dma_wait3A = tpu.memref_slice %arg5[%mul3A_26] : memref<320000xi32, #tpu.memory_space<hbm>> -> memref<2000xi32, #tpu.memory_space<hbm>>
        %dma_wait3A_50 = tpu.memref_slice %arg5[%mul3A_26] : memref<320000xi32, #tpu.memory_space<hbm>> -> memref<2000xi32, #tpu.memory_space<hbm>>
        tpu.wait_dma2 semaphore(%run_scoped3A : memref<!tpu.dma_semaphore, #tpu.memory_space<semaphore_mem>>) src(%dma_wait3A_50 : memref<2000xi32, #tpu.memory_space<hbm>>) dst(%arg9 : memref<2000xi32, #tpu.memory_space<vmem>>)
        tpu.yield
      }) : () -> ()
      %scan3A_27 = arith.constant 0 : i32
      %scan3A_28 = arith.constant 0 : i32
      %scan3A_29 = arith.constant 125 : i32
      %scan3A_30 = arith.addi %scan3A_28, %scan3A_29 : i32
      %scan3A_31 = arith.constant 1 : i32
      %scan3A_32 = scf.for %scan3A_49 = %scan3A_28 to %scan3A_30 step %scan3A_31 iter_args(%scan3A_50 = %scan3A_27) -> (i32)  : i32 {
        %mul3A_51 = arith.constant 16 : i32
        %mul3A_52 = arith.muli %scan3A_49, %mul3A_51 : i32
        %get3A = arith.index_cast %mul3A_52 : i32 to index
        %get3A_53 = tpu.vector_load %arg9[%get3A] {strides = array<i32>} : memref<2000xi32, #tpu.memory_space<vmem>>, vector<16xi32>,
        %get3A_54 = vector.shape_cast %get3A_53 : vector<16xi32> to vector<16xi32>
        %get3A_55 = arith.index_cast %mul3A_52 : i32 to index
        %get3A_56 = tpu.vector_load %arg8[%get3A_55] {strides = array<i32>} : memref<2000xi32, #tpu.memory_space<vmem>>, vector<16xi32>,
        %get3A_57 = vector.shape_cast %get3A_56 : vector<16xi32> to vector<16xi32>
        %ge3A = vector.broadcast %mul3A_2 : i32 to vector<16xi32>
        %ge3A_58 = arith.cmpi sge, %get3A_54, %ge3A : vector<16xi32>
        %add3A_59 = arith.constant 625 : i32
        %add3A_60 = arith.addi %mul3A_2, %add3A_59 : i32
        %lt3A = vector.broadcast %add3A_60 : i32 to vector<16xi32>
        %lt3A_61 = arith.cmpi slt, %get3A_54, %lt3A : vector<16xi32>
        %and3A = arith.andi %ge3A_58, %lt3A_61 : vector<16xi1>
        %add3A_62 = vector.broadcast %mul3A_4 : i32 to vector<16xi32>
        %add3A_63 = arith.addi %get3A_57, %add3A_62 : vector<16xi32>
        %swap3A = arith.index_cast %mul3A_52 : i32 to index
        %swap3A_64 = tpu.vector_load %arg10[%swap3A] {strides = array<i32>} : memref<2048xi32, #tpu.memory_space<vmem>>, vector<16xi32>,
        %swap3A_65 = vector.shape_cast %swap3A_64 : vector<16xi32> to vector<16xi32>
        %swap3A_66 = vector.shape_cast %add3A_63 : vector<16xi32> to vector<16xi32>
        tpu.vector_store %arg10[%swap3A], %swap3A_66 {strides = array<i32>} : memref<2048xi32, #tpu.memory_space<vmem>>, vector<16xi32>,
        %mul3A_67 = arith.constant 16 : i32
        %mul3A_68 = arith.muli %scan3A_49, %mul3A_67 : i32
        %add3A_69 = arith.addi %mul3A_26, %mul3A_68 : i32
        %add3A_70 = arith.addi %add3A_69, %mul3A_6 : i32
        %add3A_71 = vector.broadcast %add3A_70 : i32 to vector<16xi32>
        %add3A_72 = arith.addi %iota3A, %add3A_71 : vector<16xi32>
        %swap3A_73 = arith.index_cast %mul3A_52 : i32 to index
        %swap3A_74 = tpu.vector_load %arg11[%swap3A_73] {strides = array<i32>} : memref<2048xi32, #tpu.memory_space<vmem>>, vector<16xi32>,
        %swap3A_75 = vector.shape_cast %swap3A_74 : vector<16xi32> to vector<16xi32>
        %swap3A_76 = vector.shape_cast %add3A_72 : vector<16xi32> to vector<16xi32>
        tpu.vector_store %arg11[%swap3A_73], %swap3A_76 {strides = array<i32>} : memref<2048xi32, #tpu.memory_space<vmem>>, vector<16xi32>,
        %sub3A = vector.broadcast %mul3A_2 : i32 to vector<16xi32>
        %sub3A_77 = arith.subi %get3A_54, %sub3A : vector<16xi32>
        %add3A_78 = vector.broadcast %mul3A_8 : i32 to vector<16xi32>
        %add3A_79 = arith.addi %sub3A_77, %add3A_78 : vector<16xi32>
        %broadcast_in_dim3A = vector.broadcast %add3A_9 : i32 to vector<16xi32>
        %select_n3A = arith.select %and3A, %add3A_79, %broadcast_in_dim3A : vector<16xi1>, vector<16xi32>
        %swap3A_80 = arith.index_cast %mul3A_52 : i32 to index
        %swap3A_81 = tpu.vector_load %arg12[%swap3A_80] {strides = array<i32>} : memref<2048xi32, #tpu.memory_space<vmem>>, vector<16xi32>,
        %swap3A_82 = vector.shape_cast %swap3A_81 : vector<16xi32> to vector<16xi32>
        %swap3A_83 = vector.shape_cast %select_n3A : vector<16xi32> to vector<16xi32>
        tpu.vector_store %arg12[%swap3A_80], %swap3A_83 {strides = array<i32>} : memref<2048xi32, #tpu.memory_space<vmem>>, vector<16xi32>,
        %add3A_84 = arith.constant 16 : i32
        %add3A_85 = arith.addi %scan3A_50, %add3A_84 : i32
        scf.yield %add3A_85 : i32
      }
      %scan3A_33 = arith.constant 125 : i32
      %scan3A_34 = arith.constant 0 : i32
      %scan3A_35 = arith.constant 0 : i32
      %scan3A_36 = arith.constant 128 : i32
      %scan3A_37 = arith.addi %scan3A_35, %scan3A_36 : i32
      %scan3A_38 = arith.constant 1 : i32
      %scan3A_39 = scf.for %scan3A_49 = %scan3A_35 to %scan3A_37 step %scan3A_38 iter_args(%scan3A_50 = %scan3A_34) -> (i32)  : i32 {
        %mul3A_51 = arith.constant 16 : i32
        %mul3A_52 = arith.muli %scan3A_49, %mul3A_51 : i32
        %mul3A_53 = arith.constant 16 : i32
        %mul3A_54 = arith.muli %scan3A_49, %mul3A_53 : i32
        %add3A_55 = vector.broadcast %mul3A_54 : i32 to vector<16xi32>
        %add3A_56 = arith.addi %iota3A, %add3A_55 : vector<16xi32>
        %lt3A = vector.broadcast %scan3A_32 : i32 to vector<16xi32>
        %lt3A_57 = arith.cmpi slt, %add3A_56, %lt3A : vector<16xi32>
        %get3A = arith.index_cast %mul3A_52 : i32 to index
        %get3A_58 = tpu.vector_load %arg10[%get3A] {strides = array<i32>} : memref<2048xi32, #tpu.memory_space<vmem>>, vector<16xi32>,
        %get3A_59 = vector.shape_cast %get3A_58 : vector<16xi32> to vector<16xi32>
        %jit3A = arith.constant 0 : i32
        %broadcast_in_dim3A = vector.broadcast %jit3A : i32 to vector<16xi32>
        %select_n3A = arith.select %lt3A_57, %get3A_59, %broadcast_in_dim3A : vector<16xi1>, vector<16xi32>
        %swap3A = arith.index_cast %mul3A_52 : i32 to index
        %swap3A_60 = tpu.vector_load %arg10[%swap3A] {strides = array<i32>} : memref<2048xi32, #tpu.memory_space<vmem>>, vector<16xi32>,
        %swap3A_61 = vector.shape_cast %swap3A_60 : vector<16xi32> to vector<16xi32>
        %swap3A_62 = vector.shape_cast %select_n3A : vector<16xi32> to vector<16xi32>
        tpu.vector_store %arg10[%swap3A], %swap3A_62 {strides = array<i32>} : memref<2048xi32, #tpu.memory_space<vmem>>, vector<16xi32>,
        %get3A_63 = arith.index_cast %mul3A_52 : i32 to index
        %get3A_64 = tpu.vector_load %arg11[%get3A_63] {strides = array<i32>} : memref<2048xi32, #tpu.memory_space<vmem>>, vector<16xi32>,
        %get3A_65 = vector.shape_cast %get3A_64 : vector<16xi32> to vector<16xi32>
        %jit3A_66 = arith.constant 0 : i32
        %broadcast_in_dim3A_67 = vector.broadcast %jit3A_66 : i32 to vector<16xi32>
        %select_n3A_68 = arith.select %lt3A_57, %get3A_65, %broadcast_in_dim3A_67 : vector<16xi1>, vector<16xi32>
        %swap3A_69 = arith.index_cast %mul3A_52 : i32 to index
        %swap3A_70 = tpu.vector_load %arg11[%swap3A_69] {strides = array<i32>} : memref<2048xi32, #tpu.memory_space<vmem>>, vector<16xi32>,
        %swap3A_71 = vector.shape_cast %swap3A_70 : vector<16xi32> to vector<16xi32>
        %swap3A_72 = vector.shape_cast %select_n3A_68 : vector<16xi32> to vector<16xi32>
        tpu.vector_store %arg11[%swap3A_69], %swap3A_72 {strides = array<i32>} : memref<2048xi32, #tpu.memory_space<vmem>>, vector<16xi32>,
        %get3A_73 = arith.index_cast %mul3A_52 : i32 to index
        %get3A_74 = tpu.vector_load %arg12[%get3A_73] {strides = array<i32>} : memref<2048xi32, #tpu.memory_space<vmem>>, vector<16xi32>,
        %get3A_75 = vector.shape_cast %get3A_74 : vector<16xi32> to vector<16xi32>
        %broadcast_in_dim3A_76 = vector.broadcast %add3A_9 : i32 to vector<16xi32>
        %select_n3A_77 = arith.select %lt3A_57, %get3A_75, %broadcast_in_dim3A_76 : vector<16xi1>, vector<16xi32>
        %swap3A_78 = arith.index_cast %mul3A_52 : i32 to index
        %swap3A_79 = tpu.vector_load %arg12[%swap3A_78] {strides = array<i32>} : memref<2048xi32, #tpu.memory_space<vmem>>, vector<16xi32>,
        %swap3A_80 = vector.shape_cast %swap3A_79 : vector<16xi32> to vector<16xi32>
        %swap3A_81 = vector.shape_cast %select_n3A_77 : vector<16xi32> to vector<16xi32>
        tpu.vector_store %arg12[%swap3A_78], %swap3A_81 {strides = array<i32>} : memref<2048xi32, #tpu.memory_space<vmem>>, vector<16xi32>,
        %scan3A_82 = arith.constant 0 : i32
        scf.yield %scan3A_82 : i32
      }
      %scan3A_40 = arith.constant 128 : i32
      %scan3A_41 = arith.constant 0 : i32
      %scan3A_42 = arith.constant 0 : i32
      %scan3A_43 = arith.constant 16 : i32
      %scan3A_44 = arith.addi %scan3A_42, %scan3A_43 : i32
      %scan3A_45 = arith.constant 1 : i32
      %scan3A_46 = scf.for %scan3A_49 = %scan3A_42 to %scan3A_44 step %scan3A_45 iter_args(%scan3A_50 = %scan3A_41) -> (i32)  : i32 {
        %mul3A_51 = arith.constant 128 : i32
        %mul3A_52 = arith.muli %scan3A_49, %mul3A_51 : i32
        %lt3A = arith.cmpi slt, %mul3A_52, %scan3A_32 : i32
        %convert_element_type3A = arith.extui %lt3A : i1 to i32
        %cond3A = arith.constant 0 : i32
        %cond3A_53 = arith.cmpi ne, %convert_element_type3A, %cond3A : i32
        scf.if %cond3A_53 {
          %mul3A_55 = arith.constant 128 : i32
          %mul3A_56 = arith.muli %scan3A_49, %mul3A_55 : i32
          %add3A_57 = arith.constant 0 : i32
          %add3A_58 = arith.addi %mul3A_56, %add3A_57 : i32
          %get3A = arith.index_cast %add3A_58 : i32 to index
          %get3A_59 = tpu.vector_load %arg10[%get3A] {strides = array<i32>} : memref<2048xi32, #tpu.memory_space<vmem>>, vector<16xi32>,
          %get3A_60 = vector.shape_cast %get3A_59 : vector<16xi32> to vector<16xi32>
          %swap3A = arith.constant 0 : index
          %swap3A_61 = tpu.vector_load %arg13[%swap3A] {strides = array<i32>} : memref<128xi32, #tpu.memory_space<vmem>>, vector<16xi32>,
          %swap3A_62 = vector.shape_cast %swap3A_61 : vector<16xi32> to vector<16xi32>
          %swap3A_63 = vector.shape_cast %get3A_60 : vector<16xi32> to vector<16xi32>
          tpu.vector_store %arg13[%swap3A], %swap3A_63 {strides = array<i32>} : memref<128xi32, #tpu.memory_space<vmem>>, vector<16xi32>,
          %get3A_64 = arith.index_cast %add3A_58 : i32 to index
          %get3A_65 = tpu.vector_load %arg11[%get3A_64] {strides = array<i32>} : memref<2048xi32, #tpu.memory_space<vmem>>, vector<16xi32>,
          %get3A_66 = vector.shape_cast %get3A_65 : vector<16xi32> to vector<16xi32>
          %swap3A_67 = arith.constant 0 : index
          %swap3A_68 = tpu.vector_load %arg14[%swap3A_67] {strides = array<i32>} : memref<128xi32, #tpu.memory_space<vmem>>, vector<16xi32>,
          %swap3A_69 = vector.shape_cast %swap3A_68 : vector<16xi32> to vector<16xi32>
          %swap3A_70 = vector.shape_cast %get3A_66 : vector<16xi32> to vector<16xi32>
          tpu.vector_store %arg14[%swap3A_67], %swap3A_70 {strides = array<i32>} : memref<128xi32, #tpu.memory_space<vmem>>, vector<16xi32>,
          %get3A_71 = arith.index_cast %add3A_58 : i32 to index
          %get3A_72 = tpu.vector_load %arg12[%get3A_71] {strides = array<i32>} : memref<2048xi32, #tpu.memory_space<vmem>>, vector<16xi32>,
          %get3A_73 = vector.shape_cast %get3A_72 : vector<16xi32> to vector<16xi32>
          %swap3A_74 = arith.constant 0 : index
          %swap3A_75 = tpu.vector_load %arg15[%swap3A_74] {strides = array<i32>} : memref<128xi32, #tpu.memory_space<vmem>>, vector<16xi32>,
          %swap3A_76 = vector.shape_cast %swap3A_75 : vector<16xi32> to vector<16xi32>
          %swap3A_77 = vector.shape_cast %get3A_73 : vector<16xi32> to vector<16xi32>
          tpu.vector_store %arg15[%swap3A_74], %swap3A_77 {strides = array<i32>} : memref<128xi32, #tpu.memory_space<vmem>>, vector<16xi32>,
          %add3A_78 = arith.constant 16 : i32
          %add3A_79 = arith.addi %mul3A_56, %add3A_78 : i32
          %get3A_80 = arith.index_cast %add3A_79 : i32 to index
          %get3A_81 = tpu.vector_load %arg10[%get3A_80] {strides = array<i32>} : memref<2048xi32, #tpu.memory_space<vmem>>, vector<16xi32>,
          %get3A_82 = vector.shape_cast %get3A_81 : vector<16xi32> to vector<16xi32>
          %swap3A_83 = arith.constant 16 : index
          %swap3A_84 = tpu.vector_load %arg13[%swap3A_83] {strides = array<i32>} : memref<128xi32, #tpu.memory_space<vmem>>, vector<16xi32>,
          %swap3A_85 = vector.shape_cast %swap3A_84 : vector<16xi32> to vector<16xi32>
          %swap3A_86 = vector.shape_cast %get3A_82 : vector<16xi32> to vector<16xi32>
          tpu.vector_store %arg13[%swap3A_83], %swap3A_86 {strides = array<i32>} : memref<128xi32, #tpu.memory_space<vmem>>, vector<16xi32>,
          %get3A_87 = arith.index_cast %add3A_79 : i32 to index
          %get3A_88 = tpu.vector_load %arg11[%get3A_87] {strides = array<i32>} : memref<2048xi32, #tpu.memory_space<vmem>>, vector<16xi32>,
          %get3A_89 = vector.shape_cast %get3A_88 : vector<16xi32> to vector<16xi32>
          %swap3A_90 = arith.constant 16 : index
          %swap3A_91 = tpu.vector_load %arg14[%swap3A_90] {strides = array<i32>} : memref<128xi32, #tpu.memory_space<vmem>>, vector<16xi32>,
          %swap3A_92 = vector.shape_cast %swap3A_91 : vector<16xi32> to vector<16xi32>
          %swap3A_93 = vector.shape_cast %get3A_89 : vector<16xi32> to vector<16xi32>
          tpu.vector_store %arg14[%swap3A_90], %swap3A_93 {strides = array<i32>} : memref<128xi32, #tpu.memory_space<vmem>>, vector<16xi32>,
          %get3A_94 = arith.index_cast %add3A_79 : i32 to index
          %get3A_95 = tpu.vector_load %arg12[%get3A_94] {strides = array<i32>} : memref<2048xi32, #tpu.memory_space<vmem>>, vector<16xi32>,
          %get3A_96 = vector.shape_cast %get3A_95 : vector<16xi32> to vector<16xi32>
          %swap3A_97 = arith.constant 16 : index
          %swap3A_98 = tpu.vector_load %arg15[%swap3A_97] {strides = array<i32>} : memref<128xi32, #tpu.memory_space<vmem>>, vector<16xi32>,
          %swap3A_99 = vector.shape_cast %swap3A_98 : vector<16xi32> to vector<16xi32>
          %swap3A_100 = vector.shape_cast %get3A_96 : vector<16xi32> to vector<16xi32>
          tpu.vector_store %arg15[%swap3A_97], %swap3A_100 {strides = array<i32>} : memref<128xi32, #tpu.memory_space<vmem>>, vector<16xi32>,
          %add3A_101 = arith.constant 32 : i32
          %add3A_102 = arith.addi %mul3A_56, %add3A_101 : i32
          %get3A_103 = arith.index_cast %add3A_102 : i32 to index
          %get3A_104 = tpu.vector_load %arg10[%get3A_103] {strides = array<i32>} : memref<2048xi32, #tpu.memory_space<vmem>>, vector<16xi32>,
          %get3A_105 = vector.shape_cast %get3A_104 : vector<16xi32> to vector<16xi32>
          %swap3A_106 = arith.constant 32 : index
          %swap3A_107 = tpu.vector_load %arg13[%swap3A_106] {strides = array<i32>} : memref<128xi32, #tpu.memory_space<vmem>>, vector<16xi32>,
          %swap3A_108 = vector.shape_cast %swap3A_107 : vector<16xi32> to vector<16xi32>
          %swap3A_109 = vector.shape_cast %get3A_105 : vector<16xi32> to vector<16xi32>
          tpu.vector_store %arg13[%swap3A_106], %swap3A_109 {strides = array<i32>} : memref<128xi32, #tpu.memory_space<vmem>>, vector<16xi32>,
          %get3A_110 = arith.index_cast %add3A_102 : i32 to index
          %get3A_111 = tpu.vector_load %arg11[%get3A_110] {strides = array<i32>} : memref<2048xi32, #tpu.memory_space<vmem>>, vector<16xi32>,
          %get3A_112 = vector.shape_cast %get3A_111 : vector<16xi32> to vector<16xi32>
          %swap3A_113 = arith.constant 32 : index
          %swap3A_114 = tpu.vector_load %arg14[%swap3A_113] {strides = array<i32>} : memref<128xi32, #tpu.memory_space<vmem>>, vector<16xi32>,
          %swap3A_115 = vector.shape_cast %swap3A_114 : vector<16xi32> to vector<16xi32>
          %swap3A_116 = vector.shape_cast %get3A_112 : vector<16xi32> to vector<16xi32>
          tpu.vector_store %arg14[%swap3A_113], %swap3A_116 {strides = array<i32>} : memref<128xi32, #tpu.memory_space<vmem>>, vector<16xi32>,
          %get3A_117 = arith.index_cast %add3A_102 : i32 to index
          %get3A_118 = tpu.vector_load %arg12[%get3A_117] {strides = array<i32>} : memref<2048xi32, #tpu.memory_space<vmem>>, vector<16xi32>,
          %get3A_119 = vector.shape_cast %get3A_118 : vector<16xi32> to vector<16xi32>
          %swap3A_120 = arith.constant 32 : index
          %swap3A_121 = tpu.vector_load %arg15[%swap3A_120] {strides = array<i32>} : memref<128xi32, #tpu.memory_space<vmem>>, vector<16xi32>,
          %swap3A_122 = vector.shape_cast %swap3A_121 : vector<16xi32> to vector<16xi32>
          %swap3A_123 = vector.shape_cast %get3A_119 : vector<16xi32> to vector<16xi32>
          tpu.vector_store %arg15[%swap3A_120], %swap3A_123 {strides = array<i32>} : memref<128xi32, #tpu.memory_space<vmem>>, vector<16xi32>,
          %add3A_124 = arith.constant 48 : i32
          %add3A_125 = arith.addi %mul3A_56, %add3A_124 : i32
          %get3A_126 = arith.index_cast %add3A_125 : i32 to index
          %get3A_127 = tpu.vector_load %arg10[%get3A_126] {strides = array<i32>} : memref<2048xi32, #tpu.memory_space<vmem>>, vector<16xi32>,
          %get3A_128 = vector.shape_cast %get3A_127 : vector<16xi32> to vector<16xi32>
          %swap3A_129 = arith.constant 48 : index
          %swap3A_130 = tpu.vector_load %arg13[%swap3A_129] {strides = array<i32>} : memref<128xi32, #tpu.memory_space<vmem>>, vector<16xi32>,
          %swap3A_131 = vector.shape_cast %swap3A_130 : vector<16xi32> to vector<16xi32>
          %swap3A_132 = vector.shape_cast %get3A_128 : vector<16xi32> to vector<16xi32>
          tpu.vector_store %arg13[%swap3A_129], %swap3A_132 {strides = array<i32>} : memref<128xi32, #tpu.memory_space<vmem>>, vector<16xi32>,
          %get3A_133 = arith.index_cast %add3A_125 : i32 to index
          %get3A_134 = tpu.vector_load %arg11[%get3A_133] {strides = array<i32>} : memref<2048xi32, #tpu.memory_space<vmem>>, vector<16xi32>,
          %get3A_135 = vector.shape_cast %get3A_134 : vector<16xi32> to vector<16xi32>
          %swap3A_136 = arith.constant 48 : index
          %swap3A_137 = tpu.vector_load %arg14[%swap3A_136] {strides = array<i32>} : memref<128xi32, #tpu.memory_space<vmem>>, vector<16xi32>,
          %swap3A_138 = vector.shape_cast %swap3A_137 : vector<16xi32> to vector<16xi32>
          %swap3A_139 = vector.shape_cast %get3A_135 : vector<16xi32> to vector<16xi32>
          tpu.vector_store %arg14[%swap3A_136], %swap3A_139 {strides = array<i32>} : memref<128xi32, #tpu.memory_space<vmem>>, vector<16xi32>,
          %get3A_140 = arith.index_cast %add3A_125 : i32 to index
          %get3A_141 = tpu.vector_load %arg12[%get3A_140] {strides = array<i32>} : memref<2048xi32, #tpu.memory_space<vmem>>, vector<16xi32>,
          %get3A_142 = vector.shape_cast %get3A_141 : vector<16xi32> to vector<16xi32>
          %swap3A_143 = arith.constant 48 : index
          %swap3A_144 = tpu.vector_load %arg15[%swap3A_143] {strides = array<i32>} : memref<128xi32, #tpu.memory_space<vmem>>, vector<16xi32>,
          %swap3A_145 = vector.shape_cast %swap3A_144 : vector<16xi32> to vector<16xi32>
          %swap3A_146 = vector.shape_cast %get3A_142 : vector<16xi32> to vector<16xi32>
          tpu.vector_store %arg15[%swap3A_143], %swap3A_146 {strides = array<i32>} : memref<128xi32, #tpu.memory_space<vmem>>, vector<16xi32>,
          %add3A_147 = arith.constant 64 : i32
          %add3A_148 = arith.addi %mul3A_56, %add3A_147 : i32
          %get3A_149 = arith.index_cast %add3A_148 : i32 to index
          %get3A_150 = tpu.vector_load %arg10[%get3A_149] {strides = array<i32>} : memref<2048xi32, #tpu.memory_space<vmem>>, vector<16xi32>,
          %get3A_151 = vector.shape_cast %get3A_150 : vector<16xi32> to vector<16xi32>
          %swap3A_152 = arith.constant 64 : index
          %swap3A_153 = tpu.vector_load %arg13[%swap3A_152] {strides = array<i32>} : memref<128xi32, #tpu.memory_space<vmem>>, vector<16xi32>,
          %swap3A_154 = vector.shape_cast %swap3A_153 : vector<16xi32> to vector<16xi32>
          %swap3A_155 = vector.shape_cast %get3A_151 : vector<16xi32> to vector<16xi32>
          tpu.vector_store %arg13[%swap3A_152], %swap3A_155 {strides = array<i32>} : memref<128xi32, #tpu.memory_space<vmem>>, vector<16xi32>,
          %get3A_156 = arith.index_cast %add3A_148 : i32 to index
          %get3A_157 = tpu.vector_load %arg11[%get3A_156] {strides = array<i32>} : memref<2048xi32, #tpu.memory_space<vmem>>, vector<16xi32>,
          %get3A_158 = vector.shape_cast %get3A_157 : vector<16xi32> to vector<16xi32>
          %swap3A_159 = arith.constant 64 : index
          %swap3A_160 = tpu.vector_load %arg14[%swap3A_159] {strides = array<i32>} : memref<128xi32, #tpu.memory_space<vmem>>, vector<16xi32>,
          %swap3A_161 = vector.shape_cast %swap3A_160 : vector<16xi32> to vector<16xi32>
          %swap3A_162 = vector.shape_cast %get3A_158 : vector<16xi32> to vector<16xi32>
          tpu.vector_store %arg14[%swap3A_159], %swap3A_162 {strides = array<i32>} : memref<128xi32, #tpu.memory_space<vmem>>, vector<16xi32>,
          %get3A_163 = arith.index_cast %add3A_148 : i32 to index
          %get3A_164 = tpu.vector_load %arg12[%get3A_163] {strides = array<i32>} : memref<2048xi32, #tpu.memory_space<vmem>>, vector<16xi32>,
          %get3A_165 = vector.shape_cast %get3A_164 : vector<16xi32> to vector<16xi32>
          %swap3A_166 = arith.constant 64 : index
          %swap3A_167 = tpu.vector_load %arg15[%swap3A_166] {strides = array<i32>} : memref<128xi32, #tpu.memory_space<vmem>>, vector<16xi32>,
          %swap3A_168 = vector.shape_cast %swap3A_167 : vector<16xi32> to vector<16xi32>
          %swap3A_169 = vector.shape_cast %get3A_165 : vector<16xi32> to vector<16xi32>
          tpu.vector_store %arg15[%swap3A_166], %swap3A_169 {strides = array<i32>} : memref<128xi32, #tpu.memory_space<vmem>>, vector<16xi32>,
          %add3A_170 = arith.constant 80 : i32
          %add3A_171 = arith.addi %mul3A_56, %add3A_170 : i32
          %get3A_172 = arith.index_cast %add3A_171 : i32 to index
          %get3A_173 = tpu.vector_load %arg10[%get3A_172] {strides = array<i32>} : memref<2048xi32, #tpu.memory_space<vmem>>, vector<16xi32>,
          %get3A_174 = vector.shape_cast %get3A_173 : vector<16xi32> to vector<16xi32>
          %swap3A_175 = arith.constant 80 : index
          %swap3A_176 = tpu.vector_load %arg13[%swap3A_175] {strides = array<i32>} : memref<128xi32, #tpu.memory_space<vmem>>, vector<16xi32>,
          %swap3A_177 = vector.shape_cast %swap3A_176 : vector<16xi32> to vector<16xi32>
          %swap3A_178 = vector.shape_cast %get3A_174 : vector<16xi32> to vector<16xi32>
          tpu.vector_store %arg13[%swap3A_175], %swap3A_178 {strides = array<i32>} : memref<128xi32, #tpu.memory_space<vmem>>, vector<16xi32>,
          %get3A_179 = arith.index_cast %add3A_171 : i32 to index
          %get3A_180 = tpu.vector_load %arg11[%get3A_179] {strides = array<i32>} : memref<2048xi32, #tpu.memory_space<vmem>>, vector<16xi32>,
          %get3A_181 = vector.shape_cast %get3A_180 : vector<16xi32> to vector<16xi32>
          %swap3A_182 = arith.constant 80 : index
          %swap3A_183 = tpu.vector_load %arg14[%swap3A_182] {strides = array<i32>} : memref<128xi32, #tpu.memory_space<vmem>>, vector<16xi32>,
          %swap3A_184 = vector.shape_cast %swap3A_183 : vector<16xi32> to vector<16xi32>
          %swap3A_185 = vector.shape_cast %get3A_181 : vector<16xi32> to vector<16xi32>
          tpu.vector_store %arg14[%swap3A_182], %swap3A_185 {strides = array<i32>} : memref<128xi32, #tpu.memory_space<vmem>>, vector<16xi32>,
          %get3A_186 = arith.index_cast %add3A_171 : i32 to index
          %get3A_187 = tpu.vector_load %arg12[%get3A_186] {strides = array<i32>} : memref<2048xi32, #tpu.memory_space<vmem>>, vector<16xi32>,
          %get3A_188 = vector.shape_cast %get3A_187 : vector<16xi32> to vector<16xi32>
          %swap3A_189 = arith.constant 80 : index
          %swap3A_190 = tpu.vector_load %arg15[%swap3A_189] {strides = array<i32>} : memref<128xi32, #tpu.memory_space<vmem>>, vector<16xi32>,
          %swap3A_191 = vector.shape_cast %swap3A_190 : vector<16xi32> to vector<16xi32>
          %swap3A_192 = vector.shape_cast %get3A_188 : vector<16xi32> to vector<16xi32>
          tpu.vector_store %arg15[%swap3A_189], %swap3A_192 {strides = array<i32>} : memref<128xi32, #tpu.memory_space<vmem>>, vector<16xi32>,
          %add3A_193 = arith.constant 96 : i32
          %add3A_194 = arith.addi %mul3A_56, %add3A_193 : i32
          %get3A_195 = arith.index_cast %add3A_194 : i32 to index
          %get3A_196 = tpu.vector_load %arg10[%get3A_195] {strides = array<i32>} : memref<2048xi32, #tpu.memory_space<vmem>>, vector<16xi32>,
          %get3A_197 = vector.shape_cast %get3A_196 : vector<16xi32> to vector<16xi32>
          %swap3A_198 = arith.constant 96 : index
          %swap3A_199 = tpu.vector_load %arg13[%swap3A_198] {strides = array<i32>} : memref<128xi32, #tpu.memory_space<vmem>>, vector<16xi32>,
          %swap3A_200 = vector.shape_cast %swap3A_199 : vector<16xi32> to vector<16xi32>
          %swap3A_201 = vector.shape_cast %get3A_197 : vector<16xi32> to vector<16xi32>
          tpu.vector_store %arg13[%swap3A_198], %swap3A_201 {strides = array<i32>} : memref<128xi32, #tpu.memory_space<vmem>>, vector<16xi32>,
          %get3A_202 = arith.index_cast %add3A_194 : i32 to index
          %get3A_203 = tpu.vector_load %arg11[%get3A_202] {strides = array<i32>} : memref<2048xi32, #tpu.memory_space<vmem>>, vector<16xi32>,
          %get3A_204 = vector.shape_cast %get3A_203 : vector<16xi32> to vector<16xi32>
          %swap3A_205 = arith.constant 96 : index
          %swap3A_206 = tpu.vector_load %arg14[%swap3A_205] {strides = array<i32>} : memref<128xi32, #tpu.memory_space<vmem>>, vector<16xi32>,
          %swap3A_207 = vector.shape_cast %swap3A_206 : vector<16xi32> to vector<16xi32>
          %swap3A_208 = vector.shape_cast %get3A_204 : vector<16xi32> to vector<16xi32>
          tpu.vector_store %arg14[%swap3A_205], %swap3A_208 {strides = array<i32>} : memref<128xi32, #tpu.memory_space<vmem>>, vector<16xi32>,
          %get3A_209 = arith.index_cast %add3A_194 : i32 to index
          %get3A_210 = tpu.vector_load %arg12[%get3A_209] {strides = array<i32>} : memref<2048xi32, #tpu.memory_space<vmem>>, vector<16xi32>,
          %get3A_211 = vector.shape_cast %get3A_210 : vector<16xi32> to vector<16xi32>
          %swap3A_212 = arith.constant 96 : index
          %swap3A_213 = tpu.vector_load %arg15[%swap3A_212] {strides = array<i32>} : memref<128xi32, #tpu.memory_space<vmem>>, vector<16xi32>,
          %swap3A_214 = vector.shape_cast %swap3A_213 : vector<16xi32> to vector<16xi32>
          %swap3A_215 = vector.shape_cast %get3A_211 : vector<16xi32> to vector<16xi32>
          tpu.vector_store %arg15[%swap3A_212], %swap3A_215 {strides = array<i32>} : memref<128xi32, #tpu.memory_space<vmem>>, vector<16xi32>,
          %add3A_216 = arith.constant 112 : i32
          %add3A_217 = arith.addi %mul3A_56, %add3A_216 : i32
          %get3A_218 = arith.index_cast %add3A_217 : i32 to index
          %get3A_219 = tpu.vector_load %arg10[%get3A_218] {strides = array<i32>} : memref<2048xi32, #tpu.memory_space<vmem>>, vector<16xi32>,
          %get3A_220 = vector.shape_cast %get3A_219 : vector<16xi32> to vector<16xi32>
          %swap3A_221 = arith.constant 112 : index
          %swap3A_222 = tpu.vector_load %arg13[%swap3A_221] {strides = array<i32>} : memref<128xi32, #tpu.memory_space<vmem>>, vector<16xi32>,
          %swap3A_223 = vector.shape_cast %swap3A_222 : vector<16xi32> to vector<16xi32>
          %swap3A_224 = vector.shape_cast %get3A_220 : vector<16xi32> to vector<16xi32>
          tpu.vector_store %arg13[%swap3A_221], %swap3A_224 {strides = array<i32>} : memref<128xi32, #tpu.memory_space<vmem>>, vector<16xi32>,
          %get3A_225 = arith.index_cast %add3A_217 : i32 to index
          %get3A_226 = tpu.vector_load %arg11[%get3A_225] {strides = array<i32>} : memref<2048xi32, #tpu.memory_space<vmem>>, vector<16xi32>,
          %get3A_227 = vector.shape_cast %get3A_226 : vector<16xi32> to vector<16xi32>
          %swap3A_228 = arith.constant 112 : index
          %swap3A_229 = tpu.vector_load %arg14[%swap3A_228] {strides = array<i32>} : memref<128xi32, #tpu.memory_space<vmem>>, vector<16xi32>,
          %swap3A_230 = vector.shape_cast %swap3A_229 : vector<16xi32> to vector<16xi32>
          %swap3A_231 = vector.shape_cast %get3A_227 : vector<16xi32> to vector<16xi32>
          tpu.vector_store %arg14[%swap3A_228], %swap3A_231 {strides = array<i32>} : memref<128xi32, #tpu.memory_space<vmem>>, vector<16xi32>,
          %get3A_232 = arith.index_cast %add3A_217 : i32 to index
          %get3A_233 = tpu.vector_load %arg12[%get3A_232] {strides = array<i32>} : memref<2048xi32, #tpu.memory_space<vmem>>, vector<16xi32>,
          %get3A_234 = vector.shape_cast %get3A_233 : vector<16xi32> to vector<16xi32>
          %swap3A_235 = arith.constant 112 : index
          %swap3A_236 = tpu.vector_load %arg15[%swap3A_235] {strides = array<i32>} : memref<128xi32, #tpu.memory_space<vmem>>, vector<16xi32>,
          %swap3A_237 = vector.shape_cast %swap3A_236 : vector<16xi32> to vector<16xi32>
          %swap3A_238 = vector.shape_cast %get3A_234 : vector<16xi32> to vector<16xi32>
          tpu.vector_store %arg15[%swap3A_235], %swap3A_238 {strides = array<i32>} : memref<128xi32, #tpu.memory_space<vmem>>, vector<16xi32>,
          %dma_start3A = arith.constant 0 : i32
          %dma_start3A_239 = arith.constant 0 : i32
          %dma_start3A_240 = tpu.memref_slice %arg2[%dma_start3A, %dma_start3A_239] : memref<20000x128xf32, #tpu.memory_space<hbm>> -> memref<20000x128xf32, #tpu.memory_space<hbm>>
          tpu.enqueue_indirect_dma source(%dma_start3A_240 : memref<20000x128xf32, #tpu.memory_space<hbm>>) target(%arg16 : memref<128x128xf32, #tpu.memory_space<vmem>>) offsets(%arg13 : memref<128xi32, #tpu.memory_space<vmem>>) semaphore(%arg19 : memref<!tpu.dma_semaphore, #tpu.memory_space<semaphore_mem>>)
          %dma_wait3A = arith.constant 0 : i32
          %dma_wait3A_241 = arith.constant 0 : i32
          %dma_wait3A_242 = tpu.memref_slice %arg2[%dma_wait3A, %dma_wait3A_241] : memref<20000x128xf32, #tpu.memory_space<hbm>> -> memref<20000x128xf32, #tpu.memory_space<hbm>>
          tpu.wait_indirect_dma semaphore(%arg19 : memref<!tpu.dma_semaphore, #tpu.memory_space<semaphore_mem>>) src(%dma_wait3A_242 : memref<20000x128xf32, #tpu.memory_space<hbm>>) dst(%arg16 : memref<128x128xf32, #tpu.memory_space<vmem>>)
          %dma_start3A_243 = arith.constant 0 : i32
          %dma_start3A_244 = arith.constant 0 : i32
          %dma_start3A_245 = tpu.memref_slice %arg3[%dma_start3A_243, %dma_start3A_244] : memref<640000x128xf32, #tpu.memory_space<hbm>> -> memref<640000x128xf32, #tpu.memory_space<hbm>>
          tpu.enqueue_indirect_dma source(%dma_start3A_245 : memref<640000x128xf32, #tpu.memory_space<hbm>>) target(%arg17 : memref<128x128xf32, #tpu.memory_space<vmem>>) offsets(%arg14 : memref<128xi32, #tpu.memory_space<vmem>>) semaphore(%arg19 : memref<!tpu.dma_semaphore, #tpu.memory_space<semaphore_mem>>)
          %dma_wait3A_246 = arith.constant 0 : i32
          %dma_wait3A_247 = arith.constant 0 : i32
          %dma_wait3A_248 = tpu.memref_slice %arg3[%dma_wait3A_246, %dma_wait3A_247] : memref<640000x128xf32, #tpu.memory_space<hbm>> -> memref<640000x128xf32, #tpu.memory_space<hbm>>
          tpu.wait_indirect_dma semaphore(%arg19 : memref<!tpu.dma_semaphore, #tpu.memory_space<semaphore_mem>>) src(%dma_wait3A_248 : memref<640000x128xf32, #tpu.memory_space<hbm>>) dst(%arg17 : memref<128x128xf32, #tpu.memory_space<vmem>>)
          %scan3A_249 = arith.constant 0 : i32
          %scan3A_250 = arith.constant 0 : i32
          %scan3A_251 = arith.constant 128 : i32
          %scan3A_252 = arith.addi %scan3A_250, %scan3A_251 : i32
          %scan3A_253 = arith.constant 1 : i32
          %scan3A_254 = scf.for %scan3A_256 = %scan3A_250 to %scan3A_252 step %scan3A_253 iter_args(%scan3A_257 = %scan3A_249) -> (i32)  : i32 {
            %get3A_258 = arith.index_cast %scan3A_256 : i32 to index
            %get3A_259 = arith.constant 0 : index
            %get3A_260 = tpu.vector_load %arg16[%get3A_258, %get3A_259] {strides = array<i32>} : memref<128x128xf32, #tpu.memory_space<vmem>>, vector<1x128xf32>,
            %get3A_261 = vector.shape_cast %get3A_260 : vector<1x128xf32> to vector<128xf32>
            %get3A_262 = arith.index_cast %scan3A_256 : i32 to index
            %get3A_263 = arith.constant 0 : index
            %get3A_264 = tpu.vector_load %arg17[%get3A_262, %get3A_263] {strides = array<i32>} : memref<128x128xf32, #tpu.memory_space<vmem>>, vector<1x128xf32>,
            %get3A_265 = vector.shape_cast %get3A_264 : vector<1x128xf32> to vector<128xf32>
            %add3A_266 = arith.addf %get3A_261, %get3A_265 : vector<128xf32>
            %max3A = arith.constant 0.000000e+00 : f32
            %max3A_267 = vector.broadcast %max3A : f32 to vector<128xf32>
            %max3A_268 = arith.maximumf %add3A_266, %max3A_267 : vector<128xf32>
            %swap3A_269 = arith.index_cast %scan3A_256 : i32 to index
            %swap3A_270 = arith.constant 0 : index
            %swap3A_271 = tpu.vector_load %arg16[%swap3A_269, %swap3A_270] {strides = array<i32>} : memref<128x128xf32, #tpu.memory_space<vmem>>, vector<1x128xf32>,
            %swap3A_272 = vector.shape_cast %swap3A_271 : vector<1x128xf32> to vector<128xf32>
            %swap3A_273 = vector.shape_cast %max3A_268 : vector<128xf32> to vector<1x128xf32>
            tpu.vector_store %arg16[%swap3A_269, %swap3A_270], %swap3A_273 {strides = array<i32>} : memref<128x128xf32, #tpu.memory_space<vmem>>, vector<1x128xf32>,
            %scan3A_274 = arith.constant 0 : i32
            scf.yield %scan3A_274 : i32
          }
          %scan3A_255 = arith.constant 128 : i32
          "tpu.region"() ({
            %run_scoped3A = tpu.sem_alloc : memref<!tpu.dma_semaphore, #tpu.memory_space<semaphore_mem>>
            %dma_start3A_256 = arith.constant 0 : i32
            %dma_start3A_257 = arith.constant 0 : i32
            %dma_start3A_258 = tpu.memref_slice %arg18[%dma_start3A_256, %dma_start3A_257] : memref<10112x128xf32, #tpu.memory_space<vmem_shared>> -> memref<10112x128xf32, #tpu.memory_space<vmem_shared>>
            tpu.enqueue_indirect_dma source(%arg16 : memref<128x128xf32, #tpu.memory_space<vmem>>) target(%dma_start3A_258 : memref<10112x128xf32, #tpu.memory_space<vmem_shared>>) offsets(%arg15 : memref<128xi32, #tpu.memory_space<vmem>>) semaphore(%run_scoped3A : memref<!tpu.dma_semaphore, #tpu.memory_space<semaphore_mem>>) {add = true}
            %dma_wait3A_259 = arith.constant 0 : i32
            %dma_wait3A_260 = arith.constant 0 : i32
            %dma_wait3A_261 = tpu.memref_slice %arg18[%dma_wait3A_259, %dma_wait3A_260] : memref<10112x128xf32, #tpu.memory_space<vmem_shared>> -> memref<10112x128xf32, #tpu.memory_space<vmem_shared>>
            tpu.wait_indirect_dma semaphore(%run_scoped3A : memref<!tpu.dma_semaphore, #tpu.memory_space<semaphore_mem>>) src(%arg16 : memref<128x128xf32, #tpu.memory_space<vmem>>) dst(%dma_wait3A_261 : memref<10112x128xf32, #tpu.memory_space<vmem_shared>>)
            tpu.yield
          }) : () -> ()
        } else {
        }
        %scan3A_54 = arith.constant 0 : i32
        scf.yield %scan3A_54 : i32
      }
      %scan3A_47 = arith.constant 16 : i32
      %scan3A_48 = arith.constant 0 : i32
      scf.yield %scan3A_48 : i32
    }
    %scan3A_15 = arith.constant 160 : i32
    %mul3A_16 = arith.constant 632 : i32
    %mul3A_17 = arith.muli %arg1, %mul3A_16 : i32
    %mul3A_18 = arith.constant 16 : i32
    %mul3A_19 = arith.muli %arg0, %mul3A_18 : i32
    %add3A_20 = arith.addi %mul3A_19, %arg1 : i32
    %mul3A_21 = arith.constant 632 : i32
    %mul3A_22 = arith.muli %add3A_20, %mul3A_21 : i32
    "tpu.region"() ({
      %run_scoped3A = tpu.sem_alloc : memref<!tpu.dma_semaphore, #tpu.memory_space<semaphore_mem>>
      %dma_start3A = arith.constant 0 : i32
      %dma_start3A_23 = tpu.memref_slice %arg7[%mul3A_22, %dma_start3A] : memref<20224x128xf32, #tpu.memory_space<hbm>> -> memref<632x128xf32, #tpu.memory_space<hbm>>
      %dma_start3A_24 = arith.constant 0 : i32
      %dma_start3A_25 = tpu.memref_slice %arg18[%mul3A_17, %dma_start3A_24] : memref<10112x128xf32, #tpu.memory_space<vmem_shared>> -> memref<632x128xf32, #tpu.memory_space<vmem_shared>>
      tpu.enqueue_dma source(%dma_start3A_25 : memref<632x128xf32, #tpu.memory_space<vmem_shared>>) target(%dma_start3A_23 : memref<632x128xf32, #tpu.memory_space<hbm>>) target_semaphore(%run_scoped3A : memref<!tpu.dma_semaphore, #tpu.memory_space<semaphore_mem>>)
      %dma_wait3A = arith.constant 0 : i32
      %dma_wait3A_26 = tpu.memref_slice %arg7[%mul3A_22, %dma_wait3A] : memref<20224x128xf32, #tpu.memory_space<hbm>> -> memref<632x128xf32, #tpu.memory_space<hbm>>
      %dma_wait3A_27 = arith.constant 0 : i32
      %dma_wait3A_28 = tpu.memref_slice %arg18[%mul3A_17, %dma_wait3A_27] : memref<10112x128xf32, #tpu.memory_space<vmem_shared>> -> memref<632x128xf32, #tpu.memory_space<vmem_shared>>
      tpu.wait_dma2 semaphore(%run_scoped3A : memref<!tpu.dma_semaphore, #tpu.memory_space<semaphore_mem>>) src(%dma_wait3A_28 : memref<632x128xf32, #tpu.memory_space<vmem_shared>>) dst(%dma_wait3A_26 : memref<632x128xf32, #tpu.memory_space<hbm>>)
      tpu.yield
    }) : () -> ()
    return
  }
}

#map = affine_map<(d0, d1) -> (0, 0)>
#map1 = affine_map<(d0, d1) -> (0)>
module attributes {stable_mosaic.version = 14 : i64} {
  func.func @aggr_kernel(%arg0: i32, %arg1: i32, %arg2: memref<20000x128xf32, #tpu.memory_space<hbm>>, %arg3: memref<640000x128xf32, #tpu.memory_space<hbm>>, %arg4: memref<320000xi32, #tpu.memory_space<hbm>>, %arg5: memref<320000xi32, #tpu.memory_space<hbm>>, %arg6: memref<632x128xf32, #tpu.memory_space<hbm>>, %arg7: memref<20224x128xf32, #tpu.memory_space<hbm>>, %arg8: memref<2000xi32, #tpu.memory_space<vmem>>, %arg9: memref<2000xi32, #tpu.memory_space<vmem>>, %arg10: memref<2048xi32, #tpu.memory_space<vmem>>, %arg11: memref<2048xi32, #tpu.memory_space<vmem>>, %arg12: memref<2048xi32, #tpu.memory_space<vmem>>, %arg13: memref<128xi32, #tpu.memory_space<vmem>>, %arg14: memref<128xi32, #tpu.memory_space<vmem>>, %arg15: memref<128xi32, #tpu.memory_space<vmem>>, %arg16: memref<128x128xf32, #tpu.memory_space<vmem>>, %arg17: memref<128x128xf32, #tpu.memory_space<vmem>>, %arg18: memref<10112x128xf32, #tpu.memory_space<vmem_shared>>, %arg19: memref<!tpu.dma_semaphore, #tpu.memory_space<semaphore_mem>>) attributes {dimension_semantics = [#tpu.dimension_semantics<core_parallel>, #tpu.dimension_semantics<subcore_parallel>], iteration_bounds = array<i64: 2, 16>, scalar_prefetch = 0 : i64, scratch_operands = 12 : i64, tpu.core_type = #tpu.core_type<sc_vector_subcore>, window_params = [{transform_indices = #map}, {transform_indices = #map}, {transform_indices = #map1}, {transform_indices = #map1}, {transform_indices = #map}, {transform_indices = #map}]} {
    %mul3A = arith.constant 632 : i32
    %mul3A_0 = arith.muli %arg1, %mul3A : i32
    "tpu.region"() ({
      %run_scoped3A = tpu.sem_alloc : memref<!tpu.dma_semaphore, #tpu.memory_space<semaphore_mem>>
      %dma_start3A = arith.constant 0 : i32
      %dma_start3A_23 = tpu.memref_slice %arg18[%mul3A_0, %dma_start3A] : memref<10112x128xf32, #tpu.memory_space<vmem_shared>> -> memref<632x128xf32, #tpu.memory_space<vmem_shared>>
      tpu.enqueue_dma source(%arg6 : memref<632x128xf32, #tpu.memory_space<hbm>>) target(%dma_start3A_23 : memref<632x128xf32, #tpu.memory_space<vmem_shared>>) target_semaphore(%run_scoped3A : memref<!tpu.dma_semaphore, #tpu.memory_space<semaphore_mem>>)
      %dma_wait3A = arith.constant 0 : i32
      %dma_wait3A_24 = tpu.memref_slice %arg18[%mul3A_0, %dma_wait3A] : memref<10112x128xf32, #tpu.memory_space<vmem_shared>> -> memref<632x128xf32, #tpu.memory_space<vmem_shared>>
      tpu.wait_dma2 semaphore(%run_scoped3A : memref<!tpu.dma_semaphore, #tpu.memory_space<semaphore_mem>>) src(%arg6 : memref<632x128xf32, #tpu.memory_space<hbm>>) dst(%dma_wait3A_24 : memref<632x128xf32, #tpu.memory_space<vmem_shared>>)
      tpu.yield
    }) : () -> ()
    %mul3A_1 = arith.constant 625 : i32
    %mul3A_2 = arith.muli %arg1, %mul3A_1 : i32
    %mul3A_3 = arith.constant 10000 : i32
    %mul3A_4 = arith.muli %arg0, %mul3A_3 : i32
    %mul3A_5 = arith.constant 320000 : i32
    %mul3A_6 = arith.muli %arg0, %mul3A_5 : i32
    %mul3A_7 = arith.constant 632 : i32
    %mul3A_8 = arith.muli %arg1, %mul3A_7 : i32
    %add3A = arith.constant 625 : i32
    %add3A_9 = arith.addi %mul3A_8, %add3A : i32
    %iota3A = tpu.iota {dimensions = array<i32: 0>} : vector<16xi32>
    %scan3A = arith.constant 0 : i32
    %scan3A_10 = arith.constant 0 : i32
    %scan3A_11 = arith.constant 160 : i32
    %scan3A_12 = arith.addi %scan3A_10, %scan3A_11 : i32
    %scan3A_13 = arith.constant 1 : i32
    %scan3A_14 = scf.for %scan3A_23 = %scan3A_10 to %scan3A_12 step %scan3A_13 iter_args(%scan3A_24 = %scan3A) -> (i32)  : i32 {
      %mul3A_25 = arith.constant 2000 : i32
      %mul3A_26 = arith.muli %scan3A_23, %mul3A_25 : i32
      "tpu.region"() ({
        %run_scoped3A = tpu.sem_alloc : memref<!tpu.dma_semaphore, #tpu.memory_space<semaphore_mem>>
        %dma_start3A = tpu.memref_slice %arg4[%mul3A_26] : memref<320000xi32, #tpu.memory_space<hbm>> -> memref<2000xi32, #tpu.memory_space<hbm>>
        %dma_start3A_49 = tpu.memref_slice %arg4[%mul3A_26] : memref<320000xi32, #tpu.memory_space<hbm>> -> memref<2000xi32, #tpu.memory_space<hbm>>
        tpu.enqueue_dma source(%dma_start3A_49 : memref<2000xi32, #tpu.memory_space<hbm>>) target(%arg8 : memref<2000xi32, #tpu.memory_space<vmem>>) target_semaphore(%run_scoped3A : memref<!tpu.dma_semaphore, #tpu.memory_space<semaphore_mem>>)
        %dma_wait3A = tpu.memref_slice %arg4[%mul3A_26] : memref<320000xi32, #tpu.memory_space<hbm>> -> memref<2000xi32, #tpu.memory_space<hbm>>
        %dma_wait3A_50 = tpu.memref_slice %arg4[%mul3A_26] : memref<320000xi32, #tpu.memory_space<hbm>> -> memref<2000xi32, #tpu.memory_space<hbm>>
        tpu.wait_dma2 semaphore(%run_scoped3A : memref<!tpu.dma_semaphore, #tpu.memory_space<semaphore_mem>>) src(%dma_wait3A_50 : memref<2000xi32, #tpu.memory_space<hbm>>) dst(%arg8 : memref<2000xi32, #tpu.memory_space<vmem>>)
        tpu.yield
      }) : () -> ()
      "tpu.region"() ({
        %run_scoped3A = tpu.sem_alloc : memref<!tpu.dma_semaphore, #tpu.memory_space<semaphore_mem>>
        %dma_start3A = tpu.memref_slice %arg5[%mul3A_26] : memref<320000xi32, #tpu.memory_space<hbm>> -> memref<2000xi32, #tpu.memory_space<hbm>>
        %dma_start3A_49 = tpu.memref_slice %arg5[%mul3A_26] : memref<320000xi32, #tpu.memory_space<hbm>> -> memref<2000xi32, #tpu.memory_space<hbm>>
        tpu.enqueue_dma source(%dma_start3A_49 : memref<2000xi32, #tpu.memory_space<hbm>>) target(%arg9 : memref<2000xi32, #tpu.memory_space<vmem>>) target_semaphore(%run_scoped3A : memref<!tpu.dma_semaphore, #tpu.memory_space<semaphore_mem>>)
        %dma_wait3A = tpu.memref_slice %arg5[%mul3A_26] : memref<320000xi32, #tpu.memory_space<hbm>> -> memref<2000xi32, #tpu.memory_space<hbm>>
        %dma_wait3A_50 = tpu.memref_slice %arg5[%mul3A_26] : memref<320000xi32, #tpu.memory_space<hbm>> -> memref<2000xi32, #tpu.memory_space<hbm>>
        tpu.wait_dma2 semaphore(%run_scoped3A : memref<!tpu.dma_semaphore, #tpu.memory_space<semaphore_mem>>) src(%dma_wait3A_50 : memref<2000xi32, #tpu.memory_space<hbm>>) dst(%arg9 : memref<2000xi32, #tpu.memory_space<vmem>>)
        tpu.yield
      }) : () -> ()
      %scan3A_27 = arith.constant 0 : i32
      %scan3A_28 = arith.constant 0 : i32
      %scan3A_29 = arith.constant 125 : i32
      %scan3A_30 = arith.addi %scan3A_28, %scan3A_29 : i32
      %scan3A_31 = arith.constant 1 : i32
      %scan3A_32 = scf.for %scan3A_49 = %scan3A_28 to %scan3A_30 step %scan3A_31 iter_args(%scan3A_50 = %scan3A_27) -> (i32)  : i32 {
        %mul3A_51 = arith.constant 16 : i32
        %mul3A_52 = arith.muli %scan3A_49, %mul3A_51 : i32
        %get3A = arith.index_cast %mul3A_52 : i32 to index
        %get3A_53 = tpu.vector_load %arg9[%get3A] {strides = array<i32>} : memref<2000xi32, #tpu.memory_space<vmem>>, vector<16xi32>,
        %get3A_54 = vector.shape_cast %get3A_53 : vector<16xi32> to vector<16xi32>
        %get3A_55 = arith.index_cast %mul3A_52 : i32 to index
        %get3A_56 = tpu.vector_load %arg8[%get3A_55] {strides = array<i32>} : memref<2000xi32, #tpu.memory_space<vmem>>, vector<16xi32>,
        %get3A_57 = vector.shape_cast %get3A_56 : vector<16xi32> to vector<16xi32>
        %ge3A = vector.broadcast %mul3A_2 : i32 to vector<16xi32>
        %ge3A_58 = arith.cmpi sge, %get3A_54, %ge3A : vector<16xi32>
        %add3A_59 = arith.constant 625 : i32
        %add3A_60 = arith.addi %mul3A_2, %add3A_59 : i32
        %lt3A = vector.broadcast %add3A_60 : i32 to vector<16xi32>
        %lt3A_61 = arith.cmpi slt, %get3A_54, %lt3A : vector<16xi32>
        %and3A = arith.andi %ge3A_58, %lt3A_61 : vector<16xi1>
        %add3A_62 = vector.broadcast %mul3A_4 : i32 to vector<16xi32>
        %add3A_63 = arith.addi %get3A_57, %add3A_62 : vector<16xi32>
        %swap3A = arith.index_cast %mul3A_52 : i32 to index
        %swap3A_64 = tpu.vector_load %arg10[%swap3A] {strides = array<i32>} : memref<2048xi32, #tpu.memory_space<vmem>>, vector<16xi32>,
        %swap3A_65 = vector.shape_cast %swap3A_64 : vector<16xi32> to vector<16xi32>
        %swap3A_66 = vector.shape_cast %add3A_63 : vector<16xi32> to vector<16xi32>
        tpu.vector_store %arg10[%swap3A], %swap3A_66 {strides = array<i32>} : memref<2048xi32, #tpu.memory_space<vmem>>, vector<16xi32>,
        %mul3A_67 = arith.constant 16 : i32
        %mul3A_68 = arith.muli %scan3A_49, %mul3A_67 : i32
        %add3A_69 = arith.addi %mul3A_26, %mul3A_68 : i32
        %add3A_70 = arith.addi %add3A_69, %mul3A_6 : i32
        %add3A_71 = vector.broadcast %add3A_70 : i32 to vector<16xi32>
        %add3A_72 = arith.addi %iota3A, %add3A_71 : vector<16xi32>
        %swap3A_73 = arith.index_cast %mul3A_52 : i32 to index
        %swap3A_74 = tpu.vector_load %arg11[%swap3A_73] {strides = array<i32>} : memref<2048xi32, #tpu.memory_space<vmem>>, vector<16xi32>,
        %swap3A_75 = vector.shape_cast %swap3A_74 : vector<16xi32> to vector<16xi32>
        %swap3A_76 = vector.shape_cast %add3A_72 : vector<16xi32> to vector<16xi32>
        tpu.vector_store %arg11[%swap3A_73], %swap3A_76 {strides = array<i32>} : memref<2048xi32, #tpu.memory_space<vmem>>, vector<16xi32>,
        %sub3A = vector.broadcast %mul3A_2 : i32 to vector<16xi32>
        %sub3A_77 = arith.subi %get3A_54, %sub3A : vector<16xi32>
        %add3A_78 = vector.broadcast %mul3A_8 : i32 to vector<16xi32>
        %add3A_79 = arith.addi %sub3A_77, %add3A_78 : vector<16xi32>
        %broadcast_in_dim3A = vector.broadcast %add3A_9 : i32 to vector<16xi32>
        %select_n3A = arith.select %and3A, %add3A_79, %broadcast_in_dim3A : vector<16xi1>, vector<16xi32>
        %swap3A_80 = arith.index_cast %mul3A_52 : i32 to index
        %swap3A_81 = tpu.vector_load %arg12[%swap3A_80] {strides = array<i32>} : memref<2048xi32, #tpu.memory_space<vmem>>, vector<16xi32>,
        %swap3A_82 = vector.shape_cast %swap3A_81 : vector<16xi32> to vector<16xi32>
        %swap3A_83 = vector.shape_cast %select_n3A : vector<16xi32> to vector<16xi32>
        tpu.vector_store %arg12[%swap3A_80], %swap3A_83 {strides = array<i32>} : memref<2048xi32, #tpu.memory_space<vmem>>, vector<16xi32>,
        %add3A_84 = arith.constant 16 : i32
        %add3A_85 = arith.addi %scan3A_50, %add3A_84 : i32
        scf.yield %add3A_85 : i32
      }
      %scan3A_33 = arith.constant 125 : i32
      %scan3A_34 = arith.constant 0 : i32
      %scan3A_35 = arith.constant 0 : i32
      %scan3A_36 = arith.constant 128 : i32
      %scan3A_37 = arith.addi %scan3A_35, %scan3A_36 : i32
      %scan3A_38 = arith.constant 1 : i32
      %scan3A_39 = scf.for %scan3A_49 = %scan3A_35 to %scan3A_37 step %scan3A_38 iter_args(%scan3A_50 = %scan3A_34) -> (i32)  : i32 {
        %mul3A_51 = arith.constant 16 : i32
        %mul3A_52 = arith.muli %scan3A_49, %mul3A_51 : i32
        %mul3A_53 = arith.constant 16 : i32
        %mul3A_54 = arith.muli %scan3A_49, %mul3A_53 : i32
        %add3A_55 = vector.broadcast %mul3A_54 : i32 to vector<16xi32>
        %add3A_56 = arith.addi %iota3A, %add3A_55 : vector<16xi32>
        %lt3A = vector.broadcast %scan3A_32 : i32 to vector<16xi32>
        %lt3A_57 = arith.cmpi slt, %add3A_56, %lt3A : vector<16xi32>
        %get3A = arith.index_cast %mul3A_52 : i32 to index
        %get3A_58 = tpu.vector_load %arg10[%get3A] {strides = array<i32>} : memref<2048xi32, #tpu.memory_space<vmem>>, vector<16xi32>,
        %get3A_59 = vector.shape_cast %get3A_58 : vector<16xi32> to vector<16xi32>
        %jit3A = arith.constant 0 : i32
        %broadcast_in_dim3A = vector.broadcast %jit3A : i32 to vector<16xi32>
        %select_n3A = arith.select %lt3A_57, %get3A_59, %broadcast_in_dim3A : vector<16xi1>, vector<16xi32>
        %swap3A = arith.index_cast %mul3A_52 : i32 to index
        %swap3A_60 = tpu.vector_load %arg10[%swap3A] {strides = array<i32>} : memref<2048xi32, #tpu.memory_space<vmem>>, vector<16xi32>,
        %swap3A_61 = vector.shape_cast %swap3A_60 : vector<16xi32> to vector<16xi32>
        %swap3A_62 = vector.shape_cast %select_n3A : vector<16xi32> to vector<16xi32>
        tpu.vector_store %arg10[%swap3A], %swap3A_62 {strides = array<i32>} : memref<2048xi32, #tpu.memory_space<vmem>>, vector<16xi32>,
        %get3A_63 = arith.index_cast %mul3A_52 : i32 to index
        %get3A_64 = tpu.vector_load %arg11[%get3A_63] {strides = array<i32>} : memref<2048xi32, #tpu.memory_space<vmem>>, vector<16xi32>,
        %get3A_65 = vector.shape_cast %get3A_64 : vector<16xi32> to vector<16xi32>
        %jit3A_66 = arith.constant 0 : i32
        %broadcast_in_dim3A_67 = vector.broadcast %jit3A_66 : i32 to vector<16xi32>
        %select_n3A_68 = arith.select %lt3A_57, %get3A_65, %broadcast_in_dim3A_67 : vector<16xi1>, vector<16xi32>
        %swap3A_69 = arith.index_cast %mul3A_52 : i32 to index
        %swap3A_70 = tpu.vector_load %arg11[%swap3A_69] {strides = array<i32>} : memref<2048xi32, #tpu.memory_space<vmem>>, vector<16xi32>,
        %swap3A_71 = vector.shape_cast %swap3A_70 : vector<16xi32> to vector<16xi32>
        %swap3A_72 = vector.shape_cast %select_n3A_68 : vector<16xi32> to vector<16xi32>
        tpu.vector_store %arg11[%swap3A_69], %swap3A_72 {strides = array<i32>} : memref<2048xi32, #tpu.memory_space<vmem>>, vector<16xi32>,
        %get3A_73 = arith.index_cast %mul3A_52 : i32 to index
        %get3A_74 = tpu.vector_load %arg12[%get3A_73] {strides = array<i32>} : memref<2048xi32, #tpu.memory_space<vmem>>, vector<16xi32>,
        %get3A_75 = vector.shape_cast %get3A_74 : vector<16xi32> to vector<16xi32>
        %broadcast_in_dim3A_76 = vector.broadcast %add3A_9 : i32 to vector<16xi32>
        %select_n3A_77 = arith.select %lt3A_57, %get3A_75, %broadcast_in_dim3A_76 : vector<16xi1>, vector<16xi32>
        %swap3A_78 = arith.index_cast %mul3A_52 : i32 to index
        %swap3A_79 = tpu.vector_load %arg12[%swap3A_78] {strides = array<i32>} : memref<2048xi32, #tpu.memory_space<vmem>>, vector<16xi32>,
        %swap3A_80 = vector.shape_cast %swap3A_79 : vector<16xi32> to vector<16xi32>
        %swap3A_81 = vector.shape_cast %select_n3A_77 : vector<16xi32> to vector<16xi32>
        tpu.vector_store %arg12[%swap3A_78], %swap3A_81 {strides = array<i32>} : memref<2048xi32, #tpu.memory_space<vmem>>, vector<16xi32>,
        %scan3A_82 = arith.constant 0 : i32
        scf.yield %scan3A_82 : i32
      }
      %scan3A_40 = arith.constant 128 : i32
      %scan3A_41 = arith.constant 0 : i32
      %scan3A_42 = arith.constant 0 : i32
      %scan3A_43 = arith.constant 16 : i32
      %scan3A_44 = arith.addi %scan3A_42, %scan3A_43 : i32
      %scan3A_45 = arith.constant 1 : i32
      %scan3A_46 = scf.for %scan3A_49 = %scan3A_42 to %scan3A_44 step %scan3A_45 iter_args(%scan3A_50 = %scan3A_41) -> (i32)  : i32 {
        %mul3A_51 = arith.constant 128 : i32
        %mul3A_52 = arith.muli %scan3A_49, %mul3A_51 : i32
        %lt3A = arith.cmpi slt, %mul3A_52, %scan3A_32 : i32
        %convert_element_type3A = arith.extui %lt3A : i1 to i32
        %cond3A = arith.constant 0 : i32
        %cond3A_53 = arith.cmpi ne, %convert_element_type3A, %cond3A : i32
        scf.if %cond3A_53 {
          %mul3A_55 = arith.constant 128 : i32
          %mul3A_56 = arith.muli %scan3A_49, %mul3A_55 : i32
          %add3A_57 = arith.constant 0 : i32
          %add3A_58 = arith.addi %mul3A_56, %add3A_57 : i32
          %get3A = arith.index_cast %add3A_58 : i32 to index
          %get3A_59 = tpu.vector_load %arg10[%get3A] {strides = array<i32>} : memref<2048xi32, #tpu.memory_space<vmem>>, vector<16xi32>,
          %get3A_60 = vector.shape_cast %get3A_59 : vector<16xi32> to vector<16xi32>
          %swap3A = arith.constant 0 : index
          %swap3A_61 = tpu.vector_load %arg13[%swap3A] {strides = array<i32>} : memref<128xi32, #tpu.memory_space<vmem>>, vector<16xi32>,
          %swap3A_62 = vector.shape_cast %swap3A_61 : vector<16xi32> to vector<16xi32>
          %swap3A_63 = vector.shape_cast %get3A_60 : vector<16xi32> to vector<16xi32>
          tpu.vector_store %arg13[%swap3A], %swap3A_63 {strides = array<i32>} : memref<128xi32, #tpu.memory_space<vmem>>, vector<16xi32>,
          %get3A_64 = arith.index_cast %add3A_58 : i32 to index
          %get3A_65 = tpu.vector_load %arg11[%get3A_64] {strides = array<i32>} : memref<2048xi32, #tpu.memory_space<vmem>>, vector<16xi32>,
          %get3A_66 = vector.shape_cast %get3A_65 : vector<16xi32> to vector<16xi32>
          %swap3A_67 = arith.constant 0 : index
          %swap3A_68 = tpu.vector_load %arg14[%swap3A_67] {strides = array<i32>} : memref<128xi32, #tpu.memory_space<vmem>>, vector<16xi32>,
          %swap3A_69 = vector.shape_cast %swap3A_68 : vector<16xi32> to vector<16xi32>
          %swap3A_70 = vector.shape_cast %get3A_66 : vector<16xi32> to vector<16xi32>
          tpu.vector_store %arg14[%swap3A_67], %swap3A_70 {strides = array<i32>} : memref<128xi32, #tpu.memory_space<vmem>>, vector<16xi32>,
          %get3A_71 = arith.index_cast %add3A_58 : i32 to index
          %get3A_72 = tpu.vector_load %arg12[%get3A_71] {strides = array<i32>} : memref<2048xi32, #tpu.memory_space<vmem>>, vector<16xi32>,
          %get3A_73 = vector.shape_cast %get3A_72 : vector<16xi32> to vector<16xi32>
          %swap3A_74 = arith.constant 0 : index
          %swap3A_75 = tpu.vector_load %arg15[%swap3A_74] {strides = array<i32>} : memref<128xi32, #tpu.memory_space<vmem>>, vector<16xi32>,
          %swap3A_76 = vector.shape_cast %swap3A_75 : vector<16xi32> to vector<16xi32>
          %swap3A_77 = vector.shape_cast %get3A_73 : vector<16xi32> to vector<16xi32>
          tpu.vector_store %arg15[%swap3A_74], %swap3A_77 {strides = array<i32>} : memref<128xi32, #tpu.memory_space<vmem>>, vector<16xi32>,
          %add3A_78 = arith.constant 16 : i32
          %add3A_79 = arith.addi %mul3A_56, %add3A_78 : i32
          %get3A_80 = arith.index_cast %add3A_79 : i32 to index
          %get3A_81 = tpu.vector_load %arg10[%get3A_80] {strides = array<i32>} : memref<2048xi32, #tpu.memory_space<vmem>>, vector<16xi32>,
          %get3A_82 = vector.shape_cast %get3A_81 : vector<16xi32> to vector<16xi32>
          %swap3A_83 = arith.constant 16 : index
          %swap3A_84 = tpu.vector_load %arg13[%swap3A_83] {strides = array<i32>} : memref<128xi32, #tpu.memory_space<vmem>>, vector<16xi32>,
          %swap3A_85 = vector.shape_cast %swap3A_84 : vector<16xi32> to vector<16xi32>
          %swap3A_86 = vector.shape_cast %get3A_82 : vector<16xi32> to vector<16xi32>
          tpu.vector_store %arg13[%swap3A_83], %swap3A_86 {strides = array<i32>} : memref<128xi32, #tpu.memory_space<vmem>>, vector<16xi32>,
          %get3A_87 = arith.index_cast %add3A_79 : i32 to index
          %get3A_88 = tpu.vector_load %arg11[%get3A_87] {strides = array<i32>} : memref<2048xi32, #tpu.memory_space<vmem>>, vector<16xi32>,
          %get3A_89 = vector.shape_cast %get3A_88 : vector<16xi32> to vector<16xi32>
          %swap3A_90 = arith.constant 16 : index
          %swap3A_91 = tpu.vector_load %arg14[%swap3A_90] {strides = array<i32>} : memref<128xi32, #tpu.memory_space<vmem>>, vector<16xi32>,
          %swap3A_92 = vector.shape_cast %swap3A_91 : vector<16xi32> to vector<16xi32>
          %swap3A_93 = vector.shape_cast %get3A_89 : vector<16xi32> to vector<16xi32>
          tpu.vector_store %arg14[%swap3A_90], %swap3A_93 {strides = array<i32>} : memref<128xi32, #tpu.memory_space<vmem>>, vector<16xi32>,
          %get3A_94 = arith.index_cast %add3A_79 : i32 to index
          %get3A_95 = tpu.vector_load %arg12[%get3A_94] {strides = array<i32>} : memref<2048xi32, #tpu.memory_space<vmem>>, vector<16xi32>,
          %get3A_96 = vector.shape_cast %get3A_95 : vector<16xi32> to vector<16xi32>
          %swap3A_97 = arith.constant 16 : index
          %swap3A_98 = tpu.vector_load %arg15[%swap3A_97] {strides = array<i32>} : memref<128xi32, #tpu.memory_space<vmem>>, vector<16xi32>,
          %swap3A_99 = vector.shape_cast %swap3A_98 : vector<16xi32> to vector<16xi32>
          %swap3A_100 = vector.shape_cast %get3A_96 : vector<16xi32> to vector<16xi32>
          tpu.vector_store %arg15[%swap3A_97], %swap3A_100 {strides = array<i32>} : memref<128xi32, #tpu.memory_space<vmem>>, vector<16xi32>,
          %add3A_101 = arith.constant 32 : i32
          %add3A_102 = arith.addi %mul3A_56, %add3A_101 : i32
          %get3A_103 = arith.index_cast %add3A_102 : i32 to index
          %get3A_104 = tpu.vector_load %arg10[%get3A_103] {strides = array<i32>} : memref<2048xi32, #tpu.memory_space<vmem>>, vector<16xi32>,
          %get3A_105 = vector.shape_cast %get3A_104 : vector<16xi32> to vector<16xi32>
          %swap3A_106 = arith.constant 32 : index
          %swap3A_107 = tpu.vector_load %arg13[%swap3A_106] {strides = array<i32>} : memref<128xi32, #tpu.memory_space<vmem>>, vector<16xi32>,
          %swap3A_108 = vector.shape_cast %swap3A_107 : vector<16xi32> to vector<16xi32>
          %swap3A_109 = vector.shape_cast %get3A_105 : vector<16xi32> to vector<16xi32>
          tpu.vector_store %arg13[%swap3A_106], %swap3A_109 {strides = array<i32>} : memref<128xi32, #tpu.memory_space<vmem>>, vector<16xi32>,
          %get3A_110 = arith.index_cast %add3A_102 : i32 to index
          %get3A_111 = tpu.vector_load %arg11[%get3A_110] {strides = array<i32>} : memref<2048xi32, #tpu.memory_space<vmem>>, vector<16xi32>,
          %get3A_112 = vector.shape_cast %get3A_111 : vector<16xi32> to vector<16xi32>
          %swap3A_113 = arith.constant 32 : index
          %swap3A_114 = tpu.vector_load %arg14[%swap3A_113] {strides = array<i32>} : memref<128xi32, #tpu.memory_space<vmem>>, vector<16xi32>,
          %swap3A_115 = vector.shape_cast %swap3A_114 : vector<16xi32> to vector<16xi32>
          %swap3A_116 = vector.shape_cast %get3A_112 : vector<16xi32> to vector<16xi32>
          tpu.vector_store %arg14[%swap3A_113], %swap3A_116 {strides = array<i32>} : memref<128xi32, #tpu.memory_space<vmem>>, vector<16xi32>,
          %get3A_117 = arith.index_cast %add3A_102 : i32 to index
          %get3A_118 = tpu.vector_load %arg12[%get3A_117] {strides = array<i32>} : memref<2048xi32, #tpu.memory_space<vmem>>, vector<16xi32>,
          %get3A_119 = vector.shape_cast %get3A_118 : vector<16xi32> to vector<16xi32>
          %swap3A_120 = arith.constant 32 : index
          %swap3A_121 = tpu.vector_load %arg15[%swap3A_120] {strides = array<i32>} : memref<128xi32, #tpu.memory_space<vmem>>, vector<16xi32>,
          %swap3A_122 = vector.shape_cast %swap3A_121 : vector<16xi32> to vector<16xi32>
          %swap3A_123 = vector.shape_cast %get3A_119 : vector<16xi32> to vector<16xi32>
          tpu.vector_store %arg15[%swap3A_120], %swap3A_123 {strides = array<i32>} : memref<128xi32, #tpu.memory_space<vmem>>, vector<16xi32>,
          %add3A_124 = arith.constant 48 : i32
          %add3A_125 = arith.addi %mul3A_56, %add3A_124 : i32
          %get3A_126 = arith.index_cast %add3A_125 : i32 to index
          %get3A_127 = tpu.vector_load %arg10[%get3A_126] {strides = array<i32>} : memref<2048xi32, #tpu.memory_space<vmem>>, vector<16xi32>,
          %get3A_128 = vector.shape_cast %get3A_127 : vector<16xi32> to vector<16xi32>
          %swap3A_129 = arith.constant 48 : index
          %swap3A_130 = tpu.vector_load %arg13[%swap3A_129] {strides = array<i32>} : memref<128xi32, #tpu.memory_space<vmem>>, vector<16xi32>,
          %swap3A_131 = vector.shape_cast %swap3A_130 : vector<16xi32> to vector<16xi32>
          %swap3A_132 = vector.shape_cast %get3A_128 : vector<16xi32> to vector<16xi32>
          tpu.vector_store %arg13[%swap3A_129], %swap3A_132 {strides = array<i32>} : memref<128xi32, #tpu.memory_space<vmem>>, vector<16xi32>,
          %get3A_133 = arith.index_cast %add3A_125 : i32 to index
          %get3A_134 = tpu.vector_load %arg11[%get3A_133] {strides = array<i32>} : memref<2048xi32, #tpu.memory_space<vmem>>, vector<16xi32>,
          %get3A_135 = vector.shape_cast %get3A_134 : vector<16xi32> to vector<16xi32>
          %swap3A_136 = arith.constant 48 : index
          %swap3A_137 = tpu.vector_load %arg14[%swap3A_136] {strides = array<i32>} : memref<128xi32, #tpu.memory_space<vmem>>, vector<16xi32>,
          %swap3A_138 = vector.shape_cast %swap3A_137 : vector<16xi32> to vector<16xi32>
          %swap3A_139 = vector.shape_cast %get3A_135 : vector<16xi32> to vector<16xi32>
          tpu.vector_store %arg14[%swap3A_136], %swap3A_139 {strides = array<i32>} : memref<128xi32, #tpu.memory_space<vmem>>, vector<16xi32>,
          %get3A_140 = arith.index_cast %add3A_125 : i32 to index
          %get3A_141 = tpu.vector_load %arg12[%get3A_140] {strides = array<i32>} : memref<2048xi32, #tpu.memory_space<vmem>>, vector<16xi32>,
          %get3A_142 = vector.shape_cast %get3A_141 : vector<16xi32> to vector<16xi32>
          %swap3A_143 = arith.constant 48 : index
          %swap3A_144 = tpu.vector_load %arg15[%swap3A_143] {strides = array<i32>} : memref<128xi32, #tpu.memory_space<vmem>>, vector<16xi32>,
          %swap3A_145 = vector.shape_cast %swap3A_144 : vector<16xi32> to vector<16xi32>
          %swap3A_146 = vector.shape_cast %get3A_142 : vector<16xi32> to vector<16xi32>
          tpu.vector_store %arg15[%swap3A_143], %swap3A_146 {strides = array<i32>} : memref<128xi32, #tpu.memory_space<vmem>>, vector<16xi32>,
          %add3A_147 = arith.constant 64 : i32
          %add3A_148 = arith.addi %mul3A_56, %add3A_147 : i32
          %get3A_149 = arith.index_cast %add3A_148 : i32 to index
          %get3A_150 = tpu.vector_load %arg10[%get3A_149] {strides = array<i32>} : memref<2048xi32, #tpu.memory_space<vmem>>, vector<16xi32>,
          %get3A_151 = vector.shape_cast %get3A_150 : vector<16xi32> to vector<16xi32>
          %swap3A_152 = arith.constant 64 : index
          %swap3A_153 = tpu.vector_load %arg13[%swap3A_152] {strides = array<i32>} : memref<128xi32, #tpu.memory_space<vmem>>, vector<16xi32>,
          %swap3A_154 = vector.shape_cast %swap3A_153 : vector<16xi32> to vector<16xi32>
          %swap3A_155 = vector.shape_cast %get3A_151 : vector<16xi32> to vector<16xi32>
          tpu.vector_store %arg13[%swap3A_152], %swap3A_155 {strides = array<i32>} : memref<128xi32, #tpu.memory_space<vmem>>, vector<16xi32>,
          %get3A_156 = arith.index_cast %add3A_148 : i32 to index
          %get3A_157 = tpu.vector_load %arg11[%get3A_156] {strides = array<i32>} : memref<2048xi32, #tpu.memory_space<vmem>>, vector<16xi32>,
          %get3A_158 = vector.shape_cast %get3A_157 : vector<16xi32> to vector<16xi32>
          %swap3A_159 = arith.constant 64 : index
          %swap3A_160 = tpu.vector_load %arg14[%swap3A_159] {strides = array<i32>} : memref<128xi32, #tpu.memory_space<vmem>>, vector<16xi32>,
          %swap3A_161 = vector.shape_cast %swap3A_160 : vector<16xi32> to vector<16xi32>
          %swap3A_162 = vector.shape_cast %get3A_158 : vector<16xi32> to vector<16xi32>
          tpu.vector_store %arg14[%swap3A_159], %swap3A_162 {strides = array<i32>} : memref<128xi32, #tpu.memory_space<vmem>>, vector<16xi32>,
          %get3A_163 = arith.index_cast %add3A_148 : i32 to index
          %get3A_164 = tpu.vector_load %arg12[%get3A_163] {strides = array<i32>} : memref<2048xi32, #tpu.memory_space<vmem>>, vector<16xi32>,
          %get3A_165 = vector.shape_cast %get3A_164 : vector<16xi32> to vector<16xi32>
          %swap3A_166 = arith.constant 64 : index
          %swap3A_167 = tpu.vector_load %arg15[%swap3A_166] {strides = array<i32>} : memref<128xi32, #tpu.memory_space<vmem>>, vector<16xi32>,
          %swap3A_168 = vector.shape_cast %swap3A_167 : vector<16xi32> to vector<16xi32>
          %swap3A_169 = vector.shape_cast %get3A_165 : vector<16xi32> to vector<16xi32>
          tpu.vector_store %arg15[%swap3A_166], %swap3A_169 {strides = array<i32>} : memref<128xi32, #tpu.memory_space<vmem>>, vector<16xi32>,
          %add3A_170 = arith.constant 80 : i32
          %add3A_171 = arith.addi %mul3A_56, %add3A_170 : i32
          %get3A_172 = arith.index_cast %add3A_171 : i32 to index
          %get3A_173 = tpu.vector_load %arg10[%get3A_172] {strides = array<i32>} : memref<2048xi32, #tpu.memory_space<vmem>>, vector<16xi32>,
          %get3A_174 = vector.shape_cast %get3A_173 : vector<16xi32> to vector<16xi32>
          %swap3A_175 = arith.constant 80 : index
          %swap3A_176 = tpu.vector_load %arg13[%swap3A_175] {strides = array<i32>} : memref<128xi32, #tpu.memory_space<vmem>>, vector<16xi32>,
          %swap3A_177 = vector.shape_cast %swap3A_176 : vector<16xi32> to vector<16xi32>
          %swap3A_178 = vector.shape_cast %get3A_174 : vector<16xi32> to vector<16xi32>
          tpu.vector_store %arg13[%swap3A_175], %swap3A_178 {strides = array<i32>} : memref<128xi32, #tpu.memory_space<vmem>>, vector<16xi32>,
          %get3A_179 = arith.index_cast %add3A_171 : i32 to index
          %get3A_180 = tpu.vector_load %arg11[%get3A_179] {strides = array<i32>} : memref<2048xi32, #tpu.memory_space<vmem>>, vector<16xi32>,
          %get3A_181 = vector.shape_cast %get3A_180 : vector<16xi32> to vector<16xi32>
          %swap3A_182 = arith.constant 80 : index
          %swap3A_183 = tpu.vector_load %arg14[%swap3A_182] {strides = array<i32>} : memref<128xi32, #tpu.memory_space<vmem>>, vector<16xi32>,
          %swap3A_184 = vector.shape_cast %swap3A_183 : vector<16xi32> to vector<16xi32>
          %swap3A_185 = vector.shape_cast %get3A_181 : vector<16xi32> to vector<16xi32>
          tpu.vector_store %arg14[%swap3A_182], %swap3A_185 {strides = array<i32>} : memref<128xi32, #tpu.memory_space<vmem>>, vector<16xi32>,
          %get3A_186 = arith.index_cast %add3A_171 : i32 to index
          %get3A_187 = tpu.vector_load %arg12[%get3A_186] {strides = array<i32>} : memref<2048xi32, #tpu.memory_space<vmem>>, vector<16xi32>,
          %get3A_188 = vector.shape_cast %get3A_187 : vector<16xi32> to vector<16xi32>
          %swap3A_189 = arith.constant 80 : index
          %swap3A_190 = tpu.vector_load %arg15[%swap3A_189] {strides = array<i32>} : memref<128xi32, #tpu.memory_space<vmem>>, vector<16xi32>,
          %swap3A_191 = vector.shape_cast %swap3A_190 : vector<16xi32> to vector<16xi32>
          %swap3A_192 = vector.shape_cast %get3A_188 : vector<16xi32> to vector<16xi32>
          tpu.vector_store %arg15[%swap3A_189], %swap3A_192 {strides = array<i32>} : memref<128xi32, #tpu.memory_space<vmem>>, vector<16xi32>,
          %add3A_193 = arith.constant 96 : i32
          %add3A_194 = arith.addi %mul3A_56, %add3A_193 : i32
          %get3A_195 = arith.index_cast %add3A_194 : i32 to index
          %get3A_196 = tpu.vector_load %arg10[%get3A_195] {strides = array<i32>} : memref<2048xi32, #tpu.memory_space<vmem>>, vector<16xi32>,
          %get3A_197 = vector.shape_cast %get3A_196 : vector<16xi32> to vector<16xi32>
          %swap3A_198 = arith.constant 96 : index
          %swap3A_199 = tpu.vector_load %arg13[%swap3A_198] {strides = array<i32>} : memref<128xi32, #tpu.memory_space<vmem>>, vector<16xi32>,
          %swap3A_200 = vector.shape_cast %swap3A_199 : vector<16xi32> to vector<16xi32>
          %swap3A_201 = vector.shape_cast %get3A_197 : vector<16xi32> to vector<16xi32>
          tpu.vector_store %arg13[%swap3A_198], %swap3A_201 {strides = array<i32>} : memref<128xi32, #tpu.memory_space<vmem>>, vector<16xi32>,
          %get3A_202 = arith.index_cast %add3A_194 : i32 to index
          %get3A_203 = tpu.vector_load %arg11[%get3A_202] {strides = array<i32>} : memref<2048xi32, #tpu.memory_space<vmem>>, vector<16xi32>,
          %get3A_204 = vector.shape_cast %get3A_203 : vector<16xi32> to vector<16xi32>
          %swap3A_205 = arith.constant 96 : index
          %swap3A_206 = tpu.vector_load %arg14[%swap3A_205] {strides = array<i32>} : memref<128xi32, #tpu.memory_space<vmem>>, vector<16xi32>,
          %swap3A_207 = vector.shape_cast %swap3A_206 : vector<16xi32> to vector<16xi32>
          %swap3A_208 = vector.shape_cast %get3A_204 : vector<16xi32> to vector<16xi32>
          tpu.vector_store %arg14[%swap3A_205], %swap3A_208 {strides = array<i32>} : memref<128xi32, #tpu.memory_space<vmem>>, vector<16xi32>,
          %get3A_209 = arith.index_cast %add3A_194 : i32 to index
          %get3A_210 = tpu.vector_load %arg12[%get3A_209] {strides = array<i32>} : memref<2048xi32, #tpu.memory_space<vmem>>, vector<16xi32>,
          %get3A_211 = vector.shape_cast %get3A_210 : vector<16xi32> to vector<16xi32>
          %swap3A_212 = arith.constant 96 : index
          %swap3A_213 = tpu.vector_load %arg15[%swap3A_212] {strides = array<i32>} : memref<128xi32, #tpu.memory_space<vmem>>, vector<16xi32>,
          %swap3A_214 = vector.shape_cast %swap3A_213 : vector<16xi32> to vector<16xi32>
          %swap3A_215 = vector.shape_cast %get3A_211 : vector<16xi32> to vector<16xi32>
          tpu.vector_store %arg15[%swap3A_212], %swap3A_215 {strides = array<i32>} : memref<128xi32, #tpu.memory_space<vmem>>, vector<16xi32>,
          %add3A_216 = arith.constant 112 : i32
          %add3A_217 = arith.addi %mul3A_56, %add3A_216 : i32
          %get3A_218 = arith.index_cast %add3A_217 : i32 to index
          %get3A_219 = tpu.vector_load %arg10[%get3A_218] {strides = array<i32>} : memref<2048xi32, #tpu.memory_space<vmem>>, vector<16xi32>,
          %get3A_220 = vector.shape_cast %get3A_219 : vector<16xi32> to vector<16xi32>
          %swap3A_221 = arith.constant 112 : index
          %swap3A_222 = tpu.vector_load %arg13[%swap3A_221] {strides = array<i32>} : memref<128xi32, #tpu.memory_space<vmem>>, vector<16xi32>,
          %swap3A_223 = vector.shape_cast %swap3A_222 : vector<16xi32> to vector<16xi32>
          %swap3A_224 = vector.shape_cast %get3A_220 : vector<16xi32> to vector<16xi32>
          tpu.vector_store %arg13[%swap3A_221], %swap3A_224 {strides = array<i32>} : memref<128xi32, #tpu.memory_space<vmem>>, vector<16xi32>,
          %get3A_225 = arith.index_cast %add3A_217 : i32 to index
          %get3A_226 = tpu.vector_load %arg11[%get3A_225] {strides = array<i32>} : memref<2048xi32, #tpu.memory_space<vmem>>, vector<16xi32>,
          %get3A_227 = vector.shape_cast %get3A_226 : vector<16xi32> to vector<16xi32>
          %swap3A_228 = arith.constant 112 : index
          %swap3A_229 = tpu.vector_load %arg14[%swap3A_228] {strides = array<i32>} : memref<128xi32, #tpu.memory_space<vmem>>, vector<16xi32>,
          %swap3A_230 = vector.shape_cast %swap3A_229 : vector<16xi32> to vector<16xi32>
          %swap3A_231 = vector.shape_cast %get3A_227 : vector<16xi32> to vector<16xi32>
          tpu.vector_store %arg14[%swap3A_228], %swap3A_231 {strides = array<i32>} : memref<128xi32, #tpu.memory_space<vmem>>, vector<16xi32>,
          %get3A_232 = arith.index_cast %add3A_217 : i32 to index
          %get3A_233 = tpu.vector_load %arg12[%get3A_232] {strides = array<i32>} : memref<2048xi32, #tpu.memory_space<vmem>>, vector<16xi32>,
          %get3A_234 = vector.shape_cast %get3A_233 : vector<16xi32> to vector<16xi32>
          %swap3A_235 = arith.constant 112 : index
          %swap3A_236 = tpu.vector_load %arg15[%swap3A_235] {strides = array<i32>} : memref<128xi32, #tpu.memory_space<vmem>>, vector<16xi32>,
          %swap3A_237 = vector.shape_cast %swap3A_236 : vector<16xi32> to vector<16xi32>
          %swap3A_238 = vector.shape_cast %get3A_234 : vector<16xi32> to vector<16xi32>
          tpu.vector_store %arg15[%swap3A_235], %swap3A_238 {strides = array<i32>} : memref<128xi32, #tpu.memory_space<vmem>>, vector<16xi32>,
          %dma_start3A = arith.constant 0 : i32
          %dma_start3A_239 = arith.constant 0 : i32
          %dma_start3A_240 = tpu.memref_slice %arg2[%dma_start3A, %dma_start3A_239] : memref<20000x128xf32, #tpu.memory_space<hbm>> -> memref<20000x128xf32, #tpu.memory_space<hbm>>
          tpu.enqueue_indirect_dma source(%dma_start3A_240 : memref<20000x128xf32, #tpu.memory_space<hbm>>) target(%arg16 : memref<128x128xf32, #tpu.memory_space<vmem>>) offsets(%arg13 : memref<128xi32, #tpu.memory_space<vmem>>) semaphore(%arg19 : memref<!tpu.dma_semaphore, #tpu.memory_space<semaphore_mem>>)
          %dma_wait3A = arith.constant 0 : i32
          %dma_wait3A_241 = arith.constant 0 : i32
          %dma_wait3A_242 = tpu.memref_slice %arg2[%dma_wait3A, %dma_wait3A_241] : memref<20000x128xf32, #tpu.memory_space<hbm>> -> memref<20000x128xf32, #tpu.memory_space<hbm>>
          tpu.wait_indirect_dma semaphore(%arg19 : memref<!tpu.dma_semaphore, #tpu.memory_space<semaphore_mem>>) src(%dma_wait3A_242 : memref<20000x128xf32, #tpu.memory_space<hbm>>) dst(%arg16 : memref<128x128xf32, #tpu.memory_space<vmem>>)
          %dma_start3A_243 = arith.constant 0 : i32
          %dma_start3A_244 = arith.constant 0 : i32
          %dma_start3A_245 = tpu.memref_slice %arg3[%dma_start3A_243, %dma_start3A_244] : memref<640000x128xf32, #tpu.memory_space<hbm>> -> memref<640000x128xf32, #tpu.memory_space<hbm>>
          tpu.enqueue_indirect_dma source(%dma_start3A_245 : memref<640000x128xf32, #tpu.memory_space<hbm>>) target(%arg17 : memref<128x128xf32, #tpu.memory_space<vmem>>) offsets(%arg14 : memref<128xi32, #tpu.memory_space<vmem>>) semaphore(%arg19 : memref<!tpu.dma_semaphore, #tpu.memory_space<semaphore_mem>>)
          %dma_wait3A_246 = arith.constant 0 : i32
          %dma_wait3A_247 = arith.constant 0 : i32
          %dma_wait3A_248 = tpu.memref_slice %arg3[%dma_wait3A_246, %dma_wait3A_247] : memref<640000x128xf32, #tpu.memory_space<hbm>> -> memref<640000x128xf32, #tpu.memory_space<hbm>>
          tpu.wait_indirect_dma semaphore(%arg19 : memref<!tpu.dma_semaphore, #tpu.memory_space<semaphore_mem>>) src(%dma_wait3A_248 : memref<640000x128xf32, #tpu.memory_space<hbm>>) dst(%arg17 : memref<128x128xf32, #tpu.memory_space<vmem>>)
          %scan3A_249 = arith.constant 0 : i32
          %scan3A_250 = arith.constant 0 : i32
          %scan3A_251 = arith.constant 128 : i32
          %scan3A_252 = arith.addi %scan3A_250, %scan3A_251 : i32
          %scan3A_253 = arith.constant 1 : i32
          %scan3A_254 = scf.for %scan3A_256 = %scan3A_250 to %scan3A_252 step %scan3A_253 iter_args(%scan3A_257 = %scan3A_249) -> (i32)  : i32 {
            %get3A_258 = arith.index_cast %scan3A_256 : i32 to index
            %get3A_259 = arith.constant 0 : index
            %get3A_260 = tpu.vector_load %arg16[%get3A_258, %get3A_259] {strides = array<i32>} : memref<128x128xf32, #tpu.memory_space<vmem>>, vector<1x128xf32>,
            %get3A_261 = vector.shape_cast %get3A_260 : vector<1x128xf32> to vector<128xf32>
            %get3A_262 = arith.index_cast %scan3A_256 : i32 to index
            %get3A_263 = arith.constant 0 : index
            %get3A_264 = tpu.vector_load %arg17[%get3A_262, %get3A_263] {strides = array<i32>} : memref<128x128xf32, #tpu.memory_space<vmem>>, vector<1x128xf32>,
            %get3A_265 = vector.shape_cast %get3A_264 : vector<1x128xf32> to vector<128xf32>
            %add3A_266 = arith.addf %get3A_261, %get3A_265 : vector<128xf32>
            %max3A = arith.constant 0.000000e+00 : f32
            %max3A_267 = vector.broadcast %max3A : f32 to vector<128xf32>
            %max3A_268 = arith.maximumf %add3A_266, %max3A_267 : vector<128xf32>
            %swap3A_269 = arith.index_cast %scan3A_256 : i32 to index
            %swap3A_270 = arith.constant 0 : index
            %swap3A_271 = tpu.vector_load %arg16[%swap3A_269, %swap3A_270] {strides = array<i32>} : memref<128x128xf32, #tpu.memory_space<vmem>>, vector<1x128xf32>,
            %swap3A_272 = vector.shape_cast %swap3A_271 : vector<1x128xf32> to vector<128xf32>
            %swap3A_273 = vector.shape_cast %max3A_268 : vector<128xf32> to vector<1x128xf32>
            tpu.vector_store %arg16[%swap3A_269, %swap3A_270], %swap3A_273 {strides = array<i32>} : memref<128x128xf32, #tpu.memory_space<vmem>>, vector<1x128xf32>,
            %scan3A_274 = arith.constant 0 : i32
            scf.yield %scan3A_274 : i32
          }
          %scan3A_255 = arith.constant 128 : i32
          "tpu.region"() ({
            %run_scoped3A = tpu.sem_alloc : memref<!tpu.dma_semaphore, #tpu.memory_space<semaphore_mem>>
            %dma_start3A_256 = arith.constant 0 : i32
            %dma_start3A_257 = arith.constant 0 : i32
            %dma_start3A_258 = tpu.memref_slice %arg18[%dma_start3A_256, %dma_start3A_257] : memref<10112x128xf32, #tpu.memory_space<vmem_shared>> -> memref<10112x128xf32, #tpu.memory_space<vmem_shared>>
            tpu.enqueue_indirect_dma source(%arg16 : memref<128x128xf32, #tpu.memory_space<vmem>>) target(%dma_start3A_258 : memref<10112x128xf32, #tpu.memory_space<vmem_shared>>) offsets(%arg15 : memref<128xi32, #tpu.memory_space<vmem>>) semaphore(%run_scoped3A : memref<!tpu.dma_semaphore, #tpu.memory_space<semaphore_mem>>) {add = true}
            %dma_wait3A_259 = arith.constant 0 : i32
            %dma_wait3A_260 = arith.constant 0 : i32
            %dma_wait3A_261 = tpu.memref_slice %arg18[%dma_wait3A_259, %dma_wait3A_260] : memref<10112x128xf32, #tpu.memory_space<vmem_shared>> -> memref<10112x128xf32, #tpu.memory_space<vmem_shared>>
            tpu.wait_indirect_dma semaphore(%run_scoped3A : memref<!tpu.dma_semaphore, #tpu.memory_space<semaphore_mem>>) src(%arg16 : memref<128x128xf32, #tpu.memory_space<vmem>>) dst(%dma_wait3A_261 : memref<10112x128xf32, #tpu.memory_space<vmem_shared>>)
            tpu.yield
          }) : () -> ()
        } else {
        }
        %scan3A_54 = arith.constant 0 : i32
        scf.yield %scan3A_54 : i32
      }
      %scan3A_47 = arith.constant 16 : i32
      %scan3A_48 = arith.constant 0 : i32
      scf.yield %scan3A_48 : i32
    }
    %scan3A_15 = arith.constant 160 : i32
    %mul3A_16 = arith.constant 632 : i32
    %mul3A_17 = arith.muli %arg1, %mul3A_16 : i32
    %mul3A_18 = arith.constant 16 : i32
    %mul3A_19 = arith.muli %arg0, %mul3A_18 : i32
    %add3A_20 = arith.addi %mul3A_19, %arg1 : i32
    %mul3A_21 = arith.constant 632 : i32
    %mul3A_22 = arith.muli %add3A_20, %mul3A_21 : i32
    "tpu.region"() ({
      %run_scoped3A = tpu.sem_alloc : memref<!tpu.dma_semaphore, #tpu.memory_space<semaphore_mem>>
      %dma_start3A = arith.constant 0 : i32
      %dma_start3A_23 = tpu.memref_slice %arg7[%mul3A_22, %dma_start3A] : memref<20224x128xf32, #tpu.memory_space<hbm>> -> memref<632x128xf32, #tpu.memory_space<hbm>>
      %dma_start3A_24 = arith.constant 0 : i32
      %dma_start3A_25 = tpu.memref_slice %arg18[%mul3A_17, %dma_start3A_24] : memref<10112x128xf32, #tpu.memory_space<vmem_shared>> -> memref<632x128xf32, #tpu.memory_space<vmem_shared>>
      tpu.enqueue_dma source(%dma_start3A_25 : memref<632x128xf32, #tpu.memory_space<vmem_shared>>) target(%dma_start3A_23 : memref<632x128xf32, #tpu.memory_space<hbm>>) target_semaphore(%run_scoped3A : memref<!tpu.dma_semaphore, #tpu.memory_space<semaphore_mem>>)
      %dma_wait3A = arith.constant 0 : i32
      %dma_wait3A_26 = tpu.memref_slice %arg7[%mul3A_22, %dma_wait3A] : memref<20224x128xf32, #tpu.memory_space<hbm>> -> memref<632x128xf32, #tpu.memory_space<hbm>>
      %dma_wait3A_27 = arith.constant 0 : i32
      %dma_wait3A_28 = tpu.memref_slice %arg18[%mul3A_17, %dma_wait3A_27] : memref<10112x128xf32, #tpu.memory_space<vmem_shared>> -> memref<632x128xf32, #tpu.memory_space<vmem_shared>>
      tpu.wait_dma2 semaphore(%run_scoped3A : memref<!tpu.dma_semaphore, #tpu.memory_space<semaphore_mem>>) src(%dma_wait3A_28 : memref<632x128xf32, #tpu.memory_space<vmem_shared>>) dst(%dma_wait3A_26 : memref<632x128xf32, #tpu.memory_space<hbm>>)
      tpu.yield
    }) : () -> ()
    return
  }
}

module attributes {stable_mosaic.version = 14 : i64} {
  func.func @_edge_enc_body(%arg0: i32, %arg1: memref<8000x16xf32, #tpu.memory_space<vmem>>, %arg2: memref<16x256xf32, #tpu.memory_space<vmem>>, %arg3: memref<1x256xf32, #tpu.memory_space<vmem>>, %arg4: memref<8000x256xf32, #tpu.memory_space<vmem>>) attributes {dimension_semantics = [#tpu.dimension_semantics<arbitrary>], iteration_bounds = array<i64: 40>, scalar_prefetch = 0 : i64, scratch_operands = 0 : i64, tpu.core_type = #tpu.core_type<tc>, window_params = [{transform_indices = @transform_0, window_bounds = array<i64: 8000, 16>}, {pipeline_mode = #tpu.pipeline_mode<synchronous>, transform_indices = @transform_1, window_bounds = array<i64: 16, 256>}, {pipeline_mode = #tpu.pipeline_mode<synchronous>, transform_indices = @transform_2, window_bounds = array<i64: 1, 256>}, {transform_indices = @transform_3, window_bounds = array<i64: 8000, 256>}]} {
    %get3A = arith.constant 0 : index
    %get3A_0 = arith.constant 0 : index
    %get3A_1 = vector.load %arg1[%get3A, %get3A_0] : memref<8000x16xf32, #tpu.memory_space<vmem>>, vector<8000x16xf32>
    %get3A_2 = arith.constant 0 : index
    %get3A_3 = arith.constant 0 : index
    %get3A_4 = vector.load %arg2[%get3A_2, %get3A_3] : memref<16x256xf32, #tpu.memory_space<vmem>>, vector<16x256xf32>
    %dot_general3A = arith.constant dense<0.000000e+00> : vector<8000x256xf32>
    %dot_general3A_5 = tpu.matmul %get3A_1, %get3A_4, %dot_general3A {dimension_numbers = #tpu.dot_dimension_numbers<[1], [0], [0], [1], [0, 0, 1, 1], [], []>, transpose_lhs_hint = false} : vector<8000x16xf32>, vector<16x256xf32>, vector<8000x256xf32> -> vector<8000x256xf32>
    %get3A_6 = arith.constant 0 : index
    %get3A_7 = arith.constant 0 : index
    %get3A_8 = vector.load %arg3[%get3A_6, %get3A_7] : memref<1x256xf32, #tpu.memory_space<vmem>>, vector<1x256xf32>
    %add3A = vector.broadcast %get3A_8 : vector<1x256xf32> to vector<8000x256xf32>
    %add3A_9 = arith.addf %dot_general3A_5, %add3A : vector<8000x256xf32>
    %swap3A = arith.constant 0 : index
    %swap3A_10 = arith.constant 0 : index
    %swap3A_11 = vector.load %arg4[%swap3A, %swap3A_10] : memref<8000x256xf32, #tpu.memory_space<vmem>>, vector<8000x256xf32>
    tpu.vector_store %arg4[%swap3A, %swap3A_10], %add3A_9 {strides = array<i32>} : memref<8000x256xf32, #tpu.memory_space<vmem>>, vector<8000x256xf32>,
    return
  }
  func.func @transform_0(%arg0: i32) -> (i32, i32) {
    %c0_i32 = arith.constant 0 : i32
    %c0_i32_0 = arith.constant 0 : i32
    return %arg0, %c0_i32 : i32, i32
  }
  func.func @transform_1(%arg0: i32) -> (i32, i32) {
    %c0_i32 = arith.constant 0 : i32
    %c0_i32_0 = arith.constant 0 : i32
    %c0_i32_1 = arith.constant 0 : i32
    return %c0_i32, %c0_i32_0 : i32, i32
  }
  func.func @transform_2(%arg0: i32) -> (i32, i32) {
    %c0_i32 = arith.constant 0 : i32
    %c0_i32_0 = arith.constant 0 : i32
    %c0_i32_1 = arith.constant 0 : i32
    return %c0_i32, %c0_i32_0 : i32, i32
  }
  func.func @transform_3(%arg0: i32) -> (i32, i32) {
    %c0_i32 = arith.constant 0 : i32
    %c0_i32_0 = arith.constant 0 : i32
    return %arg0, %c0_i32 : i32, i32
  }
}

module attributes {stable_mosaic.version = 14 : i64} {
  func.func @_ee_body(%arg0: i32, %arg1: memref<8000x256xf32, #tpu.memory_space<vmem>>, %arg2: memref<1x256x256xf32, #tpu.memory_space<vmem>>, %arg3: memref<1x1x256xf32, #tpu.memory_space<vmem>>, %arg4: memref<2x8000x128xf32, #tpu.memory_space<vmem>>) attributes {dimension_semantics = [#tpu.dimension_semantics<arbitrary>], iteration_bounds = array<i64: 40>, scalar_prefetch = 0 : i64, scratch_operands = 0 : i64, tpu.core_type = #tpu.core_type<tc>, window_params = [{transform_indices = @transform_0, window_bounds = array<i64: 8000, 256>}, {transform_indices = @transform_1, window_bounds = array<i64: 1, 256, 256>}, {transform_indices = @transform_2, window_bounds = array<i64: 1, 1, 256>}, {transform_indices = @transform_3, window_bounds = array<i64: 2, 8000, 128>}]} {
    %get3A = arith.constant 0 : index
    %get3A_0 = arith.constant 0 : index
    %get3A_1 = vector.load %arg1[%get3A, %get3A_0] : memref<8000x256xf32, #tpu.memory_space<vmem>>, vector<8000x256xf32>
    %get3A_2 = arith.constant 0 : index
    %get3A_3 = arith.constant 0 : index
    %get3A_4 = arith.constant 0 : index
    %get3A_5 = vector.load %arg2[%get3A_2, %get3A_3, %get3A_4] : memref<1x256x256xf32, #tpu.memory_space<vmem>>, vector<1x256x256xf32>
    %get3A_6 = vector.shape_cast %get3A_5 : vector<1x256x256xf32> to vector<256x256xf32>
    %dot_general3A = arith.constant dense<0.000000e+00> : vector<8000x256xf32>
    %dot_general3A_7 = tpu.matmul %get3A_1, %get3A_6, %dot_general3A {dimension_numbers = #tpu.dot_dimension_numbers<[1], [0], [0], [1], [0, 0, 1, 1], [], []>, transpose_lhs_hint = false} : vector<8000x256xf32>, vector<256x256xf32>, vector<8000x256xf32> -> vector<8000x256xf32>
    %get3A_8 = arith.constant 0 : index
    %get3A_9 = arith.constant 0 : index
    %get3A_10 = arith.constant 0 : index
    %get3A_11 = vector.load %arg3[%get3A_8, %get3A_9, %get3A_10] : memref<1x1x256xf32, #tpu.memory_space<vmem>>, vector<1x1x256xf32>
    %get3A_12 = vector.shape_cast %get3A_11 : vector<1x1x256xf32> to vector<1x256xf32>
    %add3A = vector.broadcast %get3A_12 : vector<1x256xf32> to vector<8000x256xf32>
    %add3A_13 = arith.addf %dot_general3A_7, %add3A : vector<8000x256xf32>
    %slice3A = vector.extract_strided_slice %add3A_13 {offsets = [0, 0], sizes = [8000, 128], strides = [1, 1]} : vector<8000x256xf32> to vector<8000x128xf32>
    %swap3A = arith.constant 0 : index
    %swap3A_14 = arith.constant 0 : index
    %swap3A_15 = arith.constant 0 : index
    %swap3A_16 = vector.load %arg4[%swap3A, %swap3A_14, %swap3A_15] : memref<2x8000x128xf32, #tpu.memory_space<vmem>>, vector<1x8000x128xf32>
    %swap3A_17 = vector.shape_cast %swap3A_16 : vector<1x8000x128xf32> to vector<8000x128xf32>
    %swap3A_18 = vector.shape_cast %slice3A : vector<8000x128xf32> to vector<1x8000x128xf32>
    tpu.vector_store %arg4[%swap3A, %swap3A_14, %swap3A_15], %swap3A_18 {strides = array<i32>} : memref<2x8000x128xf32, #tpu.memory_space<vmem>>, vector<1x8000x128xf32>,
    %slice3A_19 = vector.extract_strided_slice %add3A_13 {offsets = [0, 128], sizes = [8000, 128], strides = [1, 1]} : vector<8000x256xf32> to vector<8000x128xf32>
    %swap3A_20 = arith.constant 1 : index
    %swap3A_21 = arith.constant 0 : index
    %swap3A_22 = arith.constant 0 : index
    %swap3A_23 = vector.load %arg4[%swap3A_20, %swap3A_21, %swap3A_22] : memref<2x8000x128xf32, #tpu.memory_space<vmem>>, vector<1x8000x128xf32>
    %swap3A_24 = vector.shape_cast %swap3A_23 : vector<1x8000x128xf32> to vector<8000x128xf32>
    %swap3A_25 = vector.shape_cast %slice3A_19 : vector<8000x128xf32> to vector<1x8000x128xf32>
    tpu.vector_store %arg4[%swap3A_20, %swap3A_21, %swap3A_22], %swap3A_25 {strides = array<i32>} : memref<2x8000x128xf32, #tpu.memory_space<vmem>>, vector<1x8000x128xf32>,
    return
  }
  func.func @transform_0(%arg0: i32) -> (i32, i32) {
    %c0_i32 = arith.constant 0 : i32
    %c0_i32_0 = arith.constant 0 : i32
    return %arg0, %c0_i32 : i32, i32
  }
  func.func @transform_1(%arg0: i32) -> (i32, i32, i32) {
    %c0_i32 = arith.constant 0 : i32
    %c0_i32_0 = arith.constant 0 : i32
    %c0_i32_1 = arith.constant 0 : i32
    %c0_i32_2 = arith.constant 0 : i32
    return %c0_i32, %c0_i32_0, %c0_i32_1 : i32, i32, i32
  }
  func.func @transform_2(%arg0: i32) -> (i32, i32, i32) {
    %c0_i32 = arith.constant 0 : i32
    %c0_i32_0 = arith.constant 0 : i32
    %c0_i32_1 = arith.constant 0 : i32
    %c0_i32_2 = arith.constant 0 : i32
    return %c0_i32, %c0_i32_0, %c0_i32_1 : i32, i32, i32
  }
  func.func @transform_3(%arg0: i32) -> (i32, i32, i32) {
    %c0_i32 = arith.constant 0 : i32
    %c0_i32_0 = arith.constant 0 : i32
    %c0_i32_1 = arith.constant 0 : i32
    return %c0_i32, %arg0, %c0_i32_0 : i32, i32, i32
  }
}

module attributes {stable_mosaic.version = 14 : i64} {
  func.func @_enc_body(%arg0: i32, %arg1: memref<1000x128xf32, #tpu.memory_space<vmem>>, %arg2: memref<128x256xf32, #tpu.memory_space<vmem>>, %arg3: memref<1x256xf32, #tpu.memory_space<vmem>>, %arg4: memref<2x1000x128xf32, #tpu.memory_space<vmem>>) attributes {dimension_semantics = [#tpu.dimension_semantics<arbitrary>], iteration_bounds = array<i64: 10>, scalar_prefetch = 0 : i64, scratch_operands = 0 : i64, tpu.core_type = #tpu.core_type<tc>, window_params = [{transform_indices = @transform_0, window_bounds = array<i64: 1000, 128>}, {pipeline_mode = #tpu.pipeline_mode<synchronous>, transform_indices = @transform_1, window_bounds = array<i64: 128, 256>}, {pipeline_mode = #tpu.pipeline_mode<synchronous>, transform_indices = @transform_2, window_bounds = array<i64: 1, 256>}, {transform_indices = @transform_3, window_bounds = array<i64: 2, 1000, 128>}]} {
    %get3A = arith.constant 0 : index
    %get3A_0 = arith.constant 0 : index
    %get3A_1 = vector.load %arg1[%get3A, %get3A_0] : memref<1000x128xf32, #tpu.memory_space<vmem>>, vector<1000x128xf32>
    %get3A_2 = arith.constant 0 : index
    %get3A_3 = arith.constant 0 : index
    %get3A_4 = vector.load %arg2[%get3A_2, %get3A_3] : memref<128x256xf32, #tpu.memory_space<vmem>>, vector<128x256xf32>
    %dot_general3A = arith.constant dense<0.000000e+00> : vector<1000x256xf32>
    %dot_general3A_5 = tpu.matmul %get3A_1, %get3A_4, %dot_general3A {dimension_numbers = #tpu.dot_dimension_numbers<[1], [0], [0], [1], [0, 0, 1, 1], [], []>, transpose_lhs_hint = false} : vector<1000x128xf32>, vector<128x256xf32>, vector<1000x256xf32> -> vector<1000x256xf32>
    %get3A_6 = arith.constant 0 : index
    %get3A_7 = arith.constant 0 : index
    %get3A_8 = vector.load %arg3[%get3A_6, %get3A_7] : memref<1x256xf32, #tpu.memory_space<vmem>>, vector<1x256xf32>
    %add3A = vector.broadcast %get3A_8 : vector<1x256xf32> to vector<1000x256xf32>
    %add3A_9 = arith.addf %dot_general3A_5, %add3A : vector<1000x256xf32>
    %slice3A = vector.extract_strided_slice %add3A_9 {offsets = [0, 0], sizes = [1000, 128], strides = [1, 1]} : vector<1000x256xf32> to vector<1000x128xf32>
    %swap3A = arith.constant 0 : index
    %swap3A_10 = arith.constant 0 : index
    %swap3A_11 = arith.constant 0 : index
    %swap3A_12 = vector.load %arg4[%swap3A, %swap3A_10, %swap3A_11] : memref<2x1000x128xf32, #tpu.memory_space<vmem>>, vector<1x1000x128xf32>
    %swap3A_13 = vector.shape_cast %swap3A_12 : vector<1x1000x128xf32> to vector<1000x128xf32>
    %swap3A_14 = vector.shape_cast %slice3A : vector<1000x128xf32> to vector<1x1000x128xf32>
    tpu.vector_store %arg4[%swap3A, %swap3A_10, %swap3A_11], %swap3A_14 {strides = array<i32>} : memref<2x1000x128xf32, #tpu.memory_space<vmem>>, vector<1x1000x128xf32>,
    %slice3A_15 = vector.extract_strided_slice %add3A_9 {offsets = [0, 128], sizes = [1000, 128], strides = [1, 1]} : vector<1000x256xf32> to vector<1000x128xf32>
    %swap3A_16 = arith.constant 1 : index
    %swap3A_17 = arith.constant 0 : index
    %swap3A_18 = arith.constant 0 : index
    %swap3A_19 = vector.load %arg4[%swap3A_16, %swap3A_17, %swap3A_18] : memref<2x1000x128xf32, #tpu.memory_space<vmem>>, vector<1x1000x128xf32>
    %swap3A_20 = vector.shape_cast %swap3A_19 : vector<1x1000x128xf32> to vector<1000x128xf32>
    %swap3A_21 = vector.shape_cast %slice3A_15 : vector<1000x128xf32> to vector<1x1000x128xf32>
    tpu.vector_store %arg4[%swap3A_16, %swap3A_17, %swap3A_18], %swap3A_21 {strides = array<i32>} : memref<2x1000x128xf32, #tpu.memory_space<vmem>>, vector<1x1000x128xf32>,
    return
  }
  func.func @transform_0(%arg0: i32) -> (i32, i32) {
    %c0_i32 = arith.constant 0 : i32
    %c0_i32_0 = arith.constant 0 : i32
    return %arg0, %c0_i32 : i32, i32
  }
  func.func @transform_1(%arg0: i32) -> (i32, i32) {
    %c0_i32 = arith.constant 0 : i32
    %c0_i32_0 = arith.constant 0 : i32
    %c0_i32_1 = arith.constant 0 : i32
    return %c0_i32, %c0_i32_0 : i32, i32
  }
  func.func @transform_2(%arg0: i32) -> (i32, i32) {
    %c0_i32 = arith.constant 0 : i32
    %c0_i32_0 = arith.constant 0 : i32
    %c0_i32_1 = arith.constant 0 : i32
    return %c0_i32, %c0_i32_0 : i32, i32
  }
  func.func @transform_3(%arg0: i32) -> (i32, i32, i32) {
    %c0_i32 = arith.constant 0 : i32
    %c0_i32_0 = arith.constant 0 : i32
    %c0_i32_1 = arith.constant 0 : i32
    return %c0_i32, %arg0, %c0_i32_0 : i32, i32, i32
  }
}

module attributes {stable_mosaic.version = 14 : i64} {
  func.func @_ee_body(%arg0: i32, %arg1: memref<8000x256xf32, #tpu.memory_space<vmem>>, %arg2: memref<1x256x256xf32, #tpu.memory_space<vmem>>, %arg3: memref<1x1x256xf32, #tpu.memory_space<vmem>>, %arg4: memref<2x8000x128xf32, #tpu.memory_space<vmem>>) attributes {dimension_semantics = [#tpu.dimension_semantics<arbitrary>], iteration_bounds = array<i64: 40>, scalar_prefetch = 0 : i64, scratch_operands = 0 : i64, tpu.core_type = #tpu.core_type<tc>, window_params = [{transform_indices = @transform_0, window_bounds = array<i64: 8000, 256>}, {transform_indices = @transform_1, window_bounds = array<i64: 1, 256, 256>}, {transform_indices = @transform_2, window_bounds = array<i64: 1, 1, 256>}, {transform_indices = @transform_3, window_bounds = array<i64: 2, 8000, 128>}]} {
    %get3A = arith.constant 0 : index
    %get3A_0 = arith.constant 0 : index
    %get3A_1 = vector.load %arg1[%get3A, %get3A_0] : memref<8000x256xf32, #tpu.memory_space<vmem>>, vector<8000x256xf32>
    %get3A_2 = arith.constant 0 : index
    %get3A_3 = arith.constant 0 : index
    %get3A_4 = arith.constant 0 : index
    %get3A_5 = vector.load %arg2[%get3A_2, %get3A_3, %get3A_4] : memref<1x256x256xf32, #tpu.memory_space<vmem>>, vector<1x256x256xf32>
    %get3A_6 = vector.shape_cast %get3A_5 : vector<1x256x256xf32> to vector<256x256xf32>
    %dot_general3A = arith.constant dense<0.000000e+00> : vector<8000x256xf32>
    %dot_general3A_7 = tpu.matmul %get3A_1, %get3A_6, %dot_general3A {dimension_numbers = #tpu.dot_dimension_numbers<[1], [0], [0], [1], [0, 0, 1, 1], [], []>, transpose_lhs_hint = false} : vector<8000x256xf32>, vector<256x256xf32>, vector<8000x256xf32> -> vector<8000x256xf32>
    %get3A_8 = arith.constant 0 : index
    %get3A_9 = arith.constant 0 : index
    %get3A_10 = arith.constant 0 : index
    %get3A_11 = vector.load %arg3[%get3A_8, %get3A_9, %get3A_10] : memref<1x1x256xf32, #tpu.memory_space<vmem>>, vector<1x1x256xf32>
    %get3A_12 = vector.shape_cast %get3A_11 : vector<1x1x256xf32> to vector<1x256xf32>
    %add3A = vector.broadcast %get3A_12 : vector<1x256xf32> to vector<8000x256xf32>
    %add3A_13 = arith.addf %dot_general3A_7, %add3A : vector<8000x256xf32>
    %slice3A = vector.extract_strided_slice %add3A_13 {offsets = [0, 0], sizes = [8000, 128], strides = [1, 1]} : vector<8000x256xf32> to vector<8000x128xf32>
    %swap3A = arith.constant 0 : index
    %swap3A_14 = arith.constant 0 : index
    %swap3A_15 = arith.constant 0 : index
    %swap3A_16 = vector.load %arg4[%swap3A, %swap3A_14, %swap3A_15] : memref<2x8000x128xf32, #tpu.memory_space<vmem>>, vector<1x8000x128xf32>
    %swap3A_17 = vector.shape_cast %swap3A_16 : vector<1x8000x128xf32> to vector<8000x128xf32>
    %swap3A_18 = vector.shape_cast %slice3A : vector<8000x128xf32> to vector<1x8000x128xf32>
    tpu.vector_store %arg4[%swap3A, %swap3A_14, %swap3A_15], %swap3A_18 {strides = array<i32>} : memref<2x8000x128xf32, #tpu.memory_space<vmem>>, vector<1x8000x128xf32>,
    %slice3A_19 = vector.extract_strided_slice %add3A_13 {offsets = [0, 128], sizes = [8000, 128], strides = [1, 1]} : vector<8000x256xf32> to vector<8000x128xf32>
    %swap3A_20 = arith.constant 1 : index
    %swap3A_21 = arith.constant 0 : index
    %swap3A_22 = arith.constant 0 : index
    %swap3A_23 = vector.load %arg4[%swap3A_20, %swap3A_21, %swap3A_22] : memref<2x8000x128xf32, #tpu.memory_space<vmem>>, vector<1x8000x128xf32>
    %swap3A_24 = vector.shape_cast %swap3A_23 : vector<1x8000x128xf32> to vector<8000x128xf32>
    %swap3A_25 = vector.shape_cast %slice3A_19 : vector<8000x128xf32> to vector<1x8000x128xf32>
    tpu.vector_store %arg4[%swap3A_20, %swap3A_21, %swap3A_22], %swap3A_25 {strides = array<i32>} : memref<2x8000x128xf32, #tpu.memory_space<vmem>>, vector<1x8000x128xf32>,
    return
  }
  func.func @transform_0(%arg0: i32) -> (i32, i32) {
    %c0_i32 = arith.constant 0 : i32
    %c0_i32_0 = arith.constant 0 : i32
    return %arg0, %c0_i32 : i32, i32
  }
  func.func @transform_1(%arg0: i32) -> (i32, i32, i32) {
    %c1_i32 = arith.constant 1 : i32
    %c0_i32 = arith.constant 0 : i32
    %c0_i32_0 = arith.constant 0 : i32
    %c0_i32_1 = arith.constant 0 : i32
    return %c1_i32, %c0_i32, %c0_i32_0 : i32, i32, i32
  }
  func.func @transform_2(%arg0: i32) -> (i32, i32, i32) {
    %c1_i32 = arith.constant 1 : i32
    %c0_i32 = arith.constant 0 : i32
    %c0_i32_0 = arith.constant 0 : i32
    %c0_i32_1 = arith.constant 0 : i32
    return %c1_i32, %c0_i32, %c0_i32_0 : i32, i32, i32
  }
  func.func @transform_3(%arg0: i32) -> (i32, i32, i32) {
    %c0_i32 = arith.constant 0 : i32
    %c0_i32_0 = arith.constant 0 : i32
    %c0_i32_1 = arith.constant 0 : i32
    return %c0_i32, %arg0, %c0_i32_0 : i32, i32, i32
  }
}

module attributes {stable_mosaic.version = 14 : i64} {
  func.func @_upd_mm_body(%arg0: i32, %arg1: memref<2x1000x128xf32, #tpu.memory_space<vmem>>, %arg2: memref<2x1000x128xf32, #tpu.memory_space<vmem>>, %arg3: memref<256x256xf32, #tpu.memory_space<vmem>>, %arg4: memref<1x256xf32, #tpu.memory_space<vmem>>, %arg5: memref<256x256xf32, #tpu.memory_space<vmem>>, %arg6: memref<1x256xf32, #tpu.memory_space<vmem>>, %arg7: memref<2x1000x128xf32, #tpu.memory_space<vmem>>) attributes {dimension_semantics = [#tpu.dimension_semantics<arbitrary>], iteration_bounds = array<i64: 10>, scalar_prefetch = 0 : i64, scratch_operands = 0 : i64, tpu.core_type = #tpu.core_type<tc>, window_params = [{transform_indices = @transform_0, window_bounds = array<i64: 2, 1000, 128>}, {transform_indices = @transform_1, window_bounds = array<i64: 2, 1000, 128>}, {pipeline_mode = #tpu.pipeline_mode<synchronous>, transform_indices = @transform_2, window_bounds = array<i64: 256, 256>}, {pipeline_mode = #tpu.pipeline_mode<synchronous>, transform_indices = @transform_3, window_bounds = array<i64: 1, 256>}, {pipeline_mode = #tpu.pipeline_mode<synchronous>, transform_indices = @transform_4, window_bounds = array<i64: 256, 256>}, {pipeline_mode = #tpu.pipeline_mode<synchronous>, transform_indices = @transform_5, window_bounds = array<i64: 1, 256>}, {transform_indices = @transform_6, window_bounds = array<i64: 2, 1000, 128>}]} {
    %get3A = arith.constant 0 : index
    %get3A_0 = arith.constant 0 : index
    %get3A_1 = arith.constant 0 : index
    %get3A_2 = vector.load %arg1[%get3A, %get3A_0, %get3A_1] : memref<2x1000x128xf32, #tpu.memory_space<vmem>>, vector<1x1000x128xf32>
    %get3A_3 = vector.shape_cast %get3A_2 : vector<1x1000x128xf32> to vector<1000x128xf32>
    %get3A_4 = arith.constant 0 : index
    %get3A_5 = arith.constant 0 : index
    %get3A_6 = arith.constant 0 : index
    %get3A_7 = vector.load %arg2[%get3A_4, %get3A_5, %get3A_6] : memref<2x1000x128xf32, #tpu.memory_space<vmem>>, vector<1x1000x128xf32>
    %get3A_8 = vector.shape_cast %get3A_7 : vector<1x1000x128xf32> to vector<1000x128xf32>
    %add3A = arith.addf %get3A_3, %get3A_8 : vector<1000x128xf32>
    %get3A_9 = arith.constant 1 : index
    %get3A_10 = arith.constant 0 : index
    %get3A_11 = arith.constant 0 : index
    %get3A_12 = vector.load %arg1[%get3A_9, %get3A_10, %get3A_11] : memref<2x1000x128xf32, #tpu.memory_space<vmem>>, vector<1x1000x128xf32>
    %get3A_13 = vector.shape_cast %get3A_12 : vector<1x1000x128xf32> to vector<1000x128xf32>
    %get3A_14 = arith.constant 1 : index
    %get3A_15 = arith.constant 0 : index
    %get3A_16 = arith.constant 0 : index
    %get3A_17 = vector.load %arg2[%get3A_14, %get3A_15, %get3A_16] : memref<2x1000x128xf32, #tpu.memory_space<vmem>>, vector<1x1000x128xf32>
    %get3A_18 = vector.shape_cast %get3A_17 : vector<1x1000x128xf32> to vector<1000x128xf32>
    %add3A_19 = arith.addf %get3A_13, %get3A_18 : vector<1000x128xf32>
    %concatenate3A = tpu.concatenate %add3A, %add3A_19 in 1 : vector<1000x128xf32>, vector<1000x128xf32> -> vector<1000x256xf32>
    %get3A_20 = arith.constant 0 : index
    %get3A_21 = arith.constant 0 : index
    %get3A_22 = vector.load %arg3[%get3A_20, %get3A_21] : memref<256x256xf32, #tpu.memory_space<vmem>>, vector<256x256xf32>
    %dot_general3A = arith.constant dense<0.000000e+00> : vector<1000x256xf32>
    %dot_general3A_23 = tpu.matmul %concatenate3A, %get3A_22, %dot_general3A {dimension_numbers = #tpu.dot_dimension_numbers<[1], [0], [0], [1], [0, 0, 1, 1], [], []>, transpose_lhs_hint = false} : vector<1000x256xf32>, vector<256x256xf32>, vector<1000x256xf32> -> vector<1000x256xf32>
    %get3A_24 = arith.constant 0 : index
    %get3A_25 = arith.constant 0 : index
    %get3A_26 = vector.load %arg4[%get3A_24, %get3A_25] : memref<1x256xf32, #tpu.memory_space<vmem>>, vector<1x256xf32>
    %add3A_27 = vector.broadcast %get3A_26 : vector<1x256xf32> to vector<1000x256xf32>
    %add3A_28 = arith.addf %dot_general3A_23, %add3A_27 : vector<1000x256xf32>
    %max3A = arith.constant 0.000000e+00 : f32
    %max3A_29 = vector.broadcast %max3A : f32 to vector<1000x256xf32>
    %max3A_30 = arith.maximumf %add3A_28, %max3A_29 : vector<1000x256xf32>
    %get3A_31 = arith.constant 0 : index
    %get3A_32 = arith.constant 0 : index
    %get3A_33 = vector.load %arg5[%get3A_31, %get3A_32] : memref<256x256xf32, #tpu.memory_space<vmem>>, vector<256x256xf32>
    %dot_general3A_34 = arith.constant dense<0.000000e+00> : vector<1000x256xf32>
    %dot_general3A_35 = tpu.matmul %max3A_30, %get3A_33, %dot_general3A_34 {dimension_numbers = #tpu.dot_dimension_numbers<[1], [0], [0], [1], [0, 0, 1, 1], [], []>, transpose_lhs_hint = false} : vector<1000x256xf32>, vector<256x256xf32>, vector<1000x256xf32> -> vector<1000x256xf32>
    %get3A_36 = arith.constant 0 : index
    %get3A_37 = arith.constant 0 : index
    %get3A_38 = vector.load %arg6[%get3A_36, %get3A_37] : memref<1x256xf32, #tpu.memory_space<vmem>>, vector<1x256xf32>
    %add3A_39 = vector.broadcast %get3A_38 : vector<1x256xf32> to vector<1000x256xf32>
    %add3A_40 = arith.addf %dot_general3A_35, %add3A_39 : vector<1000x256xf32>
    %slice3A = vector.extract_strided_slice %add3A_40 {offsets = [0, 0], sizes = [1000, 128], strides = [1, 1]} : vector<1000x256xf32> to vector<1000x128xf32>
    %swap3A = arith.constant 0 : index
    %swap3A_41 = arith.constant 0 : index
    %swap3A_42 = arith.constant 0 : index
    %swap3A_43 = vector.load %arg7[%swap3A, %swap3A_41, %swap3A_42] : memref<2x1000x128xf32, #tpu.memory_space<vmem>>, vector<1x1000x128xf32>
    %swap3A_44 = vector.shape_cast %swap3A_43 : vector<1x1000x128xf32> to vector<1000x128xf32>
    %swap3A_45 = vector.shape_cast %slice3A : vector<1000x128xf32> to vector<1x1000x128xf32>
    tpu.vector_store %arg7[%swap3A, %swap3A_41, %swap3A_42], %swap3A_45 {strides = array<i32>} : memref<2x1000x128xf32, #tpu.memory_space<vmem>>, vector<1x1000x128xf32>,
    %slice3A_46 = vector.extract_strided_slice %add3A_40 {offsets = [0, 128], sizes = [1000, 128], strides = [1, 1]} : vector<1000x256xf32> to vector<1000x128xf32>
    %swap3A_47 = arith.constant 1 : index
    %swap3A_48 = arith.constant 0 : index
    %swap3A_49 = arith.constant 0 : index
    %swap3A_50 = vector.load %arg7[%swap3A_47, %swap3A_48, %swap3A_49] : memref<2x1000x128xf32, #tpu.memory_space<vmem>>, vector<1x1000x128xf32>
    %swap3A_51 = vector.shape_cast %swap3A_50 : vector<1x1000x128xf32> to vector<1000x128xf32>
    %swap3A_52 = vector.shape_cast %slice3A_46 : vector<1000x128xf32> to vector<1x1000x128xf32>
    tpu.vector_store %arg7[%swap3A_47, %swap3A_48, %swap3A_49], %swap3A_52 {strides = array<i32>} : memref<2x1000x128xf32, #tpu.memory_space<vmem>>, vector<1x1000x128xf32>,
    return
  }
  func.func @transform_0(%arg0: i32) -> (i32, i32, i32) {
    %c0_i32 = arith.constant 0 : i32
    %c0_i32_0 = arith.constant 0 : i32
    %c0_i32_1 = arith.constant 0 : i32
    return %c0_i32, %arg0, %c0_i32_0 : i32, i32, i32
  }
  func.func @transform_1(%arg0: i32) -> (i32, i32, i32) {
    %c0_i32 = arith.constant 0 : i32
    %c0_i32_0 = arith.constant 0 : i32
    %c0_i32_1 = arith.constant 0 : i32
    return %c0_i32, %arg0, %c0_i32_0 : i32, i32, i32
  }
  func.func @transform_2(%arg0: i32) -> (i32, i32) {
    %c0_i32 = arith.constant 0 : i32
    %c0_i32_0 = arith.constant 0 : i32
    %c0_i32_1 = arith.constant 0 : i32
    return %c0_i32, %c0_i32_0 : i32, i32
  }
  func.func @transform_3(%arg0: i32) -> (i32, i32) {
    %c0_i32 = arith.constant 0 : i32
    %c0_i32_0 = arith.constant 0 : i32
    %c0_i32_1 = arith.constant 0 : i32
    return %c0_i32, %c0_i32_0 : i32, i32
  }
  func.func @transform_4(%arg0: i32) -> (i32, i32) {
    %c0_i32 = arith.constant 0 : i32
    %c0_i32_0 = arith.constant 0 : i32
    %c0_i32_1 = arith.constant 0 : i32
    return %c0_i32, %c0_i32_0 : i32, i32
  }
  func.func @transform_5(%arg0: i32) -> (i32, i32) {
    %c0_i32 = arith.constant 0 : i32
    %c0_i32_0 = arith.constant 0 : i32
    %c0_i32_1 = arith.constant 0 : i32
    return %c0_i32, %c0_i32_0 : i32, i32
  }
  func.func @transform_6(%arg0: i32) -> (i32, i32, i32) {
    %c0_i32 = arith.constant 0 : i32
    %c0_i32_0 = arith.constant 0 : i32
    %c0_i32_1 = arith.constant 0 : i32
    return %c0_i32, %arg0, %c0_i32_0 : i32, i32, i32
  }
}

module attributes {stable_mosaic.version = 14 : i64} {
  func.func @_upd_bn_body(%arg0: i32, %arg1: memref<2x1000x128xf32, #tpu.memory_space<vmem>>, %arg2: memref<2x1000x128xf32, #tpu.memory_space<vmem>>, %arg3: memref<2x1x128xf32, #tpu.memory_space<vmem>>, %arg4: memref<2x1x128xf32, #tpu.memory_space<vmem>>, %arg5: memref<1x256xf32, #tpu.memory_space<vmem>>, %arg6: memref<1x256xf32, #tpu.memory_space<vmem>>, %arg7: memref<2x1000x128xf32, #tpu.memory_space<vmem>>) attributes {dimension_semantics = [#tpu.dimension_semantics<arbitrary>], iteration_bounds = array<i64: 10>, scalar_prefetch = 0 : i64, scratch_operands = 0 : i64, tpu.core_type = #tpu.core_type<tc>, window_params = [{transform_indices = @transform_0, window_bounds = array<i64: 2, 1000, 128>}, {transform_indices = @transform_1, window_bounds = array<i64: 2, 1000, 128>}, {pipeline_mode = #tpu.pipeline_mode<synchronous>, transform_indices = @transform_2, window_bounds = array<i64: 2, 1, 128>}, {pipeline_mode = #tpu.pipeline_mode<synchronous>, transform_indices = @transform_3, window_bounds = array<i64: 2, 1, 128>}, {pipeline_mode = #tpu.pipeline_mode<synchronous>, transform_indices = @transform_4, window_bounds = array<i64: 1, 256>}, {pipeline_mode = #tpu.pipeline_mode<synchronous>, transform_indices = @transform_5, window_bounds = array<i64: 1, 256>}, {transform_indices = @transform_6, window_bounds = array<i64: 2, 1000, 128>}]} {
    %get3A = arith.constant 0 : index
    %get3A_0 = arith.constant 0 : index
    %get3A_1 = arith.constant 0 : index
    %get3A_2 = vector.load %arg3[%get3A, %get3A_0, %get3A_1] : memref<2x1x128xf32, #tpu.memory_space<vmem>>, vector<1x1x128xf32>
    %get3A_3 = vector.shape_cast %get3A_2 : vector<1x1x128xf32> to vector<1x128xf32>
    %get3A_4 = arith.constant 0 : index
    %get3A_5 = arith.constant 0 : index
    %get3A_6 = arith.constant 0 : index
    %get3A_7 = vector.load %arg4[%get3A_4, %get3A_5, %get3A_6] : memref<2x1x128xf32, #tpu.memory_space<vmem>>, vector<1x1x128xf32>
    %get3A_8 = vector.shape_cast %get3A_7 : vector<1x1x128xf32> to vector<1x128xf32>
    %get3A_9 = arith.constant 0 : index
    %get3A_10 = arith.constant 0 : index
    %get3A_11 = vector.load %arg5[%get3A_9, %get3A_10] : memref<1x256xf32, #tpu.memory_space<vmem>>, vector<1x128xf32>
    %get3A_12 = arith.constant 0 : index
    %get3A_13 = arith.constant 0 : index
    %get3A_14 = vector.load %arg6[%get3A_12, %get3A_13] : memref<1x256xf32, #tpu.memory_space<vmem>>, vector<1x128xf32>
    %get3A_15 = arith.constant 0 : index
    %get3A_16 = arith.constant 0 : index
    %get3A_17 = arith.constant 0 : index
    %get3A_18 = vector.load %arg1[%get3A_15, %get3A_16, %get3A_17] : memref<2x1000x128xf32, #tpu.memory_space<vmem>>, vector<1x1000x128xf32>
    %get3A_19 = vector.shape_cast %get3A_18 : vector<1x1000x128xf32> to vector<1000x128xf32>
    %sub3A = vector.broadcast %get3A_3 : vector<1x128xf32> to vector<1000x128xf32>
    %sub3A_20 = arith.subf %get3A_19, %sub3A : vector<1000x128xf32>
    %mul3A = vector.broadcast %get3A_11 : vector<1x128xf32> to vector<1000x128xf32>
    %mul3A_21 = arith.mulf %mul3A, %sub3A_20 : vector<1000x128xf32>
    %add3A = arith.constant 9.99999974E-6 : f32
    %add3A_22 = vector.broadcast %add3A : f32 to vector<1x128xf32>
    %add3A_23 = arith.addf %get3A_8, %add3A_22 : vector<1x128xf32>
    %sqrt3A = math.sqrt %add3A_23 : vector<1x128xf32>
    %div3A = vector.broadcast %sqrt3A : vector<1x128xf32> to vector<1000x128xf32>
    %div3A_24 = arith.divf %mul3A_21, %div3A : vector<1000x128xf32>
    %add3A_25 = vector.broadcast %get3A_14 : vector<1x128xf32> to vector<1000x128xf32>
    %add3A_26 = arith.addf %div3A_24, %add3A_25 : vector<1000x128xf32>
    %max3A = arith.constant 0.000000e+00 : f32
    %max3A_27 = vector.broadcast %max3A : f32 to vector<1000x128xf32>
    %max3A_28 = arith.maximumf %add3A_26, %max3A_27 : vector<1000x128xf32>
    %get3A_29 = arith.constant 0 : index
    %get3A_30 = arith.constant 0 : index
    %get3A_31 = arith.constant 0 : index
    %get3A_32 = vector.load %arg2[%get3A_29, %get3A_30, %get3A_31] : memref<2x1000x128xf32, #tpu.memory_space<vmem>>, vector<1x1000x128xf32>
    %get3A_33 = vector.shape_cast %get3A_32 : vector<1x1000x128xf32> to vector<1000x128xf32>
    %add3A_34 = arith.addf %max3A_28, %get3A_33 : vector<1000x128xf32>
    %swap3A = arith.constant 0 : index
    %swap3A_35 = arith.constant 0 : index
    %swap3A_36 = arith.constant 0 : index
    %swap3A_37 = vector.load %arg7[%swap3A, %swap3A_35, %swap3A_36] : memref<2x1000x128xf32, #tpu.memory_space<vmem>>, vector<1x1000x128xf32>
    %swap3A_38 = vector.shape_cast %swap3A_37 : vector<1x1000x128xf32> to vector<1000x128xf32>
    %swap3A_39 = vector.shape_cast %add3A_34 : vector<1000x128xf32> to vector<1x1000x128xf32>
    tpu.vector_store %arg7[%swap3A, %swap3A_35, %swap3A_36], %swap3A_39 {strides = array<i32>} : memref<2x1000x128xf32, #tpu.memory_space<vmem>>, vector<1x1000x128xf32>,
    %get3A_40 = arith.constant 1 : index
    %get3A_41 = arith.constant 0 : index
    %get3A_42 = arith.constant 0 : index
    %get3A_43 = vector.load %arg3[%get3A_40, %get3A_41, %get3A_42] : memref<2x1x128xf32, #tpu.memory_space<vmem>>, vector<1x1x128xf32>
    %get3A_44 = vector.shape_cast %get3A_43 : vector<1x1x128xf32> to vector<1x128xf32>
    %get3A_45 = arith.constant 1 : index
    %get3A_46 = arith.constant 0 : index
    %get3A_47 = arith.constant 0 : index
    %get3A_48 = vector.load %arg4[%get3A_45, %get3A_46, %get3A_47] : memref<2x1x128xf32, #tpu.memory_space<vmem>>, vector<1x1x128xf32>
    %get3A_49 = vector.shape_cast %get3A_48 : vector<1x1x128xf32> to vector<1x128xf32>
    %get3A_50 = arith.constant 0 : index
    %get3A_51 = arith.constant 128 : index
    %get3A_52 = vector.load %arg5[%get3A_50, %get3A_51] : memref<1x256xf32, #tpu.memory_space<vmem>>, vector<1x128xf32>
    %get3A_53 = arith.constant 0 : index
    %get3A_54 = arith.constant 128 : index
    %get3A_55 = vector.load %arg6[%get3A_53, %get3A_54] : memref<1x256xf32, #tpu.memory_space<vmem>>, vector<1x128xf32>
    %get3A_56 = arith.constant 1 : index
    %get3A_57 = arith.constant 0 : index
    %get3A_58 = arith.constant 0 : index
    %get3A_59 = vector.load %arg1[%get3A_56, %get3A_57, %get3A_58] : memref<2x1000x128xf32, #tpu.memory_space<vmem>>, vector<1x1000x128xf32>
    %get3A_60 = vector.shape_cast %get3A_59 : vector<1x1000x128xf32> to vector<1000x128xf32>
    %sub3A_61 = vector.broadcast %get3A_44 : vector<1x128xf32> to vector<1000x128xf32>
    %sub3A_62 = arith.subf %get3A_60, %sub3A_61 : vector<1000x128xf32>
    %mul3A_63 = vector.broadcast %get3A_52 : vector<1x128xf32> to vector<1000x128xf32>
    %mul3A_64 = arith.mulf %mul3A_63, %sub3A_62 : vector<1000x128xf32>
    %add3A_65 = arith.constant 9.99999974E-6 : f32
    %add3A_66 = vector.broadcast %add3A_65 : f32 to vector<1x128xf32>
    %add3A_67 = arith.addf %get3A_49, %add3A_66 : vector<1x128xf32>
    %sqrt3A_68 = math.sqrt %add3A_67 : vector<1x128xf32>
    %div3A_69 = vector.broadcast %sqrt3A_68 : vector<1x128xf32> to vector<1000x128xf32>
    %div3A_70 = arith.divf %mul3A_64, %div3A_69 : vector<1000x128xf32>
    %add3A_71 = vector.broadcast %get3A_55 : vector<1x128xf32> to vector<1000x128xf32>
    %add3A_72 = arith.addf %div3A_70, %add3A_71 : vector<1000x128xf32>
    %max3A_73 = arith.constant 0.000000e+00 : f32
    %max3A_74 = vector.broadcast %max3A_73 : f32 to vector<1000x128xf32>
    %max3A_75 = arith.maximumf %add3A_72, %max3A_74 : vector<1000x128xf32>
    %get3A_76 = arith.constant 1 : index
    %get3A_77 = arith.constant 0 : index
    %get3A_78 = arith.constant 0 : index
    %get3A_79 = vector.load %arg2[%get3A_76, %get3A_77, %get3A_78] : memref<2x1000x128xf32, #tpu.memory_space<vmem>>, vector<1x1000x128xf32>
    %get3A_80 = vector.shape_cast %get3A_79 : vector<1x1000x128xf32> to vector<1000x128xf32>
    %add3A_81 = arith.addf %max3A_75, %get3A_80 : vector<1000x128xf32>
    %swap3A_82 = arith.constant 1 : index
    %swap3A_83 = arith.constant 0 : index
    %swap3A_84 = arith.constant 0 : index
    %swap3A_85 = vector.load %arg7[%swap3A_82, %swap3A_83, %swap3A_84] : memref<2x1000x128xf32, #tpu.memory_space<vmem>>, vector<1x1000x128xf32>
    %swap3A_86 = vector.shape_cast %swap3A_85 : vector<1x1000x128xf32> to vector<1000x128xf32>
    %swap3A_87 = vector.shape_cast %add3A_81 : vector<1000x128xf32> to vector<1x1000x128xf32>
    tpu.vector_store %arg7[%swap3A_82, %swap3A_83, %swap3A_84], %swap3A_87 {strides = array<i32>} : memref<2x1000x128xf32, #tpu.memory_space<vmem>>, vector<1x1000x128xf32>,
    return
  }
  func.func @transform_0(%arg0: i32) -> (i32, i32, i32) {
    %c0_i32 = arith.constant 0 : i32
    %c0_i32_0 = arith.constant 0 : i32
    %c0_i32_1 = arith.constant 0 : i32
    return %c0_i32, %arg0, %c0_i32_0 : i32, i32, i32
  }
  func.func @transform_1(%arg0: i32) -> (i32, i32, i32) {
    %c0_i32 = arith.constant 0 : i32
    %c0_i32_0 = arith.constant 0 : i32
    %c0_i32_1 = arith.constant 0 : i32
    return %c0_i32, %arg0, %c0_i32_0 : i32, i32, i32
  }
  func.func @transform_2(%arg0: i32) -> (i32, i32, i32) {
    %c0_i32 = arith.constant 0 : i32
    %c0_i32_0 = arith.constant 0 : i32
    %c0_i32_1 = arith.constant 0 : i32
    %c0_i32_2 = arith.constant 0 : i32
    return %c0_i32, %c0_i32_0, %c0_i32_1 : i32, i32, i32
  }
  func.func @transform_3(%arg0: i32) -> (i32, i32, i32) {
    %c0_i32 = arith.constant 0 : i32
    %c0_i32_0 = arith.constant 0 : i32
    %c0_i32_1 = arith.constant 0 : i32
    %c0_i32_2 = arith.constant 0 : i32
    return %c0_i32, %c0_i32_0, %c0_i32_1 : i32, i32, i32
  }
  func.func @transform_4(%arg0: i32) -> (i32, i32) {
    %c0_i32 = arith.constant 0 : i32
    %c0_i32_0 = arith.constant 0 : i32
    %c0_i32_1 = arith.constant 0 : i32
    return %c0_i32, %c0_i32_0 : i32, i32
  }
  func.func @transform_5(%arg0: i32) -> (i32, i32) {
    %c0_i32 = arith.constant 0 : i32
    %c0_i32_0 = arith.constant 0 : i32
    %c0_i32_1 = arith.constant 0 : i32
    return %c0_i32, %c0_i32_0 : i32, i32
  }
  func.func @transform_6(%arg0: i32) -> (i32, i32, i32) {
    %c0_i32 = arith.constant 0 : i32
    %c0_i32_0 = arith.constant 0 : i32
    %c0_i32_1 = arith.constant 0 : i32
    return %c0_i32, %arg0, %c0_i32_0 : i32, i32, i32
  }
}

module attributes {stable_mosaic.version = 14 : i64} {
  func.func @_ee_body(%arg0: i32, %arg1: memref<8000x256xf32, #tpu.memory_space<vmem>>, %arg2: memref<1x256x256xf32, #tpu.memory_space<vmem>>, %arg3: memref<1x1x256xf32, #tpu.memory_space<vmem>>, %arg4: memref<2x8000x128xf32, #tpu.memory_space<vmem>>) attributes {dimension_semantics = [#tpu.dimension_semantics<arbitrary>], iteration_bounds = array<i64: 40>, scalar_prefetch = 0 : i64, scratch_operands = 0 : i64, tpu.core_type = #tpu.core_type<tc>, window_params = [{transform_indices = @transform_0, window_bounds = array<i64: 8000, 256>}, {transform_indices = @transform_1, window_bounds = array<i64: 1, 256, 256>}, {transform_indices = @transform_2, window_bounds = array<i64: 1, 1, 256>}, {transform_indices = @transform_3, window_bounds = array<i64: 2, 8000, 128>}]} {
    %get3A = arith.constant 0 : index
    %get3A_0 = arith.constant 0 : index
    %get3A_1 = vector.load %arg1[%get3A, %get3A_0] : memref<8000x256xf32, #tpu.memory_space<vmem>>, vector<8000x256xf32>
    %get3A_2 = arith.constant 0 : index
    %get3A_3 = arith.constant 0 : index
    %get3A_4 = arith.constant 0 : index
    %get3A_5 = vector.load %arg2[%get3A_2, %get3A_3, %get3A_4] : memref<1x256x256xf32, #tpu.memory_space<vmem>>, vector<1x256x256xf32>
    %get3A_6 = vector.shape_cast %get3A_5 : vector<1x256x256xf32> to vector<256x256xf32>
    %dot_general3A = arith.constant dense<0.000000e+00> : vector<8000x256xf32>
    %dot_general3A_7 = tpu.matmul %get3A_1, %get3A_6, %dot_general3A {dimension_numbers = #tpu.dot_dimension_numbers<[1], [0], [0], [1], [0, 0, 1, 1], [], []>, transpose_lhs_hint = false} : vector<8000x256xf32>, vector<256x256xf32>, vector<8000x256xf32> -> vector<8000x256xf32>
    %get3A_8 = arith.constant 0 : index
    %get3A_9 = arith.constant 0 : index
    %get3A_10 = arith.constant 0 : index
    %get3A_11 = vector.load %arg3[%get3A_8, %get3A_9, %get3A_10] : memref<1x1x256xf32, #tpu.memory_space<vmem>>, vector<1x1x256xf32>
    %get3A_12 = vector.shape_cast %get3A_11 : vector<1x1x256xf32> to vector<1x256xf32>
    %add3A = vector.broadcast %get3A_12 : vector<1x256xf32> to vector<8000x256xf32>
    %add3A_13 = arith.addf %dot_general3A_7, %add3A : vector<8000x256xf32>
    %slice3A = vector.extract_strided_slice %add3A_13 {offsets = [0, 0], sizes = [8000, 128], strides = [1, 1]} : vector<8000x256xf32> to vector<8000x128xf32>
    %swap3A = arith.constant 0 : index
    %swap3A_14 = arith.constant 0 : index
    %swap3A_15 = arith.constant 0 : index
    %swap3A_16 = vector.load %arg4[%swap3A, %swap3A_14, %swap3A_15] : memref<2x8000x128xf32, #tpu.memory_space<vmem>>, vector<1x8000x128xf32>
    %swap3A_17 = vector.shape_cast %swap3A_16 : vector<1x8000x128xf32> to vector<8000x128xf32>
    %swap3A_18 = vector.shape_cast %slice3A : vector<8000x128xf32> to vector<1x8000x128xf32>
    tpu.vector_store %arg4[%swap3A, %swap3A_14, %swap3A_15], %swap3A_18 {strides = array<i32>} : memref<2x8000x128xf32, #tpu.memory_space<vmem>>, vector<1x8000x128xf32>,
    %slice3A_19 = vector.extract_strided_slice %add3A_13 {offsets = [0, 128], sizes = [8000, 128], strides = [1, 1]} : vector<8000x256xf32> to vector<8000x128xf32>
    %swap3A_20 = arith.constant 1 : index
    %swap3A_21 = arith.constant 0 : index
    %swap3A_22 = arith.constant 0 : index
    %swap3A_23 = vector.load %arg4[%swap3A_20, %swap3A_21, %swap3A_22] : memref<2x8000x128xf32, #tpu.memory_space<vmem>>, vector<1x8000x128xf32>
    %swap3A_24 = vector.shape_cast %swap3A_23 : vector<1x8000x128xf32> to vector<8000x128xf32>
    %swap3A_25 = vector.shape_cast %slice3A_19 : vector<8000x128xf32> to vector<1x8000x128xf32>
    tpu.vector_store %arg4[%swap3A_20, %swap3A_21, %swap3A_22], %swap3A_25 {strides = array<i32>} : memref<2x8000x128xf32, #tpu.memory_space<vmem>>, vector<1x8000x128xf32>,
    return
  }
  func.func @transform_0(%arg0: i32) -> (i32, i32) {
    %c0_i32 = arith.constant 0 : i32
    %c0_i32_0 = arith.constant 0 : i32
    return %arg0, %c0_i32 : i32, i32
  }
  func.func @transform_1(%arg0: i32) -> (i32, i32, i32) {
    %c2_i32 = arith.constant 2 : i32
    %c0_i32 = arith.constant 0 : i32
    %c0_i32_0 = arith.constant 0 : i32
    %c0_i32_1 = arith.constant 0 : i32
    return %c2_i32, %c0_i32, %c0_i32_0 : i32, i32, i32
  }
  func.func @transform_2(%arg0: i32) -> (i32, i32, i32) {
    %c2_i32 = arith.constant 2 : i32
    %c0_i32 = arith.constant 0 : i32
    %c0_i32_0 = arith.constant 0 : i32
    %c0_i32_1 = arith.constant 0 : i32
    return %c2_i32, %c0_i32, %c0_i32_0 : i32, i32, i32
  }
  func.func @transform_3(%arg0: i32) -> (i32, i32, i32) {
    %c0_i32 = arith.constant 0 : i32
    %c0_i32_0 = arith.constant 0 : i32
    %c0_i32_1 = arith.constant 0 : i32
    return %c0_i32, %arg0, %c0_i32_0 : i32, i32, i32
  }
}

module attributes {stable_mosaic.version = 14 : i64} {
  func.func @_ee_body(%arg0: i32, %arg1: memref<8000x256xf32, #tpu.memory_space<vmem>>, %arg2: memref<1x256x256xf32, #tpu.memory_space<vmem>>, %arg3: memref<1x1x256xf32, #tpu.memory_space<vmem>>, %arg4: memref<2x8000x128xf32, #tpu.memory_space<vmem>>) attributes {dimension_semantics = [#tpu.dimension_semantics<arbitrary>], iteration_bounds = array<i64: 40>, scalar_prefetch = 0 : i64, scratch_operands = 0 : i64, tpu.core_type = #tpu.core_type<tc>, window_params = [{transform_indices = @transform_0, window_bounds = array<i64: 8000, 256>}, {transform_indices = @transform_1, window_bounds = array<i64: 1, 256, 256>}, {transform_indices = @transform_2, window_bounds = array<i64: 1, 1, 256>}, {transform_indices = @transform_3, window_bounds = array<i64: 2, 8000, 128>}]} {
    %get3A = arith.constant 0 : index
    %get3A_0 = arith.constant 0 : index
    %get3A_1 = vector.load %arg1[%get3A, %get3A_0] : memref<8000x256xf32, #tpu.memory_space<vmem>>, vector<8000x256xf32>
    %get3A_2 = arith.constant 0 : index
    %get3A_3 = arith.constant 0 : index
    %get3A_4 = arith.constant 0 : index
    %get3A_5 = vector.load %arg2[%get3A_2, %get3A_3, %get3A_4] : memref<1x256x256xf32, #tpu.memory_space<vmem>>, vector<1x256x256xf32>
    %get3A_6 = vector.shape_cast %get3A_5 : vector<1x256x256xf32> to vector<256x256xf32>
    %dot_general3A = arith.constant dense<0.000000e+00> : vector<8000x256xf32>
    %dot_general3A_7 = tpu.matmul %get3A_1, %get3A_6, %dot_general3A {dimension_numbers = #tpu.dot_dimension_numbers<[1], [0], [0], [1], [0, 0, 1, 1], [], []>, transpose_lhs_hint = false} : vector<8000x256xf32>, vector<256x256xf32>, vector<8000x256xf32> -> vector<8000x256xf32>
    %get3A_8 = arith.constant 0 : index
    %get3A_9 = arith.constant 0 : index
    %get3A_10 = arith.constant 0 : index
    %get3A_11 = vector.load %arg3[%get3A_8, %get3A_9, %get3A_10] : memref<1x1x256xf32, #tpu.memory_space<vmem>>, vector<1x1x256xf32>
    %get3A_12 = vector.shape_cast %get3A_11 : vector<1x1x256xf32> to vector<1x256xf32>
    %add3A = vector.broadcast %get3A_12 : vector<1x256xf32> to vector<8000x256xf32>
    %add3A_13 = arith.addf %dot_general3A_7, %add3A : vector<8000x256xf32>
    %slice3A = vector.extract_strided_slice %add3A_13 {offsets = [0, 0], sizes = [8000, 128], strides = [1, 1]} : vector<8000x256xf32> to vector<8000x128xf32>
    %swap3A = arith.constant 0 : index
    %swap3A_14 = arith.constant 0 : index
    %swap3A_15 = arith.constant 0 : index
    %swap3A_16 = vector.load %arg4[%swap3A, %swap3A_14, %swap3A_15] : memref<2x8000x128xf32, #tpu.memory_space<vmem>>, vector<1x8000x128xf32>
    %swap3A_17 = vector.shape_cast %swap3A_16 : vector<1x8000x128xf32> to vector<8000x128xf32>
    %swap3A_18 = vector.shape_cast %slice3A : vector<8000x128xf32> to vector<1x8000x128xf32>
    tpu.vector_store %arg4[%swap3A, %swap3A_14, %swap3A_15], %swap3A_18 {strides = array<i32>} : memref<2x8000x128xf32, #tpu.memory_space<vmem>>, vector<1x8000x128xf32>,
    %slice3A_19 = vector.extract_strided_slice %add3A_13 {offsets = [0, 128], sizes = [8000, 128], strides = [1, 1]} : vector<8000x256xf32> to vector<8000x128xf32>
    %swap3A_20 = arith.constant 1 : index
    %swap3A_21 = arith.constant 0 : index
    %swap3A_22 = arith.constant 0 : index
    %swap3A_23 = vector.load %arg4[%swap3A_20, %swap3A_21, %swap3A_22] : memref<2x8000x128xf32, #tpu.memory_space<vmem>>, vector<1x8000x128xf32>
    %swap3A_24 = vector.shape_cast %swap3A_23 : vector<1x8000x128xf32> to vector<8000x128xf32>
    %swap3A_25 = vector.shape_cast %slice3A_19 : vector<8000x128xf32> to vector<1x8000x128xf32>
    tpu.vector_store %arg4[%swap3A_20, %swap3A_21, %swap3A_22], %swap3A_25 {strides = array<i32>} : memref<2x8000x128xf32, #tpu.memory_space<vmem>>, vector<1x8000x128xf32>,
    return
  }
  func.func @transform_0(%arg0: i32) -> (i32, i32) {
    %c0_i32 = arith.constant 0 : i32
    %c0_i32_0 = arith.constant 0 : i32
    return %arg0, %c0_i32 : i32, i32
  }
  func.func @transform_1(%arg0: i32) -> (i32, i32, i32) {
    %c3_i32 = arith.constant 3 : i32
    %c0_i32 = arith.constant 0 : i32
    %c0_i32_0 = arith.constant 0 : i32
    %c0_i32_1 = arith.constant 0 : i32
    return %c3_i32, %c0_i32, %c0_i32_0 : i32, i32, i32
  }
  func.func @transform_2(%arg0: i32) -> (i32, i32, i32) {
    %c3_i32 = arith.constant 3 : i32
    %c0_i32 = arith.constant 0 : i32
    %c0_i32_0 = arith.constant 0 : i32
    %c0_i32_1 = arith.constant 0 : i32
    return %c3_i32, %c0_i32, %c0_i32_0 : i32, i32, i32
  }
  func.func @transform_3(%arg0: i32) -> (i32, i32, i32) {
    %c0_i32 = arith.constant 0 : i32
    %c0_i32_0 = arith.constant 0 : i32
    %c0_i32_1 = arith.constant 0 : i32
    return %c0_i32, %arg0, %c0_i32_0 : i32, i32, i32
  }
}

module attributes {stable_mosaic.version = 14 : i64} {
  func.func @_ee_body(%arg0: i32, %arg1: memref<8000x256xf32, #tpu.memory_space<vmem>>, %arg2: memref<1x256x256xf32, #tpu.memory_space<vmem>>, %arg3: memref<1x1x256xf32, #tpu.memory_space<vmem>>, %arg4: memref<2x8000x128xf32, #tpu.memory_space<vmem>>) attributes {dimension_semantics = [#tpu.dimension_semantics<arbitrary>], iteration_bounds = array<i64: 40>, scalar_prefetch = 0 : i64, scratch_operands = 0 : i64, tpu.core_type = #tpu.core_type<tc>, window_params = [{transform_indices = @transform_0, window_bounds = array<i64: 8000, 256>}, {transform_indices = @transform_1, window_bounds = array<i64: 1, 256, 256>}, {transform_indices = @transform_2, window_bounds = array<i64: 1, 1, 256>}, {transform_indices = @transform_3, window_bounds = array<i64: 2, 8000, 128>}]} {
    %get3A = arith.constant 0 : index
    %get3A_0 = arith.constant 0 : index
    %get3A_1 = vector.load %arg1[%get3A, %get3A_0] : memref<8000x256xf32, #tpu.memory_space<vmem>>, vector<8000x256xf32>
    %get3A_2 = arith.constant 0 : index
    %get3A_3 = arith.constant 0 : index
    %get3A_4 = arith.constant 0 : index
    %get3A_5 = vector.load %arg2[%get3A_2, %get3A_3, %get3A_4] : memref<1x256x256xf32, #tpu.memory_space<vmem>>, vector<1x256x256xf32>
    %get3A_6 = vector.shape_cast %get3A_5 : vector<1x256x256xf32> to vector<256x256xf32>
    %dot_general3A = arith.constant dense<0.000000e+00> : vector<8000x256xf32>
    %dot_general3A_7 = tpu.matmul %get3A_1, %get3A_6, %dot_general3A {dimension_numbers = #tpu.dot_dimension_numbers<[1], [0], [0], [1], [0, 0, 1, 1], [], []>, transpose_lhs_hint = false} : vector<8000x256xf32>, vector<256x256xf32>, vector<8000x256xf32> -> vector<8000x256xf32>
    %get3A_8 = arith.constant 0 : index
    %get3A_9 = arith.constant 0 : index
    %get3A_10 = arith.constant 0 : index
    %get3A_11 = vector.load %arg3[%get3A_8, %get3A_9, %get3A_10] : memref<1x1x256xf32, #tpu.memory_space<vmem>>, vector<1x1x256xf32>
    %get3A_12 = vector.shape_cast %get3A_11 : vector<1x1x256xf32> to vector<1x256xf32>
    %add3A = vector.broadcast %get3A_12 : vector<1x256xf32> to vector<8000x256xf32>
    %add3A_13 = arith.addf %dot_general3A_7, %add3A : vector<8000x256xf32>
    %slice3A = vector.extract_strided_slice %add3A_13 {offsets = [0, 0], sizes = [8000, 128], strides = [1, 1]} : vector<8000x256xf32> to vector<8000x128xf32>
    %swap3A = arith.constant 0 : index
    %swap3A_14 = arith.constant 0 : index
    %swap3A_15 = arith.constant 0 : index
    %swap3A_16 = vector.load %arg4[%swap3A, %swap3A_14, %swap3A_15] : memref<2x8000x128xf32, #tpu.memory_space<vmem>>, vector<1x8000x128xf32>
    %swap3A_17 = vector.shape_cast %swap3A_16 : vector<1x8000x128xf32> to vector<8000x128xf32>
    %swap3A_18 = vector.shape_cast %slice3A : vector<8000x128xf32> to vector<1x8000x128xf32>
    tpu.vector_store %arg4[%swap3A, %swap3A_14, %swap3A_15], %swap3A_18 {strides = array<i32>} : memref<2x8000x128xf32, #tpu.memory_space<vmem>>, vector<1x8000x128xf32>,
    %slice3A_19 = vector.extract_strided_slice %add3A_13 {offsets = [0, 128], sizes = [8000, 128], strides = [1, 1]} : vector<8000x256xf32> to vector<8000x128xf32>
    %swap3A_20 = arith.constant 1 : index
    %swap3A_21 = arith.constant 0 : index
    %swap3A_22 = arith.constant 0 : index
    %swap3A_23 = vector.load %arg4[%swap3A_20, %swap3A_21, %swap3A_22] : memref<2x8000x128xf32, #tpu.memory_space<vmem>>, vector<1x8000x128xf32>
    %swap3A_24 = vector.shape_cast %swap3A_23 : vector<1x8000x128xf32> to vector<8000x128xf32>
    %swap3A_25 = vector.shape_cast %slice3A_19 : vector<8000x128xf32> to vector<1x8000x128xf32>
    tpu.vector_store %arg4[%swap3A_20, %swap3A_21, %swap3A_22], %swap3A_25 {strides = array<i32>} : memref<2x8000x128xf32, #tpu.memory_space<vmem>>, vector<1x8000x128xf32>,
    return
  }
  func.func @transform_0(%arg0: i32) -> (i32, i32) {
    %c0_i32 = arith.constant 0 : i32
    %c0_i32_0 = arith.constant 0 : i32
    return %arg0, %c0_i32 : i32, i32
  }
  func.func @transform_1(%arg0: i32) -> (i32, i32, i32) {
    %c4_i32 = arith.constant 4 : i32
    %c0_i32 = arith.constant 0 : i32
    %c0_i32_0 = arith.constant 0 : i32
    %c0_i32_1 = arith.constant 0 : i32
    return %c4_i32, %c0_i32, %c0_i32_0 : i32, i32, i32
  }
  func.func @transform_2(%arg0: i32) -> (i32, i32, i32) {
    %c4_i32 = arith.constant 4 : i32
    %c0_i32 = arith.constant 0 : i32
    %c0_i32_0 = arith.constant 0 : i32
    %c0_i32_1 = arith.constant 0 : i32
    return %c4_i32, %c0_i32, %c0_i32_0 : i32, i32, i32
  }
  func.func @transform_3(%arg0: i32) -> (i32, i32, i32) {
    %c0_i32 = arith.constant 0 : i32
    %c0_i32_0 = arith.constant 0 : i32
    %c0_i32_1 = arith.constant 0 : i32
    return %c0_i32, %arg0, %c0_i32_0 : i32, i32, i32
  }
}

module attributes {stable_mosaic.version = 14 : i64} {
  func.func @_ee_body(%arg0: i32, %arg1: memref<8000x256xf32, #tpu.memory_space<vmem>>, %arg2: memref<1x256x256xf32, #tpu.memory_space<vmem>>, %arg3: memref<1x1x256xf32, #tpu.memory_space<vmem>>, %arg4: memref<2x8000x128xf32, #tpu.memory_space<vmem>>) attributes {dimension_semantics = [#tpu.dimension_semantics<arbitrary>], iteration_bounds = array<i64: 40>, scalar_prefetch = 0 : i64, scratch_operands = 0 : i64, tpu.core_type = #tpu.core_type<tc>, window_params = [{transform_indices = @transform_0, window_bounds = array<i64: 8000, 256>}, {transform_indices = @transform_1, window_bounds = array<i64: 1, 256, 256>}, {transform_indices = @transform_2, window_bounds = array<i64: 1, 1, 256>}, {transform_indices = @transform_3, window_bounds = array<i64: 2, 8000, 128>}]} {
    %get3A = arith.constant 0 : index
    %get3A_0 = arith.constant 0 : index
    %get3A_1 = vector.load %arg1[%get3A, %get3A_0] : memref<8000x256xf32, #tpu.memory_space<vmem>>, vector<8000x256xf32>
    %get3A_2 = arith.constant 0 : index
    %get3A_3 = arith.constant 0 : index
    %get3A_4 = arith.constant 0 : index
    %get3A_5 = vector.load %arg2[%get3A_2, %get3A_3, %get3A_4] : memref<1x256x256xf32, #tpu.memory_space<vmem>>, vector<1x256x256xf32>
    %get3A_6 = vector.shape_cast %get3A_5 : vector<1x256x256xf32> to vector<256x256xf32>
    %dot_general3A = arith.constant dense<0.000000e+00> : vector<8000x256xf32>
    %dot_general3A_7 = tpu.matmul %get3A_1, %get3A_6, %dot_general3A {dimension_numbers = #tpu.dot_dimension_numbers<[1], [0], [0], [1], [0, 0, 1, 1], [], []>, transpose_lhs_hint = false} : vector<8000x256xf32>, vector<256x256xf32>, vector<8000x256xf32> -> vector<8000x256xf32>
    %get3A_8 = arith.constant 0 : index
    %get3A_9 = arith.constant 0 : index
    %get3A_10 = arith.constant 0 : index
    %get3A_11 = vector.load %arg3[%get3A_8, %get3A_9, %get3A_10] : memref<1x1x256xf32, #tpu.memory_space<vmem>>, vector<1x1x256xf32>
    %get3A_12 = vector.shape_cast %get3A_11 : vector<1x1x256xf32> to vector<1x256xf32>
    %add3A = vector.broadcast %get3A_12 : vector<1x256xf32> to vector<8000x256xf32>
    %add3A_13 = arith.addf %dot_general3A_7, %add3A : vector<8000x256xf32>
    %slice3A = vector.extract_strided_slice %add3A_13 {offsets = [0, 0], sizes = [8000, 128], strides = [1, 1]} : vector<8000x256xf32> to vector<8000x128xf32>
    %swap3A = arith.constant 0 : index
    %swap3A_14 = arith.constant 0 : index
    %swap3A_15 = arith.constant 0 : index
    %swap3A_16 = vector.load %arg4[%swap3A, %swap3A_14, %swap3A_15] : memref<2x8000x128xf32, #tpu.memory_space<vmem>>, vector<1x8000x128xf32>
    %swap3A_17 = vector.shape_cast %swap3A_16 : vector<1x8000x128xf32> to vector<8000x128xf32>
    %swap3A_18 = vector.shape_cast %slice3A : vector<8000x128xf32> to vector<1x8000x128xf32>
    tpu.vector_store %arg4[%swap3A, %swap3A_14, %swap3A_15], %swap3A_18 {strides = array<i32>} : memref<2x8000x128xf32, #tpu.memory_space<vmem>>, vector<1x8000x128xf32>,
    %slice3A_19 = vector.extract_strided_slice %add3A_13 {offsets = [0, 128], sizes = [8000, 128], strides = [1, 1]} : vector<8000x256xf32> to vector<8000x128xf32>
    %swap3A_20 = arith.constant 1 : index
    %swap3A_21 = arith.constant 0 : index
    %swap3A_22 = arith.constant 0 : index
    %swap3A_23 = vector.load %arg4[%swap3A_20, %swap3A_21, %swap3A_22] : memref<2x8000x128xf32, #tpu.memory_space<vmem>>, vector<1x8000x128xf32>
    %swap3A_24 = vector.shape_cast %swap3A_23 : vector<1x8000x128xf32> to vector<8000x128xf32>
    %swap3A_25 = vector.shape_cast %slice3A_19 : vector<8000x128xf32> to vector<1x8000x128xf32>
    tpu.vector_store %arg4[%swap3A_20, %swap3A_21, %swap3A_22], %swap3A_25 {strides = array<i32>} : memref<2x8000x128xf32, #tpu.memory_space<vmem>>, vector<1x8000x128xf32>,
    return
  }
  func.func @transform_0(%arg0: i32) -> (i32, i32) {
    %c0_i32 = arith.constant 0 : i32
    %c0_i32_0 = arith.constant 0 : i32
    return %arg0, %c0_i32 : i32, i32
  }
  func.func @transform_1(%arg0: i32) -> (i32, i32, i32) {
    %c5_i32 = arith.constant 5 : i32
    %c0_i32 = arith.constant 0 : i32
    %c0_i32_0 = arith.constant 0 : i32
    %c0_i32_1 = arith.constant 0 : i32
    return %c5_i32, %c0_i32, %c0_i32_0 : i32, i32, i32
  }
  func.func @transform_2(%arg0: i32) -> (i32, i32, i32) {
    %c5_i32 = arith.constant 5 : i32
    %c0_i32 = arith.constant 0 : i32
    %c0_i32_0 = arith.constant 0 : i32
    %c0_i32_1 = arith.constant 0 : i32
    return %c5_i32, %c0_i32, %c0_i32_0 : i32, i32, i32
  }
  func.func @transform_3(%arg0: i32) -> (i32, i32, i32) {
    %c0_i32 = arith.constant 0 : i32
    %c0_i32_0 = arith.constant 0 : i32
    %c0_i32_1 = arith.constant 0 : i32
    return %c0_i32, %arg0, %c0_i32_0 : i32, i32, i32
  }
}

module attributes {stable_mosaic.version = 14 : i64} {
  func.func @_pool_body(%arg0: i32, %arg1: memref<1x1x2000xi32, #tpu.memory_space<vmem>>, %arg2: memref<2x2000x128xf32, #tpu.memory_space<vmem>>, %arg3: memref<2x2000x128xf32, #tpu.memory_space<vmem>>, %arg4: memref<2x2000x128xf32, #tpu.memory_space<vmem>>, %arg5: memref<2x2000x128xf32, #tpu.memory_space<vmem>>, %arg6: memref<2x2000x128xf32, #tpu.memory_space<vmem>>, %arg7: memref<2x2000x128xf32, #tpu.memory_space<vmem>>, %arg8: memref<256x1536xf32, #tpu.memory_space<vmem>>, %arg9: memref<256x128xf32, #tpu.memory_space<vmem>>) attributes {dimension_semantics = [#tpu.dimension_semantics<arbitrary>], iteration_bounds = array<i64: 5>, scalar_prefetch = 0 : i64, scratch_operands = 0 : i64, tpu.core_type = #tpu.core_type<tc>, window_params = [{transform_indices = @transform_0, window_bounds = array<i64: 1, 1, 2000>}, {transform_indices = @transform_1, window_bounds = array<i64: 2, 2000, 128>}, {transform_indices = @transform_2, window_bounds = array<i64: 2, 2000, 128>}, {transform_indices = @transform_3, window_bounds = array<i64: 2, 2000, 128>}, {transform_indices = @transform_4, window_bounds = array<i64: 2, 2000, 128>}, {transform_indices = @transform_5, window_bounds = array<i64: 2, 2000, 128>}, {transform_indices = @transform_6, window_bounds = array<i64: 2, 2000, 128>}, {pipeline_mode = #tpu.pipeline_mode<synchronous>, transform_indices = @transform_7, window_bounds = array<i64: 256, 1536>}, {pipeline_mode = #tpu.pipeline_mode<synchronous>, transform_indices = @transform_8, window_bounds = array<i64: 256, 128>}]} {
    %eq3A = arith.constant 0 : i32
    %eq3A_0 = arith.cmpi eq, %arg0, %eq3A : i32
    %convert_element_type3A = arith.extui %eq3A_0 : i1 to i32
    %cond3A = arith.constant 0 : i32
    %cond3A_1 = arith.cmpi ne, %convert_element_type3A, %cond3A : i32
    scf.if %cond3A_1 {
      %broadcast_in_dim3A_138 = arith.constant 0.000000e+00 : f32
      %broadcast_in_dim3A_139 = vector.broadcast %broadcast_in_dim3A_138 : f32 to vector<256x1536xf32>
      %swap3A_140 = arith.constant 0 : index
      %swap3A_141 = arith.constant 0 : index
      %swap3A_142 = vector.load %arg8[%swap3A_140, %swap3A_141] : memref<256x1536xf32, #tpu.memory_space<vmem>>, vector<256x1536xf32>
      tpu.vector_store %arg8[%swap3A_140, %swap3A_141], %broadcast_in_dim3A_139 {strides = array<i32>} : memref<256x1536xf32, #tpu.memory_space<vmem>>, vector<256x1536xf32>,
      %broadcast_in_dim3A_143 = arith.constant 0.000000e+00 : f32
      %broadcast_in_dim3A_144 = vector.broadcast %broadcast_in_dim3A_143 : f32 to vector<256x128xf32>
      %swap3A_145 = arith.constant 0 : index
      %swap3A_146 = arith.constant 0 : index
      %swap3A_147 = vector.load %arg9[%swap3A_145, %swap3A_146] : memref<256x128xf32, #tpu.memory_space<vmem>>, vector<256x128xf32>
      tpu.vector_store %arg9[%swap3A_145, %swap3A_146], %broadcast_in_dim3A_144 {strides = array<i32>} : memref<256x128xf32, #tpu.memory_space<vmem>>, vector<256x128xf32>,
    } else {
    }
    %get3A = arith.constant 0 : index
    %get3A_2 = arith.constant 0 : index
    %get3A_3 = arith.constant 0 : index
    %get3A_4 = vector.load %arg1[%get3A, %get3A_2, %get3A_3] : memref<1x1x2000xi32, #tpu.memory_space<vmem>>, vector<1x1x2000xi32>
    %get3A_5 = vector.shape_cast %get3A_4 : vector<1x1x2000xi32> to vector<2000xi32>
    %broadcast_in_dim3A = vector.shape_cast %get3A_5 : vector<2000xi32> to vector<2000x1xi32>
    %iota3A = tpu.iota {dimensions = array<i32: 1>} : vector<1x256xi32>
    %eq3A_6 = vector.broadcast %broadcast_in_dim3A : vector<2000x1xi32> to vector<2000x256xi32>
    %eq3A_7 = vector.broadcast %iota3A : vector<1x256xi32> to vector<2000x256xi32>
    %eq3A_8 = arith.cmpi eq, %eq3A_6, %eq3A_7 : vector<2000x256xi32>
    %convert_element_type3A_9 = arith.extui %eq3A_8 : vector<2000x256xi1> to vector<2000x256xi32>
    %convert_element_type3A_10 = arith.sitofp %convert_element_type3A_9 : vector<2000x256xi32> to vector<2000x256xf32>
    %broadcast_in_dim3A_11 = arith.constant 1.000000e+00 : f32
    %broadcast_in_dim3A_12 = vector.broadcast %broadcast_in_dim3A_11 : f32 to vector<2000x128xf32>
    %get3A_13 = arith.constant 0 : index
    %get3A_14 = arith.constant 0 : index
    %get3A_15 = vector.load %arg9[%get3A_13, %get3A_14] : memref<256x128xf32, #tpu.memory_space<vmem>>, vector<256x128xf32>
    %dot_general3A = arith.constant dense<0.000000e+00> : vector<256x128xf32>
    %dot_general3A_16 = tpu.matmul %convert_element_type3A_10, %broadcast_in_dim3A_12, %dot_general3A {dimension_numbers = #tpu.dot_dimension_numbers<[0], [0], [1], [1], [0, 1, 1, 1], [], []>, transpose_lhs_hint = false} : vector<2000x256xf32>, vector<2000x128xf32>, vector<256x128xf32> -> vector<256x128xf32>
    %add3A = arith.addf %get3A_15, %dot_general3A_16 : vector<256x128xf32>
    %swap3A = arith.constant 0 : index
    %swap3A_17 = arith.constant 0 : index
    %swap3A_18 = vector.load %arg9[%swap3A, %swap3A_17] : memref<256x128xf32, #tpu.memory_space<vmem>>, vector<256x128xf32>
    tpu.vector_store %arg9[%swap3A, %swap3A_17], %add3A {strides = array<i32>} : memref<256x128xf32, #tpu.memory_space<vmem>>, vector<256x128xf32>,
    %get3A_19 = arith.constant 0 : index
    %get3A_20 = arith.constant 0 : index
    %get3A_21 = arith.constant 0 : index
    %get3A_22 = vector.load %arg2[%get3A_19, %get3A_20, %get3A_21] : memref<2x2000x128xf32, #tpu.memory_space<vmem>>, vector<1x2000x128xf32>
    %get3A_23 = vector.shape_cast %get3A_22 : vector<1x2000x128xf32> to vector<2000x128xf32>
    %get3A_24 = arith.constant 1 : index
    %get3A_25 = arith.constant 0 : index
    %get3A_26 = arith.constant 0 : index
    %get3A_27 = vector.load %arg2[%get3A_24, %get3A_25, %get3A_26] : memref<2x2000x128xf32, #tpu.memory_space<vmem>>, vector<1x2000x128xf32>
    %get3A_28 = vector.shape_cast %get3A_27 : vector<1x2000x128xf32> to vector<2000x128xf32>
    %concatenate3A = tpu.concatenate %get3A_23, %get3A_28 in 1 : vector<2000x128xf32>, vector<2000x128xf32> -> vector<2000x256xf32>
    %dot_general3A_29 = arith.constant dense<0.000000e+00> : vector<256x256xf32>
    %dot_general3A_30 = tpu.matmul %convert_element_type3A_10, %concatenate3A, %dot_general3A_29 {dimension_numbers = #tpu.dot_dimension_numbers<[0], [0], [1], [1], [0, 1, 1, 1], [], []>, transpose_lhs_hint = false} : vector<2000x256xf32>, vector<2000x256xf32>, vector<256x256xf32> -> vector<256x256xf32>
    %get3A_31 = arith.constant 0 : index
    %get3A_32 = arith.constant 0 : index
    %get3A_33 = vector.load %arg8[%get3A_31, %get3A_32] : memref<256x1536xf32, #tpu.memory_space<vmem>>, vector<256x256xf32>
    %add3A_34 = arith.addf %get3A_33, %dot_general3A_30 : vector<256x256xf32>
    %swap3A_35 = arith.constant 0 : index
    %swap3A_36 = arith.constant 0 : index
    %swap3A_37 = vector.load %arg8[%swap3A_35, %swap3A_36] : memref<256x1536xf32, #tpu.memory_space<vmem>>, vector<256x256xf32>
    tpu.vector_store %arg8[%swap3A_35, %swap3A_36], %add3A_34 {strides = array<i32>} : memref<256x1536xf32, #tpu.memory_space<vmem>>, vector<256x256xf32>,
    %get3A_38 = arith.constant 0 : index
    %get3A_39 = arith.constant 0 : index
    %get3A_40 = arith.constant 0 : index
    %get3A_41 = vector.load %arg3[%get3A_38, %get3A_39, %get3A_40] : memref<2x2000x128xf32, #tpu.memory_space<vmem>>, vector<1x2000x128xf32>
    %get3A_42 = vector.shape_cast %get3A_41 : vector<1x2000x128xf32> to vector<2000x128xf32>
    %get3A_43 = arith.constant 1 : index
    %get3A_44 = arith.constant 0 : index
    %get3A_45 = arith.constant 0 : index
    %get3A_46 = vector.load %arg3[%get3A_43, %get3A_44, %get3A_45] : memref<2x2000x128xf32, #tpu.memory_space<vmem>>, vector<1x2000x128xf32>
    %get3A_47 = vector.shape_cast %get3A_46 : vector<1x2000x128xf32> to vector<2000x128xf32>
    %concatenate3A_48 = tpu.concatenate %get3A_42, %get3A_47 in 1 : vector<2000x128xf32>, vector<2000x128xf32> -> vector<2000x256xf32>
    %dot_general3A_49 = arith.constant dense<0.000000e+00> : vector<256x256xf32>
    %dot_general3A_50 = tpu.matmul %convert_element_type3A_10, %concatenate3A_48, %dot_general3A_49 {dimension_numbers = #tpu.dot_dimension_numbers<[0], [0], [1], [1], [0, 1, 1, 1], [], []>, transpose_lhs_hint = false} : vector<2000x256xf32>, vector<2000x256xf32>, vector<256x256xf32> -> vector<256x256xf32>
    %get3A_51 = arith.constant 0 : index
    %get3A_52 = arith.constant 256 : index
    %get3A_53 = vector.load %arg8[%get3A_51, %get3A_52] : memref<256x1536xf32, #tpu.memory_space<vmem>>, vector<256x256xf32>
    %add3A_54 = arith.addf %get3A_53, %dot_general3A_50 : vector<256x256xf32>
    %swap3A_55 = arith.constant 0 : index
    %swap3A_56 = arith.constant 256 : index
    %swap3A_57 = vector.load %arg8[%swap3A_55, %swap3A_56] : memref<256x1536xf32, #tpu.memory_space<vmem>>, vector<256x256xf32>
    tpu.vector_store %arg8[%swap3A_55, %swap3A_56], %add3A_54 {strides = array<i32>} : memref<256x1536xf32, #tpu.memory_space<vmem>>, vector<256x256xf32>,
    %get3A_58 = arith.constant 0 : index
    %get3A_59 = arith.constant 0 : index
    %get3A_60 = arith.constant 0 : index
    %get3A_61 = vector.load %arg4[%get3A_58, %get3A_59, %get3A_60] : memref<2x2000x128xf32, #tpu.memory_space<vmem>>, vector<1x2000x128xf32>
    %get3A_62 = vector.shape_cast %get3A_61 : vector<1x2000x128xf32> to vector<2000x128xf32>
    %get3A_63 = arith.constant 1 : index
    %get3A_64 = arith.constant 0 : index
    %get3A_65 = arith.constant 0 : index
    %get3A_66 = vector.load %arg4[%get3A_63, %get3A_64, %get3A_65] : memref<2x2000x128xf32, #tpu.memory_space<vmem>>, vector<1x2000x128xf32>
    %get3A_67 = vector.shape_cast %get3A_66 : vector<1x2000x128xf32> to vector<2000x128xf32>
    %concatenate3A_68 = tpu.concatenate %get3A_62, %get3A_67 in 1 : vector<2000x128xf32>, vector<2000x128xf32> -> vector<2000x256xf32>
    %dot_general3A_69 = arith.constant dense<0.000000e+00> : vector<256x256xf32>
    %dot_general3A_70 = tpu.matmul %convert_element_type3A_10, %concatenate3A_68, %dot_general3A_69 {dimension_numbers = #tpu.dot_dimension_numbers<[0], [0], [1], [1], [0, 1, 1, 1], [], []>, transpose_lhs_hint = false} : vector<2000x256xf32>, vector<2000x256xf32>, vector<256x256xf32> -> vector<256x256xf32>
    %get3A_71 = arith.constant 0 : index
    %get3A_72 = arith.constant 512 : index
    %get3A_73 = vector.load %arg8[%get3A_71, %get3A_72] : memref<256x1536xf32, #tpu.memory_space<vmem>>, vector<256x256xf32>
    %add3A_74 = arith.addf %get3A_73, %dot_general3A_70 : vector<256x256xf32>
    %swap3A_75 = arith.constant 0 : index
    %swap3A_76 = arith.constant 512 : index
    %swap3A_77 = vector.load %arg8[%swap3A_75, %swap3A_76] : memref<256x1536xf32, #tpu.memory_space<vmem>>, vector<256x256xf32>
    tpu.vector_store %arg8[%swap3A_75, %swap3A_76], %add3A_74 {strides = array<i32>} : memref<256x1536xf32, #tpu.memory_space<vmem>>, vector<256x256xf32>,
    %get3A_78 = arith.constant 0 : index
    %get3A_79 = arith.constant 0 : index
    %get3A_80 = arith.constant 0 : index
    %get3A_81 = vector.load %arg5[%get3A_78, %get3A_79, %get3A_80] : memref<2x2000x128xf32, #tpu.memory_space<vmem>>, vector<1x2000x128xf32>
    %get3A_82 = vector.shape_cast %get3A_81 : vector<1x2000x128xf32> to vector<2000x128xf32>
    %get3A_83 = arith.constant 1 : index
    %get3A_84 = arith.constant 0 : index
    %get3A_85 = arith.constant 0 : index
    %get3A_86 = vector.load %arg5[%get3A_83, %get3A_84, %get3A_85] : memref<2x2000x128xf32, #tpu.memory_space<vmem>>, vector<1x2000x128xf32>
    %get3A_87 = vector.shape_cast %get3A_86 : vector<1x2000x128xf32> to vector<2000x128xf32>
    %concatenate3A_88 = tpu.concatenate %get3A_82, %get3A_87 in 1 : vector<2000x128xf32>, vector<2000x128xf32> -> vector<2000x256xf32>
    %dot_general3A_89 = arith.constant dense<0.000000e+00> : vector<256x256xf32>
    %dot_general3A_90 = tpu.matmul %convert_element_type3A_10, %concatenate3A_88, %dot_general3A_89 {dimension_numbers = #tpu.dot_dimension_numbers<[0], [0], [1], [1], [0, 1, 1, 1], [], []>, transpose_lhs_hint = false} : vector<2000x256xf32>, vector<2000x256xf32>, vector<256x256xf32> -> vector<256x256xf32>
    %get3A_91 = arith.constant 0 : index
    %get3A_92 = arith.constant 768 : index
    %get3A_93 = vector.load %arg8[%get3A_91, %get3A_92] : memref<256x1536xf32, #tpu.memory_space<vmem>>, vector<256x256xf32>
    %add3A_94 = arith.addf %get3A_93, %dot_general3A_90 : vector<256x256xf32>
    %swap3A_95 = arith.constant 0 : index
    %swap3A_96 = arith.constant 768 : index
    %swap3A_97 = vector.load %arg8[%swap3A_95, %swap3A_96] : memref<256x1536xf32, #tpu.memory_space<vmem>>, vector<256x256xf32>
    tpu.vector_store %arg8[%swap3A_95, %swap3A_96], %add3A_94 {strides = array<i32>} : memref<256x1536xf32, #tpu.memory_space<vmem>>, vector<256x256xf32>,
    %get3A_98 = arith.constant 0 : index
    %get3A_99 = arith.constant 0 : index
    %get3A_100 = arith.constant 0 : index
    %get3A_101 = vector.load %arg6[%get3A_98, %get3A_99, %get3A_100] : memref<2x2000x128xf32, #tpu.memory_space<vmem>>, vector<1x2000x128xf32>
    %get3A_102 = vector.shape_cast %get3A_101 : vector<1x2000x128xf32> to vector<2000x128xf32>
    %get3A_103 = arith.constant 1 : index
    %get3A_104 = arith.constant 0 : index
    %get3A_105 = arith.constant 0 : index
    %get3A_106 = vector.load %arg6[%get3A_103, %get3A_104, %get3A_105] : memref<2x2000x128xf32, #tpu.memory_space<vmem>>, vector<1x2000x128xf32>
    %get3A_107 = vector.shape_cast %get3A_106 : vector<1x2000x128xf32> to vector<2000x128xf32>
    %concatenate3A_108 = tpu.concatenate %get3A_102, %get3A_107 in 1 : vector<2000x128xf32>, vector<2000x128xf32> -> vector<2000x256xf32>
    %dot_general3A_109 = arith.constant dense<0.000000e+00> : vector<256x256xf32>
    %dot_general3A_110 = tpu.matmul %convert_element_type3A_10, %concatenate3A_108, %dot_general3A_109 {dimension_numbers = #tpu.dot_dimension_numbers<[0], [0], [1], [1], [0, 1, 1, 1], [], []>, transpose_lhs_hint = false} : vector<2000x256xf32>, vector<2000x256xf32>, vector<256x256xf32> -> vector<256x256xf32>
    %get3A_111 = arith.constant 0 : index
    %get3A_112 = arith.constant 1024 : index
    %get3A_113 = vector.load %arg8[%get3A_111, %get3A_112] : memref<256x1536xf32, #tpu.memory_space<vmem>>, vector<256x256xf32>
    %add3A_114 = arith.addf %get3A_113, %dot_general3A_110 : vector<256x256xf32>
    %swap3A_115 = arith.constant 0 : index
    %swap3A_116 = arith.constant 1024 : index
    %swap3A_117 = vector.load %arg8[%swap3A_115, %swap3A_116] : memref<256x1536xf32, #tpu.memory_space<vmem>>, vector<256x256xf32>
    tpu.vector_store %arg8[%swap3A_115, %swap3A_116], %add3A_114 {strides = array<i32>} : memref<256x1536xf32, #tpu.memory_space<vmem>>, vector<256x256xf32>,
    %get3A_118 = arith.constant 0 : index
    %get3A_119 = arith.constant 0 : index
    %get3A_120 = arith.constant 0 : index
    %get3A_121 = vector.load %arg7[%get3A_118, %get3A_119, %get3A_120] : memref<2x2000x128xf32, #tpu.memory_space<vmem>>, vector<1x2000x128xf32>
    %get3A_122 = vector.shape_cast %get3A_121 : vector<1x2000x128xf32> to vector<2000x128xf32>
    %get3A_123 = arith.constant 1 : index
    %get3A_124 = arith.constant 0 : index
    %get3A_125 = arith.constant 0 : index
    %get3A_126 = vector.load %arg7[%get3A_123, %get3A_124, %get3A_125] : memref<2x2000x128xf32, #tpu.memory_space<vmem>>, vector<1x2000x128xf32>
    %get3A_127 = vector.shape_cast %get3A_126 : vector<1x2000x128xf32> to vector<2000x128xf32>
    %concatenate3A_128 = tpu.concatenate %get3A_122, %get3A_127 in 1 : vector<2000x128xf32>, vector<2000x128xf32> -> vector<2000x256xf32>
    %dot_general3A_129 = arith.constant dense<0.000000e+00> : vector<256x256xf32>
    %dot_general3A_130 = tpu.matmul %convert_element_type3A_10, %concatenate3A_128, %dot_general3A_129 {dimension_numbers = #tpu.dot_dimension_numbers<[0], [0], [1], [1], [0, 1, 1, 1], [], []>, transpose_lhs_hint = false} : vector<2000x256xf32>, vector<2000x256xf32>, vector<256x256xf32> -> vector<256x256xf32>
    %get3A_131 = arith.constant 0 : index
    %get3A_132 = arith.constant 1280 : index
    %get3A_133 = vector.load %arg8[%get3A_131, %get3A_132] : memref<256x1536xf32, #tpu.memory_space<vmem>>, vector<256x256xf32>
    %add3A_134 = arith.addf %get3A_133, %dot_general3A_130 : vector<256x256xf32>
    %swap3A_135 = arith.constant 0 : index
    %swap3A_136 = arith.constant 1280 : index
    %swap3A_137 = vector.load %arg8[%swap3A_135, %swap3A_136] : memref<256x1536xf32, #tpu.memory_space<vmem>>, vector<256x256xf32>
    tpu.vector_store %arg8[%swap3A_135, %swap3A_136], %add3A_134 {strides = array<i32>} : memref<256x1536xf32, #tpu.memory_space<vmem>>, vector<256x256xf32>,
    return
  }
  func.func @transform_0(%arg0: i32) -> (i32, i32, i32) {
    %c0_i32 = arith.constant 0 : i32
    %c0_i32_0 = arith.constant 0 : i32
    %c0_i32_1 = arith.constant 0 : i32
    return %arg0, %c0_i32, %c0_i32_0 : i32, i32, i32
  }
  func.func @transform_1(%arg0: i32) -> (i32, i32, i32) {
    %c0_i32 = arith.constant 0 : i32
    %c0_i32_0 = arith.constant 0 : i32
    %c0_i32_1 = arith.constant 0 : i32
    return %c0_i32, %arg0, %c0_i32_0 : i32, i32, i32
  }
  func.func @transform_2(%arg0: i32) -> (i32, i32, i32) {
    %c0_i32 = arith.constant 0 : i32
    %c0_i32_0 = arith.constant 0 : i32
    %c0_i32_1 = arith.constant 0 : i32
    return %c0_i32, %arg0, %c0_i32_0 : i32, i32, i32
  }
  func.func @transform_3(%arg0: i32) -> (i32, i32, i32) {
    %c0_i32 = arith.constant 0 : i32
    %c0_i32_0 = arith.constant 0 : i32
    %c0_i32_1 = arith.constant 0 : i32
    return %c0_i32, %arg0, %c0_i32_0 : i32, i32, i32
  }
  func.func @transform_4(%arg0: i32) -> (i32, i32, i32) {
    %c0_i32 = arith.constant 0 : i32
    %c0_i32_0 = arith.constant 0 : i32
    %c0_i32_1 = arith.constant 0 : i32
    return %c0_i32, %arg0, %c0_i32_0 : i32, i32, i32
  }
  func.func @transform_5(%arg0: i32) -> (i32, i32, i32) {
    %c0_i32 = arith.constant 0 : i32
    %c0_i32_0 = arith.constant 0 : i32
    %c0_i32_1 = arith.constant 0 : i32
    return %c0_i32, %arg0, %c0_i32_0 : i32, i32, i32
  }
  func.func @transform_6(%arg0: i32) -> (i32, i32, i32) {
    %c0_i32 = arith.constant 0 : i32
    %c0_i32_0 = arith.constant 0 : i32
    %c0_i32_1 = arith.constant 0 : i32
    return %c0_i32, %arg0, %c0_i32_0 : i32, i32, i32
  }
  func.func @transform_7(%arg0: i32) -> (i32, i32) {
    %c0_i32 = arith.constant 0 : i32
    %c0_i32_0 = arith.constant 0 : i32
    %c0_i32_1 = arith.constant 0 : i32
    return %c0_i32, %c0_i32_0 : i32, i32
  }
  func.func @transform_8(%arg0: i32) -> (i32, i32) {
    %c0_i32 = arith.constant 0 : i32
    %c0_i32_0 = arith.constant 0 : i32
    %c0_i32_1 = arith.constant 0 : i32
    return %c0_i32, %c0_i32_0 : i32, i32
  }
}

module attributes {stable_mosaic.version = 14 : i64} {
  func.func @_readout_body(%arg0: memref<256x1536xf32, #tpu.memory_space<vmem>>, %arg1: memref<256x128xf32, #tpu.memory_space<vmem>>, %arg2: memref<1536x256xf32, #tpu.memory_space<vmem>>, %arg3: memref<1x256xf32, #tpu.memory_space<vmem>>, %arg4: memref<1x256xf32, #tpu.memory_space<vmem>>, %arg5: memref<1x256xf32, #tpu.memory_space<vmem>>, %arg6: memref<256x256xf32, #tpu.memory_space<vmem>>, %arg7: memref<1x256xf32, #tpu.memory_space<vmem>>, %arg8: memref<256x1xf32, #tpu.memory_space<vmem>>, %arg9: memref<1x1xf32, #tpu.memory_space<vmem>>, %arg10: memref<256x1xf32, #tpu.memory_space<vmem>>) attributes {dimension_semantics = [], scalar_prefetch = 0 : i64, scratch_operands = 0 : i64, tpu.core_type = #tpu.core_type<tc>} {
    %get3A = arith.constant 0 : index
    %get3A_0 = arith.constant 0 : index
    %get3A_1 = vector.load %arg1[%get3A, %get3A_0] : memref<256x128xf32, #tpu.memory_space<vmem>>, vector<256x1xf32>
    %max3A = arith.constant 1.000000e+00 : f32
    %max3A_2 = vector.broadcast %max3A : f32 to vector<256x1xf32>
    %max3A_3 = arith.maximumf %get3A_1, %max3A_2 : vector<256x1xf32>
    %get3A_4 = arith.constant 0 : index
    %get3A_5 = arith.constant 0 : index
    %get3A_6 = vector.load %arg0[%get3A_4, %get3A_5] : memref<256x1536xf32, #tpu.memory_space<vmem>>, vector<256x1536xf32>
    %div3A = vector.broadcast %max3A_3 : vector<256x1xf32> to vector<256x1536xf32>
    %div3A_7 = arith.divf %get3A_6, %div3A : vector<256x1536xf32>
    %get3A_8 = arith.constant 0 : index
    %get3A_9 = arith.constant 0 : index
    %get3A_10 = vector.load %arg2[%get3A_8, %get3A_9] : memref<1536x256xf32, #tpu.memory_space<vmem>>, vector<1536x256xf32>
    %dot_general3A = arith.constant dense<0.000000e+00> : vector<256x256xf32>
    %dot_general3A_11 = tpu.matmul %div3A_7, %get3A_10, %dot_general3A {dimension_numbers = #tpu.dot_dimension_numbers<[1], [0], [0], [1], [0, 0, 1, 1], [], []>, transpose_lhs_hint = false} : vector<256x1536xf32>, vector<1536x256xf32>, vector<256x256xf32> -> vector<256x256xf32>
    %get3A_12 = arith.constant 0 : index
    %get3A_13 = arith.constant 0 : index
    %get3A_14 = vector.load %arg3[%get3A_12, %get3A_13] : memref<1x256xf32, #tpu.memory_space<vmem>>, vector<1x256xf32>
    %add3A = vector.broadcast %get3A_14 : vector<1x256xf32> to vector<256x256xf32>
    %add3A_15 = arith.addf %dot_general3A_11, %add3A : vector<256x256xf32>
    %reduce_sum3A = arith.constant dense<0.000000e+00> : vector<256xf32>
    %reduce_sum3A_16 = vector.multi_reduction <add>, %add3A_15, %reduce_sum3A [0] : vector<256x256xf32> to vector<256xf32>
    %broadcast_in_dim3A = vector.shape_cast %reduce_sum3A_16 : vector<256xf32> to vector<1x256xf32>
    %div3A_17 = arith.constant 2.560000e+02 : f32
    %div3A_18 = vector.broadcast %div3A_17 : f32 to vector<1x256xf32>
    %div3A_19 = arith.divf %broadcast_in_dim3A, %div3A_18 : vector<1x256xf32>
    %sub3A = vector.broadcast %div3A_19 : vector<1x256xf32> to vector<256x256xf32>
    %sub3A_20 = arith.subf %add3A_15, %sub3A : vector<256x256xf32>
    %sub3A_21 = vector.broadcast %div3A_19 : vector<1x256xf32> to vector<256x256xf32>
    %sub3A_22 = arith.subf %add3A_15, %sub3A_21 : vector<256x256xf32>
    %mul3A = arith.mulf %sub3A_20, %sub3A_22 : vector<256x256xf32>
    %reduce_sum3A_23 = arith.constant dense<0.000000e+00> : vector<256xf32>
    %reduce_sum3A_24 = vector.multi_reduction <add>, %mul3A, %reduce_sum3A_23 [0] : vector<256x256xf32> to vector<256xf32>
    %broadcast_in_dim3A_25 = vector.shape_cast %reduce_sum3A_24 : vector<256xf32> to vector<1x256xf32>
    %div3A_26 = arith.constant 2.560000e+02 : f32
    %div3A_27 = vector.broadcast %div3A_26 : f32 to vector<1x256xf32>
    %div3A_28 = arith.divf %broadcast_in_dim3A_25, %div3A_27 : vector<1x256xf32>
    %get3A_29 = arith.constant 0 : index
    %get3A_30 = arith.constant 0 : index
    %get3A_31 = vector.load %arg4[%get3A_29, %get3A_30] : memref<1x256xf32, #tpu.memory_space<vmem>>, vector<1x256xf32>
    %sub3A_32 = vector.broadcast %div3A_19 : vector<1x256xf32> to vector<256x256xf32>
    %sub3A_33 = arith.subf %add3A_15, %sub3A_32 : vector<256x256xf32>
    %mul3A_34 = vector.broadcast %get3A_31 : vector<1x256xf32> to vector<256x256xf32>
    %mul3A_35 = arith.mulf %mul3A_34, %sub3A_33 : vector<256x256xf32>
    %add3A_36 = arith.constant 9.99999974E-6 : f32
    %add3A_37 = vector.broadcast %add3A_36 : f32 to vector<1x256xf32>
    %add3A_38 = arith.addf %div3A_28, %add3A_37 : vector<1x256xf32>
    %sqrt3A = math.sqrt %add3A_38 : vector<1x256xf32>
    %div3A_39 = vector.broadcast %sqrt3A : vector<1x256xf32> to vector<256x256xf32>
    %div3A_40 = arith.divf %mul3A_35, %div3A_39 : vector<256x256xf32>
    %get3A_41 = arith.constant 0 : index
    %get3A_42 = arith.constant 0 : index
    %get3A_43 = vector.load %arg5[%get3A_41, %get3A_42] : memref<1x256xf32, #tpu.memory_space<vmem>>, vector<1x256xf32>
    %add3A_44 = vector.broadcast %get3A_43 : vector<1x256xf32> to vector<256x256xf32>
    %add3A_45 = arith.addf %div3A_40, %add3A_44 : vector<256x256xf32>
    %max3A_46 = arith.constant 0.000000e+00 : f32
    %max3A_47 = vector.broadcast %max3A_46 : f32 to vector<256x256xf32>
    %max3A_48 = arith.maximumf %add3A_45, %max3A_47 : vector<256x256xf32>
    %get3A_49 = arith.constant 0 : index
    %get3A_50 = arith.constant 0 : index
    %get3A_51 = vector.load %arg6[%get3A_49, %get3A_50] : memref<256x256xf32, #tpu.memory_space<vmem>>, vector<256x256xf32>
    %dot_general3A_52 = arith.constant dense<0.000000e+00> : vector<256x256xf32>
    %dot_general3A_53 = tpu.matmul %max3A_48, %get3A_51, %dot_general3A_52 {dimension_numbers = #tpu.dot_dimension_numbers<[1], [0], [0], [1], [0, 0, 1, 1], [], []>, transpose_lhs_hint = false} : vector<256x256xf32>, vector<256x256xf32>, vector<256x256xf32> -> vector<256x256xf32>
    %get3A_54 = arith.constant 0 : index
    %get3A_55 = arith.constant 0 : index
    %get3A_56 = vector.load %arg7[%get3A_54, %get3A_55] : memref<1x256xf32, #tpu.memory_space<vmem>>, vector<1x256xf32>
    %add3A_57 = vector.broadcast %get3A_56 : vector<1x256xf32> to vector<256x256xf32>
    %add3A_58 = arith.addf %dot_general3A_53, %add3A_57 : vector<256x256xf32>
    %max3A_59 = arith.constant 0.000000e+00 : f32
    %max3A_60 = vector.broadcast %max3A_59 : f32 to vector<256x256xf32>
    %max3A_61 = arith.maximumf %add3A_58, %max3A_60 : vector<256x256xf32>
    %get3A_62 = arith.constant 0 : index
    %get3A_63 = arith.constant 0 : index
    %get3A_64 = vector.load %arg8[%get3A_62, %get3A_63] : memref<256x1xf32, #tpu.memory_space<vmem>>, vector<256x1xf32>
    %dot_general3A_65 = arith.constant dense<0.000000e+00> : vector<256x1xf32>
    %dot_general3A_66 = tpu.matmul %max3A_61, %get3A_64, %dot_general3A_65 {dimension_numbers = #tpu.dot_dimension_numbers<[1], [0], [0], [1], [0, 0, 1, 1], [], []>, transpose_lhs_hint = false} : vector<256x256xf32>, vector<256x1xf32>, vector<256x1xf32> -> vector<256x1xf32>
    %get3A_67 = arith.constant 0 : index
    %get3A_68 = arith.constant 0 : index
    %get3A_69 = vector.load %arg9[%get3A_67, %get3A_68] : memref<1x1xf32, #tpu.memory_space<vmem>>, vector<1x1xf32>
    %add3A_70 = vector.broadcast %get3A_69 : vector<1x1xf32> to vector<256x1xf32>
    %add3A_71 = arith.addf %dot_general3A_66, %add3A_70 : vector<256x1xf32>
    %swap3A = arith.constant 0 : index
    %swap3A_72 = arith.constant 0 : index
    %swap3A_73 = vector.load %arg10[%swap3A, %swap3A_72] : memref<256x1xf32, #tpu.memory_space<vmem>>, vector<256x1xf32>
    tpu.vector_store %arg10[%swap3A, %swap3A_72], %add3A_71 {strides = array<i32>} : memref<256x1xf32, #tpu.memory_space<vmem>>, vector<256x1xf32>,
    return
  }
}

</mosaic_0001>

<sc_bundles>
// kernel: kernel.30.cloned.1.call-start
scs
__scs_entry_jumppad:
0x0: {  	(pc) =	sbr.rel $0x88, $3  }
0x1: {  	(tag) =	ssettag $0x0;
	lr =	simm.s32 $0x1  }
0x2: {  	[smem:$0x3F89] =	sst lr;
	_ =	strace $0xD0000000  }
0x3: {  	_ = 	snop  }
0x4: {  	_ = 	snop  }
0x5: {  	_ = 	snop  }
0x6: {  	_ = 	snop  }
0x7: {  	_ = 	snop  }
__scs_overlays_trampoline_lowered:
0x8: {  	[smem:$0x3F98] =	sst s0  }
0x9: {  	[smem:$0x3F99] =	sst s1  }
0xa: {  	[smem:$0x3F9A] =	sst s2  }
0xb: {  	[smem:$0x3F9B] =	sst s3  }
0xc: {  	[smem:$0x3F9C] =	sst s4  }
0xd: {  	[smem:$0x3F9D] =	sst s5  }
0xe: {  	[smem:$0x3F9E] =	sst s6  }
0xf: {  	[smem:$0x3F9F] =	sst s7  }
0x10: {  	[smem:$0x3FA0] =	sst s8  }
0x11: {  	[smem:$0x3FA1] =	sst s9;
	s0 =	simm.s32 @!p0 $0x0  }
0x12: {  	s1 =	sld [smem:$0x3F87];
	s0 =	simm.s32 @p0 $0x1  }
0x13: {  	[smem:$0x3FA2] =	sst s0;
	s0 =	simm.s32 @!p1 $0x0  }
0x14: {  	s2 =	sld [smem:$0x3F86];
	s0 =	simm.s32 @p1 $0x1  }
0x15: {  	[smem:$0x3FA3] =	sst s0;
	s0 =	simm.s32 @!p2 $0x0  }
0x16: {  	s3 =	sld [smem:$0x3FDB];
	s0 =	simm.s32 @p2 $0x1  }
0x17: {  	s4 =	simm.s32 $0x1BF5;
	[smem:$0x3FA5] =	sst s0  }
0x18: {  	s0 =	sld [smem:$0x3F88];
	_ =	swait.ge [sflag:s4], $0x0  }
0x19: {  	s7 =	sld [smem:$0x3F89]  }
0x1a: {  	s8 =	sadd.s32 $0xFFFFE003, lr  }
0x1b: {  	s9 =	sadd.s32 $0xFFFFFEF7, lr;
	s5 =	simm.s32 $0xFFFFFFFF;
	p2 =	slt.u32 s8, $0xFFFFF086  }
0x1c: {  	p1 =	slt.u32 s9, $0xF7A;
	s5 =	simm.s32 @!p2 $0x0  }
0x1d: {  	s5 =	simm.s32 @p1 $0x1;
	p0 =	seq.s32 s7, s2  }
0x1e: {  	s7 =	smul.u32 @!p0 $0xF7A, s2;
	p2 =	seq.s32 @!p0 s5, $0x0  }
0x1f: {  	s9 =	smul.u32 $0xF7A, s1;
	s8 =	simm.s32 @!p0 $0x1BF5;
	p2 =	por !p2, p0  }
0x20: {  	[sflag:s8] =	ssyncset.s32 @!p0 $0xFFFFF086;
	s6 =	sadd.s32 @!p0 s3, s7;
	s7 =	simm.s32 @!p0 $0x108  }
0x21: {  	s3 =	sadd.s32 s3, s9;
	s6 =	sadd.s32 @!p0 $0x88, s6;
	s7 =	simm.s32 @p2 $0x1082  }
0x22: {  	[simem:s7], [sflag:s8] =	dma.local @!p0 [hbm:s6], $0xF7A  }
0x23: {  	s9 =	sor.u32 $0xD0000000, s2;
	s6 =	simm.s32 $0x108;
	_ =	swait.ge @!p0 [sflag:s8], $0x0  }
0x24: {  	s3 =	sadd.s32 $0x88, s3;
	s6 =	simm.s32 @!p1 $0x1082;
	[sflag:s4] =	ssyncset.s32 $0xFFFFF086  }
0x25: {  	[simem:s6], [sflag:s4] =	dma.local [hbm:s3], $0xF7A  }
0x26: {  	[smem:$0x3F89] =	sst s1;
	(tag) =	ssettag s2;
	_ =	strace s9  }
0x27: {  	s1 =	sld [smem:$0x3F99]  }
0x28: {  	s2 =	sld [smem:$0x3F9A]  }
0x29: {  	s4 =	sld [smem:$0x3F9C]  }
0x2a: {  	p0 =	seq.s32 s5, $0x0;
	s5 =	sld [smem:$0x3F9D]  }
0x2b: {  	s6 =	sld [smem:$0x3F9E]  }
0x2c: {  	s7 =	sld [smem:$0x3F9F]  }
0x2d: {  	s3 =	simm.s32 $0x108;
	s8 =	sld [smem:$0x3FA0]  }
0x2e: {  	s3 =	simm.s32 @!p0 $0x1082;
	s9 =	sld [smem:$0x3FA1]  }
0x2f: {  	lr =	sadd.s32 s0, s3;
	s0 =	sld [smem:$0x3F98]  }
0x30: {  	s3 =	sld [smem:$0x3F9B]  }
0x31: {  	[smem:$0x3FA4] =	sst s10  }
0x32: {  	s10 =	sld [smem:$0x3FA2];
	_ =	sdelay $0x3  }
0x33: {  	p0 =	seq.s32 s10, $0x1;
	s10 =	sld [smem:$0x3FA4];
	_ =	sdelay $0x3  }
0x34: {  	[smem:$0x3FA4] =	sst s10  }
0x35: {  	s10 =	sld [smem:$0x3FA3];
	_ =	sdelay $0x3  }
0x36: {  	p1 =	seq.s32 s10, $0x1;
	s10 =	sld [smem:$0x3FA4];
	_ =	sdelay $0x3  }
0x37: {  	[smem:$0x3FA4] =	sst s10  }
0x38: {  	s10 =	sld [smem:$0x3FA5]  }
0x39: {  	_ = 	snop;
	(pc) =	sbr.ind lr, $3  }
0x3a: {  	_ = 	snop  }
0x3b: {  	_ = 	snop  }
0x3c: {  	p2 =	seq.s32 s10, $0x1;
	s10 =	sld [smem:$0x3FA4]  }
0x3d: {  	_ =	shalt  }
0x3e: {  	_ =	shalt  }
0x3f: {  	_ =	shalt  }
0x40: {  	_ =	shalt  }
0x41: {  	_ =	shalt  }
0x42: {  	_ =	shalt  }
0x43: {  	_ =	shalt  }
0x44: {  	_ =	shalt  }
0x45: {  	_ =	shalt  }
0x46: {  	_ =	shalt  }
0x47: {  	_ =	shalt  }
0x48: {  	_ =	shalt  }
0x49: {  	_ =	shalt  }
0x4a: {  	_ =	shalt  }
0x4b: {  	_ =	shalt  }
0x4c: {  	_ =	shalt  }
0x4d: {  	_ =	shalt  }
0x4e: {  	_ =	shalt  }
0x4f: {  	_ =	shalt  }
0x50: {  	_ =	shalt  }
0x51: {  	_ =	shalt  }
0x52: {  	_ =	shalt  }
0x53: {  	_ =	shalt  }
0x54: {  	_ =	shalt  }
0x55: {  	_ =	shalt  }
0x56: {  	_ =	shalt  }
0x57: {  	_ =	shalt  }
0x58: {  	_ =	shalt  }
0x59: {  	_ =	shalt  }
0x5a: {  	_ =	shalt  }
0x5b: {  	_ =	shalt  }
0x5c: {  	_ =	shalt  }
0x5d: {  	_ =	shalt  }
0x5e: {  	_ =	shalt  }
0x5f: {  	_ =	shalt  }
0x60: {  	_ =	shalt  }
0x61: {  	_ =	shalt  }
0x62: {  	_ =	shalt  }
0x63: {  	_ =	shalt  }
0x64: {  	_ =	shalt  }
0x65: {  	_ =	shalt  }
0x66: {  	_ =	shalt  }
0x67: {  	_ =	shalt  }
0x68: {  	_ =	shalt  }
0x69: {  	_ =	shalt  }
0x6a: {  	_ =	shalt  }
0x6b: {  	_ =	shalt  }
0x6c: {  	_ =	shalt  }
0x6d: {  	_ =	shalt  }
0x6e: {  	_ =	shalt  }
0x6f: {  	_ =	shalt  }
0x70: {  	_ =	shalt  }
0x71: {  	_ =	shalt  }
0x72: {  	_ =	shalt  }
0x73: {  	_ =	shalt  }
0x74: {  	_ =	shalt  }
0x75: {  	_ =	shalt  }
0x76: {  	_ =	shalt  }
0x77: {  	_ =	shalt  }
0x78: {  	_ =	shalt  }
0x79: {  	_ =	shalt  }
0x7a: {  	_ =	shalt  }
0x7b: {  	_ =	shalt  }
0x7c: {  	_ =	shalt  }
0x7d: {  	_ =	shalt  }
0x7e: {  	_ =	shalt  }
0x7f: {  	_ =	shalt  }
0x80: {  	_ =	shalt  }
0x81: {  	_ =	shalt  }
0x82: {  	_ =	shalt  }
0x83: {  	_ =	shalt  }
0x84: {  	_ =	shalt  }
0x85: {  	_ =	shalt  }
0x86: {  	_ =	shalt  }
0x87: {  	_ =	shalt  }
.Lfunc_end0:
.L_simem_size_0:
called_computation_lowered:
.L_overlay_start_0:
0x88: {  	s2 =	sld [smem:$0x3FD9]  }
0x89: {  	s3 =	sld [smem:$0x3FFE];
	_ =	sdelay $0x1  }
0x8a: {  	s1 =	srdreg.scid  }
0x8b: {  	s0 =	sand.u32 $0x1, s1  }
0x8c: {  	s16 =	sshll.u32 s0, $0xA;
	s2 =	sadd.s32 s3, s2  }
0x8d: {  	s2 =	sadd.s32 s2, s16  }
0x8e: {  	[smem:$0x3FB0] =	sst s2  }
0x8f: {  	_ = 	snop  }
0x90: {  	(tm) =	ssettm $0x1  }
0x91: {  	s17 =	sld [smem:$0x3FFB];
	_ =	sdelay $0x3  }
0x92: {  	_ =	strace s17  }
0x93: {  	s2 =	sld [smem:$0x3FFC];
	_ =	sdelay $0x3  }
0x94: {  	_ =	strace s2  }
0x95: {  	s2 =	sld [smem:$0x3FFD];
	_ =	sdelay $0x3  }
0x96: {  	_ =	strace s2  }
0x97: {  	_ =	strace $0x8FFFFFFF  }
0x98: {  	s18 =	sld [smem:$0x3FDB];
	_ =	sdelay $0x1  }
0x99: {  	s19 =	simm.s32 $_scs_section_size  }
0x9a: {  	s4 =	simm.s32 $_size__tile_overlayer_lowered;
	s5 =	simm.s32 $_tile_overlayer_lowered  }
0x9b: {  	s22 =	simm.s32 $0x1BFF;
	s21 =	sshll.u32 s5, $0x1;
	s2 =	sadd.s32 s19, s18  }
0x9c: {  	s6 =	simm.s32 $0x0;
	s20 =	sshll.u32 s4, $0x1;
	s4 =	sadd.s32 s21, s2  }
0x9d: {  	[timem:s6], [sflag:s22] =	dma.local [hbm:s4], s20  }
0x9e: {  	_ =	swait.ge [sflag:s22], s20  }
0x9f: {  	s3 =	ssub.s32 $0x0, s20;
	[sflag:s22] =	ssyncset.done $0x0  }
0xa0: {  	[sflag:s22] =	ssyncadd.s32 s3;
	_ =	sdelay $0x1  }
0xa1: {  	s23 =	simm.s32 $0x1B8B  }
0xa2: {  	_ =	swait.ge [sflag:s23], $0x1  }
0xa3: {  	[sflag:s23] =	ssyncset.done $0x0  }
0xa4: {  	s25 =	simm.s32 $0x1B8E;
	s24 =	sld [smem:$0x3FFE];
	[sflag:s23] =	ssyncadd.s32 $0xFFFFFFFF  }
0xa5: {  	s26 =	simm.s32 $execute0_lowered;
	[smem:$0x3FD2] =	sst s25  }
0xa6: {  	s4 =	sshll.u32 s26, $0x1;
	_ =	strace $0x80000046;
	[dreg:$0x1] =	wrdreg $0xFFFFFFFF  }
0xa7: {  	s28 =	simm.s32 $_size_execute0_lowered;
	s2 =	sadd.s32 s2, s4;
	[dreg:$0x0] =	wrdreg $0x0  }
0xa8: {  	s4 =	sshll.u32 s28, $0x1;
	[dreg:$0x2] =	wrdreg s2  }
0xa9: {  	[dreg:$0x3] =	wrdreg s4  }
0xaa: {  	[dreg:$0x4] =	wrdreg $0xC0  }
0xab: {  	_ =	task [dreg:s6], $0x5FFFF  }
0xac: {  	[dreg:$0x1] =	wrdreg $0xFFFFFFFF  }
0xad: {  	[dreg:$0x0] =	wrdreg $0x60  }
0xae: {  	[dreg:$0x2] =	wrdreg s24  }
0xaf: {  	[dreg:$0x3] =	wrdreg $0xA9800  }
0xb0: {  	[dreg:$0x4] =	wrdreg $0x9  }
0xb1: {  	_ =	task.clear_ibuf [dreg:s6], $0x5FFFF;
	_ =	strace $0x90000046  }
0xb2: {  	s29 =	simm.s32 $0x9;
	_ =	strace $0x80000048  }
0xb3: {  	_ =	swait.ge [sflag:s29], $0x1  }
0xb4: {  	[sflag:s29] =	ssyncadd.s32 $0xFFFFFFFF  }
0xb5: {  	_ =	strace $0x90000048  }
0xb6: {  	_ =	sfence  }
0xb7: {  	s30 =	sld [smem:$0x0];
	_ =	sdelay $0x2  }
0xb8: {  	s31 =	sshll.u32 s1, $0xD;
	s1 =	sshrl.u32 s1, $0x2  }
0xb9: {  	s3 =	sand.u32 $0x4000, s31;
	s1 =	sadd.s32 s1, s30  }
0xba: {  	s0 =	sor.u32 s3, s0;
	s1 =	sshll.u32 s1, $0x11  }
0xbb: {  	s0 =	sor.u32 s1, s0  }
0xbc: {  	s0 =	sadd.s32 $0x8F2B, s0  }
0xbd: {  	[sflag:s0] =	ssyncadd.remote.s32 $0x1  }
0xbe: {  	_ =	sfence.sel $0xFFFF  }
0xbf: {  	[dreg:$0x0] =	wrdreg $0xFFFFFFFF;
	(pc) =	sbr.abs _section_cstart, $3  }
0xc0: {  	[dreg:$0x1] =	wrdreg $0xFFFFFFFF  }
0xc1: {  	_ =	task.clear_ibuf [dreg:s6], $0x2FFFF;
	_ =	strace $0x9FFFFFFF  }
0xc2: {  	(tm) =	ssettm $0x7FFFFFFF  }
0xc3: {  	_ =	shalt  }
tec
execute0_lowered:
.L_overlay_start_1:
0x0: {  	(tag) =	ssettag $0x1  }
0x1: {  	s9 =	rddreg [dreg:$0x0]  }
0x2: {  	s1 =	rddreg [dreg:$0x1];
	s2 =	srdreg.scid  }
0x3: {  	s0 =	rddreg [dreg:$0x2];
	s3 =	simm.s32 $0x0;
	s16 =	simm.s32 $0x80  }
0x4: {  	s22 =	simm.s32 $0x2900;
	s10 =	sand.u32 $0x1, s2;
	s2 =	stileid.u32  }
0x5: {  	[smem:$0x7FF] =	sst s3;
	s4 =	sadd.s32 $0xE000, s9;
	s13 =	smul.u32 $0x278, s2  }
0x6: {  	s6 =	sadd.s32 $0x4FA000, s9;
	s8 =	sadd.s32 $0x5C200, s9;
	s15 =	smul.u32 $0x4F000, s2  }
0x7: {  	s5 =	sshll.u32 s10, $0x4;
	_ =	strace $0x80000047;
	s17 =	smul.u32 $0x271, s2  }
0x8: {  	s12 =	ssub.s32 $0x2, s10;
	s31 =	sshll.u32 s2, $0x6;
	s18 =	smul.u32 $0x2710, s10  }
0x9: {  	s10 =	smul.u32 $0x4E200, s10;
	s7 =	sor.u32 s2, s5;
	s5 =	sadd.s32 $0xEC7E00, s9  }
0xa: {  	s14 =	sshrl.u32 s12, $0x1;
	s11 =	smul.u32 $0x2780, s7;
	s7 =	sadd.s32 $0x4F0200, s9  }
0xb: {  	s12 =	ssub.s32 s12, s14;
	s30 =	sshrl.u32 s15, $0x2;
	s20 =	sadd.s32 $0x271, s13  }
0xc: {  	s19 =	sadd.s32 $0x271, s17;
	s21 =	ssub.s32 s13, s17;
	s14 =	simm.s32 $0x2  }
0xd: {  	v0 =	vmov s17;
	v2 =	vmov s18;
	s17 =	simm.s32 $0x2800;
	s18 =	simm.s32 $0x2980;
	s15 =	sadd.s32 s30, s1  }
0xe: {  	s12 =	smax.u32 s12, $0x1;
	v1 =	vmov s19;
	s19 =	simm.s32 $0x1;
	v4 =	vmov s20;
	s20 =	simm.s32 $0x2880  }
0xf: {  	v3 =	vmov s21;
	s21 =	simm.s32 $0x6980;
	s11 =	sadd.s32 s11, s9;
	s9 =	sor.u32 $0x1C02, s31  }
0x10: {  	v5 =	vlaneseq.u32;
	s13 =	sshrl.u32 s15, $0x3;
	s15 =	simm.s32 $0x800;
	s11 =	sadd.s32 $0x5EA00, s11  }
.LBB2_1:
0x11: {  	[spmem:s13], [sflag:s9] =	dma.local [hbm:s8], $0x2780  }
0x12: {  	_ =	swait.ge [sflag:s14], $0x2780  }
0x13: {  	[sflag:s14] =	ssyncset.done $0x0  }
0x14: {  	s23 =	smov.u32 s10;
	s24 =	simm.s32 $0x0;
	[sflag:s14] =	ssyncadd.s32 $0xFFFFD880  }
.LBB2_2:
0x15: {  	s25 =	smul.u32 $0x7D0, s24;
	_ =	sdelay $0x1  }
0x16: {  	s25 =	sshrl.u32 s25, $0x3  }
0x17: {  	s28 =	simm.s32 $0x0;
	s26 =	sadd.s32 s6, s25  }
0x18: {  	[tilespmem:s28], [sflag:$0x2] =	stream.linear.gather [hbm4b:s26+s28], $0x7D0, $0x38;
	[tilespmem:$0x1E580] =	vst v63  }
0x19: {  	_ =	swait.ge [sflag:s14], $0x7D0  }
0x1a: {  	[sflag:s14] =	ssyncset.done $0x0  }
0x1b: {  	s25 =	sadd.s32 s7, s25;
	[sflag:s14] =	ssyncadd.s32 $0xFFFFF830  }
0x1c: {  	[tilespmem:s15], [sflag:$0x2] =	stream.linear.gather [hbm4b:s25+s28], $0x7D0, $0x38;
	[tilespmem:$0x1E580] =	vst v63  }
0x1d: {  	_ =	swait.ge [sflag:s14], $0x7D0  }
0x1e: {  	[sflag:s14] =	ssyncset.done $0x0  }
0x1f: {  	s25 =	simm.s32 $0x0;
	[sflag:s14] =	ssyncadd.s32 $0xFFFFF830  }
0x20: {  	v7 =	vor.u32 s23, v5;
	v6 =	vld [tilespmem:s25+$0x800]  }
0x21: {  	[tilespmem:s25+$0x1800] =	vst v7;
	v7 =	vld [tilespmem:s25+$0x0];
	_ =	sdelay $0x2  }
0x22: {  	s26 =	simm.s32 $0x40;
	s28 =	sadd.s32 $0x10, s23  }
.LBB2_3:
0x23: {  	s29 =	sshra.s32 s26, $0x2;
	v8 =	vor.u32 s28, v5;
	p0 =	sne.s32 s26, $0x1F00;
	s26 =	sadd.s32 $0x40, s26;
	vm0 =	vge.s32 v6, v0;
	vm1 =	vlt.s32 v6, v1  }
.Ltmp0:
0x24: {  	v9 =	vadd.s32 v6, v3;
	[tilespmem:s29+$0x1800] =	vst v8;
	vm0 =	vmand vm0, vm1;
	v8 =	vadd.s32 v2, v7;
	v6 =	vld [tilespmem:s29+$0x800];
	(pc) =	sbr.rel @p0 .LBB2_3-.Ltmp0, $3  }
0x25: {  	v7 =	vld [tilespmem:s29+$0x0];
	[tilespmem:s25+$0x1000] =	vst v8;
	v8 =	vsel vm0, v9, v4  }
0x26: {  	[tilespmem:s25+$0x2000] =	vst v8;
	s25 =	smov.u32 s29;
	_ =	sdelay $0x1  }
0x27: {  	s28 =	sadd.s32 $0x10, s28  }
0x28: {  	vm0 =	vge.s32 v6, v0;
	vm1 =	vlt.s32 v6, v1  }
0x29: {  	v6 =	vadd.s32 v6, v3;
	vm0 =	vmand vm0, vm1;
	v7 =	vadd.s32 v2, v7  }
0x2a: {  	[tilespmem:s25+$0x1000] =	vst v7;
	v6 =	vsel vm0, v6, v4  }
0x2b: {  	s26 =	simm.s32 $0x1000;
	[tilespmem:s25+$0x2000] =	vst v6  }
0x2c: {  	v6 =	vld [tilespmem:s26+$0x0];
	_ =	sdelay $0x3  }
0x2d: {  	p0 =	por $0x1, $0x1  }
0x2e: {  	v6 =	vpsel !p0, $0x0, v6  }
0x2f: {  	s28 =	simm.s32 $0x1800;
	[tilespmem:s26+$0x0] =	vst v6  }
0x30: {  	v6 =	vld [tilespmem:s28+$0x0];
	_ =	sdelay $0x4  }
0x31: {  	v6 =	vpsel !p0, $0x0, v6  }
0x32: {  	s29 =	simm.s32 $0x2000;
	[tilespmem:s28+$0x0] =	vst v6  }
0x33: {  	v6 =	vld [tilespmem:s29+$0x0];
	_ =	sdelay $0x4  }
0x34: {  	s30 =	simm.s32 $0x10;
	v6 =	vpsel p0, v6, v4  }
.LBB2_5:
0x35: {  	[tilespmem:s29+$0x0] =	vst v6;
	s26 =	sadd.s32 $0x10, s26;
	s28 =	sadd.s32 $0x10, s28;
	s29 =	sadd.s32 $0x10, s29  }
0x36: {  	p0 =	sne.s32 s30, $0x7F0;
	s25 =	smov.u32 s30;
	s30 =	sadd.s32 $0x10, s30;
	v6 =	vld [tilespmem:s26+$0x0]  }
0x37: {  	_ =	sdelay $0x2  }
0x38: {  	p1 =	slt.u32 s25, $0x7D0  }
0x39: {  	v6 =	vpsel !p1, $0x0, v6  }
0x3a: {  	[tilespmem:s26+$0x0] =	vst v6  }
0x3b: {  	v6 =	vld [tilespmem:s28+$0x0];
	_ =	sdelay $0x4  }
0x3c: {  	v6 =	vpsel !p1, $0x0, v6  }
0x3d: {  	[tilespmem:s28+$0x0] =	vst v6  }
0x3e: {  	v6 =	vld [tilespmem:s29+$0x0]  }
.Ltmp1:
0x3f: {  	(pc) =	sbr.rel @p0 .LBB2_5-.Ltmp1, $2  }
0x40: {  	_ =	sdelay $0x2  }
0x41: {  	s25 =	simm.s32 $0x0;
	v6 =	vpsel p1, v6, v4  }
0x42: {  	[tilespmem:s29+$0x0] =	vst v6  }
.LBB2_7:
0x43: {  	s26 =	sshll.u32 s25, $0x7  }
0x44: {  	v6 =	vld [tilespmem:s26+$0x1000];
	_ =	sdelay $0x4  }
0x45: {  	[tilespmem:$0x2800] =	vst v6  }
0x46: {  	v6 =	vld [tilespmem:s26+$0x1800];
	_ =	sdelay $0x4  }
0x47: {  	[tilespmem:$0x2880] =	vst v6  }
0x48: {  	v6 =	vld [tilespmem:s26+$0x2000];
	_ =	sdelay $0x4  }
0x49: {  	[tilespmem:$0x2900] =	vst v6  }
0x4a: {  	v6 =	vld [tilespmem:s26+$0x1010];
	_ =	sdelay $0x4  }
0x4b: {  	[tilespmem:$0x2810] =	vst v6  }
0x4c: {  	v6 =	vld [tilespmem:s26+$0x1810];
	_ =	sdelay $0x4  }
0x4d: {  	[tilespmem:$0x2890] =	vst v6  }
0x4e: {  	v6 =	vld [tilespmem:s26+$0x2010];
	_ =	sdelay $0x4  }
0x4f: {  	[tilespmem:$0x2910] =	vst v6  }
0x50: {  	v6 =	vld [tilespmem:s26+$0x1020];
	_ =	sdelay $0x4  }
0x51: {  	[tilespmem:$0x2820] =	vst v6  }
0x52: {  	v6 =	vld [tilespmem:s26+$0x1820];
	_ =	sdelay $0x4  }
0x53: {  	[tilespmem:$0x28A0] =	vst v6  }
0x54: {  	v6 =	vld [tilespmem:s26+$0x2020];
	_ =	sdelay $0x4  }
0x55: {  	[tilespmem:$0x2920] =	vst v6  }
0x56: {  	v6 =	vld [tilespmem:s26+$0x1030];
	_ =	sdelay $0x4  }
0x57: {  	[tilespmem:$0x2830] =	vst v6  }
0x58: {  	v6 =	vld [tilespmem:s26+$0x1830];
	_ =	sdelay $0x4  }
0x59: {  	[tilespmem:$0x28B0] =	vst v6  }
0x5a: {  	v6 =	vld [tilespmem:s26+$0x2030];
	_ =	sdelay $0x4  }
0x5b: {  	[tilespmem:$0x2930] =	vst v6  }
0x5c: {  	v6 =	vld [tilespmem:s26+$0x1040];
	_ =	sdelay $0x4  }
0x5d: {  	[tilespmem:$0x2840] =	vst v6  }
0x5e: {  	v6 =	vld [tilespmem:s26+$0x1840];
	_ =	sdelay $0x4  }
0x5f: {  	[tilespmem:$0x28C0] =	vst v6  }
0x60: {  	v6 =	vld [tilespmem:s26+$0x2040];
	_ =	sdelay $0x4  }
0x61: {  	[tilespmem:$0x2940] =	vst v6  }
0x62: {  	v6 =	vld [tilespmem:s26+$0x1050];
	_ =	sdelay $0x4  }
0x63: {  	[tilespmem:$0x2850] =	vst v6  }
0x64: {  	v6 =	vld [tilespmem:s26+$0x1850];
	_ =	sdelay $0x4  }
0x65: {  	[tilespmem:$0x28D0] =	vst v6  }
0x66: {  	v6 =	vld [tilespmem:s26+$0x2050];
	_ =	sdelay $0x4  }
0x67: {  	[tilespmem:$0x2950] =	vst v6  }
0x68: {  	v6 =	vld [tilespmem:s26+$0x1060];
	_ =	sdelay $0x4  }
0x69: {  	[tilespmem:$0x2860] =	vst v6  }
0x6a: {  	v6 =	vld [tilespmem:s26+$0x1860];
	_ =	sdelay $0x4  }
0x6b: {  	[tilespmem:$0x28E0] =	vst v6  }
0x6c: {  	v6 =	vld [tilespmem:s26+$0x2060];
	_ =	sdelay $0x4  }
0x6d: {  	[tilespmem:$0x2960] =	vst v6  }
0x6e: {  	v6 =	vld [tilespmem:s26+$0x1070];
	_ =	sdelay $0x4  }
0x6f: {  	[tilespmem:$0x2870] =	vst v6  }
0x70: {  	v6 =	vld [tilespmem:s26+$0x1870];
	_ =	sdelay $0x4  }
0x71: {  	[tilespmem:$0x28F0] =	vst v6  }
0x72: {  	v6 =	vld [tilespmem:s26+$0x2070];
	_ =	sdelay $0x4  }
0x73: {  	[tilespmem:$0x2970] =	vst v6  }
0x74: {  	[tilespmem:s18], [sflag:$0x1] =	stream.indirect.gather [hbm4b:s4+s16], $0x80, s17, s16, $0xb8;
	[tilespmem:$0x1E580] =	vst v63  }
0x75: {  	_ =	swait.ge [sflag:s19], $0x4000  }
0x76: {  	[sflag:s19] =	ssyncset.done $0x0  }
0x77: {  	[sflag:s19] =	ssyncadd.s32 $0xFFFFC000  }
0x78: {  	[tilespmem:s21], [sflag:$0x1] =	stream.indirect.gather [hbm4b:s5+s16], $0x80, s20, s16, $0xb8;
	[tilespmem:$0x1E580] =	vst v63  }
0x79: {  	_ =	swait.ge [sflag:s19], $0x4000  }
0x7a: {  	[sflag:s19] =	ssyncset.done $0x0  }
0x7b: {  	s26 =	simm.s32 $0x0;
	[sflag:s19] =	ssyncadd.s32 $0xFFFFC000  }
0x7c: {  	v12 =	vld [tilespmem:s26+$0x6980]  }
0x7d: {  	v17 =	vld [tilespmem:s26+$0x6990]  }
0x7e: {  	v10 =	vld [tilespmem:s26+$0x69A0]  }
0x7f: {  	v11 =	vld [tilespmem:s26+$0x69B0]  }
0x80: {  	v9 =	vld [tilespmem:s26+$0x69C0]  }
0x81: {  	v8 =	vld [tilespmem:s26+$0x69D0]  }
0x82: {  	v7 =	vld [tilespmem:s26+$0x69E0]  }
0x83: {  	v6 =	vld [tilespmem:s26+$0x69F0]  }
0x84: {  	v18 =	vld [tilespmem:s26+$0x2980]  }
0x85: {  	v19 =	vld [tilespmem:s26+$0x2990]  }
0x86: {  	v16 =	vld [tilespmem:s26+$0x29A0]  }
0x87: {  	v15 =	vld [tilespmem:s26+$0x29B0]  }
0x88: {  	v14 =	vld [tilespmem:s26+$0x29C0]  }
0x89: {  	v13 =	vld [tilespmem:s26+$0x29D0];
	v18 =	vadd.f32 v12, v18  }
0x8a: {  	s28 =	simm.s32 $0x200;
	v12 =	vld [tilespmem:s26+$0x29E0];
	v17 =	vadd.f32 v17, v19  }
.LBB2_8:
0x8b: {  	s29 =	sshra.s32 s28, $0x2;
	p0 =	sne.s32 s28, $0xFE00;
	v19 =	vld [tilespmem:s26+$0x29F0];
	v10 =	vadd.f32 v10, v16;
	v16 =	vmax.f32 v18, $0.0e+00  }
0x8c: {  	v18 =	vld [tilespmem:s29+$0x6980];
	v11 =	vadd.f32 v11, v15;
	v15 =	vmax.f32 v17, $0.0e+00;
	[tilespmem:s26+$0x2980] =	vst v16  }
0x8d: {  	v17 =	vld [tilespmem:s29+$0x6990];
	v9 =	vadd.f32 v9, v14;
	v14 =	vmax.f32 v10, $0.0e+00;
	[tilespmem:s26+$0x2990] =	vst v15  }
0x8e: {  	v10 =	vld [tilespmem:s29+$0x69A0];
	v8 =	vadd.f32 v8, v13;
	v13 =	vmax.f32 v11, $0.0e+00;
	[tilespmem:s26+$0x29A0] =	vst v14  }
0x8f: {  	v11 =	vld [tilespmem:s29+$0x69B0];
	v7 =	vadd.f32 v7, v12;
	v12 =	vmax.f32 v9, $0.0e+00;
	[tilespmem:s26+$0x29B0] =	vst v13  }
0x90: {  	v9 =	vld [tilespmem:s29+$0x69C0];
	v6 =	vadd.f32 v6, v19;
	v13 =	vmax.f32 v8, $0.0e+00;
	[tilespmem:s26+$0x29C0] =	vst v12  }
0x91: {  	v8 =	vld [tilespmem:s29+$0x69D0];
	v12 =	vmax.f32 v7, $0.0e+00;
	[tilespmem:s26+$0x29D0] =	vst v13  }
0x92: {  	v7 =	vld [tilespmem:s29+$0x69E0];
	v13 =	vmax.f32 v6, $0.0e+00;
	[tilespmem:s26+$0x29E0] =	vst v12  }
0x93: {  	v6 =	vld [tilespmem:s29+$0x69F0];
	[tilespmem:s26+$0x29F0] =	vst v13;
	s26 =	smov.u32 s29  }
0x94: {  	v12 =	vld [tilespmem:s26+$0x2980]  }
0x95: {  	v19 =	vld [tilespmem:s26+$0x2990]  }
.Ltmp2:
0x96: {  	v16 =	vld [tilespmem:s26+$0x29A0];
	(pc) =	sbr.rel @p0 .LBB2_8-.Ltmp2, $4  }
0x97: {  	v15 =	vld [tilespmem:s26+$0x29B0]  }
0x98: {  	v14 =	vld [tilespmem:s26+$0x29C0]  }
0x99: {  	v13 =	vld [tilespmem:s26+$0x29D0];
	v18 =	vadd.f32 v18, v12  }
0x9a: {  	s28 =	sadd.s32 $0x200, s28;
	v12 =	vld [tilespmem:s26+$0x29E0];
	v17 =	vadd.f32 v17, v19  }
0x9b: {  	v19 =	vld [tilespmem:s26+$0x29F0];
	v10 =	vadd.f32 v10, v16;
	v62 =	vmax.f32 v18, $0.0e+00  }
0x9c: {  	v11 =	vadd.f32 v11, v15;
	v63 =	vmax.f32 v17, $0.0e+00;
	[tilespmem:s26+$0x2980] =	vst v62  }
0x9d: {  	v9 =	vadd.f32 v9, v14;
	v10 =	vmax.f32 v10, $0.0e+00;
	[tilespmem:s26+$0x2990] =	vst v63  }
0x9e: {  	v8 =	vadd.f32 v8, v13;
	v11 =	vmax.f32 v11, $0.0e+00;
	[tilespmem:s26+$0x29A0] =	vst v10  }
0x9f: {  	v7 =	vadd.f32 v7, v12;
	v9 =	vmax.f32 v9, $0.0e+00;
	[tilespmem:s26+$0x29B0] =	vst v11  }
0xa0: {  	v6 =	vadd.f32 v6, v19;
	v8 =	vmax.f32 v8, $0.0e+00;
	[tilespmem:s26+$0x29C0] =	vst v9  }
0xa1: {  	s25 =	sadd.s32 $0x1, s25;
	v7 =	vmax.f32 v7, $0.0e+00;
	[tilespmem:s26+$0x29D0] =	vst v8  }
0xa2: {  	p0 =	sne.s32 s25, $0x10;
	v6 =	vmax.f32 v6, $0.0e+00;
	[tilespmem:s26+$0x29E0] =	vst v7  }
.Ltmp3:
0xa3: {  	[tilespmem:s26+$0x29F0] =	vst v6;
	(pc) =	sbr.rel @p0 .LBB2_7-.Ltmp3, $4  }
0xa4: {  	[spmem:s1] =	stream.indirect.scatter.add.f32 [tilespmem:s18], [sflag:$0x2], $0x80, s22, s16, $0xb8;
	[tilespmem:$0x1E580] =	vst v63  }
0xa5: {  	_ =	swait.ge [sflag:s14], $0x4000  }
0xa6: {  	[sflag:s14] =	ssyncset.done $0x0  }
0xa7: {  	[sflag:s14] =	ssyncadd.s32 $0xFFFFC000  }
0xa8: {  	s24 =	sadd.s32 $0x1, s24  }
0xa9: {  	p0 =	sne.s32 s24, $0xA0  }
.Ltmp4:
0xaa: {  	_ = 	snop;
	(pc) =	sbr.rel @p0 .LBB2_2-.Ltmp4, $2  }
0xab: {  	_ =	sdelay $0x2  }
0xac: {  	s23 =	sadd.s32 $0x7D0, s23  }
0xad: {  	s3 =	sadd.s32 $0x1, s3  }
0xae: {  	p0 =	sne.s32 s3, s12  }
.Ltmp5:
0xaf: {  	_ = 	snop;
	(pc) =	sbr.rel @p0 .LBB2_1-.Ltmp5, $4  }
0xb0: {  	[hbm:s11], [sflag:s9] =	dma.local [spmem:s13], $0x2780  }
0xb1: {  	_ =	swait.ge [sflag:s14], $0x2780  }
0xb2: {  	[sflag:s14] =	ssyncset.done $0x0  }
0xb3: {  	[sflag:s14] =	ssyncadd.s32 $0xFFFFD880  }
0xb4: {  	_ =	sfence.sel $0x180000  }
0xb5: {  	[bflag:$0x0] =	sbarrier.arrive $0xFFFF  }
0xb6: {  	p0 =	sne.s32 s2, $0x0;
	_ =	strace $0x90000047  }
0xb7: {  	s0 =	sadd.s32 @!p0 $0x100000, s0;
	[bflag:$0x2] =	sbarrier.arrive $0xFFFF  }
0xb8: {  	[sflag:s0] =	ssyncadd.tile.s32 @!p0 $0x1;
	_ =	shalt  }
.Lfunc_end2:
_tile_overlayer_lowered:
.L_overlay_start_2:
0xb9: {  	(tag) =	ssettag $0x2  }
0xba: {  	s0 =	rddreg [dreg:$0x0];
	s2 =	stileid.u32  }
0xbb: {  	s1 =	rddreg [dreg:$0x1];
	p0 =	sne.s32 s2, $0x0  }
0xbc: {  	s3 =	rddreg [dreg:$0x2];
	[bflag:$0x3] =	sbarrier.arrive $0xFFFF;
	s2 =	simm.s32 @!p0 $0x1C02  }
0xbd: {  	[timem:s3], [sflag:s2] =	dma.local @!p0 [hbm:s0], s1  }
0xbe: {  	s0 =	simm.s32 @!p0 $0x2  }
0xbf: {  	_ =	swait.ge @!p0 [sflag:s0], s1  }
0xc0: {  	s1 =	ssub.s32 @!p0 $0x0, s1;
	[sflag:s0] =	ssyncset.done @!p0 $0x0  }
0xc1: {  	[sflag:s0] =	ssyncadd.s32 @!p0 s1  }
0xc2: {  	[bflag:$0x3] =	sbarrier.arrive $0xFFFF  }
0xc3: {  	_ =	shalt  }

// kernel: kernel.33.cloned.1.call-start
scs
__scs_entry_jumppad:
0x0: {  	(pc) =	sbr.rel $0x88, $3  }
0x1: {  	(tag) =	ssettag $0x0;
	lr =	simm.s32 $0x1  }
0x2: {  	[smem:$0x3F89] =	sst lr;
	_ =	strace $0xD0000000  }
0x3: {  	_ = 	snop  }
0x4: {  	_ = 	snop  }
0x5: {  	_ = 	snop  }
0x6: {  	_ = 	snop  }
0x7: {  	_ = 	snop  }
__scs_overlays_trampoline_lowered:
0x8: {  	[smem:$0x3F98] =	sst s0  }
0x9: {  	[smem:$0x3F99] =	sst s1  }
0xa: {  	[smem:$0x3F9A] =	sst s2  }
0xb: {  	[smem:$0x3F9B] =	sst s3  }
0xc: {  	[smem:$0x3F9C] =	sst s4  }
0xd: {  	[smem:$0x3F9D] =	sst s5  }
0xe: {  	[smem:$0x3F9E] =	sst s6  }
0xf: {  	[smem:$0x3F9F] =	sst s7  }
0x10: {  	[smem:$0x3FA0] =	sst s8  }
0x11: {  	[smem:$0x3FA1] =	sst s9;
	s0 =	simm.s32 @!p0 $0x0  }
0x12: {  	s1 =	sld [smem:$0x3F87];
	s0 =	simm.s32 @p0 $0x1  }
0x13: {  	[smem:$0x3FA2] =	sst s0;
	s0 =	simm.s32 @!p1 $0x0  }
0x14: {  	s2 =	sld [smem:$0x3F86];
	s0 =	simm.s32 @p1 $0x1  }
0x15: {  	[smem:$0x3FA3] =	sst s0;
	s0 =	simm.s32 @!p2 $0x0  }
0x16: {  	s3 =	sld [smem:$0x3FDB];
	s0 =	simm.s32 @p2 $0x1  }
0x17: {  	s4 =	simm.s32 $0x1BF5;
	[smem:$0x3FA5] =	sst s0  }
0x18: {  	s0 =	sld [smem:$0x3F88];
	_ =	swait.ge [sflag:s4], $0x0  }
0x19: {  	s7 =	sld [smem:$0x3F89]  }
0x1a: {  	s8 =	sadd.s32 $0xFFFFE003, lr  }
0x1b: {  	s9 =	sadd.s32 $0xFFFFFEF7, lr;
	s5 =	simm.s32 $0xFFFFFFFF;
	p2 =	slt.u32 s8, $0xFFFFF086  }
0x1c: {  	p1 =	slt.u32 s9, $0xF7A;
	s5 =	simm.s32 @!p2 $0x0  }
0x1d: {  	s5 =	simm.s32 @p1 $0x1;
	p0 =	seq.s32 s7, s2  }
0x1e: {  	s7 =	smul.u32 @!p0 $0xF7A, s2;
	p2 =	seq.s32 @!p0 s5, $0x0  }
0x1f: {  	s9 =	smul.u32 $0xF7A, s1;
	s8 =	simm.s32 @!p0 $0x1BF5;
	p2 =	por !p2, p0  }
0x20: {  	[sflag:s8] =	ssyncset.s32 @!p0 $0xFFFFF086;
	s6 =	sadd.s32 @!p0 s3, s7;
	s7 =	simm.s32 @!p0 $0x108  }
0x21: {  	s3 =	sadd.s32 s3, s9;
	s6 =	sadd.s32 @!p0 $0x88, s6;
	s7 =	simm.s32 @p2 $0x1082  }
0x22: {  	[simem:s7], [sflag:s8] =	dma.local @!p0 [hbm:s6], $0xF7A  }
0x23: {  	s9 =	sor.u32 $0xD0000000, s2;
	s6 =	simm.s32 $0x108;
	_ =	swait.ge @!p0 [sflag:s8], $0x0  }
0x24: {  	s3 =	sadd.s32 $0x88, s3;
	s6 =	simm.s32 @!p1 $0x1082;
	[sflag:s4] =	ssyncset.s32 $0xFFFFF086  }
0x25: {  	[simem:s6], [sflag:s4] =	dma.local [hbm:s3], $0xF7A  }
0x26: {  	[smem:$0x3F89] =	sst s1;
	(tag) =	ssettag s2;
	_ =	strace s9  }
0x27: {  	s1 =	sld [smem:$0x3F99]  }
0x28: {  	s2 =	sld [smem:$0x3F9A]  }
0x29: {  	s4 =	sld [smem:$0x3F9C]  }
0x2a: {  	p0 =	seq.s32 s5, $0x0;
	s5 =	sld [smem:$0x3F9D]  }
0x2b: {  	s6 =	sld [smem:$0x3F9E]  }
0x2c: {  	s7 =	sld [smem:$0x3F9F]  }
0x2d: {  	s3 =	simm.s32 $0x108;
	s8 =	sld [smem:$0x3FA0]  }
0x2e: {  	s3 =	simm.s32 @!p0 $0x1082;
	s9 =	sld [smem:$0x3FA1]  }
0x2f: {  	lr =	sadd.s32 s0, s3;
	s0 =	sld [smem:$0x3F98]  }
0x30: {  	s3 =	sld [smem:$0x3F9B]  }
0x31: {  	[smem:$0x3FA4] =	sst s10  }
0x32: {  	s10 =	sld [smem:$0x3FA2];
	_ =	sdelay $0x3  }
0x33: {  	p0 =	seq.s32 s10, $0x1;
	s10 =	sld [smem:$0x3FA4];
	_ =	sdelay $0x3  }
0x34: {  	[smem:$0x3FA4] =	sst s10  }
0x35: {  	s10 =	sld [smem:$0x3FA3];
	_ =	sdelay $0x3  }
0x36: {  	p1 =	seq.s32 s10, $0x1;
	s10 =	sld [smem:$0x3FA4];
	_ =	sdelay $0x3  }
0x37: {  	[smem:$0x3FA4] =	sst s10  }
0x38: {  	s10 =	sld [smem:$0x3FA5]  }
0x39: {  	_ = 	snop;
	(pc) =	sbr.ind lr, $3  }
0x3a: {  	_ = 	snop  }
0x3b: {  	_ = 	snop  }
0x3c: {  	p2 =	seq.s32 s10, $0x1;
	s10 =	sld [smem:$0x3FA4]  }
0x3d: {  	_ =	shalt  }
0x3e: {  	_ =	shalt  }
0x3f: {  	_ =	shalt  }
0x40: {  	_ =	shalt  }
0x41: {  	_ =	shalt  }
0x42: {  	_ =	shalt  }
0x43: {  	_ =	shalt  }
0x44: {  	_ =	shalt  }
0x45: {  	_ =	shalt  }
0x46: {  	_ =	shalt  }
0x47: {  	_ =	shalt  }
0x48: {  	_ =	shalt  }
0x49: {  	_ =	shalt  }
0x4a: {  	_ =	shalt  }
0x4b: {  	_ =	shalt  }
0x4c: {  	_ =	shalt  }
0x4d: {  	_ =	shalt  }
0x4e: {  	_ =	shalt  }
0x4f: {  	_ =	shalt  }
0x50: {  	_ =	shalt  }
0x51: {  	_ =	shalt  }
0x52: {  	_ =	shalt  }
0x53: {  	_ =	shalt  }
0x54: {  	_ =	shalt  }
0x55: {  	_ =	shalt  }
0x56: {  	_ =	shalt  }
0x57: {  	_ =	shalt  }
0x58: {  	_ =	shalt  }
0x59: {  	_ =	shalt  }
0x5a: {  	_ =	shalt  }
0x5b: {  	_ =	shalt  }
0x5c: {  	_ =	shalt  }
0x5d: {  	_ =	shalt  }
0x5e: {  	_ =	shalt  }
0x5f: {  	_ =	shalt  }
0x60: {  	_ =	shalt  }
0x61: {  	_ =	shalt  }
0x62: {  	_ =	shalt  }
0x63: {  	_ =	shalt  }
0x64: {  	_ =	shalt  }
0x65: {  	_ =	shalt  }
0x66: {  	_ =	shalt  }
0x67: {  	_ =	shalt  }
0x68: {  	_ =	shalt  }
0x69: {  	_ =	shalt  }
0x6a: {  	_ =	shalt  }
0x6b: {  	_ =	shalt  }
0x6c: {  	_ =	shalt  }
0x6d: {  	_ =	shalt  }
0x6e: {  	_ =	shalt  }
0x6f: {  	_ =	shalt  }
0x70: {  	_ =	shalt  }
0x71: {  	_ =	shalt  }
0x72: {  	_ =	shalt  }
0x73: {  	_ =	shalt  }
0x74: {  	_ =	shalt  }
0x75: {  	_ =	shalt  }
0x76: {  	_ =	shalt  }
0x77: {  	_ =	shalt  }
0x78: {  	_ =	shalt  }
0x79: {  	_ =	shalt  }
0x7a: {  	_ =	shalt  }
0x7b: {  	_ =	shalt  }
0x7c: {  	_ =	shalt  }
0x7d: {  	_ =	shalt  }
0x7e: {  	_ =	shalt  }
0x7f: {  	_ =	shalt  }
0x80: {  	_ =	shalt  }
0x81: {  	_ =	shalt  }
0x82: {  	_ =	shalt  }
0x83: {  	_ =	shalt  }
0x84: {  	_ =	shalt  }
0x85: {  	_ =	shalt  }
0x86: {  	_ =	shalt  }
0x87: {  	_ =	shalt  }
.Lfunc_end0:
.L_simem_size_0:
called_computation.1_lowered:
.L_overlay_start_0:
0x88: {  	s2 =	sld [smem:$0x3FD9]  }
0x89: {  	s3 =	sld [smem:$0x3FFE];
	_ =	sdelay $0x1  }
0x8a: {  	s1 =	srdreg.scid  }
0x8b: {  	s0 =	sand.u32 $0x1, s1  }
0x8c: {  	s16 =	sshll.u32 s0, $0xA;
	s2 =	sadd.s32 s3, s2  }
0x8d: {  	s2 =	sadd.s32 s2, s16  }
0x8e: {  	[smem:$0x3FB0] =	sst s2  }
0x8f: {  	_ = 	snop  }
0x90: {  	(tm) =	ssettm $0x1  }
0x91: {  	s17 =	sld [smem:$0x3FFB];
	_ =	sdelay $0x3  }
0x92: {  	_ =	strace s17  }
0x93: {  	s2 =	sld [smem:$0x3FFC];
	_ =	sdelay $0x3  }
0x94: {  	_ =	strace s2  }
0x95: {  	s2 =	sld [smem:$0x3FFD];
	_ =	sdelay $0x3  }
0x96: {  	_ =	strace s2  }
0x97: {  	_ =	strace $0x8FFFFFFF  }
0x98: {  	s18 =	sld [smem:$0x3FDB];
	_ =	sdelay $0x1  }
0x99: {  	s19 =	simm.s32 $_scs_section_size  }
0x9a: {  	s4 =	simm.s32 $_size__tile_overlayer_lowered;
	s5 =	simm.s32 $_tile_overlayer_lowered  }
0x9b: {  	s22 =	simm.s32 $0x1BFF;
	s21 =	sshll.u32 s5, $0x1;
	s2 =	sadd.s32 s19, s18  }
0x9c: {  	s6 =	simm.s32 $0x0;
	s20 =	sshll.u32 s4, $0x1;
	s4 =	sadd.s32 s21, s2  }
0x9d: {  	[timem:s6], [sflag:s22] =	dma.local [hbm:s4], s20  }
0x9e: {  	_ =	swait.ge [sflag:s22], s20  }
0x9f: {  	s3 =	ssub.s32 $0x0, s20;
	[sflag:s22] =	ssyncset.done $0x0  }
0xa0: {  	[sflag:s22] =	ssyncadd.s32 s3;
	_ =	sdelay $0x1  }
0xa1: {  	s23 =	simm.s32 $0x1B8B  }
0xa2: {  	_ =	swait.ge [sflag:s23], $0x1  }
0xa3: {  	[sflag:s23] =	ssyncset.done $0x0  }
0xa4: {  	s25 =	simm.s32 $0x1B8E;
	s24 =	sld [smem:$0x3FFE];
	[sflag:s23] =	ssyncadd.s32 $0xFFFFFFFF  }
0xa5: {  	s26 =	simm.s32 $execute0_lowered;
	[smem:$0x3FD2] =	sst s25  }
0xa6: {  	s4 =	sshll.u32 s26, $0x1;
	_ =	strace $0x80000049;
	[dreg:$0x1] =	wrdreg $0xFFFFFFFF  }
0xa7: {  	s28 =	simm.s32 $_size_execute0_lowered;
	s2 =	sadd.s32 s2, s4;
	[dreg:$0x0] =	wrdreg $0x0  }
0xa8: {  	s4 =	sshll.u32 s28, $0x1;
	[dreg:$0x2] =	wrdreg s2  }
0xa9: {  	[dreg:$0x3] =	wrdreg s4  }
0xaa: {  	[dreg:$0x4] =	wrdreg $0xC0  }
0xab: {  	_ =	task [dreg:s6], $0x5FFFF  }
0xac: {  	[dreg:$0x1] =	wrdreg $0xFFFFFFFF  }
0xad: {  	[dreg:$0x0] =	wrdreg $0x60  }
0xae: {  	[dreg:$0x2] =	wrdreg s24  }
0xaf: {  	[dreg:$0x3] =	wrdreg $0xA9800  }
0xb0: {  	[dreg:$0x4] =	wrdreg $0x9  }
0xb1: {  	_ =	task.clear_ibuf [dreg:s6], $0x5FFFF;
	_ =	strace $0x90000049  }
0xb2: {  	s29 =	simm.s32 $0x9;
	_ =	strace $0x8000004B  }
0xb3: {  	_ =	swait.ge [sflag:s29], $0x1  }
0xb4: {  	[sflag:s29] =	ssyncadd.s32 $0xFFFFFFFF  }
0xb5: {  	_ =	strace $0x9000004B  }
0xb6: {  	_ =	sfence  }
0xb7: {  	s30 =	sld [smem:$0x0];
	_ =	sdelay $0x2  }
0xb8: {  	s31 =	sshll.u32 s1, $0xD;
	s1 =	sshrl.u32 s1, $0x2  }
0xb9: {  	s3 =	sand.u32 $0x4000, s31;
	s1 =	sadd.s32 s1, s30  }
0xba: {  	s0 =	sor.u32 s3, s0;
	s1 =	sshll.u32 s1, $0x11  }
0xbb: {  	s0 =	sor.u32 s1, s0  }
0xbc: {  	s0 =	sadd.s32 $0x8F2B, s0  }
0xbd: {  	[sflag:s0] =	ssyncadd.remote.s32 $0x1  }
0xbe: {  	_ =	sfence.sel $0xFFFF  }
0xbf: {  	[dreg:$0x0] =	wrdreg $0xFFFFFFFF;
	(pc) =	sbr.abs _section_cstart, $3  }
0xc0: {  	[dreg:$0x1] =	wrdreg $0xFFFFFFFF  }
0xc1: {  	_ =	task.clear_ibuf [dreg:s6], $0x2FFFF;
	_ =	strace $0x9FFFFFFF  }
0xc2: {  	(tm) =	ssettm $0x7FFFFFFF  }
0xc3: {  	_ =	shalt  }
tec
execute0_lowered:
.L_overlay_start_1:
0x0: {  	(tag) =	ssettag $0x1  }
0x1: {  	s9 =	rddreg [dreg:$0x0]  }
0x2: {  	s1 =	rddreg [dreg:$0x1];
	s2 =	srdreg.scid  }
0x3: {  	s0 =	rddreg [dreg:$0x2];
	s3 =	simm.s32 $0x0;
	s16 =	simm.s32 $0x80  }
0x4: {  	s22 =	simm.s32 $0x2900;
	s10 =	sand.u32 $0x1, s2;
	s2 =	stileid.u32  }
0x5: {  	[smem:$0x7FF] =	sst s3;
	s4 =	sadd.s32 $0xE000, s9;
	s13 =	smul.u32 $0x278, s2  }
0x6: {  	s6 =	sadd.s32 $0x4FA000, s9;
	s8 =	sadd.s32 $0x5C200, s9;
	s15 =	smul.u32 $0x4F000, s2  }
0x7: {  	s5 =	sshll.u32 s10, $0x4;
	_ =	strace $0x8000004A;
	s17 =	smul.u32 $0x271, s2  }
0x8: {  	s12 =	ssub.s32 $0x2, s10;
	s31 =	sshll.u32 s2, $0x6;
	s18 =	smul.u32 $0x2710, s10  }
0x9: {  	s10 =	smul.u32 $0x4E200, s10;
	s7 =	sor.u32 s2, s5;
	s5 =	sadd.s32 $0x188BE00, s9  }
0xa: {  	s14 =	sshrl.u32 s12, $0x1;
	s11 =	smul.u32 $0x2780, s7;
	s7 =	sadd.s32 $0x4F0200, s9  }
0xb: {  	s12 =	ssub.s32 s12, s14;
	s30 =	sshrl.u32 s15, $0x2;
	s20 =	sadd.s32 $0x271, s13  }
0xc: {  	s19 =	sadd.s32 $0x271, s17;
	s21 =	ssub.s32 s13, s17;
	s14 =	simm.s32 $0x2  }
0xd: {  	v0 =	vmov s17;
	v2 =	vmov s18;
	s17 =	simm.s32 $0x2800;
	s18 =	simm.s32 $0x2980;
	s15 =	sadd.s32 s30, s1  }
0xe: {  	s12 =	smax.u32 s12, $0x1;
	v1 =	vmov s19;
	s19 =	simm.s32 $0x1;
	v4 =	vmov s20;
	s20 =	simm.s32 $0x2880  }
0xf: {  	v3 =	vmov s21;
	s21 =	simm.s32 $0x6980;
	s11 =	sadd.s32 s11, s9;
	s9 =	sor.u32 $0x1C02, s31  }
0x10: {  	v5 =	vlaneseq.u32;
	s13 =	sshrl.u32 s15, $0x3;
	s15 =	simm.s32 $0x800;
	s11 =	sadd.s32 $0x5EA00, s11  }
.LBB2_1:
0x11: {  	[spmem:s13], [sflag:s9] =	dma.local [hbm:s8], $0x2780  }
0x12: {  	_ =	swait.ge [sflag:s14], $0x2780  }
0x13: {  	[sflag:s14] =	ssyncset.done $0x0  }
0x14: {  	s23 =	smov.u32 s10;
	s24 =	simm.s32 $0x0;
	[sflag:s14] =	ssyncadd.s32 $0xFFFFD880  }
.LBB2_2:
0x15: {  	s25 =	smul.u32 $0x7D0, s24;
	_ =	sdelay $0x1  }
0x16: {  	s25 =	sshrl.u32 s25, $0x3  }
0x17: {  	s28 =	simm.s32 $0x0;
	s26 =	sadd.s32 s6, s25  }
0x18: {  	[tilespmem:s28], [sflag:$0x2] =	stream.linear.gather [hbm4b:s26+s28], $0x7D0, $0x38;
	[tilespmem:$0x1E580] =	vst v63  }
0x19: {  	_ =	swait.ge [sflag:s14], $0x7D0  }
0x1a: {  	[sflag:s14] =	ssyncset.done $0x0  }
0x1b: {  	s25 =	sadd.s32 s7, s25;
	[sflag:s14] =	ssyncadd.s32 $0xFFFFF830  }
0x1c: {  	[tilespmem:s15], [sflag:$0x2] =	stream.linear.gather [hbm4b:s25+s28], $0x7D0, $0x38;
	[tilespmem:$0x1E580] =	vst v63  }
0x1d: {  	_ =	swait.ge [sflag:s14], $0x7D0  }
0x1e: {  	[sflag:s14] =	ssyncset.done $0x0  }
0x1f: {  	s25 =	simm.s32 $0x0;
	[sflag:s14] =	ssyncadd.s32 $0xFFFFF830  }
0x20: {  	v7 =	vor.u32 s23, v5;
	v6 =	vld [tilespmem:s25+$0x800]  }
0x21: {  	[tilespmem:s25+$0x1800] =	vst v7;
	v7 =	vld [tilespmem:s25+$0x0];
	_ =	sdelay $0x2  }
0x22: {  	s26 =	simm.s32 $0x40;
	s28 =	sadd.s32 $0x10, s23  }
.LBB2_3:
0x23: {  	s29 =	sshra.s32 s26, $0x2;
	v8 =	vor.u32 s28, v5;
	p0 =	sne.s32 s26, $0x1F00;
	s26 =	sadd.s32 $0x40, s26;
	vm0 =	vge.s32 v6, v0;
	vm1 =	vlt.s32 v6, v1  }
.Ltmp0:
0x24: {  	v9 =	vadd.s32 v6, v3;
	[tilespmem:s29+$0x1800] =	vst v8;
	vm0 =	vmand vm0, vm1;
	v8 =	vadd.s32 v2, v7;
	v6 =	vld [tilespmem:s29+$0x800];
	(pc) =	sbr.rel @p0 .LBB2_3-.Ltmp0, $3  }
0x25: {  	v7 =	vld [tilespmem:s29+$0x0];
	[tilespmem:s25+$0x1000] =	vst v8;
	v8 =	vsel vm0, v9, v4  }
0x26: {  	[tilespmem:s25+$0x2000] =	vst v8;
	s25 =	smov.u32 s29;
	_ =	sdelay $0x1  }
0x27: {  	s28 =	sadd.s32 $0x10, s28  }
0x28: {  	vm0 =	vge.s32 v6, v0;
	vm1 =	vlt.s32 v6, v1  }
0x29: {  	v6 =	vadd.s32 v6, v3;
	vm0 =	vmand vm0, vm1;
	v7 =	vadd.s32 v2, v7  }
0x2a: {  	[tilespmem:s25+$0x1000] =	vst v7;
	v6 =	vsel vm0, v6, v4  }
0x2b: {  	s26 =	simm.s32 $0x1000;
	[tilespmem:s25+$0x2000] =	vst v6  }
0x2c: {  	v6 =	vld [tilespmem:s26+$0x0];
	_ =	sdelay $0x3  }
0x2d: {  	p0 =	por $0x1, $0x1  }
0x2e: {  	v6 =	vpsel !p0, $0x0, v6  }
0x2f: {  	s28 =	simm.s32 $0x1800;
	[tilespmem:s26+$0x0] =	vst v6  }
0x30: {  	v6 =	vld [tilespmem:s28+$0x0];
	_ =	sdelay $0x4  }
0x31: {  	v6 =	vpsel !p0, $0x0, v6  }
0x32: {  	s29 =	simm.s32 $0x2000;
	[tilespmem:s28+$0x0] =	vst v6  }
0x33: {  	v6 =	vld [tilespmem:s29+$0x0];
	_ =	sdelay $0x4  }
0x34: {  	s30 =	simm.s32 $0x10;
	v6 =	vpsel p0, v6, v4  }
.LBB2_5:
0x35: {  	[tilespmem:s29+$0x0] =	vst v6;
	s26 =	sadd.s32 $0x10, s26;
	s28 =	sadd.s32 $0x10, s28;
	s29 =	sadd.s32 $0x10, s29  }
0x36: {  	p0 =	sne.s32 s30, $0x7F0;
	s25 =	smov.u32 s30;
	s30 =	sadd.s32 $0x10, s30;
	v6 =	vld [tilespmem:s26+$0x0]  }
0x37: {  	_ =	sdelay $0x2  }
0x38: {  	p1 =	slt.u32 s25, $0x7D0  }
0x39: {  	v6 =	vpsel !p1, $0x0, v6  }
0x3a: {  	[tilespmem:s26+$0x0] =	vst v6  }
0x3b: {  	v6 =	vld [tilespmem:s28+$0x0];
	_ =	sdelay $0x4  }
0x3c: {  	v6 =	vpsel !p1, $0x0, v6  }
0x3d: {  	[tilespmem:s28+$0x0] =	vst v6  }
0x3e: {  	v6 =	vld [tilespmem:s29+$0x0]  }
.Ltmp1:
0x3f: {  	(pc) =	sbr.rel @p0 .LBB2_5-.Ltmp1, $2  }
0x40: {  	_ =	sdelay $0x2  }
0x41: {  	s25 =	simm.s32 $0x0;
	v6 =	vpsel p1, v6, v4  }
0x42: {  	[tilespmem:s29+$0x0] =	vst v6  }
.LBB2_7:
0x43: {  	s26 =	sshll.u32 s25, $0x7  }
0x44: {  	v6 =	vld [tilespmem:s26+$0x1000];
	_ =	sdelay $0x4  }
0x45: {  	[tilespmem:$0x2800] =	vst v6  }
0x46: {  	v6 =	vld [tilespmem:s26+$0x1800];
	_ =	sdelay $0x4  }
0x47: {  	[tilespmem:$0x2880] =	vst v6  }
0x48: {  	v6 =	vld [tilespmem:s26+$0x2000];
	_ =	sdelay $0x4  }
0x49: {  	[tilespmem:$0x2900] =	vst v6  }
0x4a: {  	v6 =	vld [tilespmem:s26+$0x1010];
	_ =	sdelay $0x4  }
0x4b: {  	[tilespmem:$0x2810] =	vst v6  }
0x4c: {  	v6 =	vld [tilespmem:s26+$0x1810];
	_ =	sdelay $0x4  }
0x4d: {  	[tilespmem:$0x2890] =	vst v6  }
0x4e: {  	v6 =	vld [tilespmem:s26+$0x2010];
	_ =	sdelay $0x4  }
0x4f: {  	[tilespmem:$0x2910] =	vst v6  }
0x50: {  	v6 =	vld [tilespmem:s26+$0x1020];
	_ =	sdelay $0x4  }
0x51: {  	[tilespmem:$0x2820] =	vst v6  }
0x52: {  	v6 =	vld [tilespmem:s26+$0x1820];
	_ =	sdelay $0x4  }
0x53: {  	[tilespmem:$0x28A0] =	vst v6  }
0x54: {  	v6 =	vld [tilespmem:s26+$0x2020];
	_ =	sdelay $0x4  }
0x55: {  	[tilespmem:$0x2920] =	vst v6  }
0x56: {  	v6 =	vld [tilespmem:s26+$0x1030];
	_ =	sdelay $0x4  }
0x57: {  	[tilespmem:$0x2830] =	vst v6  }
0x58: {  	v6 =	vld [tilespmem:s26+$0x1830];
	_ =	sdelay $0x4  }
0x59: {  	[tilespmem:$0x28B0] =	vst v6  }
0x5a: {  	v6 =	vld [tilespmem:s26+$0x2030];
	_ =	sdelay $0x4  }
0x5b: {  	[tilespmem:$0x2930] =	vst v6  }
0x5c: {  	v6 =	vld [tilespmem:s26+$0x1040];
	_ =	sdelay $0x4  }
0x5d: {  	[tilespmem:$0x2840] =	vst v6  }
0x5e: {  	v6 =	vld [tilespmem:s26+$0x1840];
	_ =	sdelay $0x4  }
0x5f: {  	[tilespmem:$0x28C0] =	vst v6  }
0x60: {  	v6 =	vld [tilespmem:s26+$0x2040];
	_ =	sdelay $0x4  }
0x61: {  	[tilespmem:$0x2940] =	vst v6  }
0x62: {  	v6 =	vld [tilespmem:s26+$0x1050];
	_ =	sdelay $0x4  }
0x63: {  	[tilespmem:$0x2850] =	vst v6  }
0x64: {  	v6 =	vld [tilespmem:s26+$0x1850];
	_ =	sdelay $0x4  }
0x65: {  	[tilespmem:$0x28D0] =	vst v6  }
0x66: {  	v6 =	vld [tilespmem:s26+$0x2050];
	_ =	sdelay $0x4  }
0x67: {  	[tilespmem:$0x2950] =	vst v6  }
0x68: {  	v6 =	vld [tilespmem:s26+$0x1060];
	_ =	sdelay $0x4  }
0x69: {  	[tilespmem:$0x2860] =	vst v6  }
0x6a: {  	v6 =	vld [tilespmem:s26+$0x1860];
	_ =	sdelay $0x4  }
0x6b: {  	[tilespmem:$0x28E0] =	vst v6  }
0x6c: {  	v6 =	vld [tilespmem:s26+$0x2060];
	_ =	sdelay $0x4  }
0x6d: {  	[tilespmem:$0x2960] =	vst v6  }
0x6e: {  	v6 =	vld [tilespmem:s26+$0x1070];
	_ =	sdelay $0x4  }
0x6f: {  	[tilespmem:$0x2870] =	vst v6  }
0x70: {  	v6 =	vld [tilespmem:s26+$0x1870];
	_ =	sdelay $0x4  }
0x71: {  	[tilespmem:$0x28F0] =	vst v6  }
0x72: {  	v6 =	vld [tilespmem:s26+$0x2070];
	_ =	sdelay $0x4  }
0x73: {  	[tilespmem:$0x2970] =	vst v6  }
0x74: {  	[tilespmem:s18], [sflag:$0x1] =	stream.indirect.gather [hbm4b:s4+s16], $0x80, s17, s16, $0xb8;
	[tilespmem:$0x1E580] =	vst v63  }
0x75: {  	_ =	swait.ge [sflag:s19], $0x4000  }
0x76: {  	[sflag:s19] =	ssyncset.done $0x0  }
0x77: {  	[sflag:s19] =	ssyncadd.s32 $0xFFFFC000  }
0x78: {  	[tilespmem:s21], [sflag:$0x1] =	stream.indirect.gather [hbm4b:s5+s16], $0x80, s20, s16, $0xb8;
	[tilespmem:$0x1E580] =	vst v63  }
0x79: {  	_ =	swait.ge [sflag:s19], $0x4000  }
0x7a: {  	[sflag:s19] =	ssyncset.done $0x0  }
0x7b: {  	s26 =	simm.s32 $0x0;
	[sflag:s19] =	ssyncadd.s32 $0xFFFFC000  }
0x7c: {  	v12 =	vld [tilespmem:s26+$0x6980]  }
0x7d: {  	v17 =	vld [tilespmem:s26+$0x6990]  }
0x7e: {  	v10 =	vld [tilespmem:s26+$0x69A0]  }
0x7f: {  	v11 =	vld [tilespmem:s26+$0x69B0]  }
0x80: {  	v9 =	vld [tilespmem:s26+$0x69C0]  }
0x81: {  	v8 =	vld [tilespmem:s26+$0x69D0]  }
0x82: {  	v7 =	vld [tilespmem:s26+$0x69E0]  }
0x83: {  	v6 =	vld [tilespmem:s26+$0x69F0]  }
0x84: {  	v18 =	vld [tilespmem:s26+$0x2980]  }
0x85: {  	v19 =	vld [tilespmem:s26+$0x2990]  }
0x86: {  	v16 =	vld [tilespmem:s26+$0x29A0]  }
0x87: {  	v15 =	vld [tilespmem:s26+$0x29B0]  }
0x88: {  	v14 =	vld [tilespmem:s26+$0x29C0]  }
0x89: {  	v13 =	vld [tilespmem:s26+$0x29D0];
	v18 =	vadd.f32 v12, v18  }
0x8a: {  	s28 =	simm.s32 $0x200;
	v12 =	vld [tilespmem:s26+$0x29E0];
	v17 =	vadd.f32 v17, v19  }
.LBB2_8:
0x8b: {  	s29 =	sshra.s32 s28, $0x2;
	p0 =	sne.s32 s28, $0xFE00;
	v19 =	vld [tilespmem:s26+$0x29F0];
	v10 =	vadd.f32 v10, v16;
	v16 =	vmax.f32 v18, $0.0e+00  }
0x8c: {  	v18 =	vld [tilespmem:s29+$0x6980];
	v11 =	vadd.f32 v11, v15;
	v15 =	vmax.f32 v17, $0.0e+00;
	[tilespmem:s26+$0x2980] =	vst v16  }
0x8d: {  	v17 =	vld [tilespmem:s29+$0x6990];
	v9 =	vadd.f32 v9, v14;
	v14 =	vmax.f32 v10, $0.0e+00;
	[tilespmem:s26+$0x2990] =	vst v15  }
0x8e: {  	v10 =	vld [tilespmem:s29+$0x69A0];
	v8 =	vadd.f32 v8, v13;
	v13 =	vmax.f32 v11, $0.0e+00;
	[tilespmem:s26+$0x29A0] =	vst v14  }
0x8f: {  	v11 =	vld [tilespmem:s29+$0x69B0];
	v7 =	vadd.f32 v7, v12;
	v12 =	vmax.f32 v9, $0.0e+00;
	[tilespmem:s26+$0x29B0] =	vst v13  }
0x90: {  	v9 =	vld [tilespmem:s29+$0x69C0];
	v6 =	vadd.f32 v6, v19;
	v13 =	vmax.f32 v8, $0.0e+00;
	[tilespmem:s26+$0x29C0] =	vst v12  }
0x91: {  	v8 =	vld [tilespmem:s29+$0x69D0];
	v12 =	vmax.f32 v7, $0.0e+00;
	[tilespmem:s26+$0x29D0] =	vst v13  }
0x92: {  	v7 =	vld [tilespmem:s29+$0x69E0];
	v13 =	vmax.f32 v6, $0.0e+00;
	[tilespmem:s26+$0x29E0] =	vst v12  }
0x93: {  	v6 =	vld [tilespmem:s29+$0x69F0];
	[tilespmem:s26+$0x29F0] =	vst v13;
	s26 =	smov.u32 s29  }
0x94: {  	v12 =	vld [tilespmem:s26+$0x2980]  }
0x95: {  	v19 =	vld [tilespmem:s26+$0x2990]  }
.Ltmp2:
0x96: {  	v16 =	vld [tilespmem:s26+$0x29A0];
	(pc) =	sbr.rel @p0 .LBB2_8-.Ltmp2, $4  }
0x97: {  	v15 =	vld [tilespmem:s26+$0x29B0]  }
0x98: {  	v14 =	vld [tilespmem:s26+$0x29C0]  }
0x99: {  	v13 =	vld [tilespmem:s26+$0x29D0];
	v18 =	vadd.f32 v18, v12  }
0x9a: {  	s28 =	sadd.s32 $0x200, s28;
	v12 =	vld [tilespmem:s26+$0x29E0];
	v17 =	vadd.f32 v17, v19  }
0x9b: {  	v19 =	vld [tilespmem:s26+$0x29F0];
	v10 =	vadd.f32 v10, v16;
	v62 =	vmax.f32 v18, $0.0e+00  }
0x9c: {  	v11 =	vadd.f32 v11, v15;
	v63 =	vmax.f32 v17, $0.0e+00;
	[tilespmem:s26+$0x2980] =	vst v62  }
0x9d: {  	v9 =	vadd.f32 v9, v14;
	v10 =	vmax.f32 v10, $0.0e+00;
	[tilespmem:s26+$0x2990] =	vst v63  }
0x9e: {  	v8 =	vadd.f32 v8, v13;
	v11 =	vmax.f32 v11, $0.0e+00;
	[tilespmem:s26+$0x29A0] =	vst v10  }
0x9f: {  	v7 =	vadd.f32 v7, v12;
	v9 =	vmax.f32 v9, $0.0e+00;
	[tilespmem:s26+$0x29B0] =	vst v11  }
0xa0: {  	v6 =	vadd.f32 v6, v19;
	v8 =	vmax.f32 v8, $0.0e+00;
	[tilespmem:s26+$0x29C0] =	vst v9  }
0xa1: {  	s25 =	sadd.s32 $0x1, s25;
	v7 =	vmax.f32 v7, $0.0e+00;
	[tilespmem:s26+$0x29D0] =	vst v8  }
0xa2: {  	p0 =	sne.s32 s25, $0x10;
	v6 =	vmax.f32 v6, $0.0e+00;
	[tilespmem:s26+$0x29E0] =	vst v7  }
.Ltmp3:
0xa3: {  	[tilespmem:s26+$0x29F0] =	vst v6;
	(pc) =	sbr.rel @p0 .LBB2_7-.Ltmp3, $4  }
0xa4: {  	[spmem:s1] =	stream.indirect.scatter.add.f32 [tilespmem:s18], [sflag:$0x2], $0x80, s22, s16, $0xb8;
	[tilespmem:$0x1E580] =	vst v63  }
0xa5: {  	_ =	swait.ge [sflag:s14], $0x4000  }
0xa6: {  	[sflag:s14] =	ssyncset.done $0x0  }
0xa7: {  	[sflag:s14] =	ssyncadd.s32 $0xFFFFC000  }
0xa8: {  	s24 =	sadd.s32 $0x1, s24  }
0xa9: {  	p0 =	sne.s32 s24, $0xA0  }
.Ltmp4:
0xaa: {  	_ = 	snop;
	(pc) =	sbr.rel @p0 .LBB2_2-.Ltmp4, $2  }
0xab: {  	_ =	sdelay $0x2  }
0xac: {  	s23 =	sadd.s32 $0x7D0, s23  }
0xad: {  	s3 =	sadd.s32 $0x1, s3  }
0xae: {  	p0 =	sne.s32 s3, s12  }
.Ltmp5:
0xaf: {  	_ = 	snop;
	(pc) =	sbr.rel @p0 .LBB2_1-.Ltmp5, $4  }
0xb0: {  	[hbm:s11], [sflag:s9] =	dma.local [spmem:s13], $0x2780  }
0xb1: {  	_ =	swait.ge [sflag:s14], $0x2780  }
0xb2: {  	[sflag:s14] =	ssyncset.done $0x0  }
0xb3: {  	[sflag:s14] =	ssyncadd.s32 $0xFFFFD880  }
0xb4: {  	_ =	sfence.sel $0x180000  }
0xb5: {  	[bflag:$0x0] =	sbarrier.arrive $0xFFFF  }
0xb6: {  	p0 =	sne.s32 s2, $0x0;
	_ =	strace $0x9000004A  }
0xb7: {  	s0 =	sadd.s32 @!p0 $0x100000, s0;
	[bflag:$0x2] =	sbarrier.arrive $0xFFFF  }
0xb8: {  	[sflag:s0] =	ssyncadd.tile.s32 @!p0 $0x1;
	_ =	shalt  }
.Lfunc_end2:
_tile_overlayer_lowered:
.L_overlay_start_2:
0xb9: {  	(tag) =	ssettag $0x2  }
0xba: {  	s0 =	rddreg [dreg:$0x0];
	s2 =	stileid.u32  }
0xbb: {  	s1 =	rddreg [dreg:$0x1];
	p0 =	sne.s32 s2, $0x0  }
0xbc: {  	s3 =	rddreg [dreg:$0x2];
	[bflag:$0x3] =	sbarrier.arrive $0xFFFF;
	s2 =	simm.s32 @!p0 $0x1C02  }
0xbd: {  	[timem:s3], [sflag:s2] =	dma.local @!p0 [hbm:s0], s1  }
0xbe: {  	s0 =	simm.s32 @!p0 $0x2  }
0xbf: {  	_ =	swait.ge @!p0 [sflag:s0], s1  }
0xc0: {  	s1 =	ssub.s32 @!p0 $0x0, s1;
	[sflag:s0] =	ssyncset.done @!p0 $0x0  }
0xc1: {  	[sflag:s0] =	ssyncadd.s32 @!p0 s1  }
0xc2: {  	[bflag:$0x3] =	sbarrier.arrive $0xFFFF  }
0xc3: {  	_ =	shalt  }

// kernel: kernel.36.cloned.1.call-start
scs
__scs_entry_jumppad:
0x0: {  	(pc) =	sbr.rel $0x88, $3  }
0x1: {  	(tag) =	ssettag $0x0;
	lr =	simm.s32 $0x1  }
0x2: {  	[smem:$0x3F89] =	sst lr;
	_ =	strace $0xD0000000  }
0x3: {  	_ = 	snop  }
0x4: {  	_ = 	snop  }
0x5: {  	_ = 	snop  }
0x6: {  	_ = 	snop  }
0x7: {  	_ = 	snop  }
__scs_overlays_trampoline_lowered:
0x8: {  	[smem:$0x3F98] =	sst s0  }
0x9: {  	[smem:$0x3F99] =	sst s1  }
0xa: {  	[smem:$0x3F9A] =	sst s2  }
0xb: {  	[smem:$0x3F9B] =	sst s3  }
0xc: {  	[smem:$0x3F9C] =	sst s4  }
0xd: {  	[smem:$0x3F9D] =	sst s5  }
0xe: {  	[smem:$0x3F9E] =	sst s6  }
0xf: {  	[smem:$0x3F9F] =	sst s7  }
0x10: {  	[smem:$0x3FA0] =	sst s8  }
0x11: {  	[smem:$0x3FA1] =	sst s9;
	s0 =	simm.s32 @!p0 $0x0  }
0x12: {  	s1 =	sld [smem:$0x3F87];
	s0 =	simm.s32 @p0 $0x1  }
0x13: {  	[smem:$0x3FA2] =	sst s0;
	s0 =	simm.s32 @!p1 $0x0  }
0x14: {  	s2 =	sld [smem:$0x3F86];
	s0 =	simm.s32 @p1 $0x1  }
0x15: {  	[smem:$0x3FA3] =	sst s0;
	s0 =	simm.s32 @!p2 $0x0  }
0x16: {  	s3 =	sld [smem:$0x3FDB];
	s0 =	simm.s32 @p2 $0x1  }
0x17: {  	s4 =	simm.s32 $0x1BF5;
	[smem:$0x3FA5] =	sst s0  }
0x18: {  	s0 =	sld [smem:$0x3F88];
	_ =	swait.ge [sflag:s4], $0x0  }
0x19: {  	s7 =	sld [smem:$0x3F89]  }
0x1a: {  	s8 =	sadd.s32 $0xFFFFE003, lr  }
0x1b: {  	s9 =	sadd.s32 $0xFFFFFEF7, lr;
	s5 =	simm.s32 $0xFFFFFFFF;
	p2 =	slt.u32 s8, $0xFFFFF086  }
0x1c: {  	p1 =	slt.u32 s9, $0xF7A;
	s5 =	simm.s32 @!p2 $0x0  }
0x1d: {  	s5 =	simm.s32 @p1 $0x1;
	p0 =	seq.s32 s7, s2  }
0x1e: {  	s7 =	smul.u32 @!p0 $0xF7A, s2;
	p2 =	seq.s32 @!p0 s5, $0x0  }
0x1f: {  	s9 =	smul.u32 $0xF7A, s1;
	s8 =	simm.s32 @!p0 $0x1BF5;
	p2 =	por !p2, p0  }
0x20: {  	[sflag:s8] =	ssyncset.s32 @!p0 $0xFFFFF086;
	s6 =	sadd.s32 @!p0 s3, s7;
	s7 =	simm.s32 @!p0 $0x108  }
0x21: {  	s3 =	sadd.s32 s3, s9;
	s6 =	sadd.s32 @!p0 $0x88, s6;
	s7 =	simm.s32 @p2 $0x1082  }
0x22: {  	[simem:s7], [sflag:s8] =	dma.local @!p0 [hbm:s6], $0xF7A  }
0x23: {  	s9 =	sor.u32 $0xD0000000, s2;
	s6 =	simm.s32 $0x108;
	_ =	swait.ge @!p0 [sflag:s8], $0x0  }
0x24: {  	s3 =	sadd.s32 $0x88, s3;
	s6 =	simm.s32 @!p1 $0x1082;
	[sflag:s4] =	ssyncset.s32 $0xFFFFF086  }
0x25: {  	[simem:s6], [sflag:s4] =	dma.local [hbm:s3], $0xF7A  }
0x26: {  	[smem:$0x3F89] =	sst s1;
	(tag) =	ssettag s2;
	_ =	strace s9  }
0x27: {  	s1 =	sld [smem:$0x3F99]  }
0x28: {  	s2 =	sld [smem:$0x3F9A]  }
0x29: {  	s4 =	sld [smem:$0x3F9C]  }
0x2a: {  	p0 =	seq.s32 s5, $0x0;
	s5 =	sld [smem:$0x3F9D]  }
0x2b: {  	s6 =	sld [smem:$0x3F9E]  }
0x2c: {  	s7 =	sld [smem:$0x3F9F]  }
0x2d: {  	s3 =	simm.s32 $0x108;
	s8 =	sld [smem:$0x3FA0]  }
0x2e: {  	s3 =	simm.s32 @!p0 $0x1082;
	s9 =	sld [smem:$0x3FA1]  }
0x2f: {  	lr =	sadd.s32 s0, s3;
	s0 =	sld [smem:$0x3F98]  }
0x30: {  	s3 =	sld [smem:$0x3F9B]  }
0x31: {  	[smem:$0x3FA4] =	sst s10  }
0x32: {  	s10 =	sld [smem:$0x3FA2];
	_ =	sdelay $0x3  }
0x33: {  	p0 =	seq.s32 s10, $0x1;
	s10 =	sld [smem:$0x3FA4];
	_ =	sdelay $0x3  }
0x34: {  	[smem:$0x3FA4] =	sst s10  }
0x35: {  	s10 =	sld [smem:$0x3FA3];
	_ =	sdelay $0x3  }
0x36: {  	p1 =	seq.s32 s10, $0x1;
	s10 =	sld [smem:$0x3FA4];
	_ =	sdelay $0x3  }
0x37: {  	[smem:$0x3FA4] =	sst s10  }
0x38: {  	s10 =	sld [smem:$0x3FA5]  }
0x39: {  	_ = 	snop;
	(pc) =	sbr.ind lr, $3  }
0x3a: {  	_ = 	snop  }
0x3b: {  	_ = 	snop  }
0x3c: {  	p2 =	seq.s32 s10, $0x1;
	s10 =	sld [smem:$0x3FA4]  }
0x3d: {  	_ =	shalt  }
0x3e: {  	_ =	shalt  }
0x3f: {  	_ =	shalt  }
0x40: {  	_ =	shalt  }
0x41: {  	_ =	shalt  }
0x42: {  	_ =	shalt  }
0x43: {  	_ =	shalt  }
0x44: {  	_ =	shalt  }
0x45: {  	_ =	shalt  }
0x46: {  	_ =	shalt  }
0x47: {  	_ =	shalt  }
0x48: {  	_ =	shalt  }
0x49: {  	_ =	shalt  }
0x4a: {  	_ =	shalt  }
0x4b: {  	_ =	shalt  }
0x4c: {  	_ =	shalt  }
0x4d: {  	_ =	shalt  }
0x4e: {  	_ =	shalt  }
0x4f: {  	_ =	shalt  }
0x50: {  	_ =	shalt  }
0x51: {  	_ =	shalt  }
0x52: {  	_ =	shalt  }
0x53: {  	_ =	shalt  }
0x54: {  	_ =	shalt  }
0x55: {  	_ =	shalt  }
0x56: {  	_ =	shalt  }
0x57: {  	_ =	shalt  }
0x58: {  	_ =	shalt  }
0x59: {  	_ =	shalt  }
0x5a: {  	_ =	shalt  }
0x5b: {  	_ =	shalt  }
0x5c: {  	_ =	shalt  }
0x5d: {  	_ =	shalt  }
0x5e: {  	_ =	shalt  }
0x5f: {  	_ =	shalt  }
0x60: {  	_ =	shalt  }
0x61: {  	_ =	shalt  }
0x62: {  	_ =	shalt  }
0x63: {  	_ =	shalt  }
0x64: {  	_ =	shalt  }
0x65: {  	_ =	shalt  }
0x66: {  	_ =	shalt  }
0x67: {  	_ =	shalt  }
0x68: {  	_ =	shalt  }
0x69: {  	_ =	shalt  }
0x6a: {  	_ =	shalt  }
0x6b: {  	_ =	shalt  }
0x6c: {  	_ =	shalt  }
0x6d: {  	_ =	shalt  }
0x6e: {  	_ =	shalt  }
0x6f: {  	_ =	shalt  }
0x70: {  	_ =	shalt  }
0x71: {  	_ =	shalt  }
0x72: {  	_ =	shalt  }
0x73: {  	_ =	shalt  }
0x74: {  	_ =	shalt  }
0x75: {  	_ =	shalt  }
0x76: {  	_ =	shalt  }
0x77: {  	_ =	shalt  }
0x78: {  	_ =	shalt  }
0x79: {  	_ =	shalt  }
0x7a: {  	_ =	shalt  }
0x7b: {  	_ =	shalt  }
0x7c: {  	_ =	shalt  }
0x7d: {  	_ =	shalt  }
0x7e: {  	_ =	shalt  }
0x7f: {  	_ =	shalt  }
0x80: {  	_ =	shalt  }
0x81: {  	_ =	shalt  }
0x82: {  	_ =	shalt  }
0x83: {  	_ =	shalt  }
0x84: {  	_ =	shalt  }
0x85: {  	_ =	shalt  }
0x86: {  	_ =	shalt  }
0x87: {  	_ =	shalt  }
.Lfunc_end0:
.L_simem_size_0:
called_computation.2_lowered:
.L_overlay_start_0:
0x88: {  	s2 =	sld [smem:$0x3FD9]  }
0x89: {  	s3 =	sld [smem:$0x3FFE];
	_ =	sdelay $0x1  }
0x8a: {  	s1 =	srdreg.scid  }
0x8b: {  	s0 =	sand.u32 $0x1, s1  }
0x8c: {  	s16 =	sshll.u32 s0, $0xA;
	s2 =	sadd.s32 s3, s2  }
0x8d: {  	s2 =	sadd.s32 s2, s16  }
0x8e: {  	[smem:$0x3FB0] =	sst s2  }
0x8f: {  	_ = 	snop  }
0x90: {  	(tm) =	ssettm $0x1  }
0x91: {  	s17 =	sld [smem:$0x3FFB];
	_ =	sdelay $0x3  }
0x92: {  	_ =	strace s17  }
0x93: {  	s2 =	sld [smem:$0x3FFC];
	_ =	sdelay $0x3  }
0x94: {  	_ =	strace s2  }
0x95: {  	s2 =	sld [smem:$0x3FFD];
	_ =	sdelay $0x3  }
0x96: {  	_ =	strace s2  }
0x97: {  	_ =	strace $0x8FFFFFFF  }
0x98: {  	s18 =	sld [smem:$0x3FDB];
	_ =	sdelay $0x1  }
0x99: {  	s19 =	simm.s32 $_scs_section_size  }
0x9a: {  	s4 =	simm.s32 $_size__tile_overlayer_lowered;
	s5 =	simm.s32 $_tile_overlayer_lowered  }
0x9b: {  	s22 =	simm.s32 $0x1BFF;
	s21 =	sshll.u32 s5, $0x1;
	s2 =	sadd.s32 s19, s18  }
0x9c: {  	s6 =	simm.s32 $0x0;
	s20 =	sshll.u32 s4, $0x1;
	s4 =	sadd.s32 s21, s2  }
0x9d: {  	[timem:s6], [sflag:s22] =	dma.local [hbm:s4], s20  }
0x9e: {  	_ =	swait.ge [sflag:s22], s20  }
0x9f: {  	s3 =	ssub.s32 $0x0, s20;
	[sflag:s22] =	ssyncset.done $0x0  }
0xa0: {  	[sflag:s22] =	ssyncadd.s32 s3;
	_ =	sdelay $0x1  }
0xa1: {  	s23 =	simm.s32 $0x1B8B  }
0xa2: {  	_ =	swait.ge [sflag:s23], $0x1  }
0xa3: {  	[sflag:s23] =	ssyncset.done $0x0  }
0xa4: {  	s25 =	simm.s32 $0x1B8E;
	s24 =	sld [smem:$0x3FFE];
	[sflag:s23] =	ssyncadd.s32 $0xFFFFFFFF  }
0xa5: {  	s26 =	simm.s32 $execute0_lowered;
	[smem:$0x3FD2] =	sst s25  }
0xa6: {  	s4 =	sshll.u32 s26, $0x1;
	_ =	strace $0x8000004C;
	[dreg:$0x1] =	wrdreg $0xFFFFFFFF  }
0xa7: {  	s28 =	simm.s32 $_size_execute0_lowered;
	s2 =	sadd.s32 s2, s4;
	[dreg:$0x0] =	wrdreg $0x0  }
0xa8: {  	s4 =	sshll.u32 s28, $0x1;
	[dreg:$0x2] =	wrdreg s2  }
0xa9: {  	[dreg:$0x3] =	wrdreg s4  }
0xaa: {  	[dreg:$0x4] =	wrdreg $0xC0  }
0xab: {  	_ =	task [dreg:s6], $0x5FFFF  }
0xac: {  	[dreg:$0x1] =	wrdreg $0xFFFFFFFF  }
0xad: {  	[dreg:$0x0] =	wrdreg $0x60  }
0xae: {  	[dreg:$0x2] =	wrdreg s24  }
0xaf: {  	[dreg:$0x3] =	wrdreg $0xA9800  }
0xb0: {  	[dreg:$0x4] =	wrdreg $0x9  }
0xb1: {  	_ =	task.clear_ibuf [dreg:s6], $0x5FFFF;
	_ =	strace $0x9000004C  }
0xb2: {  	s29 =	simm.s32 $0x9;
	_ =	strace $0x8000004E  }
0xb3: {  	_ =	swait.ge [sflag:s29], $0x1  }
0xb4: {  	[sflag:s29] =	ssyncadd.s32 $0xFFFFFFFF  }
0xb5: {  	_ =	strace $0x9000004E  }
0xb6: {  	_ =	sfence  }
0xb7: {  	s30 =	sld [smem:$0x0];
	_ =	sdelay $0x2  }
0xb8: {  	s31 =	sshll.u32 s1, $0xD;
	s1 =	sshrl.u32 s1, $0x2  }
0xb9: {  	s3 =	sand.u32 $0x4000, s31;
	s1 =	sadd.s32 s1, s30  }
0xba: {  	s0 =	sor.u32 s3, s0;
	s1 =	sshll.u32 s1, $0x11  }
0xbb: {  	s0 =	sor.u32 s1, s0  }
0xbc: {  	s0 =	sadd.s32 $0x8F2B, s0  }
0xbd: {  	[sflag:s0] =	ssyncadd.remote.s32 $0x1  }
0xbe: {  	_ =	sfence.sel $0xFFFF  }
0xbf: {  	[dreg:$0x0] =	wrdreg $0xFFFFFFFF;
	(pc) =	sbr.abs _section_cstart, $3  }
0xc0: {  	[dreg:$0x1] =	wrdreg $0xFFFFFFFF  }
0xc1: {  	_ =	task.clear_ibuf [dreg:s6], $0x2FFFF;
	_ =	strace $0x9FFFFFFF  }
0xc2: {  	(tm) =	ssettm $0x7FFFFFFF  }
0xc3: {  	_ =	shalt  }
tec
execute0_lowered:
.L_overlay_start_1:
0x0: {  	(tag) =	ssettag $0x1  }
0x1: {  	s9 =	rddreg [dreg:$0x0]  }
0x2: {  	s1 =	rddreg [dreg:$0x1];
	s2 =	srdreg.scid  }
0x3: {  	s0 =	rddreg [dreg:$0x2];
	s3 =	simm.s32 $0x0;
	s16 =	simm.s32 $0x80  }
0x4: {  	s22 =	simm.s32 $0x2900;
	s10 =	sand.u32 $0x1, s2;
	s2 =	stileid.u32  }
0x5: {  	[smem:$0x7FF] =	sst s3;
	s4 =	sadd.s32 $0x5EA00, s9;
	s13 =	smul.u32 $0x278, s2  }
0x6: {  	s6 =	sadd.s32 $0x4FA000, s9;
	s8 =	sadd.s32 $0x5C200, s9;
	s15 =	smul.u32 $0x4F000, s2  }
0x7: {  	s5 =	sshll.u32 s10, $0x4;
	_ =	strace $0x8000004D;
	s17 =	smul.u32 $0x271, s2  }
0x8: {  	s12 =	ssub.s32 $0x2, s10;
	s31 =	sshll.u32 s2, $0x6;
	s18 =	smul.u32 $0x2710, s10  }
0x9: {  	s10 =	smul.u32 $0x4E200, s10;
	s7 =	sor.u32 s2, s5;
	s5 =	sadd.s32 $0xEC7E00, s9  }
0xa: {  	s14 =	sshrl.u32 s12, $0x1;
	s11 =	smul.u32 $0x2780, s7;
	s7 =	sadd.s32 $0x4F0200, s9  }
0xb: {  	s12 =	ssub.s32 s12, s14;
	s30 =	sshrl.u32 s15, $0x2;
	s20 =	sadd.s32 $0x271, s13  }
0xc: {  	s19 =	sadd.s32 $0x271, s17;
	s21 =	ssub.s32 s13, s17;
	s14 =	simm.s32 $0x2  }
0xd: {  	v0 =	vmov s17;
	v2 =	vmov s18;
	s17 =	simm.s32 $0x2800;
	s18 =	simm.s32 $0x2980;
	s15 =	sadd.s32 s30, s1  }
0xe: {  	s12 =	smax.u32 s12, $0x1;
	v1 =	vmov s19;
	s19 =	simm.s32 $0x1;
	v4 =	vmov s20;
	s20 =	simm.s32 $0x2880  }
0xf: {  	v3 =	vmov s21;
	s21 =	simm.s32 $0x6980;
	s11 =	sadd.s32 s11, s9;
	s9 =	sor.u32 $0x1C02, s31  }
0x10: {  	v5 =	vlaneseq.u32;
	s13 =	sshrl.u32 s15, $0x3;
	s15 =	simm.s32 $0x800;
	s11 =	sadd.s32 $0xC4000, s11  }
.LBB2_1:
0x11: {  	[spmem:s13], [sflag:s9] =	dma.local [hbm:s8], $0x2780  }
0x12: {  	_ =	swait.ge [sflag:s14], $0x2780  }
0x13: {  	[sflag:s14] =	ssyncset.done $0x0  }
0x14: {  	s23 =	smov.u32 s10;
	s24 =	simm.s32 $0x0;
	[sflag:s14] =	ssyncadd.s32 $0xFFFFD880  }
.LBB2_2:
0x15: {  	s25 =	smul.u32 $0x7D0, s24;
	_ =	sdelay $0x1  }
0x16: {  	s25 =	sshrl.u32 s25, $0x3  }
0x17: {  	s28 =	simm.s32 $0x0;
	s26 =	sadd.s32 s6, s25  }
0x18: {  	[tilespmem:s28], [sflag:$0x2] =	stream.linear.gather [hbm4b:s26+s28], $0x7D0, $0x38;
	[tilespmem:$0x1E580] =	vst v63  }
0x19: {  	_ =	swait.ge [sflag:s14], $0x7D0  }
0x1a: {  	[sflag:s14] =	ssyncset.done $0x0  }
0x1b: {  	s25 =	sadd.s32 s7, s25;
	[sflag:s14] =	ssyncadd.s32 $0xFFFFF830  }
0x1c: {  	[tilespmem:s15], [sflag:$0x2] =	stream.linear.gather [hbm4b:s25+s28], $0x7D0, $0x38;
	[tilespmem:$0x1E580] =	vst v63  }
0x1d: {  	_ =	swait.ge [sflag:s14], $0x7D0  }
0x1e: {  	[sflag:s14] =	ssyncset.done $0x0  }
0x1f: {  	s25 =	simm.s32 $0x0;
	[sflag:s14] =	ssyncadd.s32 $0xFFFFF830  }
0x20: {  	v7 =	vor.u32 s23, v5;
	v6 =	vld [tilespmem:s25+$0x800]  }
0x21: {  	[tilespmem:s25+$0x1800] =	vst v7;
	v7 =	vld [tilespmem:s25+$0x0];
	_ =	sdelay $0x2  }
0x22: {  	s26 =	simm.s32 $0x40;
	s28 =	sadd.s32 $0x10, s23  }
.LBB2_3:
0x23: {  	s29 =	sshra.s32 s26, $0x2;
	v8 =	vor.u32 s28, v5;
	p0 =	sne.s32 s26, $0x1F00;
	s26 =	sadd.s32 $0x40, s26;
	vm0 =	vge.s32 v6, v0;
	vm1 =	vlt.s32 v6, v1  }
.Ltmp0:
0x24: {  	v9 =	vadd.s32 v6, v3;
	[tilespmem:s29+$0x1800] =	vst v8;
	vm0 =	vmand vm0, vm1;
	v8 =	vadd.s32 v2, v7;
	v6 =	vld [tilespmem:s29+$0x800];
	(pc) =	sbr.rel @p0 .LBB2_3-.Ltmp0, $3  }
0x25: {  	v7 =	vld [tilespmem:s29+$0x0];
	[tilespmem:s25+$0x1000] =	vst v8;
	v8 =	vsel vm0, v9, v4  }
0x26: {  	[tilespmem:s25+$0x2000] =	vst v8;
	s25 =	smov.u32 s29;
	_ =	sdelay $0x1  }
0x27: {  	s28 =	sadd.s32 $0x10, s28  }
0x28: {  	vm0 =	vge.s32 v6, v0;
	vm1 =	vlt.s32 v6, v1  }
0x29: {  	v6 =	vadd.s32 v6, v3;
	vm0 =	vmand vm0, vm1;
	v7 =	vadd.s32 v2, v7  }
0x2a: {  	[tilespmem:s25+$0x1000] =	vst v7;
	v6 =	vsel vm0, v6, v4  }
0x2b: {  	s26 =	simm.s32 $0x1000;
	[tilespmem:s25+$0x2000] =	vst v6  }
0x2c: {  	v6 =	vld [tilespmem:s26+$0x0];
	_ =	sdelay $0x3  }
0x2d: {  	p0 =	por $0x1, $0x1  }
0x2e: {  	v6 =	vpsel !p0, $0x0, v6  }
0x2f: {  	s28 =	simm.s32 $0x1800;
	[tilespmem:s26+$0x0] =	vst v6  }
0x30: {  	v6 =	vld [tilespmem:s28+$0x0];
	_ =	sdelay $0x4  }
0x31: {  	v6 =	vpsel !p0, $0x0, v6  }
0x32: {  	s29 =	simm.s32 $0x2000;
	[tilespmem:s28+$0x0] =	vst v6  }
0x33: {  	v6 =	vld [tilespmem:s29+$0x0];
	_ =	sdelay $0x4  }
0x34: {  	s30 =	simm.s32 $0x10;
	v6 =	vpsel p0, v6, v4  }
.LBB2_5:
0x35: {  	[tilespmem:s29+$0x0] =	vst v6;
	s26 =	sadd.s32 $0x10, s26;
	s28 =	sadd.s32 $0x10, s28;
	s29 =	sadd.s32 $0x10, s29  }
0x36: {  	p0 =	sne.s32 s30, $0x7F0;
	s25 =	smov.u32 s30;
	s30 =	sadd.s32 $0x10, s30;
	v6 =	vld [tilespmem:s26+$0x0]  }
0x37: {  	_ =	sdelay $0x2  }
0x38: {  	p1 =	slt.u32 s25, $0x7D0  }
0x39: {  	v6 =	vpsel !p1, $0x0, v6  }
0x3a: {  	[tilespmem:s26+$0x0] =	vst v6  }
0x3b: {  	v6 =	vld [tilespmem:s28+$0x0];
	_ =	sdelay $0x4  }
0x3c: {  	v6 =	vpsel !p1, $0x0, v6  }
0x3d: {  	[tilespmem:s28+$0x0] =	vst v6  }
0x3e: {  	v6 =	vld [tilespmem:s29+$0x0]  }
.Ltmp1:
0x3f: {  	(pc) =	sbr.rel @p0 .LBB2_5-.Ltmp1, $2  }
0x40: {  	_ =	sdelay $0x2  }
0x41: {  	s25 =	simm.s32 $0x0;
	v6 =	vpsel p1, v6, v4  }
0x42: {  	[tilespmem:s29+$0x0] =	vst v6  }
.LBB2_7:
0x43: {  	s26 =	sshll.u32 s25, $0x7  }
0x44: {  	v6 =	vld [tilespmem:s26+$0x1000];
	_ =	sdelay $0x4  }
0x45: {  	[tilespmem:$0x2800] =	vst v6  }
0x46: {  	v6 =	vld [tilespmem:s26+$0x1800];
	_ =	sdelay $0x4  }
0x47: {  	[tilespmem:$0x2880] =	vst v6  }
0x48: {  	v6 =	vld [tilespmem:s26+$0x2000];
	_ =	sdelay $0x4  }
0x49: {  	[tilespmem:$0x2900] =	vst v6  }
0x4a: {  	v6 =	vld [tilespmem:s26+$0x1010];
	_ =	sdelay $0x4  }
0x4b: {  	[tilespmem:$0x2810] =	vst v6  }
0x4c: {  	v6 =	vld [tilespmem:s26+$0x1810];
	_ =	sdelay $0x4  }
0x4d: {  	[tilespmem:$0x2890] =	vst v6  }
0x4e: {  	v6 =	vld [tilespmem:s26+$0x2010];
	_ =	sdelay $0x4  }
0x4f: {  	[tilespmem:$0x2910] =	vst v6  }
0x50: {  	v6 =	vld [tilespmem:s26+$0x1020];
	_ =	sdelay $0x4  }
0x51: {  	[tilespmem:$0x2820] =	vst v6  }
0x52: {  	v6 =	vld [tilespmem:s26+$0x1820];
	_ =	sdelay $0x4  }
0x53: {  	[tilespmem:$0x28A0] =	vst v6  }
0x54: {  	v6 =	vld [tilespmem:s26+$0x2020];
	_ =	sdelay $0x4  }
0x55: {  	[tilespmem:$0x2920] =	vst v6  }
0x56: {  	v6 =	vld [tilespmem:s26+$0x1030];
	_ =	sdelay $0x4  }
0x57: {  	[tilespmem:$0x2830] =	vst v6  }
0x58: {  	v6 =	vld [tilespmem:s26+$0x1830];
	_ =	sdelay $0x4  }
0x59: {  	[tilespmem:$0x28B0] =	vst v6  }
0x5a: {  	v6 =	vld [tilespmem:s26+$0x2030];
	_ =	sdelay $0x4  }
0x5b: {  	[tilespmem:$0x2930] =	vst v6  }
0x5c: {  	v6 =	vld [tilespmem:s26+$0x1040];
	_ =	sdelay $0x4  }
0x5d: {  	[tilespmem:$0x2840] =	vst v6  }
0x5e: {  	v6 =	vld [tilespmem:s26+$0x1840];
	_ =	sdelay $0x4  }
0x5f: {  	[tilespmem:$0x28C0] =	vst v6  }
0x60: {  	v6 =	vld [tilespmem:s26+$0x2040];
	_ =	sdelay $0x4  }
0x61: {  	[tilespmem:$0x2940] =	vst v6  }
0x62: {  	v6 =	vld [tilespmem:s26+$0x1050];
	_ =	sdelay $0x4  }
0x63: {  	[tilespmem:$0x2850] =	vst v6  }
0x64: {  	v6 =	vld [tilespmem:s26+$0x1850];
	_ =	sdelay $0x4  }
0x65: {  	[tilespmem:$0x28D0] =	vst v6  }
0x66: {  	v6 =	vld [tilespmem:s26+$0x2050];
	_ =	sdelay $0x4  }
0x67: {  	[tilespmem:$0x2950] =	vst v6  }
0x68: {  	v6 =	vld [tilespmem:s26+$0x1060];
	_ =	sdelay $0x4  }
0x69: {  	[tilespmem:$0x2860] =	vst v6  }
0x6a: {  	v6 =	vld [tilespmem:s26+$0x1860];
	_ =	sdelay $0x4  }
0x6b: {  	[tilespmem:$0x28E0] =	vst v6  }
0x6c: {  	v6 =	vld [tilespmem:s26+$0x2060];
	_ =	sdelay $0x4  }
0x6d: {  	[tilespmem:$0x2960] =	vst v6  }
0x6e: {  	v6 =	vld [tilespmem:s26+$0x1070];
	_ =	sdelay $0x4  }
0x6f: {  	[tilespmem:$0x2870] =	vst v6  }
0x70: {  	v6 =	vld [tilespmem:s26+$0x1870];
	_ =	sdelay $0x4  }
0x71: {  	[tilespmem:$0x28F0] =	vst v6  }
0x72: {  	v6 =	vld [tilespmem:s26+$0x2070];
	_ =	sdelay $0x4  }
0x73: {  	[tilespmem:$0x2970] =	vst v6  }
0x74: {  	[tilespmem:s18], [sflag:$0x1] =	stream.indirect.gather [hbm4b:s4+s16], $0x80, s17, s16, $0xb8;
	[tilespmem:$0x1E580] =	vst v63  }
0x75: {  	_ =	swait.ge [sflag:s19], $0x4000  }
0x76: {  	[sflag:s19] =	ssyncset.done $0x0  }
0x77: {  	[sflag:s19] =	ssyncadd.s32 $0xFFFFC000  }
0x78: {  	[tilespmem:s21], [sflag:$0x1] =	stream.indirect.gather [hbm4b:s5+s16], $0x80, s20, s16, $0xb8;
	[tilespmem:$0x1E580] =	vst v63  }
0x79: {  	_ =	swait.ge [sflag:s19], $0x4000  }
0x7a: {  	[sflag:s19] =	ssyncset.done $0x0  }
0x7b: {  	s26 =	simm.s32 $0x0;
	[sflag:s19] =	ssyncadd.s32 $0xFFFFC000  }
0x7c: {  	v12 =	vld [tilespmem:s26+$0x6980]  }
0x7d: {  	v17 =	vld [tilespmem:s26+$0x6990]  }
0x7e: {  	v10 =	vld [tilespmem:s26+$0x69A0]  }
0x7f: {  	v11 =	vld [tilespmem:s26+$0x69B0]  }
0x80: {  	v9 =	vld [tilespmem:s26+$0x69C0]  }
0x81: {  	v8 =	vld [tilespmem:s26+$0x69D0]  }
0x82: {  	v7 =	vld [tilespmem:s26+$0x69E0]  }
0x83: {  	v6 =	vld [tilespmem:s26+$0x69F0]  }
0x84: {  	v18 =	vld [tilespmem:s26+$0x2980]  }
0x85: {  	v19 =	vld [tilespmem:s26+$0x2990]  }
0x86: {  	v16 =	vld [tilespmem:s26+$0x29A0]  }
0x87: {  	v15 =	vld [tilespmem:s26+$0x29B0]  }
0x88: {  	v14 =	vld [tilespmem:s26+$0x29C0]  }
0x89: {  	v13 =	vld [tilespmem:s26+$0x29D0];
	v18 =	vadd.f32 v12, v18  }
0x8a: {  	s28 =	simm.s32 $0x200;
	v12 =	vld [tilespmem:s26+$0x29E0];
	v17 =	vadd.f32 v17, v19  }
.LBB2_8:
0x8b: {  	s29 =	sshra.s32 s28, $0x2;
	p0 =	sne.s32 s28, $0xFE00;
	v19 =	vld [tilespmem:s26+$0x29F0];
	v10 =	vadd.f32 v10, v16;
	v16 =	vmax.f32 v18, $0.0e+00  }
0x8c: {  	v18 =	vld [tilespmem:s29+$0x6980];
	v11 =	vadd.f32 v11, v15;
	v15 =	vmax.f32 v17, $0.0e+00;
	[tilespmem:s26+$0x2980] =	vst v16  }
0x8d: {  	v17 =	vld [tilespmem:s29+$0x6990];
	v9 =	vadd.f32 v9, v14;
	v14 =	vmax.f32 v10, $0.0e+00;
	[tilespmem:s26+$0x2990] =	vst v15  }
0x8e: {  	v10 =	vld [tilespmem:s29+$0x69A0];
	v8 =	vadd.f32 v8, v13;
	v13 =	vmax.f32 v11, $0.0e+00;
	[tilespmem:s26+$0x29A0] =	vst v14  }
0x8f: {  	v11 =	vld [tilespmem:s29+$0x69B0];
	v7 =	vadd.f32 v7, v12;
	v12 =	vmax.f32 v9, $0.0e+00;
	[tilespmem:s26+$0x29B0] =	vst v13  }
0x90: {  	v9 =	vld [tilespmem:s29+$0x69C0];
	v6 =	vadd.f32 v6, v19;
	v13 =	vmax.f32 v8, $0.0e+00;
	[tilespmem:s26+$0x29C0] =	vst v12  }
0x91: {  	v8 =	vld [tilespmem:s29+$0x69D0];
	v12 =	vmax.f32 v7, $0.0e+00;
	[tilespmem:s26+$0x29D0] =	vst v13  }
0x92: {  	v7 =	vld [tilespmem:s29+$0x69E0];
	v13 =	vmax.f32 v6, $0.0e+00;
	[tilespmem:s26+$0x29E0] =	vst v12  }
0x93: {  	v6 =	vld [tilespmem:s29+$0x69F0];
	[tilespmem:s26+$0x29F0] =	vst v13;
	s26 =	smov.u32 s29  }
0x94: {  	v12 =	vld [tilespmem:s26+$0x2980]  }
0x95: {  	v19 =	vld [tilespmem:s26+$0x2990]  }
.Ltmp2:
0x96: {  	v16 =	vld [tilespmem:s26+$0x29A0];
	(pc) =	sbr.rel @p0 .LBB2_8-.Ltmp2, $4  }
0x97: {  	v15 =	vld [tilespmem:s26+$0x29B0]  }
0x98: {  	v14 =	vld [tilespmem:s26+$0x29C0]  }
0x99: {  	v13 =	vld [tilespmem:s26+$0x29D0];
	v18 =	vadd.f32 v18, v12  }
0x9a: {  	s28 =	sadd.s32 $0x200, s28;
	v12 =	vld [tilespmem:s26+$0x29E0];
	v17 =	vadd.f32 v17, v19  }
0x9b: {  	v19 =	vld [tilespmem:s26+$0x29F0];
	v10 =	vadd.f32 v10, v16;
	v62 =	vmax.f32 v18, $0.0e+00  }
0x9c: {  	v11 =	vadd.f32 v11, v15;
	v63 =	vmax.f32 v17, $0.0e+00;
	[tilespmem:s26+$0x2980] =	vst v62  }
0x9d: {  	v9 =	vadd.f32 v9, v14;
	v10 =	vmax.f32 v10, $0.0e+00;
	[tilespmem:s26+$0x2990] =	vst v63  }
0x9e: {  	v8 =	vadd.f32 v8, v13;
	v11 =	vmax.f32 v11, $0.0e+00;
	[tilespmem:s26+$0x29A0] =	vst v10  }
0x9f: {  	v7 =	vadd.f32 v7, v12;
	v9 =	vmax.f32 v9, $0.0e+00;
	[tilespmem:s26+$0x29B0] =	vst v11  }
0xa0: {  	v6 =	vadd.f32 v6, v19;
	v8 =	vmax.f32 v8, $0.0e+00;
	[tilespmem:s26+$0x29C0] =	vst v9  }
0xa1: {  	s25 =	sadd.s32 $0x1, s25;
	v7 =	vmax.f32 v7, $0.0e+00;
	[tilespmem:s26+$0x29D0] =	vst v8  }
0xa2: {  	p0 =	sne.s32 s25, $0x10;
	v6 =	vmax.f32 v6, $0.0e+00;
	[tilespmem:s26+$0x29E0] =	vst v7  }
.Ltmp3:
0xa3: {  	[tilespmem:s26+$0x29F0] =	vst v6;
	(pc) =	sbr.rel @p0 .LBB2_7-.Ltmp3, $4  }
0xa4: {  	[spmem:s1] =	stream.indirect.scatter.add.f32 [tilespmem:s18], [sflag:$0x2], $0x80, s22, s16, $0xb8;
	[tilespmem:$0x1E580] =	vst v63  }
0xa5: {  	_ =	swait.ge [sflag:s14], $0x4000  }
0xa6: {  	[sflag:s14] =	ssyncset.done $0x0  }
0xa7: {  	[sflag:s14] =	ssyncadd.s32 $0xFFFFC000  }
0xa8: {  	s24 =	sadd.s32 $0x1, s24  }
0xa9: {  	p0 =	sne.s32 s24, $0xA0  }
.Ltmp4:
0xaa: {  	_ = 	snop;
	(pc) =	sbr.rel @p0 .LBB2_2-.Ltmp4, $2  }
0xab: {  	_ =	sdelay $0x2  }
0xac: {  	s23 =	sadd.s32 $0x7D0, s23  }
0xad: {  	s3 =	sadd.s32 $0x1, s3  }
0xae: {  	p0 =	sne.s32 s3, s12  }
.Ltmp5:
0xaf: {  	_ = 	snop;
	(pc) =	sbr.rel @p0 .LBB2_1-.Ltmp5, $4  }
0xb0: {  	[hbm:s11], [sflag:s9] =	dma.local [spmem:s13], $0x2780  }
0xb1: {  	_ =	swait.ge [sflag:s14], $0x2780  }
0xb2: {  	[sflag:s14] =	ssyncset.done $0x0  }
0xb3: {  	[sflag:s14] =	ssyncadd.s32 $0xFFFFD880  }
0xb4: {  	_ =	sfence.sel $0x180000  }
0xb5: {  	[bflag:$0x0] =	sbarrier.arrive $0xFFFF  }
0xb6: {  	p0 =	sne.s32 s2, $0x0;
	_ =	strace $0x9000004D  }
0xb7: {  	s0 =	sadd.s32 @!p0 $0x100000, s0;
	[bflag:$0x2] =	sbarrier.arrive $0xFFFF  }
0xb8: {  	[sflag:s0] =	ssyncadd.tile.s32 @!p0 $0x1;
	_ =	shalt  }
.Lfunc_end2:
_tile_overlayer_lowered:
.L_overlay_start_2:
0xb9: {  	(tag) =	ssettag $0x2  }
0xba: {  	s0 =	rddreg [dreg:$0x0];
	s2 =	stileid.u32  }
0xbb: {  	s1 =	rddreg [dreg:$0x1];
	p0 =	sne.s32 s2, $0x0  }
0xbc: {  	s3 =	rddreg [dreg:$0x2];
	[bflag:$0x3] =	sbarrier.arrive $0xFFFF;
	s2 =	simm.s32 @!p0 $0x1C02  }
0xbd: {  	[timem:s3], [sflag:s2] =	dma.local @!p0 [hbm:s0], s1  }
0xbe: {  	s0 =	simm.s32 @!p0 $0x2  }
0xbf: {  	_ =	swait.ge @!p0 [sflag:s0], s1  }
0xc0: {  	s1 =	ssub.s32 @!p0 $0x0, s1;
	[sflag:s0] =	ssyncset.done @!p0 $0x0  }
0xc1: {  	[sflag:s0] =	ssyncadd.s32 @!p0 s1  }
0xc2: {  	[bflag:$0x3] =	sbarrier.arrive $0xFFFF  }
0xc3: {  	_ =	shalt  }

// kernel: kernel.39.cloned.1.call-start
scs
__scs_entry_jumppad:
0x0: {  	(pc) =	sbr.rel $0x88, $3  }
0x1: {  	(tag) =	ssettag $0x0;
	lr =	simm.s32 $0x1  }
0x2: {  	[smem:$0x3F89] =	sst lr;
	_ =	strace $0xD0000000  }
0x3: {  	_ = 	snop  }
0x4: {  	_ = 	snop  }
0x5: {  	_ = 	snop  }
0x6: {  	_ = 	snop  }
0x7: {  	_ = 	snop  }
__scs_overlays_trampoline_lowered:
0x8: {  	[smem:$0x3F98] =	sst s0  }
0x9: {  	[smem:$0x3F99] =	sst s1  }
0xa: {  	[smem:$0x3F9A] =	sst s2  }
0xb: {  	[smem:$0x3F9B] =	sst s3  }
0xc: {  	[smem:$0x3F9C] =	sst s4  }
0xd: {  	[smem:$0x3F9D] =	sst s5  }
0xe: {  	[smem:$0x3F9E] =	sst s6  }
0xf: {  	[smem:$0x3F9F] =	sst s7  }
0x10: {  	[smem:$0x3FA0] =	sst s8  }
0x11: {  	[smem:$0x3FA1] =	sst s9;
	s0 =	simm.s32 @!p0 $0x0  }
0x12: {  	s1 =	sld [smem:$0x3F87];
	s0 =	simm.s32 @p0 $0x1  }
0x13: {  	[smem:$0x3FA2] =	sst s0;
	s0 =	simm.s32 @!p1 $0x0  }
0x14: {  	s2 =	sld [smem:$0x3F86];
	s0 =	simm.s32 @p1 $0x1  }
0x15: {  	[smem:$0x3FA3] =	sst s0;
	s0 =	simm.s32 @!p2 $0x0  }
0x16: {  	s3 =	sld [smem:$0x3FDB];
	s0 =	simm.s32 @p2 $0x1  }
0x17: {  	s4 =	simm.s32 $0x1BF5;
	[smem:$0x3FA5] =	sst s0  }
0x18: {  	s0 =	sld [smem:$0x3F88];
	_ =	swait.ge [sflag:s4], $0x0  }
0x19: {  	s7 =	sld [smem:$0x3F89]  }
0x1a: {  	s8 =	sadd.s32 $0xFFFFE003, lr  }
0x1b: {  	s9 =	sadd.s32 $0xFFFFFEF7, lr;
	s5 =	simm.s32 $0xFFFFFFFF;
	p2 =	slt.u32 s8, $0xFFFFF086  }
0x1c: {  	p1 =	slt.u32 s9, $0xF7A;
	s5 =	simm.s32 @!p2 $0x0  }
0x1d: {  	s5 =	simm.s32 @p1 $0x1;
	p0 =	seq.s32 s7, s2  }
0x1e: {  	s7 =	smul.u32 @!p0 $0xF7A, s2;
	p2 =	seq.s32 @!p0 s5, $0x0  }
0x1f: {  	s9 =	smul.u32 $0xF7A, s1;
	s8 =	simm.s32 @!p0 $0x1BF5;
	p2 =	por !p2, p0  }
0x20: {  	[sflag:s8] =	ssyncset.s32 @!p0 $0xFFFFF086;
	s6 =	sadd.s32 @!p0 s3, s7;
	s7 =	simm.s32 @!p0 $0x108  }
0x21: {  	s3 =	sadd.s32 s3, s9;
	s6 =	sadd.s32 @!p0 $0x88, s6;
	s7 =	simm.s32 @p2 $0x1082  }
0x22: {  	[simem:s7], [sflag:s8] =	dma.local @!p0 [hbm:s6], $0xF7A  }
0x23: {  	s9 =	sor.u32 $0xD0000000, s2;
	s6 =	simm.s32 $0x108;
	_ =	swait.ge @!p0 [sflag:s8], $0x0  }
0x24: {  	s3 =	sadd.s32 $0x88, s3;
	s6 =	simm.s32 @!p1 $0x1082;
	[sflag:s4] =	ssyncset.s32 $0xFFFFF086  }
0x25: {  	[simem:s6], [sflag:s4] =	dma.local [hbm:s3], $0xF7A  }
0x26: {  	[smem:$0x3F89] =	sst s1;
	(tag) =	ssettag s2;
	_ =	strace s9  }
0x27: {  	s1 =	sld [smem:$0x3F99]  }
0x28: {  	s2 =	sld [smem:$0x3F9A]  }
0x29: {  	s4 =	sld [smem:$0x3F9C]  }
0x2a: {  	p0 =	seq.s32 s5, $0x0;
	s5 =	sld [smem:$0x3F9D]  }
0x2b: {  	s6 =	sld [smem:$0x3F9E]  }
0x2c: {  	s7 =	sld [smem:$0x3F9F]  }
0x2d: {  	s3 =	simm.s32 $0x108;
	s8 =	sld [smem:$0x3FA0]  }
0x2e: {  	s3 =	simm.s32 @!p0 $0x1082;
	s9 =	sld [smem:$0x3FA1]  }
0x2f: {  	lr =	sadd.s32 s0, s3;
	s0 =	sld [smem:$0x3F98]  }
0x30: {  	s3 =	sld [smem:$0x3F9B]  }
0x31: {  	[smem:$0x3FA4] =	sst s10  }
0x32: {  	s10 =	sld [smem:$0x3FA2];
	_ =	sdelay $0x3  }
0x33: {  	p0 =	seq.s32 s10, $0x1;
	s10 =	sld [smem:$0x3FA4];
	_ =	sdelay $0x3  }
0x34: {  	[smem:$0x3FA4] =	sst s10  }
0x35: {  	s10 =	sld [smem:$0x3FA3];
	_ =	sdelay $0x3  }
0x36: {  	p1 =	seq.s32 s10, $0x1;
	s10 =	sld [smem:$0x3FA4];
	_ =	sdelay $0x3  }
0x37: {  	[smem:$0x3FA4] =	sst s10  }
0x38: {  	s10 =	sld [smem:$0x3FA5]  }
0x39: {  	_ = 	snop;
	(pc) =	sbr.ind lr, $3  }
0x3a: {  	_ = 	snop  }
0x3b: {  	_ = 	snop  }
0x3c: {  	p2 =	seq.s32 s10, $0x1;
	s10 =	sld [smem:$0x3FA4]  }
0x3d: {  	_ =	shalt  }
0x3e: {  	_ =	shalt  }
0x3f: {  	_ =	shalt  }
0x40: {  	_ =	shalt  }
0x41: {  	_ =	shalt  }
0x42: {  	_ =	shalt  }
0x43: {  	_ =	shalt  }
0x44: {  	_ =	shalt  }
0x45: {  	_ =	shalt  }
0x46: {  	_ =	shalt  }
0x47: {  	_ =	shalt  }
0x48: {  	_ =	shalt  }
0x49: {  	_ =	shalt  }
0x4a: {  	_ =	shalt  }
0x4b: {  	_ =	shalt  }
0x4c: {  	_ =	shalt  }
0x4d: {  	_ =	shalt  }
0x4e: {  	_ =	shalt  }
0x4f: {  	_ =	shalt  }
0x50: {  	_ =	shalt  }
0x51: {  	_ =	shalt  }
0x52: {  	_ =	shalt  }
0x53: {  	_ =	shalt  }
0x54: {  	_ =	shalt  }
0x55: {  	_ =	shalt  }
0x56: {  	_ =	shalt  }
0x57: {  	_ =	shalt  }
0x58: {  	_ =	shalt  }
0x59: {  	_ =	shalt  }
0x5a: {  	_ =	shalt  }
0x5b: {  	_ =	shalt  }
0x5c: {  	_ =	shalt  }
0x5d: {  	_ =	shalt  }
0x5e: {  	_ =	shalt  }
0x5f: {  	_ =	shalt  }
0x60: {  	_ =	shalt  }
0x61: {  	_ =	shalt  }
0x62: {  	_ =	shalt  }
0x63: {  	_ =	shalt  }
0x64: {  	_ =	shalt  }
0x65: {  	_ =	shalt  }
0x66: {  	_ =	shalt  }
0x67: {  	_ =	shalt  }
0x68: {  	_ =	shalt  }
0x69: {  	_ =	shalt  }
0x6a: {  	_ =	shalt  }
0x6b: {  	_ =	shalt  }
0x6c: {  	_ =	shalt  }
0x6d: {  	_ =	shalt  }
0x6e: {  	_ =	shalt  }
0x6f: {  	_ =	shalt  }
0x70: {  	_ =	shalt  }
0x71: {  	_ =	shalt  }
0x72: {  	_ =	shalt  }
0x73: {  	_ =	shalt  }
0x74: {  	_ =	shalt  }
0x75: {  	_ =	shalt  }
0x76: {  	_ =	shalt  }
0x77: {  	_ =	shalt  }
0x78: {  	_ =	shalt  }
0x79: {  	_ =	shalt  }
0x7a: {  	_ =	shalt  }
0x7b: {  	_ =	shalt  }
0x7c: {  	_ =	shalt  }
0x7d: {  	_ =	shalt  }
0x7e: {  	_ =	shalt  }
0x7f: {  	_ =	shalt  }
0x80: {  	_ =	shalt  }
0x81: {  	_ =	shalt  }
0x82: {  	_ =	shalt  }
0x83: {  	_ =	shalt  }
0x84: {  	_ =	shalt  }
0x85: {  	_ =	shalt  }
0x86: {  	_ =	shalt  }
0x87: {  	_ =	shalt  }
.Lfunc_end0:
.L_simem_size_0:
called_computation.3_lowered:
.L_overlay_start_0:
0x88: {  	s2 =	sld [smem:$0x3FD9]  }
0x89: {  	s3 =	sld [smem:$0x3FFE];
	_ =	sdelay $0x1  }
0x8a: {  	s1 =	srdreg.scid  }
0x8b: {  	s0 =	sand.u32 $0x1, s1  }
0x8c: {  	s16 =	sshll.u32 s0, $0xA;
	s2 =	sadd.s32 s3, s2  }
0x8d: {  	s2 =	sadd.s32 s2, s16  }
0x8e: {  	[smem:$0x3FB0] =	sst s2  }
0x8f: {  	_ = 	snop  }
0x90: {  	(tm) =	ssettm $0x1  }
0x91: {  	s17 =	sld [smem:$0x3FFB];
	_ =	sdelay $0x3  }
0x92: {  	_ =	strace s17  }
0x93: {  	s2 =	sld [smem:$0x3FFC];
	_ =	sdelay $0x3  }
0x94: {  	_ =	strace s2  }
0x95: {  	s2 =	sld [smem:$0x3FFD];
	_ =	sdelay $0x3  }
0x96: {  	_ =	strace s2  }
0x97: {  	_ =	strace $0x8FFFFFFF  }
0x98: {  	s18 =	sld [smem:$0x3FDB];
	_ =	sdelay $0x1  }
0x99: {  	s19 =	simm.s32 $_scs_section_size  }
0x9a: {  	s4 =	simm.s32 $_size__tile_overlayer_lowered;
	s5 =	simm.s32 $_tile_overlayer_lowered  }
0x9b: {  	s22 =	simm.s32 $0x1BFF;
	s21 =	sshll.u32 s5, $0x1;
	s2 =	sadd.s32 s19, s18  }
0x9c: {  	s6 =	simm.s32 $0x0;
	s20 =	sshll.u32 s4, $0x1;
	s4 =	sadd.s32 s21, s2  }
0x9d: {  	[timem:s6], [sflag:s22] =	dma.local [hbm:s4], s20  }
0x9e: {  	_ =	swait.ge [sflag:s22], s20  }
0x9f: {  	s3 =	ssub.s32 $0x0, s20;
	[sflag:s22] =	ssyncset.done $0x0  }
0xa0: {  	[sflag:s22] =	ssyncadd.s32 s3;
	_ =	sdelay $0x1  }
0xa1: {  	s23 =	simm.s32 $0x1B8B  }
0xa2: {  	_ =	swait.ge [sflag:s23], $0x1  }
0xa3: {  	[sflag:s23] =	ssyncset.done $0x0  }
0xa4: {  	s25 =	simm.s32 $0x1B8E;
	s24 =	sld [smem:$0x3FFE];
	[sflag:s23] =	ssyncadd.s32 $0xFFFFFFFF  }
0xa5: {  	s26 =	simm.s32 $execute0_lowered;
	[smem:$0x3FD2] =	sst s25  }
0xa6: {  	s4 =	sshll.u32 s26, $0x1;
	_ =	strace $0x8000004F;
	[dreg:$0x1] =	wrdreg $0xFFFFFFFF  }
0xa7: {  	s28 =	simm.s32 $_size_execute0_lowered;
	s2 =	sadd.s32 s2, s4;
	[dreg:$0x0] =	wrdreg $0x0  }
0xa8: {  	s4 =	sshll.u32 s28, $0x1;
	[dreg:$0x2] =	wrdreg s2  }
0xa9: {  	[dreg:$0x3] =	wrdreg s4  }
0xaa: {  	[dreg:$0x4] =	wrdreg $0xC0  }
0xab: {  	_ =	task [dreg:s6], $0x5FFFF  }
0xac: {  	[dreg:$0x1] =	wrdreg $0xFFFFFFFF  }
0xad: {  	[dreg:$0x0] =	wrdreg $0x60  }
0xae: {  	[dreg:$0x2] =	wrdreg s24  }
0xaf: {  	[dreg:$0x3] =	wrdreg $0xA9800  }
0xb0: {  	[dreg:$0x4] =	wrdreg $0x9  }
0xb1: {  	_ =	task.clear_ibuf [dreg:s6], $0x5FFFF;
	_ =	strace $0x9000004F  }
0xb2: {  	s29 =	simm.s32 $0x9;
	_ =	strace $0x80000051  }
0xb3: {  	_ =	swait.ge [sflag:s29], $0x1  }
0xb4: {  	[sflag:s29] =	ssyncadd.s32 $0xFFFFFFFF  }
0xb5: {  	_ =	strace $0x90000051  }
0xb6: {  	_ =	sfence  }
0xb7: {  	s30 =	sld [smem:$0x0];
	_ =	sdelay $0x2  }
0xb8: {  	s31 =	sshll.u32 s1, $0xD;
	s1 =	sshrl.u32 s1, $0x2  }
0xb9: {  	s3 =	sand.u32 $0x4000, s31;
	s1 =	sadd.s32 s1, s30  }
0xba: {  	s0 =	sor.u32 s3, s0;
	s1 =	sshll.u32 s1, $0x11  }
0xbb: {  	s0 =	sor.u32 s1, s0  }
0xbc: {  	s0 =	sadd.s32 $0x8F2B, s0  }
0xbd: {  	[sflag:s0] =	ssyncadd.remote.s32 $0x1  }
0xbe: {  	_ =	sfence.sel $0xFFFF  }
0xbf: {  	[dreg:$0x0] =	wrdreg $0xFFFFFFFF;
	(pc) =	sbr.abs _section_cstart, $3  }
0xc0: {  	[dreg:$0x1] =	wrdreg $0xFFFFFFFF  }
0xc1: {  	_ =	task.clear_ibuf [dreg:s6], $0x2FFFF;
	_ =	strace $0x9FFFFFFF  }
0xc2: {  	(tm) =	ssettm $0x7FFFFFFF  }
0xc3: {  	_ =	shalt  }
tec
execute0_lowered:
.L_overlay_start_1:
0x0: {  	(tag) =	ssettag $0x1  }
0x1: {  	s9 =	rddreg [dreg:$0x0]  }
0x2: {  	s1 =	rddreg [dreg:$0x1];
	s2 =	srdreg.scid  }
0x3: {  	s0 =	rddreg [dreg:$0x2];
	s3 =	simm.s32 $0x0;
	s16 =	simm.s32 $0x80  }
0x4: {  	s22 =	simm.s32 $0x2900;
	s10 =	sand.u32 $0x1, s2;
	s2 =	stileid.u32  }
0x5: {  	[smem:$0x7FF] =	sst s3;
	s4 =	sadd.s32 $0xC4000, s9;
	s13 =	smul.u32 $0x278, s2  }
0x6: {  	s6 =	sadd.s32 $0x4FA000, s9;
	s8 =	sadd.s32 $0x5C200, s9;
	s15 =	smul.u32 $0x4F000, s2  }
0x7: {  	s5 =	sshll.u32 s10, $0x4;
	_ =	strace $0x80000050;
	s17 =	smul.u32 $0x271, s2  }
0x8: {  	s12 =	ssub.s32 $0x2, s10;
	s31 =	sshll.u32 s2, $0x6;
	s18 =	smul.u32 $0x2710, s10  }
0x9: {  	s10 =	smul.u32 $0x4E200, s10;
	s7 =	sor.u32 s2, s5;
	s5 =	sadd.s32 $0x188BE00, s9  }
0xa: {  	s14 =	sshrl.u32 s12, $0x1;
	s11 =	smul.u32 $0x2780, s7;
	s7 =	sadd.s32 $0x4F0200, s9  }
0xb: {  	s12 =	ssub.s32 s12, s14;
	s30 =	sshrl.u32 s15, $0x2;
	s20 =	sadd.s32 $0x271, s13  }
0xc: {  	s19 =	sadd.s32 $0x271, s17;
	s21 =	ssub.s32 s13, s17;
	s14 =	simm.s32 $0x2  }
0xd: {  	v0 =	vmov s17;
	v2 =	vmov s18;
	s17 =	simm.s32 $0x2800;
	s18 =	simm.s32 $0x2980;
	s15 =	sadd.s32 s30, s1  }
0xe: {  	s12 =	smax.u32 s12, $0x1;
	v1 =	vmov s19;
	s19 =	simm.s32 $0x1;
	v4 =	vmov s20;
	s20 =	simm.s32 $0x2880  }
0xf: {  	v3 =	vmov s21;
	s21 =	simm.s32 $0x6980;
	s11 =	sadd.s32 s11, s9;
	s9 =	sor.u32 $0x1C02, s31  }
0x10: {  	v5 =	vlaneseq.u32;
	s13 =	sshrl.u32 s15, $0x3;
	s15 =	simm.s32 $0x800;
	s11 =	sadd.s32 $0x112200, s11  }
.LBB2_1:
0x11: {  	[spmem:s13], [sflag:s9] =	dma.local [hbm:s8], $0x2780  }
0x12: {  	_ =	swait.ge [sflag:s14], $0x2780  }
0x13: {  	[sflag:s14] =	ssyncset.done $0x0  }
0x14: {  	s23 =	smov.u32 s10;
	s24 =	simm.s32 $0x0;
	[sflag:s14] =	ssyncadd.s32 $0xFFFFD880  }
.LBB2_2:
0x15: {  	s25 =	smul.u32 $0x7D0, s24;
	_ =	sdelay $0x1  }
0x16: {  	s25 =	sshrl.u32 s25, $0x3  }
0x17: {  	s28 =	simm.s32 $0x0;
	s26 =	sadd.s32 s6, s25  }
0x18: {  	[tilespmem:s28], [sflag:$0x2] =	stream.linear.gather [hbm4b:s26+s28], $0x7D0, $0x38;
	[tilespmem:$0x1E580] =	vst v63  }
0x19: {  	_ =	swait.ge [sflag:s14], $0x7D0  }
0x1a: {  	[sflag:s14] =	ssyncset.done $0x0  }
0x1b: {  	s25 =	sadd.s32 s7, s25;
	[sflag:s14] =	ssyncadd.s32 $0xFFFFF830  }
0x1c: {  	[tilespmem:s15], [sflag:$0x2] =	stream.linear.gather [hbm4b:s25+s28], $0x7D0, $0x38;
	[tilespmem:$0x1E580] =	vst v63  }
0x1d: {  	_ =	swait.ge [sflag:s14], $0x7D0  }
0x1e: {  	[sflag:s14] =	ssyncset.done $0x0  }
0x1f: {  	s25 =	simm.s32 $0x0;
	[sflag:s14] =	ssyncadd.s32 $0xFFFFF830  }
0x20: {  	v7 =	vor.u32 s23, v5;
	v6 =	vld [tilespmem:s25+$0x800]  }
0x21: {  	[tilespmem:s25+$0x1800] =	vst v7;
	v7 =	vld [tilespmem:s25+$0x0];
	_ =	sdelay $0x2  }
0x22: {  	s26 =	simm.s32 $0x40;
	s28 =	sadd.s32 $0x10, s23  }
.LBB2_3:
0x23: {  	s29 =	sshra.s32 s26, $0x2;
	v8 =	vor.u32 s28, v5;
	p0 =	sne.s32 s26, $0x1F00;
	s26 =	sadd.s32 $0x40, s26;
	vm0 =	vge.s32 v6, v0;
	vm1 =	vlt.s32 v6, v1  }
.Ltmp0:
0x24: {  	v9 =	vadd.s32 v6, v3;
	[tilespmem:s29+$0x1800] =	vst v8;
	vm0 =	vmand vm0, vm1;
	v8 =	vadd.s32 v2, v7;
	v6 =	vld [tilespmem:s29+$0x800];
	(pc) =	sbr.rel @p0 .LBB2_3-.Ltmp0, $3  }
0x25: {  	v7 =	vld [tilespmem:s29+$0x0];
	[tilespmem:s25+$0x1000] =	vst v8;
	v8 =	vsel vm0, v9, v4  }
0x26: {  	[tilespmem:s25+$0x2000] =	vst v8;
	s25 =	smov.u32 s29;
	_ =	sdelay $0x1  }
0x27: {  	s28 =	sadd.s32 $0x10, s28  }
0x28: {  	vm0 =	vge.s32 v6, v0;
	vm1 =	vlt.s32 v6, v1  }
0x29: {  	v6 =	vadd.s32 v6, v3;
	vm0 =	vmand vm0, vm1;
	v7 =	vadd.s32 v2, v7  }
0x2a: {  	[tilespmem:s25+$0x1000] =	vst v7;
	v6 =	vsel vm0, v6, v4  }
0x2b: {  	s26 =	simm.s32 $0x1000;
	[tilespmem:s25+$0x2000] =	vst v6  }
0x2c: {  	v6 =	vld [tilespmem:s26+$0x0];
	_ =	sdelay $0x3  }
0x2d: {  	p0 =	por $0x1, $0x1  }
0x2e: {  	v6 =	vpsel !p0, $0x0, v6  }
0x2f: {  	s28 =	simm.s32 $0x1800;
	[tilespmem:s26+$0x0] =	vst v6  }
0x30: {  	v6 =	vld [tilespmem:s28+$0x0];
	_ =	sdelay $0x4  }
0x31: {  	v6 =	vpsel !p0, $0x0, v6  }
0x32: {  	s29 =	simm.s32 $0x2000;
	[tilespmem:s28+$0x0] =	vst v6  }
0x33: {  	v6 =	vld [tilespmem:s29+$0x0];
	_ =	sdelay $0x4  }
0x34: {  	s30 =	simm.s32 $0x10;
	v6 =	vpsel p0, v6, v4  }
.LBB2_5:
0x35: {  	[tilespmem:s29+$0x0] =	vst v6;
	s26 =	sadd.s32 $0x10, s26;
	s28 =	sadd.s32 $0x10, s28;
	s29 =	sadd.s32 $0x10, s29  }
0x36: {  	p0 =	sne.s32 s30, $0x7F0;
	s25 =	smov.u32 s30;
	s30 =	sadd.s32 $0x10, s30;
	v6 =	vld [tilespmem:s26+$0x0]  }
0x37: {  	_ =	sdelay $0x2  }
0x38: {  	p1 =	slt.u32 s25, $0x7D0  }
0x39: {  	v6 =	vpsel !p1, $0x0, v6  }
0x3a: {  	[tilespmem:s26+$0x0] =	vst v6  }
0x3b: {  	v6 =	vld [tilespmem:s28+$0x0];
	_ =	sdelay $0x4  }
0x3c: {  	v6 =	vpsel !p1, $0x0, v6  }
0x3d: {  	[tilespmem:s28+$0x0] =	vst v6  }
0x3e: {  	v6 =	vld [tilespmem:s29+$0x0]  }
.Ltmp1:
0x3f: {  	(pc) =	sbr.rel @p0 .LBB2_5-.Ltmp1, $2  }
0x40: {  	_ =	sdelay $0x2  }
0x41: {  	s25 =	simm.s32 $0x0;
	v6 =	vpsel p1, v6, v4  }
0x42: {  	[tilespmem:s29+$0x0] =	vst v6  }
.LBB2_7:
0x43: {  	s26 =	sshll.u32 s25, $0x7  }
0x44: {  	v6 =	vld [tilespmem:s26+$0x1000];
	_ =	sdelay $0x4  }
0x45: {  	[tilespmem:$0x2800] =	vst v6  }
0x46: {  	v6 =	vld [tilespmem:s26+$0x1800];
	_ =	sdelay $0x4  }
0x47: {  	[tilespmem:$0x2880] =	vst v6  }
0x48: {  	v6 =	vld [tilespmem:s26+$0x2000];
	_ =	sdelay $0x4  }
0x49: {  	[tilespmem:$0x2900] =	vst v6  }
0x4a: {  	v6 =	vld [tilespmem:s26+$0x1010];
	_ =	sdelay $0x4  }
0x4b: {  	[tilespmem:$0x2810] =	vst v6  }
0x4c: {  	v6 =	vld [tilespmem:s26+$0x1810];
	_ =	sdelay $0x4  }
0x4d: {  	[tilespmem:$0x2890] =	vst v6  }
0x4e: {  	v6 =	vld [tilespmem:s26+$0x2010];
	_ =	sdelay $0x4  }
0x4f: {  	[tilespmem:$0x2910] =	vst v6  }
0x50: {  	v6 =	vld [tilespmem:s26+$0x1020];
	_ =	sdelay $0x4  }
0x51: {  	[tilespmem:$0x2820] =	vst v6  }
0x52: {  	v6 =	vld [tilespmem:s26+$0x1820];
	_ =	sdelay $0x4  }
0x53: {  	[tilespmem:$0x28A0] =	vst v6  }
0x54: {  	v6 =	vld [tilespmem:s26+$0x2020];
	_ =	sdelay $0x4  }
0x55: {  	[tilespmem:$0x2920] =	vst v6  }
0x56: {  	v6 =	vld [tilespmem:s26+$0x1030];
	_ =	sdelay $0x4  }
0x57: {  	[tilespmem:$0x2830] =	vst v6  }
0x58: {  	v6 =	vld [tilespmem:s26+$0x1830];
	_ =	sdelay $0x4  }
0x59: {  	[tilespmem:$0x28B0] =	vst v6  }
0x5a: {  	v6 =	vld [tilespmem:s26+$0x2030];
	_ =	sdelay $0x4  }
0x5b: {  	[tilespmem:$0x2930] =	vst v6  }
0x5c: {  	v6 =	vld [tilespmem:s26+$0x1040];
	_ =	sdelay $0x4  }
0x5d: {  	[tilespmem:$0x2840] =	vst v6  }
0x5e: {  	v6 =	vld [tilespmem:s26+$0x1840];
	_ =	sdelay $0x4  }
0x5f: {  	[tilespmem:$0x28C0] =	vst v6  }
0x60: {  	v6 =	vld [tilespmem:s26+$0x2040];
	_ =	sdelay $0x4  }
0x61: {  	[tilespmem:$0x2940] =	vst v6  }
0x62: {  	v6 =	vld [tilespmem:s26+$0x1050];
	_ =	sdelay $0x4  }
0x63: {  	[tilespmem:$0x2850] =	vst v6  }
0x64: {  	v6 =	vld [tilespmem:s26+$0x1850];
	_ =	sdelay $0x4  }
0x65: {  	[tilespmem:$0x28D0] =	vst v6  }
0x66: {  	v6 =	vld [tilespmem:s26+$0x2050];
	_ =	sdelay $0x4  }
0x67: {  	[tilespmem:$0x2950] =	vst v6  }
0x68: {  	v6 =	vld [tilespmem:s26+$0x1060];
	_ =	sdelay $0x4  }
0x69: {  	[tilespmem:$0x2860] =	vst v6  }
0x6a: {  	v6 =	vld [tilespmem:s26+$0x1860];
	_ =	sdelay $0x4  }
0x6b: {  	[tilespmem:$0x28E0] =	vst v6  }
0x6c: {  	v6 =	vld [tilespmem:s26+$0x2060];
	_ =	sdelay $0x4  }
0x6d: {  	[tilespmem:$0x2960] =	vst v6  }
0x6e: {  	v6 =	vld [tilespmem:s26+$0x1070];
	_ =	sdelay $0x4  }
0x6f: {  	[tilespmem:$0x2870] =	vst v6  }
0x70: {  	v6 =	vld [tilespmem:s26+$0x1870];
	_ =	sdelay $0x4  }
0x71: {  	[tilespmem:$0x28F0] =	vst v6  }
0x72: {  	v6 =	vld [tilespmem:s26+$0x2070];
	_ =	sdelay $0x4  }
0x73: {  	[tilespmem:$0x2970] =	vst v6  }
0x74: {  	[tilespmem:s18], [sflag:$0x1] =	stream.indirect.gather [hbm4b:s4+s16], $0x80, s17, s16, $0xb8;
	[tilespmem:$0x1E580] =	vst v63  }
0x75: {  	_ =	swait.ge [sflag:s19], $0x4000  }
0x76: {  	[sflag:s19] =	ssyncset.done $0x0  }
0x77: {  	[sflag:s19] =	ssyncadd.s32 $0xFFFFC000  }
0x78: {  	[tilespmem:s21], [sflag:$0x1] =	stream.indirect.gather [hbm4b:s5+s16], $0x80, s20, s16, $0xb8;
	[tilespmem:$0x1E580] =	vst v63  }
0x79: {  	_ =	swait.ge [sflag:s19], $0x4000  }
0x7a: {  	[sflag:s19] =	ssyncset.done $0x0  }
0x7b: {  	s26 =	simm.s32 $0x0;
	[sflag:s19] =	ssyncadd.s32 $0xFFFFC000  }
0x7c: {  	v12 =	vld [tilespmem:s26+$0x6980]  }
0x7d: {  	v17 =	vld [tilespmem:s26+$0x6990]  }
0x7e: {  	v10 =	vld [tilespmem:s26+$0x69A0]  }
0x7f: {  	v11 =	vld [tilespmem:s26+$0x69B0]  }
0x80: {  	v9 =	vld [tilespmem:s26+$0x69C0]  }
0x81: {  	v8 =	vld [tilespmem:s26+$0x69D0]  }
0x82: {  	v7 =	vld [tilespmem:s26+$0x69E0]  }
0x83: {  	v6 =	vld [tilespmem:s26+$0x69F0]  }
0x84: {  	v18 =	vld [tilespmem:s26+$0x2980]  }
0x85: {  	v19 =	vld [tilespmem:s26+$0x2990]  }
0x86: {  	v16 =	vld [tilespmem:s26+$0x29A0]  }
0x87: {  	v15 =	vld [tilespmem:s26+$0x29B0]  }
0x88: {  	v14 =	vld [tilespmem:s26+$0x29C0]  }
0x89: {  	v13 =	vld [tilespmem:s26+$0x29D0];
	v18 =	vadd.f32 v12, v18  }
0x8a: {  	s28 =	simm.s32 $0x200;
	v12 =	vld [tilespmem:s26+$0x29E0];
	v17 =	vadd.f32 v17, v19  }
.LBB2_8:
0x8b: {  	s29 =	sshra.s32 s28, $0x2;
	p0 =	sne.s32 s28, $0xFE00;
	v19 =	vld [tilespmem:s26+$0x29F0];
	v10 =	vadd.f32 v10, v16;
	v16 =	vmax.f32 v18, $0.0e+00  }
0x8c: {  	v18 =	vld [tilespmem:s29+$0x6980];
	v11 =	vadd.f32 v11, v15;
	v15 =	vmax.f32 v17, $0.0e+00;
	[tilespmem:s26+$0x2980] =	vst v16  }
0x8d: {  	v17 =	vld [tilespmem:s29+$0x6990];
	v9 =	vadd.f32 v9, v14;
	v14 =	vmax.f32 v10, $0.0e+00;
	[tilespmem:s26+$0x2990] =	vst v15  }
0x8e: {  	v10 =	vld [tilespmem:s29+$0x69A0];
	v8 =	vadd.f32 v8, v13;
	v13 =	vmax.f32 v11, $0.0e+00;
	[tilespmem:s26+$0x29A0] =	vst v14  }
0x8f: {  	v11 =	vld [tilespmem:s29+$0x69B0];
	v7 =	vadd.f32 v7, v12;
	v12 =	vmax.f32 v9, $0.0e+00;
	[tilespmem:s26+$0x29B0] =	vst v13  }
0x90: {  	v9 =	vld [tilespmem:s29+$0x69C0];
	v6 =	vadd.f32 v6, v19;
	v13 =	vmax.f32 v8, $0.0e+00;
	[tilespmem:s26+$0x29C0] =	vst v12  }
0x91: {  	v8 =	vld [tilespmem:s29+$0x69D0];
	v12 =	vmax.f32 v7, $0.0e+00;
	[tilespmem:s26+$0x29D0] =	vst v13  }
0x92: {  	v7 =	vld [tilespmem:s29+$0x69E0];
	v13 =	vmax.f32 v6, $0.0e+00;
	[tilespmem:s26+$0x29E0] =	vst v12  }
0x93: {  	v6 =	vld [tilespmem:s29+$0x69F0];
	[tilespmem:s26+$0x29F0] =	vst v13;
	s26 =	smov.u32 s29  }
0x94: {  	v12 =	vld [tilespmem:s26+$0x2980]  }
0x95: {  	v19 =	vld [tilespmem:s26+$0x2990]  }
.Ltmp2:
0x96: {  	v16 =	vld [tilespmem:s26+$0x29A0];
	(pc) =	sbr.rel @p0 .LBB2_8-.Ltmp2, $4  }
0x97: {  	v15 =	vld [tilespmem:s26+$0x29B0]  }
0x98: {  	v14 =	vld [tilespmem:s26+$0x29C0]  }
0x99: {  	v13 =	vld [tilespmem:s26+$0x29D0];
	v18 =	vadd.f32 v18, v12  }
0x9a: {  	s28 =	sadd.s32 $0x200, s28;
	v12 =	vld [tilespmem:s26+$0x29E0];
	v17 =	vadd.f32 v17, v19  }
0x9b: {  	v19 =	vld [tilespmem:s26+$0x29F0];
	v10 =	vadd.f32 v10, v16;
	v62 =	vmax.f32 v18, $0.0e+00  }
0x9c: {  	v11 =	vadd.f32 v11, v15;
	v63 =	vmax.f32 v17, $0.0e+00;
	[tilespmem:s26+$0x2980] =	vst v62  }
0x9d: {  	v9 =	vadd.f32 v9, v14;
	v10 =	vmax.f32 v10, $0.0e+00;
	[tilespmem:s26+$0x2990] =	vst v63  }
0x9e: {  	v8 =	vadd.f32 v8, v13;
	v11 =	vmax.f32 v11, $0.0e+00;
	[tilespmem:s26+$0x29A0] =	vst v10  }
0x9f: {  	v7 =	vadd.f32 v7, v12;
	v9 =	vmax.f32 v9, $0.0e+00;
	[tilespmem:s26+$0x29B0] =	vst v11  }
0xa0: {  	v6 =	vadd.f32 v6, v19;
	v8 =	vmax.f32 v8, $0.0e+00;
	[tilespmem:s26+$0x29C0] =	vst v9  }
0xa1: {  	s25 =	sadd.s32 $0x1, s25;
	v7 =	vmax.f32 v7, $0.0e+00;
	[tilespmem:s26+$0x29D0] =	vst v8  }
0xa2: {  	p0 =	sne.s32 s25, $0x10;
	v6 =	vmax.f32 v6, $0.0e+00;
	[tilespmem:s26+$0x29E0] =	vst v7  }
.Ltmp3:
0xa3: {  	[tilespmem:s26+$0x29F0] =	vst v6;
	(pc) =	sbr.rel @p0 .LBB2_7-.Ltmp3, $4  }
0xa4: {  	[spmem:s1] =	stream.indirect.scatter.add.f32 [tilespmem:s18], [sflag:$0x2], $0x80, s22, s16, $0xb8;
	[tilespmem:$0x1E580] =	vst v63  }
0xa5: {  	_ =	swait.ge [sflag:s14], $0x4000  }
0xa6: {  	[sflag:s14] =	ssyncset.done $0x0  }
0xa7: {  	[sflag:s14] =	ssyncadd.s32 $0xFFFFC000  }
0xa8: {  	s24 =	sadd.s32 $0x1, s24  }
0xa9: {  	p0 =	sne.s32 s24, $0xA0  }
.Ltmp4:
0xaa: {  	_ = 	snop;
	(pc) =	sbr.rel @p0 .LBB2_2-.Ltmp4, $2  }
0xab: {  	_ =	sdelay $0x2  }
0xac: {  	s23 =	sadd.s32 $0x7D0, s23  }
0xad: {  	s3 =	sadd.s32 $0x1, s3  }
0xae: {  	p0 =	sne.s32 s3, s12  }
.Ltmp5:
0xaf: {  	_ = 	snop;
	(pc) =	sbr.rel @p0 .LBB2_1-.Ltmp5, $4  }
0xb0: {  	[hbm:s11], [sflag:s9] =	dma.local [spmem:s13], $0x2780  }
0xb1: {  	_ =	swait.ge [sflag:s14], $0x2780  }
0xb2: {  	[sflag:s14] =	ssyncset.done $0x0  }
0xb3: {  	[sflag:s14] =	ssyncadd.s32 $0xFFFFD880  }
0xb4: {  	_ =	sfence.sel $0x180000  }
0xb5: {  	[bflag:$0x0] =	sbarrier.arrive $0xFFFF  }
0xb6: {  	p0 =	sne.s32 s2, $0x0;
	_ =	strace $0x90000050  }
0xb7: {  	s0 =	sadd.s32 @!p0 $0x100000, s0;
	[bflag:$0x2] =	sbarrier.arrive $0xFFFF  }
0xb8: {  	[sflag:s0] =	ssyncadd.tile.s32 @!p0 $0x1;
	_ =	shalt  }
.Lfunc_end2:
_tile_overlayer_lowered:
.L_overlay_start_2:
0xb9: {  	(tag) =	ssettag $0x2  }
0xba: {  	s0 =	rddreg [dreg:$0x0];
	s2 =	stileid.u32  }
0xbb: {  	s1 =	rddreg [dreg:$0x1];
	p0 =	sne.s32 s2, $0x0  }
0xbc: {  	s3 =	rddreg [dreg:$0x2];
	[bflag:$0x3] =	sbarrier.arrive $0xFFFF;
	s2 =	simm.s32 @!p0 $0x1C02  }
0xbd: {  	[timem:s3], [sflag:s2] =	dma.local @!p0 [hbm:s0], s1  }
0xbe: {  	s0 =	simm.s32 @!p0 $0x2  }
0xbf: {  	_ =	swait.ge @!p0 [sflag:s0], s1  }
0xc0: {  	s1 =	ssub.s32 @!p0 $0x0, s1;
	[sflag:s0] =	ssyncset.done @!p0 $0x0  }
0xc1: {  	[sflag:s0] =	ssyncadd.s32 @!p0 s1  }
0xc2: {  	[bflag:$0x3] =	sbarrier.arrive $0xFFFF  }
0xc3: {  	_ =	shalt  }

// kernel: kernel.42.cloned.1.call-start
scs
__scs_entry_jumppad:
0x0: {  	(pc) =	sbr.rel $0x88, $3  }
0x1: {  	(tag) =	ssettag $0x0;
	lr =	simm.s32 $0x1  }
0x2: {  	[smem:$0x3F89] =	sst lr;
	_ =	strace $0xD0000000  }
0x3: {  	_ = 	snop  }
0x4: {  	_ = 	snop  }
0x5: {  	_ = 	snop  }
0x6: {  	_ = 	snop  }
0x7: {  	_ = 	snop  }
__scs_overlays_trampoline_lowered:
0x8: {  	[smem:$0x3F98] =	sst s0  }
0x9: {  	[smem:$0x3F99] =	sst s1  }
0xa: {  	[smem:$0x3F9A] =	sst s2  }
0xb: {  	[smem:$0x3F9B] =	sst s3  }
0xc: {  	[smem:$0x3F9C] =	sst s4  }
0xd: {  	[smem:$0x3F9D] =	sst s5  }
0xe: {  	[smem:$0x3F9E] =	sst s6  }
0xf: {  	[smem:$0x3F9F] =	sst s7  }
0x10: {  	[smem:$0x3FA0] =	sst s8  }
0x11: {  	[smem:$0x3FA1] =	sst s9;
	s0 =	simm.s32 @!p0 $0x0  }
0x12: {  	s1 =	sld [smem:$0x3F87];
	s0 =	simm.s32 @p0 $0x1  }
0x13: {  	[smem:$0x3FA2] =	sst s0;
	s0 =	simm.s32 @!p1 $0x0  }
0x14: {  	s2 =	sld [smem:$0x3F86];
	s0 =	simm.s32 @p1 $0x1  }
0x15: {  	[smem:$0x3FA3] =	sst s0;
	s0 =	simm.s32 @!p2 $0x0  }
0x16: {  	s3 =	sld [smem:$0x3FDB];
	s0 =	simm.s32 @p2 $0x1  }
0x17: {  	s4 =	simm.s32 $0x1BF5;
	[smem:$0x3FA5] =	sst s0  }
0x18: {  	s0 =	sld [smem:$0x3F88];
	_ =	swait.ge [sflag:s4], $0x0  }
0x19: {  	s7 =	sld [smem:$0x3F89]  }
0x1a: {  	s8 =	sadd.s32 $0xFFFFE003, lr  }
0x1b: {  	s9 =	sadd.s32 $0xFFFFFEF7, lr;
	s5 =	simm.s32 $0xFFFFFFFF;
	p2 =	slt.u32 s8, $0xFFFFF086  }
0x1c: {  	p1 =	slt.u32 s9, $0xF7A;
	s5 =	simm.s32 @!p2 $0x0  }
0x1d: {  	s5 =	simm.s32 @p1 $0x1;
	p0 =	seq.s32 s7, s2  }
0x1e: {  	s7 =	smul.u32 @!p0 $0xF7A, s2;
	p2 =	seq.s32 @!p0 s5, $0x0  }
0x1f: {  	s9 =	smul.u32 $0xF7A, s1;
	s8 =	simm.s32 @!p0 $0x1BF5;
	p2 =	por !p2, p0  }
0x20: {  	[sflag:s8] =	ssyncset.s32 @!p0 $0xFFFFF086;
	s6 =	sadd.s32 @!p0 s3, s7;
	s7 =	simm.s32 @!p0 $0x108  }
0x21: {  	s3 =	sadd.s32 s3, s9;
	s6 =	sadd.s32 @!p0 $0x88, s6;
	s7 =	simm.s32 @p2 $0x1082  }
0x22: {  	[simem:s7], [sflag:s8] =	dma.local @!p0 [hbm:s6], $0xF7A  }
0x23: {  	s9 =	sor.u32 $0xD0000000, s2;
	s6 =	simm.s32 $0x108;
	_ =	swait.ge @!p0 [sflag:s8], $0x0  }
0x24: {  	s3 =	sadd.s32 $0x88, s3;
	s6 =	simm.s32 @!p1 $0x1082;
	[sflag:s4] =	ssyncset.s32 $0xFFFFF086  }
0x25: {  	[simem:s6], [sflag:s4] =	dma.local [hbm:s3], $0xF7A  }
0x26: {  	[smem:$0x3F89] =	sst s1;
	(tag) =	ssettag s2;
	_ =	strace s9  }
0x27: {  	s1 =	sld [smem:$0x3F99]  }
0x28: {  	s2 =	sld [smem:$0x3F9A]  }
0x29: {  	s4 =	sld [smem:$0x3F9C]  }
0x2a: {  	p0 =	seq.s32 s5, $0x0;
	s5 =	sld [smem:$0x3F9D]  }
0x2b: {  	s6 =	sld [smem:$0x3F9E]  }
0x2c: {  	s7 =	sld [smem:$0x3F9F]  }
0x2d: {  	s3 =	simm.s32 $0x108;
	s8 =	sld [smem:$0x3FA0]  }
0x2e: {  	s3 =	simm.s32 @!p0 $0x1082;
	s9 =	sld [smem:$0x3FA1]  }
0x2f: {  	lr =	sadd.s32 s0, s3;
	s0 =	sld [smem:$0x3F98]  }
0x30: {  	s3 =	sld [smem:$0x3F9B]  }
0x31: {  	[smem:$0x3FA4] =	sst s10  }
0x32: {  	s10 =	sld [smem:$0x3FA2];
	_ =	sdelay $0x3  }
0x33: {  	p0 =	seq.s32 s10, $0x1;
	s10 =	sld [smem:$0x3FA4];
	_ =	sdelay $0x3  }
0x34: {  	[smem:$0x3FA4] =	sst s10  }
0x35: {  	s10 =	sld [smem:$0x3FA3];
	_ =	sdelay $0x3  }
0x36: {  	p1 =	seq.s32 s10, $0x1;
	s10 =	sld [smem:$0x3FA4];
	_ =	sdelay $0x3  }
0x37: {  	[smem:$0x3FA4] =	sst s10  }
0x38: {  	s10 =	sld [smem:$0x3FA5]  }
0x39: {  	_ = 	snop;
	(pc) =	sbr.ind lr, $3  }
0x3a: {  	_ = 	snop  }
0x3b: {  	_ = 	snop  }
0x3c: {  	p2 =	seq.s32 s10, $0x1;
	s10 =	sld [smem:$0x3FA4]  }
0x3d: {  	_ =	shalt  }
0x3e: {  	_ =	shalt  }
0x3f: {  	_ =	shalt  }
0x40: {  	_ =	shalt  }
0x41: {  	_ =	shalt  }
0x42: {  	_ =	shalt  }
0x43: {  	_ =	shalt  }
0x44: {  	_ =	shalt  }
0x45: {  	_ =	shalt  }
0x46: {  	_ =	shalt  }
0x47: {  	_ =	shalt  }
0x48: {  	_ =	shalt  }
0x49: {  	_ =	shalt  }
0x4a: {  	_ =	shalt  }
0x4b: {  	_ =	shalt  }
0x4c: {  	_ =	shalt  }
0x4d: {  	_ =	shalt  }
0x4e: {  	_ =	shalt  }
0x4f: {  	_ =	shalt  }
0x50: {  	_ =	shalt  }
0x51: {  	_ =	shalt  }
0x52: {  	_ =	shalt  }
0x53: {  	_ =	shalt  }
0x54: {  	_ =	shalt  }
0x55: {  	_ =	shalt  }
0x56: {  	_ =	shalt  }
0x57: {  	_ =	shalt  }
0x58: {  	_ =	shalt  }
0x59: {  	_ =	shalt  }
0x5a: {  	_ =	shalt  }
0x5b: {  	_ =	shalt  }
0x5c: {  	_ =	shalt  }
0x5d: {  	_ =	shalt  }
0x5e: {  	_ =	shalt  }
0x5f: {  	_ =	shalt  }
0x60: {  	_ =	shalt  }
0x61: {  	_ =	shalt  }
0x62: {  	_ =	shalt  }
0x63: {  	_ =	shalt  }
0x64: {  	_ =	shalt  }
0x65: {  	_ =	shalt  }
0x66: {  	_ =	shalt  }
0x67: {  	_ =	shalt  }
0x68: {  	_ =	shalt  }
0x69: {  	_ =	shalt  }
0x6a: {  	_ =	shalt  }
0x6b: {  	_ =	shalt  }
0x6c: {  	_ =	shalt  }
0x6d: {  	_ =	shalt  }
0x6e: {  	_ =	shalt  }
0x6f: {  	_ =	shalt  }
0x70: {  	_ =	shalt  }
0x71: {  	_ =	shalt  }
0x72: {  	_ =	shalt  }
0x73: {  	_ =	shalt  }
0x74: {  	_ =	shalt  }
0x75: {  	_ =	shalt  }
0x76: {  	_ =	shalt  }
0x77: {  	_ =	shalt  }
0x78: {  	_ =	shalt  }
0x79: {  	_ =	shalt  }
0x7a: {  	_ =	shalt  }
0x7b: {  	_ =	shalt  }
0x7c: {  	_ =	shalt  }
0x7d: {  	_ =	shalt  }
0x7e: {  	_ =	shalt  }
0x7f: {  	_ =	shalt  }
0x80: {  	_ =	shalt  }
0x81: {  	_ =	shalt  }
0x82: {  	_ =	shalt  }
0x83: {  	_ =	shalt  }
0x84: {  	_ =	shalt  }
0x85: {  	_ =	shalt  }
0x86: {  	_ =	shalt  }
0x87: {  	_ =	shalt  }
.Lfunc_end0:
.L_simem_size_0:
called_computation.4_lowered:
.L_overlay_start_0:
0x88: {  	s2 =	sld [smem:$0x3FD9]  }
0x89: {  	s3 =	sld [smem:$0x3FFE];
	_ =	sdelay $0x1  }
0x8a: {  	s1 =	srdreg.scid  }
0x8b: {  	s0 =	sand.u32 $0x1, s1  }
0x8c: {  	s16 =	sshll.u32 s0, $0xA;
	s2 =	sadd.s32 s3, s2  }
0x8d: {  	s2 =	sadd.s32 s2, s16  }
0x8e: {  	[smem:$0x3FB0] =	sst s2  }
0x8f: {  	_ = 	snop  }
0x90: {  	(tm) =	ssettm $0x1  }
0x91: {  	s17 =	sld [smem:$0x3FFB];
	_ =	sdelay $0x3  }
0x92: {  	_ =	strace s17  }
0x93: {  	s2 =	sld [smem:$0x3FFC];
	_ =	sdelay $0x3  }
0x94: {  	_ =	strace s2  }
0x95: {  	s2 =	sld [smem:$0x3FFD];
	_ =	sdelay $0x3  }
0x96: {  	_ =	strace s2  }
0x97: {  	_ =	strace $0x8FFFFFFF  }
0x98: {  	s18 =	sld [smem:$0x3FDB];
	_ =	sdelay $0x1  }
0x99: {  	s19 =	simm.s32 $_scs_section_size  }
0x9a: {  	s4 =	simm.s32 $_size__tile_overlayer_lowered;
	s5 =	simm.s32 $_tile_overlayer_lowered  }
0x9b: {  	s22 =	simm.s32 $0x1BFF;
	s21 =	sshll.u32 s5, $0x1;
	s2 =	sadd.s32 s19, s18  }
0x9c: {  	s6 =	simm.s32 $0x0;
	s20 =	sshll.u32 s4, $0x1;
	s4 =	sadd.s32 s21, s2  }
0x9d: {  	[timem:s6], [sflag:s22] =	dma.local [hbm:s4], s20  }
0x9e: {  	_ =	swait.ge [sflag:s22], s20  }
0x9f: {  	s3 =	ssub.s32 $0x0, s20;
	[sflag:s22] =	ssyncset.done $0x0  }
0xa0: {  	[sflag:s22] =	ssyncadd.s32 s3;
	_ =	sdelay $0x1  }
0xa1: {  	s23 =	simm.s32 $0x1B8B  }
0xa2: {  	_ =	swait.ge [sflag:s23], $0x1  }
0xa3: {  	[sflag:s23] =	ssyncset.done $0x0  }
0xa4: {  	s25 =	simm.s32 $0x1B8E;
	s24 =	sld [smem:$0x3FFE];
	[sflag:s23] =	ssyncadd.s32 $0xFFFFFFFF  }
0xa5: {  	s26 =	simm.s32 $execute0_lowered;
	[smem:$0x3FD2] =	sst s25  }
0xa6: {  	s4 =	sshll.u32 s26, $0x1;
	_ =	strace $0x80000052;
	[dreg:$0x1] =	wrdreg $0xFFFFFFFF  }
0xa7: {  	s28 =	simm.s32 $_size_execute0_lowered;
	s2 =	sadd.s32 s2, s4;
	[dreg:$0x0] =	wrdreg $0x0  }
0xa8: {  	s4 =	sshll.u32 s28, $0x1;
	[dreg:$0x2] =	wrdreg s2  }
0xa9: {  	[dreg:$0x3] =	wrdreg s4  }
0xaa: {  	[dreg:$0x4] =	wrdreg $0xC0  }
0xab: {  	_ =	task [dreg:s6], $0x5FFFF  }
0xac: {  	[dreg:$0x1] =	wrdreg $0xFFFFFFFF  }
0xad: {  	[dreg:$0x0] =	wrdreg $0x60  }
0xae: {  	[dreg:$0x2] =	wrdreg s24  }
0xaf: {  	[dreg:$0x3] =	wrdreg $0xA9800  }
0xb0: {  	[dreg:$0x4] =	wrdreg $0x9  }
0xb1: {  	_ =	task.clear_ibuf [dreg:s6], $0x5FFFF;
	_ =	strace $0x90000052  }
0xb2: {  	s29 =	simm.s32 $0x9;
	_ =	strace $0x80000054  }
0xb3: {  	_ =	swait.ge [sflag:s29], $0x1  }
0xb4: {  	[sflag:s29] =	ssyncadd.s32 $0xFFFFFFFF  }
0xb5: {  	_ =	strace $0x90000054  }
0xb6: {  	_ =	sfence  }
0xb7: {  	s30 =	sld [smem:$0x0];
	_ =	sdelay $0x2  }
0xb8: {  	s31 =	sshll.u32 s1, $0xD;
	s1 =	sshrl.u32 s1, $0x2  }
0xb9: {  	s3 =	sand.u32 $0x4000, s31;
	s1 =	sadd.s32 s1, s30  }
0xba: {  	s0 =	sor.u32 s3, s0;
	s1 =	sshll.u32 s1, $0x11  }
0xbb: {  	s0 =	sor.u32 s1, s0  }
0xbc: {  	s0 =	sadd.s32 $0x8F2B, s0  }
0xbd: {  	[sflag:s0] =	ssyncadd.remote.s32 $0x1  }
0xbe: {  	_ =	sfence.sel $0xFFFF  }
0xbf: {  	[dreg:$0x0] =	wrdreg $0xFFFFFFFF;
	(pc) =	sbr.abs _section_cstart, $3  }
0xc0: {  	[dreg:$0x1] =	wrdreg $0xFFFFFFFF  }
0xc1: {  	_ =	task.clear_ibuf [dreg:s6], $0x2FFFF;
	_ =	strace $0x9FFFFFFF  }
0xc2: {  	(tm) =	ssettm $0x7FFFFFFF  }
0xc3: {  	_ =	shalt  }
tec
execute0_lowered:
.L_overlay_start_1:
0x0: {  	(tag) =	ssettag $0x1  }
0x1: {  	s9 =	rddreg [dreg:$0x0]  }
0x2: {  	s1 =	rddreg [dreg:$0x1];
	s2 =	srdreg.scid  }
0x3: {  	s0 =	rddreg [dreg:$0x2];
	s3 =	simm.s32 $0x0;
	s16 =	simm.s32 $0x80  }
0x4: {  	s22 =	simm.s32 $0x2900;
	s10 =	sand.u32 $0x1, s2;
	s2 =	stileid.u32  }
0x5: {  	[smem:$0x7FF] =	sst s3;
	s4 =	sadd.s32 $0x112200, s9;
	s13 =	smul.u32 $0x278, s2  }
0x6: {  	s6 =	sadd.s32 $0x4FA000, s9;
	s8 =	sadd.s32 $0x5C200, s9;
	s15 =	smul.u32 $0x4F000, s2  }
0x7: {  	s5 =	sshll.u32 s10, $0x4;
	_ =	strace $0x80000053;
	s17 =	smul.u32 $0x271, s2  }
0x8: {  	s12 =	ssub.s32 $0x2, s10;
	s31 =	sshll.u32 s2, $0x6;
	s18 =	smul.u32 $0x2710, s10  }
0x9: {  	s10 =	smul.u32 $0x4E200, s10;
	s7 =	sor.u32 s2, s5;
	s5 =	sadd.s32 $0xEC7E00, s9  }
0xa: {  	s14 =	sshrl.u32 s12, $0x1;
	s11 =	smul.u32 $0x2780, s7;
	s7 =	sadd.s32 $0x4F0200, s9  }
0xb: {  	s12 =	ssub.s32 s12, s14;
	s30 =	sshrl.u32 s15, $0x2;
	s20 =	sadd.s32 $0x271, s13  }
0xc: {  	s19 =	sadd.s32 $0x271, s17;
	s21 =	ssub.s32 s13, s17;
	s14 =	simm.s32 $0x2  }
0xd: {  	v0 =	vmov s17;
	v2 =	vmov s18;
	s17 =	simm.s32 $0x2800;
	s18 =	simm.s32 $0x2980;
	s15 =	sadd.s32 s30, s1  }
0xe: {  	s12 =	smax.u32 s12, $0x1;
	v1 =	vmov s19;
	s19 =	simm.s32 $0x1;
	v4 =	vmov s20;
	s20 =	simm.s32 $0x2880  }
0xf: {  	v3 =	vmov s21;
	s21 =	simm.s32 $0x6980;
	s11 =	sadd.s32 s11, s9;
	s9 =	sor.u32 $0x1C02, s31  }
0x10: {  	v5 =	vlaneseq.u32;
	s13 =	sshrl.u32 s15, $0x3;
	s15 =	simm.s32 $0x800;
	s11 =	sadd.s32 $0x160400, s11  }
.LBB2_1:
0x11: {  	[spmem:s13], [sflag:s9] =	dma.local [hbm:s8], $0x2780  }
0x12: {  	_ =	swait.ge [sflag:s14], $0x2780  }
0x13: {  	[sflag:s14] =	ssyncset.done $0x0  }
0x14: {  	s23 =	smov.u32 s10;
	s24 =	simm.s32 $0x0;
	[sflag:s14] =	ssyncadd.s32 $0xFFFFD880  }
.LBB2_2:
0x15: {  	s25 =	smul.u32 $0x7D0, s24;
	_ =	sdelay $0x1  }
0x16: {  	s25 =	sshrl.u32 s25, $0x3  }
0x17: {  	s28 =	simm.s32 $0x0;
	s26 =	sadd.s32 s6, s25  }
0x18: {  	[tilespmem:s28], [sflag:$0x2] =	stream.linear.gather [hbm4b:s26+s28], $0x7D0, $0x38;
	[tilespmem:$0x1E580] =	vst v63  }
0x19: {  	_ =	swait.ge [sflag:s14], $0x7D0  }
0x1a: {  	[sflag:s14] =	ssyncset.done $0x0  }
0x1b: {  	s25 =	sadd.s32 s7, s25;
	[sflag:s14] =	ssyncadd.s32 $0xFFFFF830  }
0x1c: {  	[tilespmem:s15], [sflag:$0x2] =	stream.linear.gather [hbm4b:s25+s28], $0x7D0, $0x38;
	[tilespmem:$0x1E580] =	vst v63  }
0x1d: {  	_ =	swait.ge [sflag:s14], $0x7D0  }
0x1e: {  	[sflag:s14] =	ssyncset.done $0x0  }
0x1f: {  	s25 =	simm.s32 $0x0;
	[sflag:s14] =	ssyncadd.s32 $0xFFFFF830  }
0x20: {  	v7 =	vor.u32 s23, v5;
	v6 =	vld [tilespmem:s25+$0x800]  }
0x21: {  	[tilespmem:s25+$0x1800] =	vst v7;
	v7 =	vld [tilespmem:s25+$0x0];
	_ =	sdelay $0x2  }
0x22: {  	s26 =	simm.s32 $0x40;
	s28 =	sadd.s32 $0x10, s23  }
.LBB2_3:
0x23: {  	s29 =	sshra.s32 s26, $0x2;
	v8 =	vor.u32 s28, v5;
	p0 =	sne.s32 s26, $0x1F00;
	s26 =	sadd.s32 $0x40, s26;
	vm0 =	vge.s32 v6, v0;
	vm1 =	vlt.s32 v6, v1  }
.Ltmp0:
0x24: {  	v9 =	vadd.s32 v6, v3;
	[tilespmem:s29+$0x1800] =	vst v8;
	vm0 =	vmand vm0, vm1;
	v8 =	vadd.s32 v2, v7;
	v6 =	vld [tilespmem:s29+$0x800];
	(pc) =	sbr.rel @p0 .LBB2_3-.Ltmp0, $3  }
0x25: {  	v7 =	vld [tilespmem:s29+$0x0];
	[tilespmem:s25+$0x1000] =	vst v8;
	v8 =	vsel vm0, v9, v4  }
0x26: {  	[tilespmem:s25+$0x2000] =	vst v8;
	s25 =	smov.u32 s29;
	_ =	sdelay $0x1  }
0x27: {  	s28 =	sadd.s32 $0x10, s28  }
0x28: {  	vm0 =	vge.s32 v6, v0;
	vm1 =	vlt.s32 v6, v1  }
0x29: {  	v6 =	vadd.s32 v6, v3;
	vm0 =	vmand vm0, vm1;
	v7 =	vadd.s32 v2, v7  }
0x2a: {  	[tilespmem:s25+$0x1000] =	vst v7;
	v6 =	vsel vm0, v6, v4  }
0x2b: {  	s26 =	simm.s32 $0x1000;
	[tilespmem:s25+$0x2000] =	vst v6  }
0x2c: {  	v6 =	vld [tilespmem:s26+$0x0];
	_ =	sdelay $0x3  }
0x2d: {  	p0 =	por $0x1, $0x1  }
0x2e: {  	v6 =	vpsel !p0, $0x0, v6  }
0x2f: {  	s28 =	simm.s32 $0x1800;
	[tilespmem:s26+$0x0] =	vst v6  }
0x30: {  	v6 =	vld [tilespmem:s28+$0x0];
	_ =	sdelay $0x4  }
0x31: {  	v6 =	vpsel !p0, $0x0, v6  }
0x32: {  	s29 =	simm.s32 $0x2000;
	[tilespmem:s28+$0x0] =	vst v6  }
0x33: {  	v6 =	vld [tilespmem:s29+$0x0];
	_ =	sdelay $0x4  }
0x34: {  	s30 =	simm.s32 $0x10;
	v6 =	vpsel p0, v6, v4  }
.LBB2_5:
0x35: {  	[tilespmem:s29+$0x0] =	vst v6;
	s26 =	sadd.s32 $0x10, s26;
	s28 =	sadd.s32 $0x10, s28;
	s29 =	sadd.s32 $0x10, s29  }
0x36: {  	p0 =	sne.s32 s30, $0x7F0;
	s25 =	smov.u32 s30;
	s30 =	sadd.s32 $0x10, s30;
	v6 =	vld [tilespmem:s26+$0x0]  }
0x37: {  	_ =	sdelay $0x2  }
0x38: {  	p1 =	slt.u32 s25, $0x7D0  }
0x39: {  	v6 =	vpsel !p1, $0x0, v6  }
0x3a: {  	[tilespmem:s26+$0x0] =	vst v6  }
0x3b: {  	v6 =	vld [tilespmem:s28+$0x0];
	_ =	sdelay $0x4  }
0x3c: {  	v6 =	vpsel !p1, $0x0, v6  }
0x3d: {  	[tilespmem:s28+$0x0] =	vst v6  }
0x3e: {  	v6 =	vld [tilespmem:s29+$0x0]  }
.Ltmp1:
0x3f: {  	(pc) =	sbr.rel @p0 .LBB2_5-.Ltmp1, $2  }
0x40: {  	_ =	sdelay $0x2  }
0x41: {  	s25 =	simm.s32 $0x0;
	v6 =	vpsel p1, v6, v4  }
0x42: {  	[tilespmem:s29+$0x0] =	vst v6  }
.LBB2_7:
0x43: {  	s26 =	sshll.u32 s25, $0x7  }
0x44: {  	v6 =	vld [tilespmem:s26+$0x1000];
	_ =	sdelay $0x4  }
0x45: {  	[tilespmem:$0x2800] =	vst v6  }
0x46: {  	v6 =	vld [tilespmem:s26+$0x1800];
	_ =	sdelay $0x4  }
0x47: {  	[tilespmem:$0x2880] =	vst v6  }
0x48: {  	v6 =	vld [tilespmem:s26+$0x2000];
	_ =	sdelay $0x4  }
0x49: {  	[tilespmem:$0x2900] =	vst v6  }
0x4a: {  	v6 =	vld [tilespmem:s26+$0x1010];
	_ =	sdelay $0x4  }
0x4b: {  	[tilespmem:$0x2810] =	vst v6  }
0x4c: {  	v6 =	vld [tilespmem:s26+$0x1810];
	_ =	sdelay $0x4  }
0x4d: {  	[tilespmem:$0x2890] =	vst v6  }
0x4e: {  	v6 =	vld [tilespmem:s26+$0x2010];
	_ =	sdelay $0x4  }
0x4f: {  	[tilespmem:$0x2910] =	vst v6  }
0x50: {  	v6 =	vld [tilespmem:s26+$0x1020];
	_ =	sdelay $0x4  }
0x51: {  	[tilespmem:$0x2820] =	vst v6  }
0x52: {  	v6 =	vld [tilespmem:s26+$0x1820];
	_ =	sdelay $0x4  }
0x53: {  	[tilespmem:$0x28A0] =	vst v6  }
0x54: {  	v6 =	vld [tilespmem:s26+$0x2020];
	_ =	sdelay $0x4  }
0x55: {  	[tilespmem:$0x2920] =	vst v6  }
0x56: {  	v6 =	vld [tilespmem:s26+$0x1030];
	_ =	sdelay $0x4  }
0x57: {  	[tilespmem:$0x2830] =	vst v6  }
0x58: {  	v6 =	vld [tilespmem:s26+$0x1830];
	_ =	sdelay $0x4  }
0x59: {  	[tilespmem:$0x28B0] =	vst v6  }
0x5a: {  	v6 =	vld [tilespmem:s26+$0x2030];
	_ =	sdelay $0x4  }
0x5b: {  	[tilespmem:$0x2930] =	vst v6  }
0x5c: {  	v6 =	vld [tilespmem:s26+$0x1040];
	_ =	sdelay $0x4  }
0x5d: {  	[tilespmem:$0x2840] =	vst v6  }
0x5e: {  	v6 =	vld [tilespmem:s26+$0x1840];
	_ =	sdelay $0x4  }
0x5f: {  	[tilespmem:$0x28C0] =	vst v6  }
0x60: {  	v6 =	vld [tilespmem:s26+$0x2040];
	_ =	sdelay $0x4  }
0x61: {  	[tilespmem:$0x2940] =	vst v6  }
0x62: {  	v6 =	vld [tilespmem:s26+$0x1050];
	_ =	sdelay $0x4  }
0x63: {  	[tilespmem:$0x2850] =	vst v6  }
0x64: {  	v6 =	vld [tilespmem:s26+$0x1850];
	_ =	sdelay $0x4  }
0x65: {  	[tilespmem:$0x28D0] =	vst v6  }
0x66: {  	v6 =	vld [tilespmem:s26+$0x2050];
	_ =	sdelay $0x4  }
0x67: {  	[tilespmem:$0x2950] =	vst v6  }
0x68: {  	v6 =	vld [tilespmem:s26+$0x1060];
	_ =	sdelay $0x4  }
0x69: {  	[tilespmem:$0x2860] =	vst v6  }
0x6a: {  	v6 =	vld [tilespmem:s26+$0x1860];
	_ =	sdelay $0x4  }
0x6b: {  	[tilespmem:$0x28E0] =	vst v6  }
0x6c: {  	v6 =	vld [tilespmem:s26+$0x2060];
	_ =	sdelay $0x4  }
0x6d: {  	[tilespmem:$0x2960] =	vst v6  }
0x6e: {  	v6 =	vld [tilespmem:s26+$0x1070];
	_ =	sdelay $0x4  }
0x6f: {  	[tilespmem:$0x2870] =	vst v6  }
0x70: {  	v6 =	vld [tilespmem:s26+$0x1870];
	_ =	sdelay $0x4  }
0x71: {  	[tilespmem:$0x28F0] =	vst v6  }
0x72: {  	v6 =	vld [tilespmem:s26+$0x2070];
	_ =	sdelay $0x4  }
0x73: {  	[tilespmem:$0x2970] =	vst v6  }
0x74: {  	[tilespmem:s18], [sflag:$0x1] =	stream.indirect.gather [hbm4b:s4+s16], $0x80, s17, s16, $0xb8;
	[tilespmem:$0x1E580] =	vst v63  }
0x75: {  	_ =	swait.ge [sflag:s19], $0x4000  }
0x76: {  	[sflag:s19] =	ssyncset.done $0x0  }
0x77: {  	[sflag:s19] =	ssyncadd.s32 $0xFFFFC000  }
0x78: {  	[tilespmem:s21], [sflag:$0x1] =	stream.indirect.gather [hbm4b:s5+s16], $0x80, s20, s16, $0xb8;
	[tilespmem:$0x1E580] =	vst v63  }
0x79: {  	_ =	swait.ge [sflag:s19], $0x4000  }
0x7a: {  	[sflag:s19] =	ssyncset.done $0x0  }
0x7b: {  	s26 =	simm.s32 $0x0;
	[sflag:s19] =	ssyncadd.s32 $0xFFFFC000  }
0x7c: {  	v12 =	vld [tilespmem:s26+$0x6980]  }
0x7d: {  	v17 =	vld [tilespmem:s26+$0x6990]  }
0x7e: {  	v10 =	vld [tilespmem:s26+$0x69A0]  }
0x7f: {  	v11 =	vld [tilespmem:s26+$0x69B0]  }
0x80: {  	v9 =	vld [tilespmem:s26+$0x69C0]  }
0x81: {  	v8 =	vld [tilespmem:s26+$0x69D0]  }
0x82: {  	v7 =	vld [tilespmem:s26+$0x69E0]  }
0x83: {  	v6 =	vld [tilespmem:s26+$0x69F0]  }
0x84: {  	v18 =	vld [tilespmem:s26+$0x2980]  }
0x85: {  	v19 =	vld [tilespmem:s26+$0x2990]  }
0x86: {  	v16 =	vld [tilespmem:s26+$0x29A0]  }
0x87: {  	v15 =	vld [tilespmem:s26+$0x29B0]  }
0x88: {  	v14 =	vld [tilespmem:s26+$0x29C0]  }
0x89: {  	v13 =	vld [tilespmem:s26+$0x29D0];
	v18 =	vadd.f32 v12, v18  }
0x8a: {  	s28 =	simm.s32 $0x200;
	v12 =	vld [tilespmem:s26+$0x29E0];
	v17 =	vadd.f32 v17, v19  }
.LBB2_8:
0x8b: {  	s29 =	sshra.s32 s28, $0x2;
	p0 =	sne.s32 s28, $0xFE00;
	v19 =	vld [tilespmem:s26+$0x29F0];
	v10 =	vadd.f32 v10, v16;
	v16 =	vmax.f32 v18, $0.0e+00  }
0x8c: {  	v18 =	vld [tilespmem:s29+$0x6980];
	v11 =	vadd.f32 v11, v15;
	v15 =	vmax.f32 v17, $0.0e+00;
	[tilespmem:s26+$0x2980] =	vst v16  }
0x8d: {  	v17 =	vld [tilespmem:s29+$0x6990];
	v9 =	vadd.f32 v9, v14;
	v14 =	vmax.f32 v10, $0.0e+00;
	[tilespmem:s26+$0x2990] =	vst v15  }
0x8e: {  	v10 =	vld [tilespmem:s29+$0x69A0];
	v8 =	vadd.f32 v8, v13;
	v13 =	vmax.f32 v11, $0.0e+00;
	[tilespmem:s26+$0x29A0] =	vst v14  }
0x8f: {  	v11 =	vld [tilespmem:s29+$0x69B0];
	v7 =	vadd.f32 v7, v12;
	v12 =	vmax.f32 v9, $0.0e+00;
	[tilespmem:s26+$0x29B0] =	vst v13  }
0x90: {  	v9 =	vld [tilespmem:s29+$0x69C0];
	v6 =	vadd.f32 v6, v19;
	v13 =	vmax.f32 v8, $0.0e+00;
	[tilespmem:s26+$0x29C0] =	vst v12  }
0x91: {  	v8 =	vld [tilespmem:s29+$0x69D0];
	v12 =	vmax.f32 v7, $0.0e+00;
	[tilespmem:s26+$0x29D0] =	vst v13  }
0x92: {  	v7 =	vld [tilespmem:s29+$0x69E0];
	v13 =	vmax.f32 v6, $0.0e+00;
	[tilespmem:s26+$0x29E0] =	vst v12  }
0x93: {  	v6 =	vld [tilespmem:s29+$0x69F0];
	[tilespmem:s26+$0x29F0] =	vst v13;
	s26 =	smov.u32 s29  }
0x94: {  	v12 =	vld [tilespmem:s26+$0x2980]  }
0x95: {  	v19 =	vld [tilespmem:s26+$0x2990]  }
.Ltmp2:
0x96: {  	v16 =	vld [tilespmem:s26+$0x29A0];
	(pc) =	sbr.rel @p0 .LBB2_8-.Ltmp2, $4  }
0x97: {  	v15 =	vld [tilespmem:s26+$0x29B0]  }
0x98: {  	v14 =	vld [tilespmem:s26+$0x29C0]  }
0x99: {  	v13 =	vld [tilespmem:s26+$0x29D0];
	v18 =	vadd.f32 v18, v12  }
0x9a: {  	s28 =	sadd.s32 $0x200, s28;
	v12 =	vld [tilespmem:s26+$0x29E0];
	v17 =	vadd.f32 v17, v19  }
0x9b: {  	v19 =	vld [tilespmem:s26+$0x29F0];
	v10 =	vadd.f32 v10, v16;
	v62 =	vmax.f32 v18, $0.0e+00  }
0x9c: {  	v11 =	vadd.f32 v11, v15;
	v63 =	vmax.f32 v17, $0.0e+00;
	[tilespmem:s26+$0x2980] =	vst v62  }
0x9d: {  	v9 =	vadd.f32 v9, v14;
	v10 =	vmax.f32 v10, $0.0e+00;
	[tilespmem:s26+$0x2990] =	vst v63  }
0x9e: {  	v8 =	vadd.f32 v8, v13;
	v11 =	vmax.f32 v11, $0.0e+00;
	[tilespmem:s26+$0x29A0] =	vst v10  }
0x9f: {  	v7 =	vadd.f32 v7, v12;
	v9 =	vmax.f32 v9, $0.0e+00;
	[tilespmem:s26+$0x29B0] =	vst v11  }
0xa0: {  	v6 =	vadd.f32 v6, v19;
	v8 =	vmax.f32 v8, $0.0e+00;
	[tilespmem:s26+$0x29C0] =	vst v9  }
0xa1: {  	s25 =	sadd.s32 $0x1, s25;
	v7 =	vmax.f32 v7, $0.0e+00;
	[tilespmem:s26+$0x29D0] =	vst v8  }
0xa2: {  	p0 =	sne.s32 s25, $0x10;
	v6 =	vmax.f32 v6, $0.0e+00;
	[tilespmem:s26+$0x29E0] =	vst v7  }
.Ltmp3:
0xa3: {  	[tilespmem:s26+$0x29F0] =	vst v6;
	(pc) =	sbr.rel @p0 .LBB2_7-.Ltmp3, $4  }
0xa4: {  	[spmem:s1] =	stream.indirect.scatter.add.f32 [tilespmem:s18], [sflag:$0x2], $0x80, s22, s16, $0xb8;
	[tilespmem:$0x1E580] =	vst v63  }
0xa5: {  	_ =	swait.ge [sflag:s14], $0x4000  }
0xa6: {  	[sflag:s14] =	ssyncset.done $0x0  }
0xa7: {  	[sflag:s14] =	ssyncadd.s32 $0xFFFFC000  }
0xa8: {  	s24 =	sadd.s32 $0x1, s24  }
0xa9: {  	p0 =	sne.s32 s24, $0xA0  }
.Ltmp4:
0xaa: {  	_ = 	snop;
	(pc) =	sbr.rel @p0 .LBB2_2-.Ltmp4, $2  }
0xab: {  	_ =	sdelay $0x2  }
0xac: {  	s23 =	sadd.s32 $0x7D0, s23  }
0xad: {  	s3 =	sadd.s32 $0x1, s3  }
0xae: {  	p0 =	sne.s32 s3, s12  }
.Ltmp5:
0xaf: {  	_ = 	snop;
	(pc) =	sbr.rel @p0 .LBB2_1-.Ltmp5, $4  }
0xb0: {  	[hbm:s11], [sflag:s9] =	dma.local [spmem:s13], $0x2780  }
0xb1: {  	_ =	swait.ge [sflag:s14], $0x2780  }
0xb2: {  	[sflag:s14] =	ssyncset.done $0x0  }
0xb3: {  	[sflag:s14] =	ssyncadd.s32 $0xFFFFD880  }
0xb4: {  	_ =	sfence.sel $0x180000  }
0xb5: {  	[bflag:$0x0] =	sbarrier.arrive $0xFFFF  }
0xb6: {  	p0 =	sne.s32 s2, $0x0;
	_ =	strace $0x90000053  }
0xb7: {  	s0 =	sadd.s32 @!p0 $0x100000, s0;
	[bflag:$0x2] =	sbarrier.arrive $0xFFFF  }
0xb8: {  	[sflag:s0] =	ssyncadd.tile.s32 @!p0 $0x1;
	_ =	shalt  }
.Lfunc_end2:
_tile_overlayer_lowered:
.L_overlay_start_2:
0xb9: {  	(tag) =	ssettag $0x2  }
0xba: {  	s0 =	rddreg [dreg:$0x0];
	s2 =	stileid.u32  }
0xbb: {  	s1 =	rddreg [dreg:$0x1];
	p0 =	sne.s32 s2, $0x0  }
0xbc: {  	s3 =	rddreg [dreg:$0x2];
	[bflag:$0x3] =	sbarrier.arrive $0xFFFF;
	s2 =	simm.s32 @!p0 $0x1C02  }
0xbd: {  	[timem:s3], [sflag:s2] =	dma.local @!p0 [hbm:s0], s1  }
0xbe: {  	s0 =	simm.s32 @!p0 $0x2  }
0xbf: {  	_ =	swait.ge @!p0 [sflag:s0], s1  }
0xc0: {  	s1 =	ssub.s32 @!p0 $0x0, s1;
	[sflag:s0] =	ssyncset.done @!p0 $0x0  }
0xc1: {  	[sflag:s0] =	ssyncadd.s32 @!p0 s1  }
0xc2: {  	[bflag:$0x3] =	sbarrier.arrive $0xFFFF  }
0xc3: {  	_ =	shalt  }

// kernel: kernel.45.cloned.1.call-start
scs
__scs_entry_jumppad:
0x0: {  	(pc) =	sbr.rel $0x88, $3  }
0x1: {  	(tag) =	ssettag $0x0;
	lr =	simm.s32 $0x1  }
0x2: {  	[smem:$0x3F89] =	sst lr;
	_ =	strace $0xD0000000  }
0x3: {  	_ = 	snop  }
0x4: {  	_ = 	snop  }
0x5: {  	_ = 	snop  }
0x6: {  	_ = 	snop  }
0x7: {  	_ = 	snop  }
__scs_overlays_trampoline_lowered:
0x8: {  	[smem:$0x3F98] =	sst s0  }
0x9: {  	[smem:$0x3F99] =	sst s1  }
0xa: {  	[smem:$0x3F9A] =	sst s2  }
0xb: {  	[smem:$0x3F9B] =	sst s3  }
0xc: {  	[smem:$0x3F9C] =	sst s4  }
0xd: {  	[smem:$0x3F9D] =	sst s5  }
0xe: {  	[smem:$0x3F9E] =	sst s6  }
0xf: {  	[smem:$0x3F9F] =	sst s7  }
0x10: {  	[smem:$0x3FA0] =	sst s8  }
0x11: {  	[smem:$0x3FA1] =	sst s9;
	s0 =	simm.s32 @!p0 $0x0  }
0x12: {  	s1 =	sld [smem:$0x3F87];
	s0 =	simm.s32 @p0 $0x1  }
0x13: {  	[smem:$0x3FA2] =	sst s0;
	s0 =	simm.s32 @!p1 $0x0  }
0x14: {  	s2 =	sld [smem:$0x3F86];
	s0 =	simm.s32 @p1 $0x1  }
0x15: {  	[smem:$0x3FA3] =	sst s0;
	s0 =	simm.s32 @!p2 $0x0  }
0x16: {  	s3 =	sld [smem:$0x3FDB];
	s0 =	simm.s32 @p2 $0x1  }
0x17: {  	s4 =	simm.s32 $0x1BF5;
	[smem:$0x3FA5] =	sst s0  }
0x18: {  	s0 =	sld [smem:$0x3F88];
	_ =	swait.ge [sflag:s4], $0x0  }
0x19: {  	s7 =	sld [smem:$0x3F89]  }
0x1a: {  	s8 =	sadd.s32 $0xFFFFE003, lr  }
0x1b: {  	s9 =	sadd.s32 $0xFFFFFEF7, lr;
	s5 =	simm.s32 $0xFFFFFFFF;
	p2 =	slt.u32 s8, $0xFFFFF086  }
0x1c: {  	p1 =	slt.u32 s9, $0xF7A;
	s5 =	simm.s32 @!p2 $0x0  }
0x1d: {  	s5 =	simm.s32 @p1 $0x1;
	p0 =	seq.s32 s7, s2  }
0x1e: {  	s7 =	smul.u32 @!p0 $0xF7A, s2;
	p2 =	seq.s32 @!p0 s5, $0x0  }
0x1f: {  	s9 =	smul.u32 $0xF7A, s1;
	s8 =	simm.s32 @!p0 $0x1BF5;
	p2 =	por !p2, p0  }
0x20: {  	[sflag:s8] =	ssyncset.s32 @!p0 $0xFFFFF086;
	s6 =	sadd.s32 @!p0 s3, s7;
	s7 =	simm.s32 @!p0 $0x108  }
0x21: {  	s3 =	sadd.s32 s3, s9;
	s6 =	sadd.s32 @!p0 $0x88, s6;
	s7 =	simm.s32 @p2 $0x1082  }
0x22: {  	[simem:s7], [sflag:s8] =	dma.local @!p0 [hbm:s6], $0xF7A  }
0x23: {  	s9 =	sor.u32 $0xD0000000, s2;
	s6 =	simm.s32 $0x108;
	_ =	swait.ge @!p0 [sflag:s8], $0x0  }
0x24: {  	s3 =	sadd.s32 $0x88, s3;
	s6 =	simm.s32 @!p1 $0x1082;
	[sflag:s4] =	ssyncset.s32 $0xFFFFF086  }
0x25: {  	[simem:s6], [sflag:s4] =	dma.local [hbm:s3], $0xF7A  }
0x26: {  	[smem:$0x3F89] =	sst s1;
	(tag) =	ssettag s2;
	_ =	strace s9  }
0x27: {  	s1 =	sld [smem:$0x3F99]  }
0x28: {  	s2 =	sld [smem:$0x3F9A]  }
0x29: {  	s4 =	sld [smem:$0x3F9C]  }
0x2a: {  	p0 =	seq.s32 s5, $0x0;
	s5 =	sld [smem:$0x3F9D]  }
0x2b: {  	s6 =	sld [smem:$0x3F9E]  }
0x2c: {  	s7 =	sld [smem:$0x3F9F]  }
0x2d: {  	s3 =	simm.s32 $0x108;
	s8 =	sld [smem:$0x3FA0]  }
0x2e: {  	s3 =	simm.s32 @!p0 $0x1082;
	s9 =	sld [smem:$0x3FA1]  }
0x2f: {  	lr =	sadd.s32 s0, s3;
	s0 =	sld [smem:$0x3F98]  }
0x30: {  	s3 =	sld [smem:$0x3F9B]  }
0x31: {  	[smem:$0x3FA4] =	sst s10  }
0x32: {  	s10 =	sld [smem:$0x3FA2];
	_ =	sdelay $0x3  }
0x33: {  	p0 =	seq.s32 s10, $0x1;
	s10 =	sld [smem:$0x3FA4];
	_ =	sdelay $0x3  }
0x34: {  	[smem:$0x3FA4] =	sst s10  }
0x35: {  	s10 =	sld [smem:$0x3FA3];
	_ =	sdelay $0x3  }
0x36: {  	p1 =	seq.s32 s10, $0x1;
	s10 =	sld [smem:$0x3FA4];
	_ =	sdelay $0x3  }
0x37: {  	[smem:$0x3FA4] =	sst s10  }
0x38: {  	s10 =	sld [smem:$0x3FA5]  }
0x39: {  	_ = 	snop;
	(pc) =	sbr.ind lr, $3  }
0x3a: {  	_ = 	snop  }
0x3b: {  	_ = 	snop  }
0x3c: {  	p2 =	seq.s32 s10, $0x1;
	s10 =	sld [smem:$0x3FA4]  }
0x3d: {  	_ =	shalt  }
0x3e: {  	_ =	shalt  }
0x3f: {  	_ =	shalt  }
0x40: {  	_ =	shalt  }
0x41: {  	_ =	shalt  }
0x42: {  	_ =	shalt  }
0x43: {  	_ =	shalt  }
0x44: {  	_ =	shalt  }
0x45: {  	_ =	shalt  }
0x46: {  	_ =	shalt  }
0x47: {  	_ =	shalt  }
0x48: {  	_ =	shalt  }
0x49: {  	_ =	shalt  }
0x4a: {  	_ =	shalt  }
0x4b: {  	_ =	shalt  }
0x4c: {  	_ =	shalt  }
0x4d: {  	_ =	shalt  }
0x4e: {  	_ =	shalt  }
0x4f: {  	_ =	shalt  }
0x50: {  	_ =	shalt  }
0x51: {  	_ =	shalt  }
0x52: {  	_ =	shalt  }
0x53: {  	_ =	shalt  }
0x54: {  	_ =	shalt  }
0x55: {  	_ =	shalt  }
0x56: {  	_ =	shalt  }
0x57: {  	_ =	shalt  }
0x58: {  	_ =	shalt  }
0x59: {  	_ =	shalt  }
0x5a: {  	_ =	shalt  }
0x5b: {  	_ =	shalt  }
0x5c: {  	_ =	shalt  }
0x5d: {  	_ =	shalt  }
0x5e: {  	_ =	shalt  }
0x5f: {  	_ =	shalt  }
0x60: {  	_ =	shalt  }
0x61: {  	_ =	shalt  }
0x62: {  	_ =	shalt  }
0x63: {  	_ =	shalt  }
0x64: {  	_ =	shalt  }
0x65: {  	_ =	shalt  }
0x66: {  	_ =	shalt  }
0x67: {  	_ =	shalt  }
0x68: {  	_ =	shalt  }
0x69: {  	_ =	shalt  }
0x6a: {  	_ =	shalt  }
0x6b: {  	_ =	shalt  }
0x6c: {  	_ =	shalt  }
0x6d: {  	_ =	shalt  }
0x6e: {  	_ =	shalt  }
0x6f: {  	_ =	shalt  }
0x70: {  	_ =	shalt  }
0x71: {  	_ =	shalt  }
0x72: {  	_ =	shalt  }
0x73: {  	_ =	shalt  }
0x74: {  	_ =	shalt  }
0x75: {  	_ =	shalt  }
0x76: {  	_ =	shalt  }
0x77: {  	_ =	shalt  }
0x78: {  	_ =	shalt  }
0x79: {  	_ =	shalt  }
0x7a: {  	_ =	shalt  }
0x7b: {  	_ =	shalt  }
0x7c: {  	_ =	shalt  }
0x7d: {  	_ =	shalt  }
0x7e: {  	_ =	shalt  }
0x7f: {  	_ =	shalt  }
0x80: {  	_ =	shalt  }
0x81: {  	_ =	shalt  }
0x82: {  	_ =	shalt  }
0x83: {  	_ =	shalt  }
0x84: {  	_ =	shalt  }
0x85: {  	_ =	shalt  }
0x86: {  	_ =	shalt  }
0x87: {  	_ =	shalt  }
.Lfunc_end0:
.L_simem_size_0:
called_computation.5_lowered:
.L_overlay_start_0:
0x88: {  	s2 =	sld [smem:$0x3FD9]  }
0x89: {  	s3 =	sld [smem:$0x3FFE];
	_ =	sdelay $0x1  }
0x8a: {  	s1 =	srdreg.scid  }
0x8b: {  	s0 =	sand.u32 $0x1, s1  }
0x8c: {  	s16 =	sshll.u32 s0, $0xA;
	s2 =	sadd.s32 s3, s2  }
0x8d: {  	s2 =	sadd.s32 s2, s16  }
0x8e: {  	[smem:$0x3FB0] =	sst s2  }
0x8f: {  	_ = 	snop  }
0x90: {  	(tm) =	ssettm $0x1  }
0x91: {  	s17 =	sld [smem:$0x3FFB];
	_ =	sdelay $0x3  }
0x92: {  	_ =	strace s17  }
0x93: {  	s2 =	sld [smem:$0x3FFC];
	_ =	sdelay $0x3  }
0x94: {  	_ =	strace s2  }
0x95: {  	s2 =	sld [smem:$0x3FFD];
	_ =	sdelay $0x3  }
0x96: {  	_ =	strace s2  }
0x97: {  	_ =	strace $0x8FFFFFFF  }
0x98: {  	s18 =	sld [smem:$0x3FDB];
	_ =	sdelay $0x1  }
0x99: {  	s19 =	simm.s32 $_scs_section_size  }
0x9a: {  	s4 =	simm.s32 $_size__tile_overlayer_lowered;
	s5 =	simm.s32 $_tile_overlayer_lowered  }
0x9b: {  	s22 =	simm.s32 $0x1BFF;
	s21 =	sshll.u32 s5, $0x1;
	s2 =	sadd.s32 s19, s18  }
0x9c: {  	s6 =	simm.s32 $0x0;
	s20 =	sshll.u32 s4, $0x1;
	s4 =	sadd.s32 s21, s2  }
0x9d: {  	[timem:s6], [sflag:s22] =	dma.local [hbm:s4], s20  }
0x9e: {  	_ =	swait.ge [sflag:s22], s20  }
0x9f: {  	s3 =	ssub.s32 $0x0, s20;
	[sflag:s22] =	ssyncset.done $0x0  }
0xa0: {  	[sflag:s22] =	ssyncadd.s32 s3;
	_ =	sdelay $0x1  }
0xa1: {  	s23 =	simm.s32 $0x1B8B  }
0xa2: {  	_ =	swait.ge [sflag:s23], $0x1  }
0xa3: {  	[sflag:s23] =	ssyncset.done $0x0  }
0xa4: {  	s25 =	simm.s32 $0x1B8E;
	s24 =	sld [smem:$0x3FFE];
	[sflag:s23] =	ssyncadd.s32 $0xFFFFFFFF  }
0xa5: {  	s26 =	simm.s32 $execute0_lowered;
	[smem:$0x3FD2] =	sst s25  }
0xa6: {  	s4 =	sshll.u32 s26, $0x1;
	_ =	strace $0x80000055;
	[dreg:$0x1] =	wrdreg $0xFFFFFFFF  }
0xa7: {  	s28 =	simm.s32 $_size_execute0_lowered;
	s2 =	sadd.s32 s2, s4;
	[dreg:$0x0] =	wrdreg $0x0  }
0xa8: {  	s4 =	sshll.u32 s28, $0x1;
	[dreg:$0x2] =	wrdreg s2  }
0xa9: {  	[dreg:$0x3] =	wrdreg s4  }
0xaa: {  	[dreg:$0x4] =	wrdreg $0xC0  }
0xab: {  	_ =	task [dreg:s6], $0x5FFFF  }
0xac: {  	[dreg:$0x1] =	wrdreg $0xFFFFFFFF  }
0xad: {  	[dreg:$0x0] =	wrdreg $0x60  }
0xae: {  	[dreg:$0x2] =	wrdreg s24  }
0xaf: {  	[dreg:$0x3] =	wrdreg $0xA9800  }
0xb0: {  	[dreg:$0x4] =	wrdreg $0x9  }
0xb1: {  	_ =	task.clear_ibuf [dreg:s6], $0x5FFFF;
	_ =	strace $0x90000055  }
0xb2: {  	s29 =	simm.s32 $0x9;
	_ =	strace $0x80000057  }
0xb3: {  	_ =	swait.ge [sflag:s29], $0x1  }
0xb4: {  	[sflag:s29] =	ssyncadd.s32 $0xFFFFFFFF  }
0xb5: {  	_ =	strace $0x90000057  }
0xb6: {  	_ =	sfence  }
0xb7: {  	s30 =	sld [smem:$0x0];
	_ =	sdelay $0x2  }
0xb8: {  	s31 =	sshll.u32 s1, $0xD;
	s1 =	sshrl.u32 s1, $0x2  }
0xb9: {  	s3 =	sand.u32 $0x4000, s31;
	s1 =	sadd.s32 s1, s30  }
0xba: {  	s0 =	sor.u32 s3, s0;
	s1 =	sshll.u32 s1, $0x11  }
0xbb: {  	s0 =	sor.u32 s1, s0  }
0xbc: {  	s0 =	sadd.s32 $0x8F2B, s0  }
0xbd: {  	[sflag:s0] =	ssyncadd.remote.s32 $0x1  }
0xbe: {  	_ =	sfence.sel $0xFFFF  }
0xbf: {  	[dreg:$0x0] =	wrdreg $0xFFFFFFFF;
	(pc) =	sbr.abs _section_cstart, $3  }
0xc0: {  	[dreg:$0x1] =	wrdreg $0xFFFFFFFF  }
0xc1: {  	_ =	task.clear_ibuf [dreg:s6], $0x2FFFF;
	_ =	strace $0x9FFFFFFF  }
0xc2: {  	(tm) =	ssettm $0x7FFFFFFF  }
0xc3: {  	_ =	shalt  }
tec
execute0_lowered:
.L_overlay_start_1:
0x0: {  	(tag) =	ssettag $0x1  }
0x1: {  	s9 =	rddreg [dreg:$0x0]  }
0x2: {  	s1 =	rddreg [dreg:$0x1];
	s2 =	srdreg.scid  }
0x3: {  	s0 =	rddreg [dreg:$0x2];
	s3 =	simm.s32 $0x0;
	s16 =	simm.s32 $0x80  }
0x4: {  	s22 =	simm.s32 $0x2900;
	s10 =	sand.u32 $0x1, s2;
	s2 =	stileid.u32  }
0x5: {  	[smem:$0x7FF] =	sst s3;
	s4 =	sadd.s32 $0x160400, s9;
	s13 =	smul.u32 $0x278, s2  }
0x6: {  	s6 =	sadd.s32 $0x4FA000, s9;
	s8 =	sadd.s32 $0x5C200, s9;
	s15 =	smul.u32 $0x4F000, s2  }
0x7: {  	s5 =	sshll.u32 s10, $0x4;
	_ =	strace $0x80000056;
	s17 =	smul.u32 $0x271, s2  }
0x8: {  	s12 =	ssub.s32 $0x2, s10;
	s31 =	sshll.u32 s2, $0x6;
	s18 =	smul.u32 $0x2710, s10  }
0x9: {  	s10 =	smul.u32 $0x4E200, s10;
	s7 =	sor.u32 s2, s5;
	s5 =	sadd.s32 $0x188BE00, s9  }
0xa: {  	s14 =	sshrl.u32 s12, $0x1;
	s11 =	smul.u32 $0x2780, s7;
	s7 =	sadd.s32 $0x4F0200, s9  }
0xb: {  	s12 =	ssub.s32 s12, s14;
	s30 =	sshrl.u32 s15, $0x2;
	s20 =	sadd.s32 $0x271, s13  }
0xc: {  	s19 =	sadd.s32 $0x271, s17;
	s21 =	ssub.s32 s13, s17;
	s14 =	simm.s32 $0x2  }
0xd: {  	v0 =	vmov s17;
	v2 =	vmov s18;
	s17 =	simm.s32 $0x2800;
	s18 =	simm.s32 $0x2980;
	s15 =	sadd.s32 s30, s1  }
0xe: {  	s12 =	smax.u32 s12, $0x1;
	v1 =	vmov s19;
	s19 =	simm.s32 $0x1;
	v4 =	vmov s20;
	s20 =	simm.s32 $0x2880  }
0xf: {  	v3 =	vmov s21;
	s21 =	simm.s32 $0x6980;
	s11 =	sadd.s32 s11, s9;
	s9 =	sor.u32 $0x1C02, s31  }
0x10: {  	v5 =	vlaneseq.u32;
	s13 =	sshrl.u32 s15, $0x3;
	s15 =	simm.s32 $0x800;
	s11 =	sadd.s32 $0x1AE600, s11  }
.LBB2_1:
0x11: {  	[spmem:s13], [sflag:s9] =	dma.local [hbm:s8], $0x2780  }
0x12: {  	_ =	swait.ge [sflag:s14], $0x2780  }
0x13: {  	[sflag:s14] =	ssyncset.done $0x0  }
0x14: {  	s23 =	smov.u32 s10;
	s24 =	simm.s32 $0x0;
	[sflag:s14] =	ssyncadd.s32 $0xFFFFD880  }
.LBB2_2:
0x15: {  	s25 =	smul.u32 $0x7D0, s24;
	_ =	sdelay $0x1  }
0x16: {  	s25 =	sshrl.u32 s25, $0x3  }
0x17: {  	s28 =	simm.s32 $0x0;
	s26 =	sadd.s32 s6, s25  }
0x18: {  	[tilespmem:s28], [sflag:$0x2] =	stream.linear.gather [hbm4b:s26+s28], $0x7D0, $0x38;
	[tilespmem:$0x1E580] =	vst v63  }
0x19: {  	_ =	swait.ge [sflag:s14], $0x7D0  }
0x1a: {  	[sflag:s14] =	ssyncset.done $0x0  }
0x1b: {  	s25 =	sadd.s32 s7, s25;
	[sflag:s14] =	ssyncadd.s32 $0xFFFFF830  }
0x1c: {  	[tilespmem:s15], [sflag:$0x2] =	stream.linear.gather [hbm4b:s25+s28], $0x7D0, $0x38;
	[tilespmem:$0x1E580] =	vst v63  }
0x1d: {  	_ =	swait.ge [sflag:s14], $0x7D0  }
0x1e: {  	[sflag:s14] =	ssyncset.done $0x0  }
0x1f: {  	s25 =	simm.s32 $0x0;
	[sflag:s14] =	ssyncadd.s32 $0xFFFFF830  }
0x20: {  	v7 =	vor.u32 s23, v5;
	v6 =	vld [tilespmem:s25+$0x800]  }
0x21: {  	[tilespmem:s25+$0x1800] =	vst v7;
	v7 =	vld [tilespmem:s25+$0x0];
	_ =	sdelay $0x2  }
0x22: {  	s26 =	simm.s32 $0x40;
	s28 =	sadd.s32 $0x10, s23  }
.LBB2_3:
0x23: {  	s29 =	sshra.s32 s26, $0x2;
	v8 =	vor.u32 s28, v5;
	p0 =	sne.s32 s26, $0x1F00;
	s26 =	sadd.s32 $0x40, s26;
	vm0 =	vge.s32 v6, v0;
	vm1 =	vlt.s32 v6, v1  }
.Ltmp0:
0x24: {  	v9 =	vadd.s32 v6, v3;
	[tilespmem:s29+$0x1800] =	vst v8;
	vm0 =	vmand vm0, vm1;
	v8 =	vadd.s32 v2, v7;
	v6 =	vld [tilespmem:s29+$0x800];
	(pc) =	sbr.rel @p0 .LBB2_3-.Ltmp0, $3  }
0x25: {  	v7 =	vld [tilespmem:s29+$0x0];
	[tilespmem:s25+$0x1000] =	vst v8;
	v8 =	vsel vm0, v9, v4  }
0x26: {  	[tilespmem:s25+$0x2000] =	vst v8;
	s25 =	smov.u32 s29;
	_ =	sdelay $0x1  }
0x27: {  	s28 =	sadd.s32 $0x10, s28  }
0x28: {  	vm0 =	vge.s32 v6, v0;
	vm1 =	vlt.s32 v6, v1  }
0x29: {  	v6 =	vadd.s32 v6, v3;
	vm0 =	vmand vm0, vm1;
	v7 =	vadd.s32 v2, v7  }
0x2a: {  	[tilespmem:s25+$0x1000] =	vst v7;
	v6 =	vsel vm0, v6, v4  }
0x2b: {  	s26 =	simm.s32 $0x1000;
	[tilespmem:s25+$0x2000] =	vst v6  }
0x2c: {  	v6 =	vld [tilespmem:s26+$0x0];
	_ =	sdelay $0x3  }
0x2d: {  	p0 =	por $0x1, $0x1  }
0x2e: {  	v6 =	vpsel !p0, $0x0, v6  }
0x2f: {  	s28 =	simm.s32 $0x1800;
	[tilespmem:s26+$0x0] =	vst v6  }
0x30: {  	v6 =	vld [tilespmem:s28+$0x0];
	_ =	sdelay $0x4  }
0x31: {  	v6 =	vpsel !p0, $0x0, v6  }
0x32: {  	s29 =	simm.s32 $0x2000;
	[tilespmem:s28+$0x0] =	vst v6  }
0x33: {  	v6 =	vld [tilespmem:s29+$0x0];
	_ =	sdelay $0x4  }
0x34: {  	s30 =	simm.s32 $0x10;
	v6 =	vpsel p0, v6, v4  }
.LBB2_5:
0x35: {  	[tilespmem:s29+$0x0] =	vst v6;
	s26 =	sadd.s32 $0x10, s26;
	s28 =	sadd.s32 $0x10, s28;
	s29 =	sadd.s32 $0x10, s29  }
0x36: {  	p0 =	sne.s32 s30, $0x7F0;
	s25 =	smov.u32 s30;
	s30 =	sadd.s32 $0x10, s30;
	v6 =	vld [tilespmem:s26+$0x0]  }
0x37: {  	_ =	sdelay $0x2  }
0x38: {  	p1 =	slt.u32 s25, $0x7D0  }
0x39: {  	v6 =	vpsel !p1, $0x0, v6  }
0x3a: {  	[tilespmem:s26+$0x0] =	vst v6  }
0x3b: {  	v6 =	vld [tilespmem:s28+$0x0];
	_ =	sdelay $0x4  }
0x3c: {  	v6 =	vpsel !p1, $0x0, v6  }
0x3d: {  	[tilespmem:s28+$0x0] =	vst v6  }
0x3e: {  	v6 =	vld [tilespmem:s29+$0x0]  }
.Ltmp1:
0x3f: {  	(pc) =	sbr.rel @p0 .LBB2_5-.Ltmp1, $2  }
0x40: {  	_ =	sdelay $0x2  }
0x41: {  	s25 =	simm.s32 $0x0;
	v6 =	vpsel p1, v6, v4  }
0x42: {  	[tilespmem:s29+$0x0] =	vst v6  }
.LBB2_7:
0x43: {  	s26 =	sshll.u32 s25, $0x7  }
0x44: {  	v6 =	vld [tilespmem:s26+$0x1000];
	_ =	sdelay $0x4  }
0x45: {  	[tilespmem:$0x2800] =	vst v6  }
0x46: {  	v6 =	vld [tilespmem:s26+$0x1800];
	_ =	sdelay $0x4  }
0x47: {  	[tilespmem:$0x2880] =	vst v6  }
0x48: {  	v6 =	vld [tilespmem:s26+$0x2000];
	_ =	sdelay $0x4  }
0x49: {  	[tilespmem:$0x2900] =	vst v6  }
0x4a: {  	v6 =	vld [tilespmem:s26+$0x1010];
	_ =	sdelay $0x4  }
0x4b: {  	[tilespmem:$0x2810] =	vst v6  }
0x4c: {  	v6 =	vld [tilespmem:s26+$0x1810];
	_ =	sdelay $0x4  }
0x4d: {  	[tilespmem:$0x2890] =	vst v6  }
0x4e: {  	v6 =	vld [tilespmem:s26+$0x2010];
	_ =	sdelay $0x4  }
0x4f: {  	[tilespmem:$0x2910] =	vst v6  }
0x50: {  	v6 =	vld [tilespmem:s26+$0x1020];
	_ =	sdelay $0x4  }
0x51: {  	[tilespmem:$0x2820] =	vst v6  }
0x52: {  	v6 =	vld [tilespmem:s26+$0x1820];
	_ =	sdelay $0x4  }
0x53: {  	[tilespmem:$0x28A0] =	vst v6  }
0x54: {  	v6 =	vld [tilespmem:s26+$0x2020];
	_ =	sdelay $0x4  }
0x55: {  	[tilespmem:$0x2920] =	vst v6  }
0x56: {  	v6 =	vld [tilespmem:s26+$0x1030];
	_ =	sdelay $0x4  }
0x57: {  	[tilespmem:$0x2830] =	vst v6  }
0x58: {  	v6 =	vld [tilespmem:s26+$0x1830];
	_ =	sdelay $0x4  }
0x59: {  	[tilespmem:$0x28B0] =	vst v6  }
0x5a: {  	v6 =	vld [tilespmem:s26+$0x2030];
	_ =	sdelay $0x4  }
0x5b: {  	[tilespmem:$0x2930] =	vst v6  }
0x5c: {  	v6 =	vld [tilespmem:s26+$0x1040];
	_ =	sdelay $0x4  }
0x5d: {  	[tilespmem:$0x2840] =	vst v6  }
0x5e: {  	v6 =	vld [tilespmem:s26+$0x1840];
	_ =	sdelay $0x4  }
0x5f: {  	[tilespmem:$0x28C0] =	vst v6  }
0x60: {  	v6 =	vld [tilespmem:s26+$0x2040];
	_ =	sdelay $0x4  }
0x61: {  	[tilespmem:$0x2940] =	vst v6  }
0x62: {  	v6 =	vld [tilespmem:s26+$0x1050];
	_ =	sdelay $0x4  }
0x63: {  	[tilespmem:$0x2850] =	vst v6  }
0x64: {  	v6 =	vld [tilespmem:s26+$0x1850];
	_ =	sdelay $0x4  }
0x65: {  	[tilespmem:$0x28D0] =	vst v6  }
0x66: {  	v6 =	vld [tilespmem:s26+$0x2050];
	_ =	sdelay $0x4  }
0x67: {  	[tilespmem:$0x2950] =	vst v6  }
0x68: {  	v6 =	vld [tilespmem:s26+$0x1060];
	_ =	sdelay $0x4  }
0x69: {  	[tilespmem:$0x2860] =	vst v6  }
0x6a: {  	v6 =	vld [tilespmem:s26+$0x1860];
	_ =	sdelay $0x4  }
0x6b: {  	[tilespmem:$0x28E0] =	vst v6  }
0x6c: {  	v6 =	vld [tilespmem:s26+$0x2060];
	_ =	sdelay $0x4  }
0x6d: {  	[tilespmem:$0x2960] =	vst v6  }
0x6e: {  	v6 =	vld [tilespmem:s26+$0x1070];
	_ =	sdelay $0x4  }
0x6f: {  	[tilespmem:$0x2870] =	vst v6  }
0x70: {  	v6 =	vld [tilespmem:s26+$0x1870];
	_ =	sdelay $0x4  }
0x71: {  	[tilespmem:$0x28F0] =	vst v6  }
0x72: {  	v6 =	vld [tilespmem:s26+$0x2070];
	_ =	sdelay $0x4  }
0x73: {  	[tilespmem:$0x2970] =	vst v6  }
0x74: {  	[tilespmem:s18], [sflag:$0x1] =	stream.indirect.gather [hbm4b:s4+s16], $0x80, s17, s16, $0xb8;
	[tilespmem:$0x1E580] =	vst v63  }
0x75: {  	_ =	swait.ge [sflag:s19], $0x4000  }
0x76: {  	[sflag:s19] =	ssyncset.done $0x0  }
0x77: {  	[sflag:s19] =	ssyncadd.s32 $0xFFFFC000  }
0x78: {  	[tilespmem:s21], [sflag:$0x1] =	stream.indirect.gather [hbm4b:s5+s16], $0x80, s20, s16, $0xb8;
	[tilespmem:$0x1E580] =	vst v63  }
0x79: {  	_ =	swait.ge [sflag:s19], $0x4000  }
0x7a: {  	[sflag:s19] =	ssyncset.done $0x0  }
0x7b: {  	s26 =	simm.s32 $0x0;
	[sflag:s19] =	ssyncadd.s32 $0xFFFFC000  }
0x7c: {  	v12 =	vld [tilespmem:s26+$0x6980]  }
0x7d: {  	v17 =	vld [tilespmem:s26+$0x6990]  }
0x7e: {  	v10 =	vld [tilespmem:s26+$0x69A0]  }
0x7f: {  	v11 =	vld [tilespmem:s26+$0x69B0]  }
0x80: {  	v9 =	vld [tilespmem:s26+$0x69C0]  }
0x81: {  	v8 =	vld [tilespmem:s26+$0x69D0]  }
0x82: {  	v7 =	vld [tilespmem:s26+$0x69E0]  }
0x83: {  	v6 =	vld [tilespmem:s26+$0x69F0]  }
0x84: {  	v18 =	vld [tilespmem:s26+$0x2980]  }
0x85: {  	v19 =	vld [tilespmem:s26+$0x2990]  }
0x86: {  	v16 =	vld [tilespmem:s26+$0x29A0]  }
0x87: {  	v15 =	vld [tilespmem:s26+$0x29B0]  }
0x88: {  	v14 =	vld [tilespmem:s26+$0x29C0]  }
0x89: {  	v13 =	vld [tilespmem:s26+$0x29D0];
	v18 =	vadd.f32 v12, v18  }
0x8a: {  	s28 =	simm.s32 $0x200;
	v12 =	vld [tilespmem:s26+$0x29E0];
	v17 =	vadd.f32 v17, v19  }
.LBB2_8:
0x8b: {  	s29 =	sshra.s32 s28, $0x2;
	p0 =	sne.s32 s28, $0xFE00;
	v19 =	vld [tilespmem:s26+$0x29F0];
	v10 =	vadd.f32 v10, v16;
	v16 =	vmax.f32 v18, $0.0e+00  }
0x8c: {  	v18 =	vld [tilespmem:s29+$0x6980];
	v11 =	vadd.f32 v11, v15;
	v15 =	vmax.f32 v17, $0.0e+00;
	[tilespmem:s26+$0x2980] =	vst v16  }
0x8d: {  	v17 =	vld [tilespmem:s29+$0x6990];
	v9 =	vadd.f32 v9, v14;
	v14 =	vmax.f32 v10, $0.0e+00;
	[tilespmem:s26+$0x2990] =	vst v15  }
0x8e: {  	v10 =	vld [tilespmem:s29+$0x69A0];
	v8 =	vadd.f32 v8, v13;
	v13 =	vmax.f32 v11, $0.0e+00;
	[tilespmem:s26+$0x29A0] =	vst v14  }
0x8f: {  	v11 =	vld [tilespmem:s29+$0x69B0];
	v7 =	vadd.f32 v7, v12;
	v12 =	vmax.f32 v9, $0.0e+00;
	[tilespmem:s26+$0x29B0] =	vst v13  }
0x90: {  	v9 =	vld [tilespmem:s29+$0x69C0];
	v6 =	vadd.f32 v6, v19;
	v13 =	vmax.f32 v8, $0.0e+00;
	[tilespmem:s26+$0x29C0] =	vst v12  }
0x91: {  	v8 =	vld [tilespmem:s29+$0x69D0];
	v12 =	vmax.f32 v7, $0.0e+00;
	[tilespmem:s26+$0x29D0] =	vst v13  }
0x92: {  	v7 =	vld [tilespmem:s29+$0x69E0];
	v13 =	vmax.f32 v6, $0.0e+00;
	[tilespmem:s26+$0x29E0] =	vst v12  }
0x93: {  	v6 =	vld [tilespmem:s29+$0x69F0];
	[tilespmem:s26+$0x29F0] =	vst v13;
	s26 =	smov.u32 s29  }
0x94: {  	v12 =	vld [tilespmem:s26+$0x2980]  }
0x95: {  	v19 =	vld [tilespmem:s26+$0x2990]  }
.Ltmp2:
0x96: {  	v16 =	vld [tilespmem:s26+$0x29A0];
	(pc) =	sbr.rel @p0 .LBB2_8-.Ltmp2, $4  }
0x97: {  	v15 =	vld [tilespmem:s26+$0x29B0]  }
0x98: {  	v14 =	vld [tilespmem:s26+$0x29C0]  }
0x99: {  	v13 =	vld [tilespmem:s26+$0x29D0];
	v18 =	vadd.f32 v18, v12  }
0x9a: {  	s28 =	sadd.s32 $0x200, s28;
	v12 =	vld [tilespmem:s26+$0x29E0];
	v17 =	vadd.f32 v17, v19  }
0x9b: {  	v19 =	vld [tilespmem:s26+$0x29F0];
	v10 =	vadd.f32 v10, v16;
	v62 =	vmax.f32 v18, $0.0e+00  }
0x9c: {  	v11 =	vadd.f32 v11, v15;
	v63 =	vmax.f32 v17, $0.0e+00;
	[tilespmem:s26+$0x2980] =	vst v62  }
0x9d: {  	v9 =	vadd.f32 v9, v14;
	v10 =	vmax.f32 v10, $0.0e+00;
	[tilespmem:s26+$0x2990] =	vst v63  }
0x9e: {  	v8 =	vadd.f32 v8, v13;
	v11 =	vmax.f32 v11, $0.0e+00;
	[tilespmem:s26+$0x29A0] =	vst v10  }
0x9f: {  	v7 =	vadd.f32 v7, v12;
	v9 =	vmax.f32 v9, $0.0e+00;
	[tilespmem:s26+$0x29B0] =	vst v11  }
0xa0: {  	v6 =	vadd.f32 v6, v19;
	v8 =	vmax.f32 v8, $0.0e+00;
	[tilespmem:s26+$0x29C0] =	vst v9  }
0xa1: {  	s25 =	sadd.s32 $0x1, s25;
	v7 =	vmax.f32 v7, $0.0e+00;
	[tilespmem:s26+$0x29D0] =	vst v8  }
0xa2: {  	p0 =	sne.s32 s25, $0x10;
	v6 =	vmax.f32 v6, $0.0e+00;
	[tilespmem:s26+$0x29E0] =	vst v7  }
.Ltmp3:
0xa3: {  	[tilespmem:s26+$0x29F0] =	vst v6;
	(pc) =	sbr.rel @p0 .LBB2_7-.Ltmp3, $4  }
0xa4: {  	[spmem:s1] =	stream.indirect.scatter.add.f32 [tilespmem:s18], [sflag:$0x2], $0x80, s22, s16, $0xb8;
	[tilespmem:$0x1E580] =	vst v63  }
0xa5: {  	_ =	swait.ge [sflag:s14], $0x4000  }
0xa6: {  	[sflag:s14] =	ssyncset.done $0x0  }
0xa7: {  	[sflag:s14] =	ssyncadd.s32 $0xFFFFC000  }
0xa8: {  	s24 =	sadd.s32 $0x1, s24  }
0xa9: {  	p0 =	sne.s32 s24, $0xA0  }
.Ltmp4:
0xaa: {  	_ = 	snop;
	(pc) =	sbr.rel @p0 .LBB2_2-.Ltmp4, $2  }
0xab: {  	_ =	sdelay $0x2  }
0xac: {  	s23 =	sadd.s32 $0x7D0, s23  }
0xad: {  	s3 =	sadd.s32 $0x1, s3  }
0xae: {  	p0 =	sne.s32 s3, s12  }
.Ltmp5:
0xaf: {  	_ = 	snop;
	(pc) =	sbr.rel @p0 .LBB2_1-.Ltmp5, $4  }
0xb0: {  	[hbm:s11], [sflag:s9] =	dma.local [spmem:s13], $0x2780  }
0xb1: {  	_ =	swait.ge [sflag:s14], $0x2780  }
0xb2: {  	[sflag:s14] =	ssyncset.done $0x0  }
0xb3: {  	[sflag:s14] =	ssyncadd.s32 $0xFFFFD880  }
0xb4: {  	_ =	sfence.sel $0x180000  }
0xb5: {  	[bflag:$0x0] =	sbarrier.arrive $0xFFFF  }
0xb6: {  	p0 =	sne.s32 s2, $0x0;
	_ =	strace $0x90000056  }
0xb7: {  	s0 =	sadd.s32 @!p0 $0x100000, s0;
	[bflag:$0x2] =	sbarrier.arrive $0xFFFF  }
0xb8: {  	[sflag:s0] =	ssyncadd.tile.s32 @!p0 $0x1;
	_ =	shalt  }
.Lfunc_end2:
_tile_overlayer_lowered:
.L_overlay_start_2:
0xb9: {  	(tag) =	ssettag $0x2  }
0xba: {  	s0 =	rddreg [dreg:$0x0];
	s2 =	stileid.u32  }
0xbb: {  	s1 =	rddreg [dreg:$0x1];
	p0 =	sne.s32 s2, $0x0  }
0xbc: {  	s3 =	rddreg [dreg:$0x2];
	[bflag:$0x3] =	sbarrier.arrive $0xFFFF;
	s2 =	simm.s32 @!p0 $0x1C02  }
0xbd: {  	[timem:s3], [sflag:s2] =	dma.local @!p0 [hbm:s0], s1  }
0xbe: {  	s0 =	simm.s32 @!p0 $0x2  }
0xbf: {  	_ =	swait.ge @!p0 [sflag:s0], s1  }
0xc0: {  	s1 =	ssub.s32 @!p0 $0x0, s1;
	[sflag:s0] =	ssyncset.done @!p0 $0x0  }
0xc1: {  	[sflag:s0] =	ssyncadd.s32 @!p0 s1  }
0xc2: {  	[bflag:$0x3] =	sbarrier.arrive $0xFFFF  }
0xc3: {  	_ =	shalt  }

</sc_bundles>
